<compile_context>
chip_gen: v7x
topology: tpu7x:2x2x1
jax: 0.10.2.dev20260603
libtpu: 0.0.44.dev20260713+nightly
codegen_flags: <defaults>
</compile_context>

<pallas_src>
import functools

import jax
import jax.numpy as jnp
from jax import lax
from jax.experimental import pallas as pl
from jax.experimental.pallas import tpu as pltpu
from jax.experimental.pallas import tpu_sc as plsc

_NC = 2
_NS = 16
_NW = _NC * _NS


def _sp(x):
    r = jnp.log1p(jnp.exp(x))
    return jnp.where(x > 20.0, x, r)


def _mm(a, w):
    return jnp.dot(a, w, preferred_element_type=jnp.float32)


def _bd(w, k):
    return jnp.kron(jnp.eye(k, dtype=w.dtype), w)


def _bt(b, k):
    return jnp.tile(b, k).reshape(1, -1)



def _sc_gather(h, src, dst):
    e = src.shape[0]
    per_w = e // _NW
    c = 200
    nchunks = per_w // c
    d = h.shape[1]
    mesh = plsc.VectorSubcoreMesh(core_axis_name="c", subcore_axis_name="s")

    def body(h_hbm, src_hbm, dst_hbm, hs_hbm, hd_hbm,
             sidx, didx, rows_a, rows_b, sem_a, sem_b):
        wid = lax.axis_index("s") * _NC + lax.axis_index("c")
        base = wid * per_w
        pltpu.sync_copy(src_hbm.at[pl.ds(base, per_w)], sidx)
        pltpu.sync_copy(dst_hbm.at[pl.ds(base, per_w)], didx)

        pltpu.async_copy(h_hbm.at[sidx.at[pl.ds(0, c)]], rows_a, sem_a)
        pltpu.async_copy(h_hbm.at[didx.at[pl.ds(0, c)]], rows_b, sem_b)

        def step(j, carry):
            off = j * c
            pltpu.make_async_copy(h_hbm.at[sidx.at[pl.ds(off, c)]], rows_a,
                                  sem_a).wait()
            pltpu.sync_copy(rows_a, hs_hbm.at[pl.ds(base + off, c)])

            @pl.when(j + 1 < nchunks)
            def _():
                pltpu.async_copy(h_hbm.at[sidx.at[pl.ds(off + c, c)]],
                                 rows_a, sem_a)

            pltpu.make_async_copy(h_hbm.at[didx.at[pl.ds(off, c)]], rows_b,
                                  sem_b).wait()
            pltpu.sync_copy(rows_b, hd_hbm.at[pl.ds(base + off, c)])

            @pl.when(j + 1 < nchunks)
            def _():
                pltpu.async_copy(h_hbm.at[didx.at[pl.ds(off + c, c)]],
                                 rows_b, sem_b)
            return carry
        lax.fori_loop(0, nchunks, step, 0)

    f = pl.kernel(
        body,
        out_type=[jax.ShapeDtypeStruct((e, d), jnp.float32),
                  jax.ShapeDtypeStruct((e, d), jnp.float32)],
        mesh=mesh,
        compiler_params=pltpu.CompilerParams(use_tc_tiling_on_sc=False),
        scratch_types=[pltpu.VMEM((per_w,), jnp.int32),
                       pltpu.VMEM((per_w,), jnp.int32),
                       pltpu.VMEM((c, d), jnp.float32),
                       pltpu.VMEM((c, d), jnp.float32),
                       pltpu.SemaphoreType.DMA,
                       pltpu.SemaphoreType.DMA],
    )
    return f(h, src, dst)



def _sc_scatter(msg, dst3, zeros, n):
    e = msg.shape[0]
    per_w = e // _NW
    kc, cb = dst3.shape[1], dst3.shape[2]
    rows_s = n // _NS
    d = msg.shape[1]
    mesh = plsc.VectorSubcoreMesh(core_axis_name="c", subcore_axis_name="s")

    def body(msg_hbm, dst3_hbm, zeros_hbm, out_hbm, idx_v, rows_a, rows_b,
             acc_sh, sem_a, sem_b):
        cid = lax.axis_index("c")
        sid = lax.axis_index("s")
        wid = sid * _NC + cid
        pltpu.sync_copy(zeros_hbm, acc_sh.at[pl.ds(sid * rows_s, rows_s)])
        pltpu.sync_copy(dst3_hbm.at[wid], idx_v)
        plsc.subcore_barrier()

        base = wid * per_w
        pltpu.async_copy(msg_hbm.at[pl.ds(base, cb)], rows_a, sem_a)

        def step(j2, carry):
            pltpu.async_copy(msg_hbm.at[pl.ds(base + (j2 + 1) * cb, cb)],
                             rows_b, sem_b)
            pltpu.make_async_copy(msg_hbm.at[pl.ds(base + j2 * cb, cb)],
                                  rows_a, sem_a).wait()
            pltpu.sync_copy(rows_a, acc_sh.at[idx_v.at[j2]], add=True)

            @pl.when(j2 + 2 < kc)
            def _():
                pltpu.async_copy(msg_hbm.at[pl.ds(base + (j2 + 2) * cb, cb)],
                                 rows_a, sem_a)

            pltpu.make_async_copy(msg_hbm.at[pl.ds(base + (j2 + 1) * cb, cb)],
                                  rows_b, sem_b).wait()
            pltpu.sync_copy(rows_b, acc_sh.at[idx_v.at[j2 + 1]], add=True)
            return carry
        lax.fori_loop(0, kc // 2, lambda i, c_: step(2 * i, c_), 0)
        plsc.subcore_barrier()
        pltpu.sync_copy(acc_sh.at[pl.ds(sid * rows_s, rows_s)],
                        out_hbm.at[cid, pl.ds(sid * rows_s, rows_s)])

    f = pl.kernel(
        body,
        out_type=jax.ShapeDtypeStruct((_NC, n, d), jnp.float32),
        mesh=mesh,
        compiler_params=pltpu.CompilerParams(use_tc_tiling_on_sc=False),
        scratch_types=[pltpu.VMEM((kc, cb), jnp.int32),
                       pltpu.VMEM((cb, d), jnp.float32),
                       pltpu.VMEM((cb, d), jnp.float32),
                       pltpu.VMEM_SHARED((n, d), jnp.float32),
                       pltpu.SemaphoreType.DMA,
                       pltpu.SemaphoreType.DMA],
    )
    return f(msg, dst3, zeros)



def _combine_body(h_ref, p_ref, q_ref, out_ref):
    out_ref[...] = (h_ref[...] + (p_ref[0] + p_ref[1])
                    + (q_ref[0] + q_ref[1]))


def _combine(h2, p2, q2):
    n2, d = h2.shape
    bn = 1000
    return pl.pallas_call(
        _combine_body,
        grid=(n2 // bn,),
        in_specs=[pl.BlockSpec((bn, d), lambda i: (i, 0)),
                  pl.BlockSpec((2, bn, d), lambda i: (0, i, 0)),
                  pl.BlockSpec((2, bn, d), lambda i: (0, i, 0))],
        out_specs=pl.BlockSpec((bn, d), lambda i: (i, 0)),
        out_shape=jax.ShapeDtypeStruct((n2, d), jnp.float32),
    )(h2, p2, q2)



def _node_init_body(x_ref, nv_ref, aw1, ab1, aw2, ab2,
                    kw1, kb1, kw2, kb2, kw3, kb3, h_ref, ke_ref):
    t = _sp(_mm(x_ref[...], aw1[...]) + ab1[...])
    h_ref[...] = _mm(t, aw2[...]) + ab2[...]
    u = _sp(_mm(nv_ref[...], kw1[...]) + kb1[...])
    u = _sp(_mm(u, kw2[...]) + kb2[...])
    ke_ref[...] = _mm(u, kw3[...]) + kb3[...]


def _node_init(x2, nv2, fa_params, ke_params):
    n2 = x2.shape[0]
    bn = 1000
    ws = [y for (w, b) in fa_params for y in (_bd(w, 2), _bt(b, 2))]
    ws += [y for (w, b) in ke_params for y in (_bd(w, 2), _bt(b, 2))]
    w_specs = [pl.BlockSpec(w.shape, lambda i: (0, 0)) for w in ws]
    return pl.pallas_call(
        _node_init_body,
        grid=(n2 // bn,),
        in_specs=[
            pl.BlockSpec((bn, x2.shape[1]), lambda i: (i, 0)),
            pl.BlockSpec((bn, nv2.shape[1]), lambda i: (i, 0)),
        ] + w_specs,
        out_specs=[
            pl.BlockSpec((bn, 128), lambda i: (i, 0)),
            pl.BlockSpec((bn, 2), lambda i: (i, 0)),
        ],
        out_shape=[
            jax.ShapeDtypeStruct((n2, 128), jnp.float32),
            jax.ShapeDtypeStruct((n2, 2), jnp.float32),
        ],
    )(x2, nv2, *ws)



_E_BLK2 = 3200


def _edge_first_body(hs, hd, eattr, bw1, bb1, bw2, bb2,
                     ew1, eb1, ew2, eb2, ew3, eb3,
                     va, vb, vb1, vw2, vb2, vw3, vb3, ea_out, msg_out):
    t0 = _sp(_mm(eattr[...], bw1[...]) + bb1[...])
    ea0 = _mm(t0, bw2[...]) + bb2[...]
    c2 = hs[...] * hd[...]
    t = _sp(_mm(c2, ew1[...]) + eb1[...])
    t = _sp(_mm(t, ew2[...]) + eb2[...])
    ea = _mm(t, ew3[...]) + eb3[...] + ea0
    ea_out[...] = ea
    u = _sp(_mm(hd[...], va[...]) + _mm(ea, vb[...]) + vb1[...])
    u = _sp(_mm(u, vw2[...]) + vb2[...])
    msg_out[...] = _mm(u, vw3[...]) + vb3[...]


def _edge_mid_body(hs, hd, ea_in, ew1, eb1, ew2, eb2, ew3, eb3,
                   va, vb, vb1, vw2, vb2, vw3, vb3, ea_out, msg_out):
    c2 = hs[...] * hd[...]
    t = _sp(_mm(c2, ew1[...]) + eb1[...])
    t = _sp(_mm(t, ew2[...]) + eb2[...])
    ea = _mm(t, ew3[...]) + eb3[...] + ea_in[...]
    ea_out[...] = ea
    u = _sp(_mm(hd[...], va[...]) + _mm(ea, vb[...]) + vb1[...])
    u = _sp(_mm(u, vw2[...]) + vb2[...])
    msg_out[...] = _mm(u, vw3[...]) + vb3[...]


def _edge_last_body(hs, hd, ea_in, ew1, eb1, ew2, eb2, ew3, eb3,
                    mw1, mb1, mw2, mb2, mw3, mb3, pe_out):
    c2 = hs[...] * hd[...]
    t = _sp(_mm(c2, ew1[...]) + eb1[...])
    t = _sp(_mm(t, ew2[...]) + eb2[...])
    ea = _mm(t, ew3[...]) + eb3[...] + ea_in[...]
    p = _sp(_mm(ea, mw1[...]) + mb1[...])
    p = _sp(_mm(p, mw2[...]) + mb2[...])
    pe_out[...] = jnp.transpose(_mm(p, mw3[...]) + mb3[...], (1, 0))


def _edge_step(kind, hs2, hd2, ea2, weight_list, ea_blk_off=0):
    e2 = hs2.shape[0]
    be = _E_BLK2
    body = {"first": _edge_first_body, "mid": _edge_mid_body,
            "last": _edge_last_body}[kind]
    w_specs = [pl.BlockSpec(w.shape, lambda i: (0, 0)) for w in weight_list]
    if kind == "last":
        out_specs = [pl.BlockSpec((2, be), lambda i: (0, i))]
        out_shape = [jax.ShapeDtypeStruct((2, e2), jnp.float32)]
    else:
        out_specs = [pl.BlockSpec((be, 64), lambda i: (i, 0)),
                     pl.BlockSpec((be, 128), lambda i: (i, 0))]
        out_shape = [jax.ShapeDtypeStruct((e2, 64), jnp.float32),
                     jax.ShapeDtypeStruct((e2, 128), jnp.float32)]
    return pl.pallas_call(
        body,
        grid=(e2 // be,),
        in_specs=[
            pl.BlockSpec((be, 128), lambda i: (i, 0)),
            pl.BlockSpec((be, 128), lambda i: (i, 0)),
            pl.BlockSpec((be, ea2.shape[1]), lambda i: (i + ea_blk_off, 0)),
        ] + w_specs,
        out_specs=out_specs,
        out_shape=out_shape,
    )(hs2, hd2, ea2, *weight_list)



def kernel(x, edge_attr, node_vel_emb, fa_params, fb_params, fe_params,
           fv_params, ke_params, mlp1_params, edge_index):
    n = x.shape[0]
    e = edge_attr.shape[0]
    src = edge_index[0]
    dst = edge_index[1]

    x2 = x.reshape(n // 2, 2 * x.shape[1])
    nv2 = node_vel_emb.reshape(n // 2, 2 * node_vel_emb.shape[1])
    eattr2 = edge_attr.reshape(e // 2, 2 * edge_attr.shape[1])

    h2, ke2 = _node_init(x2, nv2, fa_params, ke_params)

    (v1, b1), (v2, b2), (v3, b3) = fv_params
    fv_list = [_bd(v1[:64], 2), _bd(v1[64:], 2), _bt(b1, 2),
               _bd(v2, 2), _bt(b2, 2), _bd(v3, 2), _bt(b3, 2)]
    fb_list = [y for (w, b) in fb_params for y in (_bd(w, 2), _bt(b, 2))]
    fe_list = [y for (w, b) in fe_params for y in (_bd(w, 2), _bt(b, 2))]
    m1_list = [y for (w, b) in mlp1_params for y in (_bd(w, 2), _bt(b, 2))]

    eh = e // 2
    cb = 100
    srcs = [lax.slice(src, (0,), (eh,)), lax.slice(src, (eh,), (e,))]
    dsts = [lax.slice(dst, (0,), (eh,)), lax.slice(dst, (eh,), (e,))]
    dst3s = [d_.reshape(_NW, (eh // _NW) // cb, cb) for d_ in dsts]
    zeros = jnp.zeros((n // _NS, 64), jnp.float32)
    nblk_h = (eh // 2) // _E_BLK2

    eas = [eattr2, eattr2]
    ea_offs = [0, nblk_h]
    pes = [None, None]
    for step in range(3):
        h_lin = h2.reshape(n, 64)
        gath = [_sc_gather(h_lin, srcs[i], dsts[i]) for i in range(2)]
        msgs = [None, None]
        for i in range(2):
            hs2 = gath[i][0].reshape(eh // 2, 128)
            hd2 = gath[i][1].reshape(eh // 2, 128)
            if step == 0:
                eas[i], msgs[i] = _edge_step(
                    "first", hs2, hd2, eas[i], fb_list + fe_list + fv_list,
                    ea_blk_off=ea_offs[i])
            elif step == 1:
                eas[i], msgs[i] = _edge_step("mid", hs2, hd2, eas[i],
                                             fe_list + fv_list)
            else:
                pes[i] = _edge_step("last", hs2, hd2, eas[i],
                                    fe_list + m1_list)[0]
        if step < 2:
            parts = [_sc_scatter(msgs[i].reshape(eh, 64), dst3s[i], zeros, n)
                     for i in range(2)]
            h2 = _combine(h2, parts[0].reshape(2, n // 2, 128),
                          parts[1].reshape(2, n // 2, 128))

    pe = jnp.concatenate(
        [jnp.transpose(p_, (1, 0)).reshape(eh, 1) for p_ in pes], axis=0)
    ke_out = ke2.reshape(n, 1)
    return (pe, ke_out)

# --- scband reference (transcript-rebuilt; emitter-appended) ---
"""Pipeline reference for scband-hgnn-44418551775940 (READ-ONLY COPY).

The authoritative reference and input builder live on the scoring server;
editing this copy changes nothing except your own understanding.
"""

import jax, jax.numpy as jnp
import numpy as np

N = 10000
E = 320000
NODE_IN = 128
EDGE_IN = 16
NODE_EMB = 64
EDGE_EMB = 32
HID = 64
STEPS = 3


def _make_mlp(key, feats, scale=0.05):
    params = []
    for i in range(len(feats) - 1):
        key, k = jax.random.split(key)
        W = jax.random.normal(k, (feats[i], feats[i + 1]), dtype=jnp.float32) * scale
        b = jnp.zeros((feats[i + 1],), dtype=jnp.float32)
        params.append((W, b))
    return tuple(params)


def _mlp(params, x):
    n = len(params)
    for i, (W, b) in enumerate(params):
        x = x @ W + b
        if i < n - 1:
            x = jax.nn.softplus(x)  # Softplus(beta=1, threshold=20)
    return x


def setup_inputs(seed: int = 0) -> dict:
    key = jax.random.key(seed)
    ks = jax.random.split(key, 10)
    x = jax.random.normal(ks[0], (N, NODE_IN), dtype=jnp.float32)
    edge_attr = jax.random.normal(ks[1], (E, EDGE_IN), dtype=jnp.float32)
    edge_index = jax.random.randint(ks[2], (2, E), 0, N, dtype=jnp.int32)
    node_vel_emb = jax.random.normal(ks[3], (N, NODE_EMB), dtype=jnp.float32)
    fa_params = _make_mlp(ks[4], [NODE_IN, NODE_EMB, NODE_EMB])
    fb_params = _make_mlp(ks[5], [EDGE_IN, EDGE_EMB, EDGE_EMB])
    fe_params = _make_mlp(ks[6], [NODE_EMB, HID, HID, EDGE_EMB])
    fv_params = _make_mlp(ks[7], [NODE_EMB + EDGE_EMB, HID, HID, NODE_EMB])
    ke_params = _make_mlp(ks[8], [NODE_EMB, HID, HID, 1])
    mlp1_params = _make_mlp(ks[9], [EDGE_EMB, HID, HID, 1])
    return {
        "x": x,
        "edge_attr": edge_attr,
        "node_vel_emb": node_vel_emb,
        "fa_params": fa_params,
        "fb_params": fb_params,
        "fe_params": fe_params,
        "fv_params": fv_params,
        "ke_params": ke_params,
        "mlp1_params": mlp1_params,
        "edge_index": edge_index,
    }


def reference(x, edge_attr, node_vel_emb, fa_params, fb_params, fe_params, fv_params, ke_params, mlp1_params, edge_index):
    src = edge_index[0]
    dst = edge_index[1]
    # initial embeddings
    h = _mlp(fa_params, x)
    ea = _mlp(fb_params, edge_attr)
    # message passing (MetaLayer: EdgeModel then NodeModel)
    for _ in range(STEPS):
        # EdgeModel: c2ij = x[src] * x[dst]; out = fe_mlp(c2ij) + edge_attr
        c2 = h[src] * h[dst]
        ea = _mlp(fe_params, c2) + ea
        # NodeModel: c1ij = cat([x[dst], edge_attr]); x = x + scatter_sum(fv1(c1ij), dst)
        c1 = jnp.concatenate([h[dst], ea], axis=1)
        msg = _mlp(fv_params, c1)
        h = h + jax.ops.segment_sum(msg, dst, num_segments=N)
    # heads
    pe = _mlp(mlp1_params, ea)            # edge_node_to_pe -> [E, 1]
    ke_out = _mlp(ke_params, node_vel_emb)  # node_to_ke (use_ke_model=True) -> [N, 1]
    return (pe, ke_out)

if __name__ == "__main__":
    import jax
    _d = setup_inputs()
    print(jax.jit(kernel)(*tuple(_d.values())))

</pallas_src>

<mosaic_0001>
#map = affine_map<(d0, d1) -> (0, 0)>
#map1 = affine_map<(d0, d1) -> (0)>
module attributes {stable_mosaic.version = 14 : i64} {
  func.func @body(%arg0: i32, %arg1: i32, %arg2: memref<10000x64xf32, #tpu.memory_space<hbm>>, %arg3: memref<160000xi32, #tpu.memory_space<hbm>>, %arg4: memref<160000xi32, #tpu.memory_space<hbm>>, %arg5: memref<160000x64xf32, #tpu.memory_space<hbm>>, %arg6: memref<160000x64xf32, #tpu.memory_space<hbm>>, %arg7: memref<5000xi32, #tpu.memory_space<vmem>>, %arg8: memref<5000xi32, #tpu.memory_space<vmem>>, %arg9: memref<200x64xf32, #tpu.memory_space<vmem>>, %arg10: memref<200x64xf32, #tpu.memory_space<vmem>>, %arg11: memref<!tpu.dma_semaphore, #tpu.memory_space<semaphore_mem>>, %arg12: memref<!tpu.dma_semaphore, #tpu.memory_space<semaphore_mem>>) attributes {dimension_semantics = [#tpu.dimension_semantics<core_parallel>, #tpu.dimension_semantics<subcore_parallel>], iteration_bounds = array<i64: 2, 16>, scalar_prefetch = 0 : i64, scratch_operands = 6 : i64, tpu.core_type = #tpu.core_type<sc_vector_subcore>, window_params = [{transform_indices = #map}, {transform_indices = #map1}, {transform_indices = #map1}, {transform_indices = #map}, {transform_indices = #map}]} {
    %mul3A = arith.constant 2 : i32
    %mul3A_0 = arith.muli %arg1, %mul3A : i32
    %add3A = arith.addi %mul3A_0, %arg0 : i32
    %mul3A_1 = arith.constant 5000 : i32
    %mul3A_2 = arith.muli %add3A, %mul3A_1 : i32
    "tpu.region"() ({
      %run_scoped3A = tpu.sem_alloc : memref<!tpu.dma_semaphore, #tpu.memory_space<semaphore_mem>>
      %dma_start3A_17 = tpu.memref_slice %arg3[%mul3A_2] : memref<160000xi32, #tpu.memory_space<hbm>> -> memref<5000xi32, #tpu.memory_space<hbm>>
      %dma_start3A_18 = tpu.memref_slice %arg3[%mul3A_2] : memref<160000xi32, #tpu.memory_space<hbm>> -> memref<5000xi32, #tpu.memory_space<hbm>>
      tpu.enqueue_dma source(%dma_start3A_18 : memref<5000xi32, #tpu.memory_space<hbm>>) target(%arg7 : memref<5000xi32, #tpu.memory_space<vmem>>) target_semaphore(%run_scoped3A : memref<!tpu.dma_semaphore, #tpu.memory_space<semaphore_mem>>)
      %dma_wait3A = tpu.memref_slice %arg3[%mul3A_2] : memref<160000xi32, #tpu.memory_space<hbm>> -> memref<5000xi32, #tpu.memory_space<hbm>>
      %dma_wait3A_19 = tpu.memref_slice %arg3[%mul3A_2] : memref<160000xi32, #tpu.memory_space<hbm>> -> memref<5000xi32, #tpu.memory_space<hbm>>
      tpu.wait_dma2 semaphore(%run_scoped3A : memref<!tpu.dma_semaphore, #tpu.memory_space<semaphore_mem>>) src(%dma_wait3A_19 : memref<5000xi32, #tpu.memory_space<hbm>>) dst(%arg7 : memref<5000xi32, #tpu.memory_space<vmem>>)
      tpu.yield
    }) : () -> ()
    "tpu.region"() ({
      %run_scoped3A = tpu.sem_alloc : memref<!tpu.dma_semaphore, #tpu.memory_space<semaphore_mem>>
      %dma_start3A_17 = tpu.memref_slice %arg4[%mul3A_2] : memref<160000xi32, #tpu.memory_space<hbm>> -> memref<5000xi32, #tpu.memory_space<hbm>>
      %dma_start3A_18 = tpu.memref_slice %arg4[%mul3A_2] : memref<160000xi32, #tpu.memory_space<hbm>> -> memref<5000xi32, #tpu.memory_space<hbm>>
      tpu.enqueue_dma source(%dma_start3A_18 : memref<5000xi32, #tpu.memory_space<hbm>>) target(%arg8 : memref<5000xi32, #tpu.memory_space<vmem>>) target_semaphore(%run_scoped3A : memref<!tpu.dma_semaphore, #tpu.memory_space<semaphore_mem>>)
      %dma_wait3A = tpu.memref_slice %arg4[%mul3A_2] : memref<160000xi32, #tpu.memory_space<hbm>> -> memref<5000xi32, #tpu.memory_space<hbm>>
      %dma_wait3A_19 = tpu.memref_slice %arg4[%mul3A_2] : memref<160000xi32, #tpu.memory_space<hbm>> -> memref<5000xi32, #tpu.memory_space<hbm>>
      tpu.wait_dma2 semaphore(%run_scoped3A : memref<!tpu.dma_semaphore, #tpu.memory_space<semaphore_mem>>) src(%dma_wait3A_19 : memref<5000xi32, #tpu.memory_space<hbm>>) dst(%arg8 : memref<5000xi32, #tpu.memory_space<vmem>>)
      tpu.yield
    }) : () -> ()
    %dma_start3A = arith.constant 0 : i32
    %dma_start3A_3 = tpu.memref_slice %arg7[%dma_start3A] : memref<5000xi32, #tpu.memory_space<vmem>> -> memref<200xi32, #tpu.memory_space<vmem>>
    %dma_start3A_4 = arith.constant 0 : i32
    %dma_start3A_5 = arith.constant 0 : i32
    %dma_start3A_6 = tpu.memref_slice %arg2[%dma_start3A_4, %dma_start3A_5] : memref<10000x64xf32, #tpu.memory_space<hbm>> -> memref<10000x64xf32, #tpu.memory_space<hbm>>
    tpu.enqueue_indirect_dma source(%dma_start3A_6 : memref<10000x64xf32, #tpu.memory_space<hbm>>) target(%arg9 : memref<200x64xf32, #tpu.memory_space<vmem>>) offsets(%dma_start3A_3 : memref<200xi32, #tpu.memory_space<vmem>>) semaphore(%arg11 : memref<!tpu.dma_semaphore, #tpu.memory_space<semaphore_mem>>)
    %dma_start3A_7 = arith.constant 0 : i32
    %dma_start3A_8 = tpu.memref_slice %arg8[%dma_start3A_7] : memref<5000xi32, #tpu.memory_space<vmem>> -> memref<200xi32, #tpu.memory_space<vmem>>
    %dma_start3A_9 = arith.constant 0 : i32
    %dma_start3A_10 = arith.constant 0 : i32
    %dma_start3A_11 = tpu.memref_slice %arg2[%dma_start3A_9, %dma_start3A_10] : memref<10000x64xf32, #tpu.memory_space<hbm>> -> memref<10000x64xf32, #tpu.memory_space<hbm>>
    tpu.enqueue_indirect_dma source(%dma_start3A_11 : memref<10000x64xf32, #tpu.memory_space<hbm>>) target(%arg10 : memref<200x64xf32, #tpu.memory_space<vmem>>) offsets(%dma_start3A_8 : memref<200xi32, #tpu.memory_space<vmem>>) semaphore(%arg12 : memref<!tpu.dma_semaphore, #tpu.memory_space<semaphore_mem>>)
    %scan3A = arith.constant 0 : i32
    %scan3A_12 = arith.constant 0 : i32
    %scan3A_13 = arith.constant 25 : i32
    %scan3A_14 = arith.addi %scan3A_12, %scan3A_13 : i32
    %scan3A_15 = arith.constant 1 : i32
    scf.for %scan3A_17 = %scan3A_12 to %scan3A_14 step %scan3A_15  : i32 {
      %mul3A_18 = arith.constant 200 : i32
      %mul3A_19 = arith.muli %scan3A_17, %mul3A_18 : i32
      %dma_wait3A = tpu.memref_slice %arg7[%mul3A_19] : memref<5000xi32, #tpu.memory_space<vmem>> -> memref<200xi32, #tpu.memory_space<vmem>>
      %dma_wait3A_20 = arith.constant 0 : i32
      %dma_wait3A_21 = arith.constant 0 : i32
      %dma_wait3A_22 = tpu.memref_slice %arg2[%dma_wait3A_20, %dma_wait3A_21] : memref<10000x64xf32, #tpu.memory_space<hbm>> -> memref<10000x64xf32, #tpu.memory_space<hbm>>
      tpu.wait_indirect_dma semaphore(%arg11 : memref<!tpu.dma_semaphore, #tpu.memory_space<semaphore_mem>>) src(%dma_wait3A_22 : memref<10000x64xf32, #tpu.memory_space<hbm>>) dst(%arg9 : memref<200x64xf32, #tpu.memory_space<vmem>>)
      %add3A_23 = arith.addi %mul3A_2, %mul3A_19 : i32
      "tpu.region"() ({
        %run_scoped3A = tpu.sem_alloc : memref<!tpu.dma_semaphore, #tpu.memory_space<semaphore_mem>>
        %dma_start3A_40 = arith.constant 0 : i32
        %dma_start3A_41 = tpu.memref_slice %arg5[%add3A_23, %dma_start3A_40] : memref<160000x64xf32, #tpu.memory_space<hbm>> -> memref<200x64xf32, #tpu.memory_space<hbm>>
        %dma_start3A_42 = arith.constant 0 : i32
        %dma_start3A_43 = tpu.memref_slice %arg5[%add3A_23, %dma_start3A_42] : memref<160000x64xf32, #tpu.memory_space<hbm>> -> memref<200x64xf32, #tpu.memory_space<hbm>>
        tpu.enqueue_dma source(%arg9 : memref<200x64xf32, #tpu.memory_space<vmem>>) target(%dma_start3A_43 : memref<200x64xf32, #tpu.memory_space<hbm>>) target_semaphore(%run_scoped3A : memref<!tpu.dma_semaphore, #tpu.memory_space<semaphore_mem>>)
        %dma_wait3A_44 = arith.constant 0 : i32
        %dma_wait3A_45 = tpu.memref_slice %arg5[%add3A_23, %dma_wait3A_44] : memref<160000x64xf32, #tpu.memory_space<hbm>> -> memref<200x64xf32, #tpu.memory_space<hbm>>
        %dma_wait3A_46 = arith.constant 0 : i32
        %dma_wait3A_47 = tpu.memref_slice %arg5[%add3A_23, %dma_wait3A_46] : memref<160000x64xf32, #tpu.memory_space<hbm>> -> memref<200x64xf32, #tpu.memory_space<hbm>>
        tpu.wait_dma2 semaphore(%run_scoped3A : memref<!tpu.dma_semaphore, #tpu.memory_space<semaphore_mem>>) src(%arg9 : memref<200x64xf32, #tpu.memory_space<vmem>>) dst(%dma_wait3A_47 : memref<200x64xf32, #tpu.memory_space<hbm>>)
        tpu.yield
      }) : () -> ()
      %add3A_24 = arith.constant 1 : i32
      %add3A_25 = arith.addi %scan3A_17, %add3A_24 : i32
      %lt3A = arith.constant 25 : i32
      %lt3A_26 = arith.cmpi slt, %add3A_25, %lt3A : i32
      %convert_element_type3A = arith.extui %lt3A_26 : i1 to i32
      %cond3A = arith.constant 0 : i32
      %cond3A_27 = arith.cmpi ne, %convert_element_type3A, %cond3A : i32
      scf.if %cond3A_27 {
        %add3A_40 = arith.constant 200 : i32
        %add3A_41 = arith.addi %mul3A_19, %add3A_40 : i32
        %dma_start3A_42 = tpu.memref_slice %arg7[%add3A_41] : memref<5000xi32, #tpu.memory_space<vmem>> -> memref<200xi32, #tpu.memory_space<vmem>>
        %dma_start3A_43 = arith.constant 0 : i32
        %dma_start3A_44 = arith.constant 0 : i32
        %dma_start3A_45 = tpu.memref_slice %arg2[%dma_start3A_43, %dma_start3A_44] : memref<10000x64xf32, #tpu.memory_space<hbm>> -> memref<10000x64xf32, #tpu.memory_space<hbm>>
        tpu.enqueue_indirect_dma source(%dma_start3A_45 : memref<10000x64xf32, #tpu.memory_space<hbm>>) target(%arg9 : memref<200x64xf32, #tpu.memory_space<vmem>>) offsets(%dma_start3A_42 : memref<200xi32, #tpu.memory_space<vmem>>) semaphore(%arg11 : memref<!tpu.dma_semaphore, #tpu.memory_space<semaphore_mem>>)
      } else {
      }
      %dma_wait3A_28 = tpu.memref_slice %arg8[%mul3A_19] : memref<5000xi32, #tpu.memory_space<vmem>> -> memref<200xi32, #tpu.memory_space<vmem>>
      %dma_wait3A_29 = arith.constant 0 : i32
      %dma_wait3A_30 = arith.constant 0 : i32
      %dma_wait3A_31 = tpu.memref_slice %arg2[%dma_wait3A_29, %dma_wait3A_30] : memref<10000x64xf32, #tpu.memory_space<hbm>> -> memref<10000x64xf32, #tpu.memory_space<hbm>>
      tpu.wait_indirect_dma semaphore(%arg12 : memref<!tpu.dma_semaphore, #tpu.memory_space<semaphore_mem>>) src(%dma_wait3A_31 : memref<10000x64xf32, #tpu.memory_space<hbm>>) dst(%arg10 : memref<200x64xf32, #tpu.memory_space<vmem>>)
      %add3A_32 = arith.addi %mul3A_2, %mul3A_19 : i32
      "tpu.region"() ({
        %run_scoped3A = tpu.sem_alloc : memref<!tpu.dma_semaphore, #tpu.memory_space<semaphore_mem>>
        %dma_start3A_40 = arith.constant 0 : i32
        %dma_start3A_41 = tpu.memref_slice %arg6[%add3A_32, %dma_start3A_40] : memref<160000x64xf32, #tpu.memory_space<hbm>> -> memref<200x64xf32, #tpu.memory_space<hbm>>
        %dma_start3A_42 = arith.constant 0 : i32
        %dma_start3A_43 = tpu.memref_slice %arg6[%add3A_32, %dma_start3A_42] : memref<160000x64xf32, #tpu.memory_space<hbm>> -> memref<200x64xf32, #tpu.memory_space<hbm>>
        tpu.enqueue_dma source(%arg10 : memref<200x64xf32, #tpu.memory_space<vmem>>) target(%dma_start3A_43 : memref<200x64xf32, #tpu.memory_space<hbm>>) target_semaphore(%run_scoped3A : memref<!tpu.dma_semaphore, #tpu.memory_space<semaphore_mem>>)
        %dma_wait3A_44 = arith.constant 0 : i32
        %dma_wait3A_45 = tpu.memref_slice %arg6[%add3A_32, %dma_wait3A_44] : memref<160000x64xf32, #tpu.memory_space<hbm>> -> memref<200x64xf32, #tpu.memory_space<hbm>>
        %dma_wait3A_46 = arith.constant 0 : i32
        %dma_wait3A_47 = tpu.memref_slice %arg6[%add3A_32, %dma_wait3A_46] : memref<160000x64xf32, #tpu.memory_space<hbm>> -> memref<200x64xf32, #tpu.memory_space<hbm>>
        tpu.wait_dma2 semaphore(%run_scoped3A : memref<!tpu.dma_semaphore, #tpu.memory_space<semaphore_mem>>) src(%arg10 : memref<200x64xf32, #tpu.memory_space<vmem>>) dst(%dma_wait3A_47 : memref<200x64xf32, #tpu.memory_space<hbm>>)
        tpu.yield
      }) : () -> ()
      %add3A_33 = arith.constant 1 : i32
      %add3A_34 = arith.addi %scan3A_17, %add3A_33 : i32
      %lt3A_35 = arith.constant 25 : i32
      %lt3A_36 = arith.cmpi slt, %add3A_34, %lt3A_35 : i32
      %convert_element_type3A_37 = arith.extui %lt3A_36 : i1 to i32
      %cond3A_38 = arith.constant 0 : i32
      %cond3A_39 = arith.cmpi ne, %convert_element_type3A_37, %cond3A_38 : i32
      scf.if %cond3A_39 {
        %add3A_40 = arith.constant 200 : i32
        %add3A_41 = arith.addi %mul3A_19, %add3A_40 : i32
        %dma_start3A_42 = tpu.memref_slice %arg8[%add3A_41] : memref<5000xi32, #tpu.memory_space<vmem>> -> memref<200xi32, #tpu.memory_space<vmem>>
        %dma_start3A_43 = arith.constant 0 : i32
        %dma_start3A_44 = arith.constant 0 : i32
        %dma_start3A_45 = tpu.memref_slice %arg2[%dma_start3A_43, %dma_start3A_44] : memref<10000x64xf32, #tpu.memory_space<hbm>> -> memref<10000x64xf32, #tpu.memory_space<hbm>>
        tpu.enqueue_indirect_dma source(%dma_start3A_45 : memref<10000x64xf32, #tpu.memory_space<hbm>>) target(%arg10 : memref<200x64xf32, #tpu.memory_space<vmem>>) offsets(%dma_start3A_42 : memref<200xi32, #tpu.memory_space<vmem>>) semaphore(%arg12 : memref<!tpu.dma_semaphore, #tpu.memory_space<semaphore_mem>>)
      } else {
      }
    }
    %scan3A_16 = arith.constant 25 : i32
    return
  }
}

#map = affine_map<(d0, d1) -> (0, 0)>
#map1 = affine_map<(d0, d1) -> (0)>
module attributes {stable_mosaic.version = 14 : i64} {
  func.func @body(%arg0: i32, %arg1: i32, %arg2: memref<10000x64xf32, #tpu.memory_space<hbm>>, %arg3: memref<160000xi32, #tpu.memory_space<hbm>>, %arg4: memref<160000xi32, #tpu.memory_space<hbm>>, %arg5: memref<160000x64xf32, #tpu.memory_space<hbm>>, %arg6: memref<160000x64xf32, #tpu.memory_space<hbm>>, %arg7: memref<5000xi32, #tpu.memory_space<vmem>>, %arg8: memref<5000xi32, #tpu.memory_space<vmem>>, %arg9: memref<200x64xf32, #tpu.memory_space<vmem>>, %arg10: memref<200x64xf32, #tpu.memory_space<vmem>>, %arg11: memref<!tpu.dma_semaphore, #tpu.memory_space<semaphore_mem>>, %arg12: memref<!tpu.dma_semaphore, #tpu.memory_space<semaphore_mem>>) attributes {dimension_semantics = [#tpu.dimension_semantics<core_parallel>, #tpu.dimension_semantics<subcore_parallel>], iteration_bounds = array<i64: 2, 16>, scalar_prefetch = 0 : i64, scratch_operands = 6 : i64, tpu.core_type = #tpu.core_type<sc_vector_subcore>, window_params = [{transform_indices = #map}, {transform_indices = #map1}, {transform_indices = #map1}, {transform_indices = #map}, {transform_indices = #map}]} {
    %mul3A = arith.constant 2 : i32
    %mul3A_0 = arith.muli %arg1, %mul3A : i32
    %add3A = arith.addi %mul3A_0, %arg0 : i32
    %mul3A_1 = arith.constant 5000 : i32
    %mul3A_2 = arith.muli %add3A, %mul3A_1 : i32
    "tpu.region"() ({
      %run_scoped3A = tpu.sem_alloc : memref<!tpu.dma_semaphore, #tpu.memory_space<semaphore_mem>>
      %dma_start3A_17 = tpu.memref_slice %arg3[%mul3A_2] : memref<160000xi32, #tpu.memory_space<hbm>> -> memref<5000xi32, #tpu.memory_space<hbm>>
      %dma_start3A_18 = tpu.memref_slice %arg3[%mul3A_2] : memref<160000xi32, #tpu.memory_space<hbm>> -> memref<5000xi32, #tpu.memory_space<hbm>>
      tpu.enqueue_dma source(%dma_start3A_18 : memref<5000xi32, #tpu.memory_space<hbm>>) target(%arg7 : memref<5000xi32, #tpu.memory_space<vmem>>) target_semaphore(%run_scoped3A : memref<!tpu.dma_semaphore, #tpu.memory_space<semaphore_mem>>)
      %dma_wait3A = tpu.memref_slice %arg3[%mul3A_2] : memref<160000xi32, #tpu.memory_space<hbm>> -> memref<5000xi32, #tpu.memory_space<hbm>>
      %dma_wait3A_19 = tpu.memref_slice %arg3[%mul3A_2] : memref<160000xi32, #tpu.memory_space<hbm>> -> memref<5000xi32, #tpu.memory_space<hbm>>
      tpu.wait_dma2 semaphore(%run_scoped3A : memref<!tpu.dma_semaphore, #tpu.memory_space<semaphore_mem>>) src(%dma_wait3A_19 : memref<5000xi32, #tpu.memory_space<hbm>>) dst(%arg7 : memref<5000xi32, #tpu.memory_space<vmem>>)
      tpu.yield
    }) : () -> ()
    "tpu.region"() ({
      %run_scoped3A = tpu.sem_alloc : memref<!tpu.dma_semaphore, #tpu.memory_space<semaphore_mem>>
      %dma_start3A_17 = tpu.memref_slice %arg4[%mul3A_2] : memref<160000xi32, #tpu.memory_space<hbm>> -> memref<5000xi32, #tpu.memory_space<hbm>>
      %dma_start3A_18 = tpu.memref_slice %arg4[%mul3A_2] : memref<160000xi32, #tpu.memory_space<hbm>> -> memref<5000xi32, #tpu.memory_space<hbm>>
      tpu.enqueue_dma source(%dma_start3A_18 : memref<5000xi32, #tpu.memory_space<hbm>>) target(%arg8 : memref<5000xi32, #tpu.memory_space<vmem>>) target_semaphore(%run_scoped3A : memref<!tpu.dma_semaphore, #tpu.memory_space<semaphore_mem>>)
      %dma_wait3A = tpu.memref_slice %arg4[%mul3A_2] : memref<160000xi32, #tpu.memory_space<hbm>> -> memref<5000xi32, #tpu.memory_space<hbm>>
      %dma_wait3A_19 = tpu.memref_slice %arg4[%mul3A_2] : memref<160000xi32, #tpu.memory_space<hbm>> -> memref<5000xi32, #tpu.memory_space<hbm>>
      tpu.wait_dma2 semaphore(%run_scoped3A : memref<!tpu.dma_semaphore, #tpu.memory_space<semaphore_mem>>) src(%dma_wait3A_19 : memref<5000xi32, #tpu.memory_space<hbm>>) dst(%arg8 : memref<5000xi32, #tpu.memory_space<vmem>>)
      tpu.yield
    }) : () -> ()
    %dma_start3A = arith.constant 0 : i32
    %dma_start3A_3 = tpu.memref_slice %arg7[%dma_start3A] : memref<5000xi32, #tpu.memory_space<vmem>> -> memref<200xi32, #tpu.memory_space<vmem>>
    %dma_start3A_4 = arith.constant 0 : i32
    %dma_start3A_5 = arith.constant 0 : i32
    %dma_start3A_6 = tpu.memref_slice %arg2[%dma_start3A_4, %dma_start3A_5] : memref<10000x64xf32, #tpu.memory_space<hbm>> -> memref<10000x64xf32, #tpu.memory_space<hbm>>
    tpu.enqueue_indirect_dma source(%dma_start3A_6 : memref<10000x64xf32, #tpu.memory_space<hbm>>) target(%arg9 : memref<200x64xf32, #tpu.memory_space<vmem>>) offsets(%dma_start3A_3 : memref<200xi32, #tpu.memory_space<vmem>>) semaphore(%arg11 : memref<!tpu.dma_semaphore, #tpu.memory_space<semaphore_mem>>)
    %dma_start3A_7 = arith.constant 0 : i32
    %dma_start3A_8 = tpu.memref_slice %arg8[%dma_start3A_7] : memref<5000xi32, #tpu.memory_space<vmem>> -> memref<200xi32, #tpu.memory_space<vmem>>
    %dma_start3A_9 = arith.constant 0 : i32
    %dma_start3A_10 = arith.constant 0 : i32
    %dma_start3A_11 = tpu.memref_slice %arg2[%dma_start3A_9, %dma_start3A_10] : memref<10000x64xf32, #tpu.memory_space<hbm>> -> memref<10000x64xf32, #tpu.memory_space<hbm>>
    tpu.enqueue_indirect_dma source(%dma_start3A_11 : memref<10000x64xf32, #tpu.memory_space<hbm>>) target(%arg10 : memref<200x64xf32, #tpu.memory_space<vmem>>) offsets(%dma_start3A_8 : memref<200xi32, #tpu.memory_space<vmem>>) semaphore(%arg12 : memref<!tpu.dma_semaphore, #tpu.memory_space<semaphore_mem>>)
    %scan3A = arith.constant 0 : i32
    %scan3A_12 = arith.constant 0 : i32
    %scan3A_13 = arith.constant 25 : i32
    %scan3A_14 = arith.addi %scan3A_12, %scan3A_13 : i32
    %scan3A_15 = arith.constant 1 : i32
    scf.for %scan3A_17 = %scan3A_12 to %scan3A_14 step %scan3A_15  : i32 {
      %mul3A_18 = arith.constant 200 : i32
      %mul3A_19 = arith.muli %scan3A_17, %mul3A_18 : i32
      %dma_wait3A = tpu.memref_slice %arg7[%mul3A_19] : memref<5000xi32, #tpu.memory_space<vmem>> -> memref<200xi32, #tpu.memory_space<vmem>>
      %dma_wait3A_20 = arith.constant 0 : i32
      %dma_wait3A_21 = arith.constant 0 : i32
      %dma_wait3A_22 = tpu.memref_slice %arg2[%dma_wait3A_20, %dma_wait3A_21] : memref<10000x64xf32, #tpu.memory_space<hbm>> -> memref<10000x64xf32, #tpu.memory_space<hbm>>
      tpu.wait_indirect_dma semaphore(%arg11 : memref<!tpu.dma_semaphore, #tpu.memory_space<semaphore_mem>>) src(%dma_wait3A_22 : memref<10000x64xf32, #tpu.memory_space<hbm>>) dst(%arg9 : memref<200x64xf32, #tpu.memory_space<vmem>>)
      %add3A_23 = arith.addi %mul3A_2, %mul3A_19 : i32
      "tpu.region"() ({
        %run_scoped3A = tpu.sem_alloc : memref<!tpu.dma_semaphore, #tpu.memory_space<semaphore_mem>>
        %dma_start3A_40 = arith.constant 0 : i32
        %dma_start3A_41 = tpu.memref_slice %arg5[%add3A_23, %dma_start3A_40] : memref<160000x64xf32, #tpu.memory_space<hbm>> -> memref<200x64xf32, #tpu.memory_space<hbm>>
        %dma_start3A_42 = arith.constant 0 : i32
        %dma_start3A_43 = tpu.memref_slice %arg5[%add3A_23, %dma_start3A_42] : memref<160000x64xf32, #tpu.memory_space<hbm>> -> memref<200x64xf32, #tpu.memory_space<hbm>>
        tpu.enqueue_dma source(%arg9 : memref<200x64xf32, #tpu.memory_space<vmem>>) target(%dma_start3A_43 : memref<200x64xf32, #tpu.memory_space<hbm>>) target_semaphore(%run_scoped3A : memref<!tpu.dma_semaphore, #tpu.memory_space<semaphore_mem>>)
        %dma_wait3A_44 = arith.constant 0 : i32
        %dma_wait3A_45 = tpu.memref_slice %arg5[%add3A_23, %dma_wait3A_44] : memref<160000x64xf32, #tpu.memory_space<hbm>> -> memref<200x64xf32, #tpu.memory_space<hbm>>
        %dma_wait3A_46 = arith.constant 0 : i32
        %dma_wait3A_47 = tpu.memref_slice %arg5[%add3A_23, %dma_wait3A_46] : memref<160000x64xf32, #tpu.memory_space<hbm>> -> memref<200x64xf32, #tpu.memory_space<hbm>>
        tpu.wait_dma2 semaphore(%run_scoped3A : memref<!tpu.dma_semaphore, #tpu.memory_space<semaphore_mem>>) src(%arg9 : memref<200x64xf32, #tpu.memory_space<vmem>>) dst(%dma_wait3A_47 : memref<200x64xf32, #tpu.memory_space<hbm>>)
        tpu.yield
      }) : () -> ()
      %add3A_24 = arith.constant 1 : i32
      %add3A_25 = arith.addi %scan3A_17, %add3A_24 : i32
      %lt3A = arith.constant 25 : i32
      %lt3A_26 = arith.cmpi slt, %add3A_25, %lt3A : i32
      %convert_element_type3A = arith.extui %lt3A_26 : i1 to i32
      %cond3A = arith.constant 0 : i32
      %cond3A_27 = arith.cmpi ne, %convert_element_type3A, %cond3A : i32
      scf.if %cond3A_27 {
        %add3A_40 = arith.constant 200 : i32
        %add3A_41 = arith.addi %mul3A_19, %add3A_40 : i32
        %dma_start3A_42 = tpu.memref_slice %arg7[%add3A_41] : memref<5000xi32, #tpu.memory_space<vmem>> -> memref<200xi32, #tpu.memory_space<vmem>>
        %dma_start3A_43 = arith.constant 0 : i32
        %dma_start3A_44 = arith.constant 0 : i32
        %dma_start3A_45 = tpu.memref_slice %arg2[%dma_start3A_43, %dma_start3A_44] : memref<10000x64xf32, #tpu.memory_space<hbm>> -> memref<10000x64xf32, #tpu.memory_space<hbm>>
        tpu.enqueue_indirect_dma source(%dma_start3A_45 : memref<10000x64xf32, #tpu.memory_space<hbm>>) target(%arg9 : memref<200x64xf32, #tpu.memory_space<vmem>>) offsets(%dma_start3A_42 : memref<200xi32, #tpu.memory_space<vmem>>) semaphore(%arg11 : memref<!tpu.dma_semaphore, #tpu.memory_space<semaphore_mem>>)
      } else {
      }
      %dma_wait3A_28 = tpu.memref_slice %arg8[%mul3A_19] : memref<5000xi32, #tpu.memory_space<vmem>> -> memref<200xi32, #tpu.memory_space<vmem>>
      %dma_wait3A_29 = arith.constant 0 : i32
      %dma_wait3A_30 = arith.constant 0 : i32
      %dma_wait3A_31 = tpu.memref_slice %arg2[%dma_wait3A_29, %dma_wait3A_30] : memref<10000x64xf32, #tpu.memory_space<hbm>> -> memref<10000x64xf32, #tpu.memory_space<hbm>>
      tpu.wait_indirect_dma semaphore(%arg12 : memref<!tpu.dma_semaphore, #tpu.memory_space<semaphore_mem>>) src(%dma_wait3A_31 : memref<10000x64xf32, #tpu.memory_space<hbm>>) dst(%arg10 : memref<200x64xf32, #tpu.memory_space<vmem>>)
      %add3A_32 = arith.addi %mul3A_2, %mul3A_19 : i32
      "tpu.region"() ({
        %run_scoped3A = tpu.sem_alloc : memref<!tpu.dma_semaphore, #tpu.memory_space<semaphore_mem>>
        %dma_start3A_40 = arith.constant 0 : i32
        %dma_start3A_41 = tpu.memref_slice %arg6[%add3A_32, %dma_start3A_40] : memref<160000x64xf32, #tpu.memory_space<hbm>> -> memref<200x64xf32, #tpu.memory_space<hbm>>
        %dma_start3A_42 = arith.constant 0 : i32
        %dma_start3A_43 = tpu.memref_slice %arg6[%add3A_32, %dma_start3A_42] : memref<160000x64xf32, #tpu.memory_space<hbm>> -> memref<200x64xf32, #tpu.memory_space<hbm>>
        tpu.enqueue_dma source(%arg10 : memref<200x64xf32, #tpu.memory_space<vmem>>) target(%dma_start3A_43 : memref<200x64xf32, #tpu.memory_space<hbm>>) target_semaphore(%run_scoped3A : memref<!tpu.dma_semaphore, #tpu.memory_space<semaphore_mem>>)
        %dma_wait3A_44 = arith.constant 0 : i32
        %dma_wait3A_45 = tpu.memref_slice %arg6[%add3A_32, %dma_wait3A_44] : memref<160000x64xf32, #tpu.memory_space<hbm>> -> memref<200x64xf32, #tpu.memory_space<hbm>>
        %dma_wait3A_46 = arith.constant 0 : i32
        %dma_wait3A_47 = tpu.memref_slice %arg6[%add3A_32, %dma_wait3A_46] : memref<160000x64xf32, #tpu.memory_space<hbm>> -> memref<200x64xf32, #tpu.memory_space<hbm>>
        tpu.wait_dma2 semaphore(%run_scoped3A : memref<!tpu.dma_semaphore, #tpu.memory_space<semaphore_mem>>) src(%arg10 : memref<200x64xf32, #tpu.memory_space<vmem>>) dst(%dma_wait3A_47 : memref<200x64xf32, #tpu.memory_space<hbm>>)
        tpu.yield
      }) : () -> ()
      %add3A_33 = arith.constant 1 : i32
      %add3A_34 = arith.addi %scan3A_17, %add3A_33 : i32
      %lt3A_35 = arith.constant 25 : i32
      %lt3A_36 = arith.cmpi slt, %add3A_34, %lt3A_35 : i32
      %convert_element_type3A_37 = arith.extui %lt3A_36 : i1 to i32
      %cond3A_38 = arith.constant 0 : i32
      %cond3A_39 = arith.cmpi ne, %convert_element_type3A_37, %cond3A_38 : i32
      scf.if %cond3A_39 {
        %add3A_40 = arith.constant 200 : i32
        %add3A_41 = arith.addi %mul3A_19, %add3A_40 : i32
        %dma_start3A_42 = tpu.memref_slice %arg8[%add3A_41] : memref<5000xi32, #tpu.memory_space<vmem>> -> memref<200xi32, #tpu.memory_space<vmem>>
        %dma_start3A_43 = arith.constant 0 : i32
        %dma_start3A_44 = arith.constant 0 : i32
        %dma_start3A_45 = tpu.memref_slice %arg2[%dma_start3A_43, %dma_start3A_44] : memref<10000x64xf32, #tpu.memory_space<hbm>> -> memref<10000x64xf32, #tpu.memory_space<hbm>>
        tpu.enqueue_indirect_dma source(%dma_start3A_45 : memref<10000x64xf32, #tpu.memory_space<hbm>>) target(%arg10 : memref<200x64xf32, #tpu.memory_space<vmem>>) offsets(%dma_start3A_42 : memref<200xi32, #tpu.memory_space<vmem>>) semaphore(%arg12 : memref<!tpu.dma_semaphore, #tpu.memory_space<semaphore_mem>>)
      } else {
      }
    }
    %scan3A_16 = arith.constant 25 : i32
    return
  }
}

#map = affine_map<(d0, d1) -> (0, 0)>
#map1 = affine_map<(d0, d1) -> (0, 0, 0)>
module attributes {stable_mosaic.version = 14 : i64} {
  func.func @body(%arg0: i32, %arg1: i32, %arg2: memref<160000x64xf32, #tpu.memory_space<hbm>>, %arg3: memref<32x50x100xi32, #tpu.memory_space<hbm>>, %arg4: memref<625x64xf32, #tpu.memory_space<hbm>>, %arg5: memref<2x10000x64xf32, #tpu.memory_space<hbm>>, %arg6: memref<50x100xi32, #tpu.memory_space<vmem>>, %arg7: memref<100x64xf32, #tpu.memory_space<vmem>>, %arg8: memref<100x64xf32, #tpu.memory_space<vmem>>, %arg9: memref<10000x64xf32, #tpu.memory_space<vmem_shared>>, %arg10: memref<!tpu.dma_semaphore, #tpu.memory_space<semaphore_mem>>, %arg11: memref<!tpu.dma_semaphore, #tpu.memory_space<semaphore_mem>>) attributes {dimension_semantics = [#tpu.dimension_semantics<core_parallel>, #tpu.dimension_semantics<subcore_parallel>], iteration_bounds = array<i64: 2, 16>, scalar_prefetch = 0 : i64, scratch_operands = 6 : i64, tpu.core_type = #tpu.core_type<sc_vector_subcore>, window_params = [{transform_indices = #map}, {transform_indices = #map1}, {transform_indices = #map}, {transform_indices = #map1}]} {
    %mul3A = arith.constant 2 : i32
    %mul3A_0 = arith.muli %arg1, %mul3A : i32
    %add3A = arith.addi %mul3A_0, %arg0 : i32
    %mul3A_1 = arith.constant 625 : i32
    %mul3A_2 = arith.muli %arg1, %mul3A_1 : i32
    "tpu.region"() ({
      %run_scoped3A = tpu.sem_alloc : memref<!tpu.dma_semaphore, #tpu.memory_space<semaphore_mem>>
      %dma_start3A_18 = arith.constant 0 : i32
      %dma_start3A_19 = tpu.memref_slice %arg9[%mul3A_2, %dma_start3A_18] : memref<10000x64xf32, #tpu.memory_space<vmem_shared>> -> memref<625x64xf32, #tpu.memory_space<vmem_shared>>
      tpu.enqueue_dma source(%arg4 : memref<625x64xf32, #tpu.memory_space<hbm>>) target(%dma_start3A_19 : memref<625x64xf32, #tpu.memory_space<vmem_shared>>) target_semaphore(%run_scoped3A : memref<!tpu.dma_semaphore, #tpu.memory_space<semaphore_mem>>)
      %dma_wait3A = arith.constant 0 : i32
      %dma_wait3A_20 = tpu.memref_slice %arg9[%mul3A_2, %dma_wait3A] : memref<10000x64xf32, #tpu.memory_space<vmem_shared>> -> memref<625x64xf32, #tpu.memory_space<vmem_shared>>
      tpu.wait_dma2 semaphore(%run_scoped3A : memref<!tpu.dma_semaphore, #tpu.memory_space<semaphore_mem>>) src(%arg4 : memref<625x64xf32, #tpu.memory_space<hbm>>) dst(%dma_wait3A_20 : memref<625x64xf32, #tpu.memory_space<vmem_shared>>)
      tpu.yield
    }) : () -> ()
    "tpu.region"() ({
      %run_scoped3A = tpu.sem_alloc : memref<!tpu.dma_semaphore, #tpu.memory_space<semaphore_mem>>
      %dma_start3A_18 = arith.constant 0 : i32
      %dma_start3A_19 = arith.constant 0 : i32
      %dma_start3A_20 = tpu.memref_slice %arg3[%add3A, %dma_start3A_18, %dma_start3A_19] : memref<32x50x100xi32, #tpu.memory_space<hbm>> -> memref<1x50x100xi32, #tpu.memory_space<hbm>>
      %dma_start3A_21 = tpu.memref_squeeze %dma_start3A_20 : memref<1x50x100xi32, #tpu.memory_space<hbm>> -> memref<50x100xi32, #tpu.memory_space<hbm>>
      %dma_start3A_22 = arith.constant 0 : i32
      %dma_start3A_23 = arith.constant 0 : i32
      %dma_start3A_24 = tpu.memref_slice %arg3[%add3A, %dma_start3A_22, %dma_start3A_23] : memref<32x50x100xi32, #tpu.memory_space<hbm>> -> memref<1x50x100xi32, #tpu.memory_space<hbm>>
      %dma_start3A_25 = tpu.memref_squeeze %dma_start3A_24 : memref<1x50x100xi32, #tpu.memory_space<hbm>> -> memref<50x100xi32, #tpu.memory_space<hbm>>
      tpu.enqueue_dma source(%dma_start3A_25 : memref<50x100xi32, #tpu.memory_space<hbm>>) target(%arg6 : memref<50x100xi32, #tpu.memory_space<vmem>>) target_semaphore(%run_scoped3A : memref<!tpu.dma_semaphore, #tpu.memory_space<semaphore_mem>>)
      %dma_wait3A = arith.constant 0 : i32
      %dma_wait3A_26 = arith.constant 0 : i32
      %dma_wait3A_27 = tpu.memref_slice %arg3[%add3A, %dma_wait3A, %dma_wait3A_26] : memref<32x50x100xi32, #tpu.memory_space<hbm>> -> memref<1x50x100xi32, #tpu.memory_space<hbm>>
      %dma_wait3A_28 = tpu.memref_squeeze %dma_wait3A_27 : memref<1x50x100xi32, #tpu.memory_space<hbm>> -> memref<50x100xi32, #tpu.memory_space<hbm>>
      %dma_wait3A_29 = arith.constant 0 : i32
      %dma_wait3A_30 = arith.constant 0 : i32
      %dma_wait3A_31 = tpu.memref_slice %arg3[%add3A, %dma_wait3A_29, %dma_wait3A_30] : memref<32x50x100xi32, #tpu.memory_space<hbm>> -> memref<1x50x100xi32, #tpu.memory_space<hbm>>
      %dma_wait3A_32 = tpu.memref_squeeze %dma_wait3A_31 : memref<1x50x100xi32, #tpu.memory_space<hbm>> -> memref<50x100xi32, #tpu.memory_space<hbm>>
      tpu.wait_dma2 semaphore(%run_scoped3A : memref<!tpu.dma_semaphore, #tpu.memory_space<semaphore_mem>>) src(%dma_wait3A_32 : memref<50x100xi32, #tpu.memory_space<hbm>>) dst(%arg6 : memref<50x100xi32, #tpu.memory_space<vmem>>)
      tpu.yield
    }) : () -> ()
    %barrier3A = arith.constant 0 : index
    tpu.barrier barrier_id(%barrier3A)
    %mul3A_3 = arith.constant 5000 : i32
    %mul3A_4 = arith.muli %add3A, %mul3A_3 : i32
    %dma_start3A = arith.constant 0 : i32
    %dma_start3A_5 = tpu.memref_slice %arg2[%mul3A_4, %dma_start3A] : memref<160000x64xf32, #tpu.memory_space<hbm>> -> memref<100x64xf32, #tpu.memory_space<hbm>>
    %dma_start3A_6 = arith.constant 0 : i32
    %dma_start3A_7 = tpu.memref_slice %arg2[%mul3A_4, %dma_start3A_6] : memref<160000x64xf32, #tpu.memory_space<hbm>> -> memref<100x64xf32, #tpu.memory_space<hbm>>
    tpu.enqueue_dma source(%dma_start3A_7 : memref<100x64xf32, #tpu.memory_space<hbm>>) target(%arg7 : memref<100x64xf32, #tpu.memory_space<vmem>>) target_semaphore(%arg10 : memref<!tpu.dma_semaphore, #tpu.memory_space<semaphore_mem>>)
    %scan3A = arith.constant 0 : i32
    %scan3A_8 = arith.constant 0 : i32
    %scan3A_9 = arith.constant 25 : i32
    %scan3A_10 = arith.addi %scan3A_8, %scan3A_9 : i32
    %scan3A_11 = arith.constant 1 : i32
    scf.for %scan3A_18 = %scan3A_8 to %scan3A_10 step %scan3A_11  : i32 {
      %mul3A_19 = arith.constant 2 : i32
      %mul3A_20 = arith.muli %mul3A_19, %scan3A_18 : i32
      %add3A_21 = arith.constant 1 : i32
      %add3A_22 = arith.addi %mul3A_20, %add3A_21 : i32
      %mul3A_23 = arith.constant 100 : i32
      %mul3A_24 = arith.muli %add3A_22, %mul3A_23 : i32
      %add3A_25 = arith.addi %mul3A_4, %mul3A_24 : i32
      %dma_start3A_26 = arith.constant 0 : i32
      %dma_start3A_27 = tpu.memref_slice %arg2[%add3A_25, %dma_start3A_26] : memref<160000x64xf32, #tpu.memory_space<hbm>> -> memref<100x64xf32, #tpu.memory_space<hbm>>
      %dma_start3A_28 = arith.constant 0 : i32
      %dma_start3A_29 = tpu.memref_slice %arg2[%add3A_25, %dma_start3A_28] : memref<160000x64xf32, #tpu.memory_space<hbm>> -> memref<100x64xf32, #tpu.memory_space<hbm>>
      tpu.enqueue_dma source(%dma_start3A_29 : memref<100x64xf32, #tpu.memory_space<hbm>>) target(%arg8 : memref<100x64xf32, #tpu.memory_space<vmem>>) target_semaphore(%arg11 : memref<!tpu.dma_semaphore, #tpu.memory_space<semaphore_mem>>)
      %mul3A_30 = arith.constant 100 : i32
      %mul3A_31 = arith.muli %mul3A_20, %mul3A_30 : i32
      %add3A_32 = arith.addi %mul3A_4, %mul3A_31 : i32
      %dma_wait3A = arith.constant 0 : i32
      %dma_wait3A_33 = tpu.memref_slice %arg2[%add3A_32, %dma_wait3A] : memref<160000x64xf32, #tpu.memory_space<hbm>> -> memref<100x64xf32, #tpu.memory_space<hbm>>
      %dma_wait3A_34 = arith.constant 0 : i32
      %dma_wait3A_35 = tpu.memref_slice %arg2[%add3A_32, %dma_wait3A_34] : memref<160000x64xf32, #tpu.memory_space<hbm>> -> memref<100x64xf32, #tpu.memory_space<hbm>>
      tpu.wait_dma2 semaphore(%arg10 : memref<!tpu.dma_semaphore, #tpu.memory_space<semaphore_mem>>) src(%dma_wait3A_35 : memref<100x64xf32, #tpu.memory_space<hbm>>) dst(%arg7 : memref<100x64xf32, #tpu.memory_space<vmem>>)
      "tpu.region"() ({
        %run_scoped3A = tpu.sem_alloc : memref<!tpu.dma_semaphore, #tpu.memory_space<semaphore_mem>>
        %dma_start3A_51 = arith.constant 0 : i32
        %dma_start3A_52 = tpu.memref_slice %arg6[%mul3A_20, %dma_start3A_51] : memref<50x100xi32, #tpu.memory_space<vmem>> -> memref<1x100xi32, #tpu.memory_space<vmem>>
        %dma_start3A_53 = tpu.memref_squeeze %dma_start3A_52 : memref<1x100xi32, #tpu.memory_space<vmem>> -> memref<100xi32, #tpu.memory_space<vmem>>
        %dma_start3A_54 = arith.constant 0 : i32
        %dma_start3A_55 = arith.constant 0 : i32
        %dma_start3A_56 = tpu.memref_slice %arg9[%dma_start3A_54, %dma_start3A_55] : memref<10000x64xf32, #tpu.memory_space<vmem_shared>> -> memref<10000x64xf32, #tpu.memory_space<vmem_shared>>
        tpu.enqueue_indirect_dma source(%arg7 : memref<100x64xf32, #tpu.memory_space<vmem>>) target(%dma_start3A_56 : memref<10000x64xf32, #tpu.memory_space<vmem_shared>>) offsets(%dma_start3A_53 : memref<100xi32, #tpu.memory_space<vmem>>) semaphore(%run_scoped3A : memref<!tpu.dma_semaphore, #tpu.memory_space<semaphore_mem>>) {add = true}
        %dma_wait3A_57 = arith.constant 0 : i32
        %dma_wait3A_58 = tpu.memref_slice %arg6[%mul3A_20, %dma_wait3A_57] : memref<50x100xi32, #tpu.memory_space<vmem>> -> memref<1x100xi32, #tpu.memory_space<vmem>>
        %dma_wait3A_59 = tpu.memref_squeeze %dma_wait3A_58 : memref<1x100xi32, #tpu.memory_space<vmem>> -> memref<100xi32, #tpu.memory_space<vmem>>
        %dma_wait3A_60 = arith.constant 0 : i32
        %dma_wait3A_61 = arith.constant 0 : i32
        %dma_wait3A_62 = tpu.memref_slice %arg9[%dma_wait3A_60, %dma_wait3A_61] : memref<10000x64xf32, #tpu.memory_space<vmem_shared>> -> memref<10000x64xf32, #tpu.memory_space<vmem_shared>>
        tpu.wait_indirect_dma semaphore(%run_scoped3A : memref<!tpu.dma_semaphore, #tpu.memory_space<semaphore_mem>>) src(%arg7 : memref<100x64xf32, #tpu.memory_space<vmem>>) dst(%dma_wait3A_62 : memref<10000x64xf32, #tpu.memory_space<vmem_shared>>)
        tpu.yield
      }) : () -> ()
      %add3A_36 = arith.constant 2 : i32
      %add3A_37 = arith.addi %mul3A_20, %add3A_36 : i32
      %lt3A = arith.constant 50 : i32
      %lt3A_38 = arith.cmpi slt, %add3A_37, %lt3A : i32
      %convert_element_type3A = arith.extui %lt3A_38 : i1 to i32
      %cond3A = arith.constant 0 : i32
      %cond3A_39 = arith.cmpi ne, %convert_element_type3A, %cond3A : i32
      scf.if %cond3A_39 {
        %add3A_51 = arith.constant 2 : i32
        %add3A_52 = arith.addi %mul3A_20, %add3A_51 : i32
        %mul3A_53 = arith.constant 100 : i32
        %mul3A_54 = arith.muli %add3A_52, %mul3A_53 : i32
        %add3A_55 = arith.addi %mul3A_4, %mul3A_54 : i32
        %dma_start3A_56 = arith.constant 0 : i32
        %dma_start3A_57 = tpu.memref_slice %arg2[%add3A_55, %dma_start3A_56] : memref<160000x64xf32, #tpu.memory_space<hbm>> -> memref<100x64xf32, #tpu.memory_space<hbm>>
        %dma_start3A_58 = arith.constant 0 : i32
        %dma_start3A_59 = tpu.memref_slice %arg2[%add3A_55, %dma_start3A_58] : memref<160000x64xf32, #tpu.memory_space<hbm>> -> memref<100x64xf32, #tpu.memory_space<hbm>>
        tpu.enqueue_dma source(%dma_start3A_59 : memref<100x64xf32, #tpu.memory_space<hbm>>) target(%arg7 : memref<100x64xf32, #tpu.memory_space<vmem>>) target_semaphore(%arg10 : memref<!tpu.dma_semaphore, #tpu.memory_space<semaphore_mem>>)
      } else {
      }
      %add3A_40 = arith.constant 1 : i32
      %add3A_41 = arith.addi %mul3A_20, %add3A_40 : i32
      %mul3A_42 = arith.constant 100 : i32
      %mul3A_43 = arith.muli %add3A_41, %mul3A_42 : i32
      %add3A_44 = arith.addi %mul3A_4, %mul3A_43 : i32
      %dma_wait3A_45 = arith.constant 0 : i32
      %dma_wait3A_46 = tpu.memref_slice %arg2[%add3A_44, %dma_wait3A_45] : memref<160000x64xf32, #tpu.memory_space<hbm>> -> memref<100x64xf32, #tpu.memory_space<hbm>>
      %dma_wait3A_47 = arith.constant 0 : i32
      %dma_wait3A_48 = tpu.memref_slice %arg2[%add3A_44, %dma_wait3A_47] : memref<160000x64xf32, #tpu.memory_space<hbm>> -> memref<100x64xf32, #tpu.memory_space<hbm>>
      tpu.wait_dma2 semaphore(%arg11 : memref<!tpu.dma_semaphore, #tpu.memory_space<semaphore_mem>>) src(%dma_wait3A_48 : memref<100x64xf32, #tpu.memory_space<hbm>>) dst(%arg8 : memref<100x64xf32, #tpu.memory_space<vmem>>)
      %add3A_49 = arith.constant 1 : i32
      %add3A_50 = arith.addi %mul3A_20, %add3A_49 : i32
      "tpu.region"() ({
        %run_scoped3A = tpu.sem_alloc : memref<!tpu.dma_semaphore, #tpu.memory_space<semaphore_mem>>
        %dma_start3A_51 = arith.constant 0 : i32
        %dma_start3A_52 = tpu.memref_slice %arg6[%add3A_50, %dma_start3A_51] : memref<50x100xi32, #tpu.memory_space<vmem>> -> memref<1x100xi32, #tpu.memory_space<vmem>>
        %dma_start3A_53 = tpu.memref_squeeze %dma_start3A_52 : memref<1x100xi32, #tpu.memory_space<vmem>> -> memref<100xi32, #tpu.memory_space<vmem>>
        %dma_start3A_54 = arith.constant 0 : i32
        %dma_start3A_55 = arith.constant 0 : i32
        %dma_start3A_56 = tpu.memref_slice %arg9[%dma_start3A_54, %dma_start3A_55] : memref<10000x64xf32, #tpu.memory_space<vmem_shared>> -> memref<10000x64xf32, #tpu.memory_space<vmem_shared>>
        tpu.enqueue_indirect_dma source(%arg8 : memref<100x64xf32, #tpu.memory_space<vmem>>) target(%dma_start3A_56 : memref<10000x64xf32, #tpu.memory_space<vmem_shared>>) offsets(%dma_start3A_53 : memref<100xi32, #tpu.memory_space<vmem>>) semaphore(%run_scoped3A : memref<!tpu.dma_semaphore, #tpu.memory_space<semaphore_mem>>) {add = true}
        %dma_wait3A_57 = arith.constant 0 : i32
        %dma_wait3A_58 = tpu.memref_slice %arg6[%add3A_50, %dma_wait3A_57] : memref<50x100xi32, #tpu.memory_space<vmem>> -> memref<1x100xi32, #tpu.memory_space<vmem>>
        %dma_wait3A_59 = tpu.memref_squeeze %dma_wait3A_58 : memref<1x100xi32, #tpu.memory_space<vmem>> -> memref<100xi32, #tpu.memory_space<vmem>>
        %dma_wait3A_60 = arith.constant 0 : i32
        %dma_wait3A_61 = arith.constant 0 : i32
        %dma_wait3A_62 = tpu.memref_slice %arg9[%dma_wait3A_60, %dma_wait3A_61] : memref<10000x64xf32, #tpu.memory_space<vmem_shared>> -> memref<10000x64xf32, #tpu.memory_space<vmem_shared>>
        tpu.wait_indirect_dma semaphore(%run_scoped3A : memref<!tpu.dma_semaphore, #tpu.memory_space<semaphore_mem>>) src(%arg8 : memref<100x64xf32, #tpu.memory_space<vmem>>) dst(%dma_wait3A_62 : memref<10000x64xf32, #tpu.memory_space<vmem_shared>>)
        tpu.yield
      }) : () -> ()
    }
    %scan3A_12 = arith.constant 25 : i32
    %barrier3A_13 = arith.constant 0 : index
    tpu.barrier barrier_id(%barrier3A_13)
    %mul3A_14 = arith.constant 625 : i32
    %mul3A_15 = arith.muli %arg1, %mul3A_14 : i32
    %mul3A_16 = arith.constant 625 : i32
    %mul3A_17 = arith.muli %arg1, %mul3A_16 : i32
    "tpu.region"() ({
      %run_scoped3A = tpu.sem_alloc : memref<!tpu.dma_semaphore, #tpu.memory_space<semaphore_mem>>
      %dma_start3A_18 = arith.constant 0 : i32
      %dma_start3A_19 = tpu.memref_slice %arg5[%arg0, %mul3A_17, %dma_start3A_18] : memref<2x10000x64xf32, #tpu.memory_space<hbm>> -> memref<1x625x64xf32, #tpu.memory_space<hbm>>
      %dma_start3A_20 = tpu.memref_squeeze %dma_start3A_19 : memref<1x625x64xf32, #tpu.memory_space<hbm>> -> memref<625x64xf32, #tpu.memory_space<hbm>>
      %dma_start3A_21 = arith.constant 0 : i32
      %dma_start3A_22 = tpu.memref_slice %arg9[%mul3A_15, %dma_start3A_21] : memref<10000x64xf32, #tpu.memory_space<vmem_shared>> -> memref<625x64xf32, #tpu.memory_space<vmem_shared>>
      tpu.enqueue_dma source(%dma_start3A_22 : memref<625x64xf32, #tpu.memory_space<vmem_shared>>) target(%dma_start3A_20 : memref<625x64xf32, #tpu.memory_space<hbm>>) target_semaphore(%run_scoped3A : memref<!tpu.dma_semaphore, #tpu.memory_space<semaphore_mem>>)
      %dma_wait3A = arith.constant 0 : i32
      %dma_wait3A_23 = tpu.memref_slice %arg5[%arg0, %mul3A_17, %dma_wait3A] : memref<2x10000x64xf32, #tpu.memory_space<hbm>> -> memref<1x625x64xf32, #tpu.memory_space<hbm>>
      %dma_wait3A_24 = tpu.memref_squeeze %dma_wait3A_23 : memref<1x625x64xf32, #tpu.memory_space<hbm>> -> memref<625x64xf32, #tpu.memory_space<hbm>>
      %dma_wait3A_25 = arith.constant 0 : i32
      %dma_wait3A_26 = tpu.memref_slice %arg9[%mul3A_15, %dma_wait3A_25] : memref<10000x64xf32, #tpu.memory_space<vmem_shared>> -> memref<625x64xf32, #tpu.memory_space<vmem_shared>>
      tpu.wait_dma2 semaphore(%run_scoped3A : memref<!tpu.dma_semaphore, #tpu.memory_space<semaphore_mem>>) src(%dma_wait3A_26 : memref<625x64xf32, #tpu.memory_space<vmem_shared>>) dst(%dma_wait3A_24 : memref<625x64xf32, #tpu.memory_space<hbm>>)
      tpu.yield
    }) : () -> ()
    return
  }
}

#map = affine_map<(d0, d1) -> (0, 0)>
#map1 = affine_map<(d0, d1) -> (0, 0, 0)>
module attributes {stable_mosaic.version = 14 : i64} {
  func.func @body(%arg0: i32, %arg1: i32, %arg2: memref<160000x64xf32, #tpu.memory_space<hbm>>, %arg3: memref<32x50x100xi32, #tpu.memory_space<hbm>>, %arg4: memref<625x64xf32, #tpu.memory_space<hbm>>, %arg5: memref<2x10000x64xf32, #tpu.memory_space<hbm>>, %arg6: memref<50x100xi32, #tpu.memory_space<vmem>>, %arg7: memref<100x64xf32, #tpu.memory_space<vmem>>, %arg8: memref<100x64xf32, #tpu.memory_space<vmem>>, %arg9: memref<10000x64xf32, #tpu.memory_space<vmem_shared>>, %arg10: memref<!tpu.dma_semaphore, #tpu.memory_space<semaphore_mem>>, %arg11: memref<!tpu.dma_semaphore, #tpu.memory_space<semaphore_mem>>) attributes {dimension_semantics = [#tpu.dimension_semantics<core_parallel>, #tpu.dimension_semantics<subcore_parallel>], iteration_bounds = array<i64: 2, 16>, scalar_prefetch = 0 : i64, scratch_operands = 6 : i64, tpu.core_type = #tpu.core_type<sc_vector_subcore>, window_params = [{transform_indices = #map}, {transform_indices = #map1}, {transform_indices = #map}, {transform_indices = #map1}]} {
    %mul3A = arith.constant 2 : i32
    %mul3A_0 = arith.muli %arg1, %mul3A : i32
    %add3A = arith.addi %mul3A_0, %arg0 : i32
    %mul3A_1 = arith.constant 625 : i32
    %mul3A_2 = arith.muli %arg1, %mul3A_1 : i32
    "tpu.region"() ({
      %run_scoped3A = tpu.sem_alloc : memref<!tpu.dma_semaphore, #tpu.memory_space<semaphore_mem>>
      %dma_start3A_18 = arith.constant 0 : i32
      %dma_start3A_19 = tpu.memref_slice %arg9[%mul3A_2, %dma_start3A_18] : memref<10000x64xf32, #tpu.memory_space<vmem_shared>> -> memref<625x64xf32, #tpu.memory_space<vmem_shared>>
      tpu.enqueue_dma source(%arg4 : memref<625x64xf32, #tpu.memory_space<hbm>>) target(%dma_start3A_19 : memref<625x64xf32, #tpu.memory_space<vmem_shared>>) target_semaphore(%run_scoped3A : memref<!tpu.dma_semaphore, #tpu.memory_space<semaphore_mem>>)
      %dma_wait3A = arith.constant 0 : i32
      %dma_wait3A_20 = tpu.memref_slice %arg9[%mul3A_2, %dma_wait3A] : memref<10000x64xf32, #tpu.memory_space<vmem_shared>> -> memref<625x64xf32, #tpu.memory_space<vmem_shared>>
      tpu.wait_dma2 semaphore(%run_scoped3A : memref<!tpu.dma_semaphore, #tpu.memory_space<semaphore_mem>>) src(%arg4 : memref<625x64xf32, #tpu.memory_space<hbm>>) dst(%dma_wait3A_20 : memref<625x64xf32, #tpu.memory_space<vmem_shared>>)
      tpu.yield
    }) : () -> ()
    "tpu.region"() ({
      %run_scoped3A = tpu.sem_alloc : memref<!tpu.dma_semaphore, #tpu.memory_space<semaphore_mem>>
      %dma_start3A_18 = arith.constant 0 : i32
      %dma_start3A_19 = arith.constant 0 : i32
      %dma_start3A_20 = tpu.memref_slice %arg3[%add3A, %dma_start3A_18, %dma_start3A_19] : memref<32x50x100xi32, #tpu.memory_space<hbm>> -> memref<1x50x100xi32, #tpu.memory_space<hbm>>
      %dma_start3A_21 = tpu.memref_squeeze %dma_start3A_20 : memref<1x50x100xi32, #tpu.memory_space<hbm>> -> memref<50x100xi32, #tpu.memory_space<hbm>>
      %dma_start3A_22 = arith.constant 0 : i32
      %dma_start3A_23 = arith.constant 0 : i32
      %dma_start3A_24 = tpu.memref_slice %arg3[%add3A, %dma_start3A_22, %dma_start3A_23] : memref<32x50x100xi32, #tpu.memory_space<hbm>> -> memref<1x50x100xi32, #tpu.memory_space<hbm>>
      %dma_start3A_25 = tpu.memref_squeeze %dma_start3A_24 : memref<1x50x100xi32, #tpu.memory_space<hbm>> -> memref<50x100xi32, #tpu.memory_space<hbm>>
      tpu.enqueue_dma source(%dma_start3A_25 : memref<50x100xi32, #tpu.memory_space<hbm>>) target(%arg6 : memref<50x100xi32, #tpu.memory_space<vmem>>) target_semaphore(%run_scoped3A : memref<!tpu.dma_semaphore, #tpu.memory_space<semaphore_mem>>)
      %dma_wait3A = arith.constant 0 : i32
      %dma_wait3A_26 = arith.constant 0 : i32
      %dma_wait3A_27 = tpu.memref_slice %arg3[%add3A, %dma_wait3A, %dma_wait3A_26] : memref<32x50x100xi32, #tpu.memory_space<hbm>> -> memref<1x50x100xi32, #tpu.memory_space<hbm>>
      %dma_wait3A_28 = tpu.memref_squeeze %dma_wait3A_27 : memref<1x50x100xi32, #tpu.memory_space<hbm>> -> memref<50x100xi32, #tpu.memory_space<hbm>>
      %dma_wait3A_29 = arith.constant 0 : i32
      %dma_wait3A_30 = arith.constant 0 : i32
      %dma_wait3A_31 = tpu.memref_slice %arg3[%add3A, %dma_wait3A_29, %dma_wait3A_30] : memref<32x50x100xi32, #tpu.memory_space<hbm>> -> memref<1x50x100xi32, #tpu.memory_space<hbm>>
      %dma_wait3A_32 = tpu.memref_squeeze %dma_wait3A_31 : memref<1x50x100xi32, #tpu.memory_space<hbm>> -> memref<50x100xi32, #tpu.memory_space<hbm>>
      tpu.wait_dma2 semaphore(%run_scoped3A : memref<!tpu.dma_semaphore, #tpu.memory_space<semaphore_mem>>) src(%dma_wait3A_32 : memref<50x100xi32, #tpu.memory_space<hbm>>) dst(%arg6 : memref<50x100xi32, #tpu.memory_space<vmem>>)
      tpu.yield
    }) : () -> ()
    %barrier3A = arith.constant 0 : index
    tpu.barrier barrier_id(%barrier3A)
    %mul3A_3 = arith.constant 5000 : i32
    %mul3A_4 = arith.muli %add3A, %mul3A_3 : i32
    %dma_start3A = arith.constant 0 : i32
    %dma_start3A_5 = tpu.memref_slice %arg2[%mul3A_4, %dma_start3A] : memref<160000x64xf32, #tpu.memory_space<hbm>> -> memref<100x64xf32, #tpu.memory_space<hbm>>
    %dma_start3A_6 = arith.constant 0 : i32
    %dma_start3A_7 = tpu.memref_slice %arg2[%mul3A_4, %dma_start3A_6] : memref<160000x64xf32, #tpu.memory_space<hbm>> -> memref<100x64xf32, #tpu.memory_space<hbm>>
    tpu.enqueue_dma source(%dma_start3A_7 : memref<100x64xf32, #tpu.memory_space<hbm>>) target(%arg7 : memref<100x64xf32, #tpu.memory_space<vmem>>) target_semaphore(%arg10 : memref<!tpu.dma_semaphore, #tpu.memory_space<semaphore_mem>>)
    %scan3A = arith.constant 0 : i32
    %scan3A_8 = arith.constant 0 : i32
    %scan3A_9 = arith.constant 25 : i32
    %scan3A_10 = arith.addi %scan3A_8, %scan3A_9 : i32
    %scan3A_11 = arith.constant 1 : i32
    scf.for %scan3A_18 = %scan3A_8 to %scan3A_10 step %scan3A_11  : i32 {
      %mul3A_19 = arith.constant 2 : i32
      %mul3A_20 = arith.muli %mul3A_19, %scan3A_18 : i32
      %add3A_21 = arith.constant 1 : i32
      %add3A_22 = arith.addi %mul3A_20, %add3A_21 : i32
      %mul3A_23 = arith.constant 100 : i32
      %mul3A_24 = arith.muli %add3A_22, %mul3A_23 : i32
      %add3A_25 = arith.addi %mul3A_4, %mul3A_24 : i32
      %dma_start3A_26 = arith.constant 0 : i32
      %dma_start3A_27 = tpu.memref_slice %arg2[%add3A_25, %dma_start3A_26] : memref<160000x64xf32, #tpu.memory_space<hbm>> -> memref<100x64xf32, #tpu.memory_space<hbm>>
      %dma_start3A_28 = arith.constant 0 : i32
      %dma_start3A_29 = tpu.memref_slice %arg2[%add3A_25, %dma_start3A_28] : memref<160000x64xf32, #tpu.memory_space<hbm>> -> memref<100x64xf32, #tpu.memory_space<hbm>>
      tpu.enqueue_dma source(%dma_start3A_29 : memref<100x64xf32, #tpu.memory_space<hbm>>) target(%arg8 : memref<100x64xf32, #tpu.memory_space<vmem>>) target_semaphore(%arg11 : memref<!tpu.dma_semaphore, #tpu.memory_space<semaphore_mem>>)
      %mul3A_30 = arith.constant 100 : i32
      %mul3A_31 = arith.muli %mul3A_20, %mul3A_30 : i32
      %add3A_32 = arith.addi %mul3A_4, %mul3A_31 : i32
      %dma_wait3A = arith.constant 0 : i32
      %dma_wait3A_33 = tpu.memref_slice %arg2[%add3A_32, %dma_wait3A] : memref<160000x64xf32, #tpu.memory_space<hbm>> -> memref<100x64xf32, #tpu.memory_space<hbm>>
      %dma_wait3A_34 = arith.constant 0 : i32
      %dma_wait3A_35 = tpu.memref_slice %arg2[%add3A_32, %dma_wait3A_34] : memref<160000x64xf32, #tpu.memory_space<hbm>> -> memref<100x64xf32, #tpu.memory_space<hbm>>
      tpu.wait_dma2 semaphore(%arg10 : memref<!tpu.dma_semaphore, #tpu.memory_space<semaphore_mem>>) src(%dma_wait3A_35 : memref<100x64xf32, #tpu.memory_space<hbm>>) dst(%arg7 : memref<100x64xf32, #tpu.memory_space<vmem>>)
      "tpu.region"() ({
        %run_scoped3A = tpu.sem_alloc : memref<!tpu.dma_semaphore, #tpu.memory_space<semaphore_mem>>
        %dma_start3A_51 = arith.constant 0 : i32
        %dma_start3A_52 = tpu.memref_slice %arg6[%mul3A_20, %dma_start3A_51] : memref<50x100xi32, #tpu.memory_space<vmem>> -> memref<1x100xi32, #tpu.memory_space<vmem>>
        %dma_start3A_53 = tpu.memref_squeeze %dma_start3A_52 : memref<1x100xi32, #tpu.memory_space<vmem>> -> memref<100xi32, #tpu.memory_space<vmem>>
        %dma_start3A_54 = arith.constant 0 : i32
        %dma_start3A_55 = arith.constant 0 : i32
        %dma_start3A_56 = tpu.memref_slice %arg9[%dma_start3A_54, %dma_start3A_55] : memref<10000x64xf32, #tpu.memory_space<vmem_shared>> -> memref<10000x64xf32, #tpu.memory_space<vmem_shared>>
        tpu.enqueue_indirect_dma source(%arg7 : memref<100x64xf32, #tpu.memory_space<vmem>>) target(%dma_start3A_56 : memref<10000x64xf32, #tpu.memory_space<vmem_shared>>) offsets(%dma_start3A_53 : memref<100xi32, #tpu.memory_space<vmem>>) semaphore(%run_scoped3A : memref<!tpu.dma_semaphore, #tpu.memory_space<semaphore_mem>>) {add = true}
        %dma_wait3A_57 = arith.constant 0 : i32
        %dma_wait3A_58 = tpu.memref_slice %arg6[%mul3A_20, %dma_wait3A_57] : memref<50x100xi32, #tpu.memory_space<vmem>> -> memref<1x100xi32, #tpu.memory_space<vmem>>
        %dma_wait3A_59 = tpu.memref_squeeze %dma_wait3A_58 : memref<1x100xi32, #tpu.memory_space<vmem>> -> memref<100xi32, #tpu.memory_space<vmem>>
        %dma_wait3A_60 = arith.constant 0 : i32
        %dma_wait3A_61 = arith.constant 0 : i32
        %dma_wait3A_62 = tpu.memref_slice %arg9[%dma_wait3A_60, %dma_wait3A_61] : memref<10000x64xf32, #tpu.memory_space<vmem_shared>> -> memref<10000x64xf32, #tpu.memory_space<vmem_shared>>
        tpu.wait_indirect_dma semaphore(%run_scoped3A : memref<!tpu.dma_semaphore, #tpu.memory_space<semaphore_mem>>) src(%arg7 : memref<100x64xf32, #tpu.memory_space<vmem>>) dst(%dma_wait3A_62 : memref<10000x64xf32, #tpu.memory_space<vmem_shared>>)
        tpu.yield
      }) : () -> ()
      %add3A_36 = arith.constant 2 : i32
      %add3A_37 = arith.addi %mul3A_20, %add3A_36 : i32
      %lt3A = arith.constant 50 : i32
      %lt3A_38 = arith.cmpi slt, %add3A_37, %lt3A : i32
      %convert_element_type3A = arith.extui %lt3A_38 : i1 to i32
      %cond3A = arith.constant 0 : i32
      %cond3A_39 = arith.cmpi ne, %convert_element_type3A, %cond3A : i32
      scf.if %cond3A_39 {
        %add3A_51 = arith.constant 2 : i32
        %add3A_52 = arith.addi %mul3A_20, %add3A_51 : i32
        %mul3A_53 = arith.constant 100 : i32
        %mul3A_54 = arith.muli %add3A_52, %mul3A_53 : i32
        %add3A_55 = arith.addi %mul3A_4, %mul3A_54 : i32
        %dma_start3A_56 = arith.constant 0 : i32
        %dma_start3A_57 = tpu.memref_slice %arg2[%add3A_55, %dma_start3A_56] : memref<160000x64xf32, #tpu.memory_space<hbm>> -> memref<100x64xf32, #tpu.memory_space<hbm>>
        %dma_start3A_58 = arith.constant 0 : i32
        %dma_start3A_59 = tpu.memref_slice %arg2[%add3A_55, %dma_start3A_58] : memref<160000x64xf32, #tpu.memory_space<hbm>> -> memref<100x64xf32, #tpu.memory_space<hbm>>
        tpu.enqueue_dma source(%dma_start3A_59 : memref<100x64xf32, #tpu.memory_space<hbm>>) target(%arg7 : memref<100x64xf32, #tpu.memory_space<vmem>>) target_semaphore(%arg10 : memref<!tpu.dma_semaphore, #tpu.memory_space<semaphore_mem>>)
      } else {
      }
      %add3A_40 = arith.constant 1 : i32
      %add3A_41 = arith.addi %mul3A_20, %add3A_40 : i32
      %mul3A_42 = arith.constant 100 : i32
      %mul3A_43 = arith.muli %add3A_41, %mul3A_42 : i32
      %add3A_44 = arith.addi %mul3A_4, %mul3A_43 : i32
      %dma_wait3A_45 = arith.constant 0 : i32
      %dma_wait3A_46 = tpu.memref_slice %arg2[%add3A_44, %dma_wait3A_45] : memref<160000x64xf32, #tpu.memory_space<hbm>> -> memref<100x64xf32, #tpu.memory_space<hbm>>
      %dma_wait3A_47 = arith.constant 0 : i32
      %dma_wait3A_48 = tpu.memref_slice %arg2[%add3A_44, %dma_wait3A_47] : memref<160000x64xf32, #tpu.memory_space<hbm>> -> memref<100x64xf32, #tpu.memory_space<hbm>>
      tpu.wait_dma2 semaphore(%arg11 : memref<!tpu.dma_semaphore, #tpu.memory_space<semaphore_mem>>) src(%dma_wait3A_48 : memref<100x64xf32, #tpu.memory_space<hbm>>) dst(%arg8 : memref<100x64xf32, #tpu.memory_space<vmem>>)
      %add3A_49 = arith.constant 1 : i32
      %add3A_50 = arith.addi %mul3A_20, %add3A_49 : i32
      "tpu.region"() ({
        %run_scoped3A = tpu.sem_alloc : memref<!tpu.dma_semaphore, #tpu.memory_space<semaphore_mem>>
        %dma_start3A_51 = arith.constant 0 : i32
        %dma_start3A_52 = tpu.memref_slice %arg6[%add3A_50, %dma_start3A_51] : memref<50x100xi32, #tpu.memory_space<vmem>> -> memref<1x100xi32, #tpu.memory_space<vmem>>
        %dma_start3A_53 = tpu.memref_squeeze %dma_start3A_52 : memref<1x100xi32, #tpu.memory_space<vmem>> -> memref<100xi32, #tpu.memory_space<vmem>>
        %dma_start3A_54 = arith.constant 0 : i32
        %dma_start3A_55 = arith.constant 0 : i32
        %dma_start3A_56 = tpu.memref_slice %arg9[%dma_start3A_54, %dma_start3A_55] : memref<10000x64xf32, #tpu.memory_space<vmem_shared>> -> memref<10000x64xf32, #tpu.memory_space<vmem_shared>>
        tpu.enqueue_indirect_dma source(%arg8 : memref<100x64xf32, #tpu.memory_space<vmem>>) target(%dma_start3A_56 : memref<10000x64xf32, #tpu.memory_space<vmem_shared>>) offsets(%dma_start3A_53 : memref<100xi32, #tpu.memory_space<vmem>>) semaphore(%run_scoped3A : memref<!tpu.dma_semaphore, #tpu.memory_space<semaphore_mem>>) {add = true}
        %dma_wait3A_57 = arith.constant 0 : i32
        %dma_wait3A_58 = tpu.memref_slice %arg6[%add3A_50, %dma_wait3A_57] : memref<50x100xi32, #tpu.memory_space<vmem>> -> memref<1x100xi32, #tpu.memory_space<vmem>>
        %dma_wait3A_59 = tpu.memref_squeeze %dma_wait3A_58 : memref<1x100xi32, #tpu.memory_space<vmem>> -> memref<100xi32, #tpu.memory_space<vmem>>
        %dma_wait3A_60 = arith.constant 0 : i32
        %dma_wait3A_61 = arith.constant 0 : i32
        %dma_wait3A_62 = tpu.memref_slice %arg9[%dma_wait3A_60, %dma_wait3A_61] : memref<10000x64xf32, #tpu.memory_space<vmem_shared>> -> memref<10000x64xf32, #tpu.memory_space<vmem_shared>>
        tpu.wait_indirect_dma semaphore(%run_scoped3A : memref<!tpu.dma_semaphore, #tpu.memory_space<semaphore_mem>>) src(%arg8 : memref<100x64xf32, #tpu.memory_space<vmem>>) dst(%dma_wait3A_62 : memref<10000x64xf32, #tpu.memory_space<vmem_shared>>)
        tpu.yield
      }) : () -> ()
    }
    %scan3A_12 = arith.constant 25 : i32
    %barrier3A_13 = arith.constant 0 : index
    tpu.barrier barrier_id(%barrier3A_13)
    %mul3A_14 = arith.constant 625 : i32
    %mul3A_15 = arith.muli %arg1, %mul3A_14 : i32
    %mul3A_16 = arith.constant 625 : i32
    %mul3A_17 = arith.muli %arg1, %mul3A_16 : i32
    "tpu.region"() ({
      %run_scoped3A = tpu.sem_alloc : memref<!tpu.dma_semaphore, #tpu.memory_space<semaphore_mem>>
      %dma_start3A_18 = arith.constant 0 : i32
      %dma_start3A_19 = tpu.memref_slice %arg5[%arg0, %mul3A_17, %dma_start3A_18] : memref<2x10000x64xf32, #tpu.memory_space<hbm>> -> memref<1x625x64xf32, #tpu.memory_space<hbm>>
      %dma_start3A_20 = tpu.memref_squeeze %dma_start3A_19 : memref<1x625x64xf32, #tpu.memory_space<hbm>> -> memref<625x64xf32, #tpu.memory_space<hbm>>
      %dma_start3A_21 = arith.constant 0 : i32
      %dma_start3A_22 = tpu.memref_slice %arg9[%mul3A_15, %dma_start3A_21] : memref<10000x64xf32, #tpu.memory_space<vmem_shared>> -> memref<625x64xf32, #tpu.memory_space<vmem_shared>>
      tpu.enqueue_dma source(%dma_start3A_22 : memref<625x64xf32, #tpu.memory_space<vmem_shared>>) target(%dma_start3A_20 : memref<625x64xf32, #tpu.memory_space<hbm>>) target_semaphore(%run_scoped3A : memref<!tpu.dma_semaphore, #tpu.memory_space<semaphore_mem>>)
      %dma_wait3A = arith.constant 0 : i32
      %dma_wait3A_23 = tpu.memref_slice %arg5[%arg0, %mul3A_17, %dma_wait3A] : memref<2x10000x64xf32, #tpu.memory_space<hbm>> -> memref<1x625x64xf32, #tpu.memory_space<hbm>>
      %dma_wait3A_24 = tpu.memref_squeeze %dma_wait3A_23 : memref<1x625x64xf32, #tpu.memory_space<hbm>> -> memref<625x64xf32, #tpu.memory_space<hbm>>
      %dma_wait3A_25 = arith.constant 0 : i32
      %dma_wait3A_26 = tpu.memref_slice %arg9[%mul3A_15, %dma_wait3A_25] : memref<10000x64xf32, #tpu.memory_space<vmem_shared>> -> memref<625x64xf32, #tpu.memory_space<vmem_shared>>
      tpu.wait_dma2 semaphore(%run_scoped3A : memref<!tpu.dma_semaphore, #tpu.memory_space<semaphore_mem>>) src(%dma_wait3A_26 : memref<625x64xf32, #tpu.memory_space<vmem_shared>>) dst(%dma_wait3A_24 : memref<625x64xf32, #tpu.memory_space<hbm>>)
      tpu.yield
    }) : () -> ()
    return
  }
}

#map = affine_map<(d0, d1) -> (0, 0)>
#map1 = affine_map<(d0, d1) -> (0)>
module attributes {stable_mosaic.version = 14 : i64} {
  func.func @body(%arg0: i32, %arg1: i32, %arg2: memref<10000x64xf32, #tpu.memory_space<hbm>>, %arg3: memref<160000xi32, #tpu.memory_space<hbm>>, %arg4: memref<160000xi32, #tpu.memory_space<hbm>>, %arg5: memref<160000x64xf32, #tpu.memory_space<hbm>>, %arg6: memref<160000x64xf32, #tpu.memory_space<hbm>>, %arg7: memref<5000xi32, #tpu.memory_space<vmem>>, %arg8: memref<5000xi32, #tpu.memory_space<vmem>>, %arg9: memref<200x64xf32, #tpu.memory_space<vmem>>, %arg10: memref<200x64xf32, #tpu.memory_space<vmem>>, %arg11: memref<!tpu.dma_semaphore, #tpu.memory_space<semaphore_mem>>, %arg12: memref<!tpu.dma_semaphore, #tpu.memory_space<semaphore_mem>>) attributes {dimension_semantics = [#tpu.dimension_semantics<core_parallel>, #tpu.dimension_semantics<subcore_parallel>], iteration_bounds = array<i64: 2, 16>, scalar_prefetch = 0 : i64, scratch_operands = 6 : i64, tpu.core_type = #tpu.core_type<sc_vector_subcore>, window_params = [{transform_indices = #map}, {transform_indices = #map1}, {transform_indices = #map1}, {transform_indices = #map}, {transform_indices = #map}]} {
    %mul3A = arith.constant 2 : i32
    %mul3A_0 = arith.muli %arg1, %mul3A : i32
    %add3A = arith.addi %mul3A_0, %arg0 : i32
    %mul3A_1 = arith.constant 5000 : i32
    %mul3A_2 = arith.muli %add3A, %mul3A_1 : i32
    "tpu.region"() ({
      %run_scoped3A = tpu.sem_alloc : memref<!tpu.dma_semaphore, #tpu.memory_space<semaphore_mem>>
      %dma_start3A_17 = tpu.memref_slice %arg3[%mul3A_2] : memref<160000xi32, #tpu.memory_space<hbm>> -> memref<5000xi32, #tpu.memory_space<hbm>>
      %dma_start3A_18 = tpu.memref_slice %arg3[%mul3A_2] : memref<160000xi32, #tpu.memory_space<hbm>> -> memref<5000xi32, #tpu.memory_space<hbm>>
      tpu.enqueue_dma source(%dma_start3A_18 : memref<5000xi32, #tpu.memory_space<hbm>>) target(%arg7 : memref<5000xi32, #tpu.memory_space<vmem>>) target_semaphore(%run_scoped3A : memref<!tpu.dma_semaphore, #tpu.memory_space<semaphore_mem>>)
      %dma_wait3A = tpu.memref_slice %arg3[%mul3A_2] : memref<160000xi32, #tpu.memory_space<hbm>> -> memref<5000xi32, #tpu.memory_space<hbm>>
      %dma_wait3A_19 = tpu.memref_slice %arg3[%mul3A_2] : memref<160000xi32, #tpu.memory_space<hbm>> -> memref<5000xi32, #tpu.memory_space<hbm>>
      tpu.wait_dma2 semaphore(%run_scoped3A : memref<!tpu.dma_semaphore, #tpu.memory_space<semaphore_mem>>) src(%dma_wait3A_19 : memref<5000xi32, #tpu.memory_space<hbm>>) dst(%arg7 : memref<5000xi32, #tpu.memory_space<vmem>>)
      tpu.yield
    }) : () -> ()
    "tpu.region"() ({
      %run_scoped3A = tpu.sem_alloc : memref<!tpu.dma_semaphore, #tpu.memory_space<semaphore_mem>>
      %dma_start3A_17 = tpu.memref_slice %arg4[%mul3A_2] : memref<160000xi32, #tpu.memory_space<hbm>> -> memref<5000xi32, #tpu.memory_space<hbm>>
      %dma_start3A_18 = tpu.memref_slice %arg4[%mul3A_2] : memref<160000xi32, #tpu.memory_space<hbm>> -> memref<5000xi32, #tpu.memory_space<hbm>>
      tpu.enqueue_dma source(%dma_start3A_18 : memref<5000xi32, #tpu.memory_space<hbm>>) target(%arg8 : memref<5000xi32, #tpu.memory_space<vmem>>) target_semaphore(%run_scoped3A : memref<!tpu.dma_semaphore, #tpu.memory_space<semaphore_mem>>)
      %dma_wait3A = tpu.memref_slice %arg4[%mul3A_2] : memref<160000xi32, #tpu.memory_space<hbm>> -> memref<5000xi32, #tpu.memory_space<hbm>>
      %dma_wait3A_19 = tpu.memref_slice %arg4[%mul3A_2] : memref<160000xi32, #tpu.memory_space<hbm>> -> memref<5000xi32, #tpu.memory_space<hbm>>
      tpu.wait_dma2 semaphore(%run_scoped3A : memref<!tpu.dma_semaphore, #tpu.memory_space<semaphore_mem>>) src(%dma_wait3A_19 : memref<5000xi32, #tpu.memory_space<hbm>>) dst(%arg8 : memref<5000xi32, #tpu.memory_space<vmem>>)
      tpu.yield
    }) : () -> ()
    %dma_start3A = arith.constant 0 : i32
    %dma_start3A_3 = tpu.memref_slice %arg7[%dma_start3A] : memref<5000xi32, #tpu.memory_space<vmem>> -> memref<200xi32, #tpu.memory_space<vmem>>
    %dma_start3A_4 = arith.constant 0 : i32
    %dma_start3A_5 = arith.constant 0 : i32
    %dma_start3A_6 = tpu.memref_slice %arg2[%dma_start3A_4, %dma_start3A_5] : memref<10000x64xf32, #tpu.memory_space<hbm>> -> memref<10000x64xf32, #tpu.memory_space<hbm>>
    tpu.enqueue_indirect_dma source(%dma_start3A_6 : memref<10000x64xf32, #tpu.memory_space<hbm>>) target(%arg9 : memref<200x64xf32, #tpu.memory_space<vmem>>) offsets(%dma_start3A_3 : memref<200xi32, #tpu.memory_space<vmem>>) semaphore(%arg11 : memref<!tpu.dma_semaphore, #tpu.memory_space<semaphore_mem>>)
    %dma_start3A_7 = arith.constant 0 : i32
    %dma_start3A_8 = tpu.memref_slice %arg8[%dma_start3A_7] : memref<5000xi32, #tpu.memory_space<vmem>> -> memref<200xi32, #tpu.memory_space<vmem>>
    %dma_start3A_9 = arith.constant 0 : i32
    %dma_start3A_10 = arith.constant 0 : i32
    %dma_start3A_11 = tpu.memref_slice %arg2[%dma_start3A_9, %dma_start3A_10] : memref<10000x64xf32, #tpu.memory_space<hbm>> -> memref<10000x64xf32, #tpu.memory_space<hbm>>
    tpu.enqueue_indirect_dma source(%dma_start3A_11 : memref<10000x64xf32, #tpu.memory_space<hbm>>) target(%arg10 : memref<200x64xf32, #tpu.memory_space<vmem>>) offsets(%dma_start3A_8 : memref<200xi32, #tpu.memory_space<vmem>>) semaphore(%arg12 : memref<!tpu.dma_semaphore, #tpu.memory_space<semaphore_mem>>)
    %scan3A = arith.constant 0 : i32
    %scan3A_12 = arith.constant 0 : i32
    %scan3A_13 = arith.constant 25 : i32
    %scan3A_14 = arith.addi %scan3A_12, %scan3A_13 : i32
    %scan3A_15 = arith.constant 1 : i32
    scf.for %scan3A_17 = %scan3A_12 to %scan3A_14 step %scan3A_15  : i32 {
      %mul3A_18 = arith.constant 200 : i32
      %mul3A_19 = arith.muli %scan3A_17, %mul3A_18 : i32
      %dma_wait3A = tpu.memref_slice %arg7[%mul3A_19] : memref<5000xi32, #tpu.memory_space<vmem>> -> memref<200xi32, #tpu.memory_space<vmem>>
      %dma_wait3A_20 = arith.constant 0 : i32
      %dma_wait3A_21 = arith.constant 0 : i32
      %dma_wait3A_22 = tpu.memref_slice %arg2[%dma_wait3A_20, %dma_wait3A_21] : memref<10000x64xf32, #tpu.memory_space<hbm>> -> memref<10000x64xf32, #tpu.memory_space<hbm>>
      tpu.wait_indirect_dma semaphore(%arg11 : memref<!tpu.dma_semaphore, #tpu.memory_space<semaphore_mem>>) src(%dma_wait3A_22 : memref<10000x64xf32, #tpu.memory_space<hbm>>) dst(%arg9 : memref<200x64xf32, #tpu.memory_space<vmem>>)
      %add3A_23 = arith.addi %mul3A_2, %mul3A_19 : i32
      "tpu.region"() ({
        %run_scoped3A = tpu.sem_alloc : memref<!tpu.dma_semaphore, #tpu.memory_space<semaphore_mem>>
        %dma_start3A_40 = arith.constant 0 : i32
        %dma_start3A_41 = tpu.memref_slice %arg5[%add3A_23, %dma_start3A_40] : memref<160000x64xf32, #tpu.memory_space<hbm>> -> memref<200x64xf32, #tpu.memory_space<hbm>>
        %dma_start3A_42 = arith.constant 0 : i32
        %dma_start3A_43 = tpu.memref_slice %arg5[%add3A_23, %dma_start3A_42] : memref<160000x64xf32, #tpu.memory_space<hbm>> -> memref<200x64xf32, #tpu.memory_space<hbm>>
        tpu.enqueue_dma source(%arg9 : memref<200x64xf32, #tpu.memory_space<vmem>>) target(%dma_start3A_43 : memref<200x64xf32, #tpu.memory_space<hbm>>) target_semaphore(%run_scoped3A : memref<!tpu.dma_semaphore, #tpu.memory_space<semaphore_mem>>)
        %dma_wait3A_44 = arith.constant 0 : i32
        %dma_wait3A_45 = tpu.memref_slice %arg5[%add3A_23, %dma_wait3A_44] : memref<160000x64xf32, #tpu.memory_space<hbm>> -> memref<200x64xf32, #tpu.memory_space<hbm>>
        %dma_wait3A_46 = arith.constant 0 : i32
        %dma_wait3A_47 = tpu.memref_slice %arg5[%add3A_23, %dma_wait3A_46] : memref<160000x64xf32, #tpu.memory_space<hbm>> -> memref<200x64xf32, #tpu.memory_space<hbm>>
        tpu.wait_dma2 semaphore(%run_scoped3A : memref<!tpu.dma_semaphore, #tpu.memory_space<semaphore_mem>>) src(%arg9 : memref<200x64xf32, #tpu.memory_space<vmem>>) dst(%dma_wait3A_47 : memref<200x64xf32, #tpu.memory_space<hbm>>)
        tpu.yield
      }) : () -> ()
      %add3A_24 = arith.constant 1 : i32
      %add3A_25 = arith.addi %scan3A_17, %add3A_24 : i32
      %lt3A = arith.constant 25 : i32
      %lt3A_26 = arith.cmpi slt, %add3A_25, %lt3A : i32
      %convert_element_type3A = arith.extui %lt3A_26 : i1 to i32
      %cond3A = arith.constant 0 : i32
      %cond3A_27 = arith.cmpi ne, %convert_element_type3A, %cond3A : i32
      scf.if %cond3A_27 {
        %add3A_40 = arith.constant 200 : i32
        %add3A_41 = arith.addi %mul3A_19, %add3A_40 : i32
        %dma_start3A_42 = tpu.memref_slice %arg7[%add3A_41] : memref<5000xi32, #tpu.memory_space<vmem>> -> memref<200xi32, #tpu.memory_space<vmem>>
        %dma_start3A_43 = arith.constant 0 : i32
        %dma_start3A_44 = arith.constant 0 : i32
        %dma_start3A_45 = tpu.memref_slice %arg2[%dma_start3A_43, %dma_start3A_44] : memref<10000x64xf32, #tpu.memory_space<hbm>> -> memref<10000x64xf32, #tpu.memory_space<hbm>>
        tpu.enqueue_indirect_dma source(%dma_start3A_45 : memref<10000x64xf32, #tpu.memory_space<hbm>>) target(%arg9 : memref<200x64xf32, #tpu.memory_space<vmem>>) offsets(%dma_start3A_42 : memref<200xi32, #tpu.memory_space<vmem>>) semaphore(%arg11 : memref<!tpu.dma_semaphore, #tpu.memory_space<semaphore_mem>>)
      } else {
      }
      %dma_wait3A_28 = tpu.memref_slice %arg8[%mul3A_19] : memref<5000xi32, #tpu.memory_space<vmem>> -> memref<200xi32, #tpu.memory_space<vmem>>
      %dma_wait3A_29 = arith.constant 0 : i32
      %dma_wait3A_30 = arith.constant 0 : i32
      %dma_wait3A_31 = tpu.memref_slice %arg2[%dma_wait3A_29, %dma_wait3A_30] : memref<10000x64xf32, #tpu.memory_space<hbm>> -> memref<10000x64xf32, #tpu.memory_space<hbm>>
      tpu.wait_indirect_dma semaphore(%arg12 : memref<!tpu.dma_semaphore, #tpu.memory_space<semaphore_mem>>) src(%dma_wait3A_31 : memref<10000x64xf32, #tpu.memory_space<hbm>>) dst(%arg10 : memref<200x64xf32, #tpu.memory_space<vmem>>)
      %add3A_32 = arith.addi %mul3A_2, %mul3A_19 : i32
      "tpu.region"() ({
        %run_scoped3A = tpu.sem_alloc : memref<!tpu.dma_semaphore, #tpu.memory_space<semaphore_mem>>
        %dma_start3A_40 = arith.constant 0 : i32
        %dma_start3A_41 = tpu.memref_slice %arg6[%add3A_32, %dma_start3A_40] : memref<160000x64xf32, #tpu.memory_space<hbm>> -> memref<200x64xf32, #tpu.memory_space<hbm>>
        %dma_start3A_42 = arith.constant 0 : i32
        %dma_start3A_43 = tpu.memref_slice %arg6[%add3A_32, %dma_start3A_42] : memref<160000x64xf32, #tpu.memory_space<hbm>> -> memref<200x64xf32, #tpu.memory_space<hbm>>
        tpu.enqueue_dma source(%arg10 : memref<200x64xf32, #tpu.memory_space<vmem>>) target(%dma_start3A_43 : memref<200x64xf32, #tpu.memory_space<hbm>>) target_semaphore(%run_scoped3A : memref<!tpu.dma_semaphore, #tpu.memory_space<semaphore_mem>>)
        %dma_wait3A_44 = arith.constant 0 : i32
        %dma_wait3A_45 = tpu.memref_slice %arg6[%add3A_32, %dma_wait3A_44] : memref<160000x64xf32, #tpu.memory_space<hbm>> -> memref<200x64xf32, #tpu.memory_space<hbm>>
        %dma_wait3A_46 = arith.constant 0 : i32
        %dma_wait3A_47 = tpu.memref_slice %arg6[%add3A_32, %dma_wait3A_46] : memref<160000x64xf32, #tpu.memory_space<hbm>> -> memref<200x64xf32, #tpu.memory_space<hbm>>
        tpu.wait_dma2 semaphore(%run_scoped3A : memref<!tpu.dma_semaphore, #tpu.memory_space<semaphore_mem>>) src(%arg10 : memref<200x64xf32, #tpu.memory_space<vmem>>) dst(%dma_wait3A_47 : memref<200x64xf32, #tpu.memory_space<hbm>>)
        tpu.yield
      }) : () -> ()
      %add3A_33 = arith.constant 1 : i32
      %add3A_34 = arith.addi %scan3A_17, %add3A_33 : i32
      %lt3A_35 = arith.constant 25 : i32
      %lt3A_36 = arith.cmpi slt, %add3A_34, %lt3A_35 : i32
      %convert_element_type3A_37 = arith.extui %lt3A_36 : i1 to i32
      %cond3A_38 = arith.constant 0 : i32
      %cond3A_39 = arith.cmpi ne, %convert_element_type3A_37, %cond3A_38 : i32
      scf.if %cond3A_39 {
        %add3A_40 = arith.constant 200 : i32
        %add3A_41 = arith.addi %mul3A_19, %add3A_40 : i32
        %dma_start3A_42 = tpu.memref_slice %arg8[%add3A_41] : memref<5000xi32, #tpu.memory_space<vmem>> -> memref<200xi32, #tpu.memory_space<vmem>>
        %dma_start3A_43 = arith.constant 0 : i32
        %dma_start3A_44 = arith.constant 0 : i32
        %dma_start3A_45 = tpu.memref_slice %arg2[%dma_start3A_43, %dma_start3A_44] : memref<10000x64xf32, #tpu.memory_space<hbm>> -> memref<10000x64xf32, #tpu.memory_space<hbm>>
        tpu.enqueue_indirect_dma source(%dma_start3A_45 : memref<10000x64xf32, #tpu.memory_space<hbm>>) target(%arg10 : memref<200x64xf32, #tpu.memory_space<vmem>>) offsets(%dma_start3A_42 : memref<200xi32, #tpu.memory_space<vmem>>) semaphore(%arg12 : memref<!tpu.dma_semaphore, #tpu.memory_space<semaphore_mem>>)
      } else {
      }
    }
    %scan3A_16 = arith.constant 25 : i32
    return
  }
}

#map = affine_map<(d0, d1) -> (0, 0)>
#map1 = affine_map<(d0, d1) -> (0)>
module attributes {stable_mosaic.version = 14 : i64} {
  func.func @body(%arg0: i32, %arg1: i32, %arg2: memref<10000x64xf32, #tpu.memory_space<hbm>>, %arg3: memref<160000xi32, #tpu.memory_space<hbm>>, %arg4: memref<160000xi32, #tpu.memory_space<hbm>>, %arg5: memref<160000x64xf32, #tpu.memory_space<hbm>>, %arg6: memref<160000x64xf32, #tpu.memory_space<hbm>>, %arg7: memref<5000xi32, #tpu.memory_space<vmem>>, %arg8: memref<5000xi32, #tpu.memory_space<vmem>>, %arg9: memref<200x64xf32, #tpu.memory_space<vmem>>, %arg10: memref<200x64xf32, #tpu.memory_space<vmem>>, %arg11: memref<!tpu.dma_semaphore, #tpu.memory_space<semaphore_mem>>, %arg12: memref<!tpu.dma_semaphore, #tpu.memory_space<semaphore_mem>>) attributes {dimension_semantics = [#tpu.dimension_semantics<core_parallel>, #tpu.dimension_semantics<subcore_parallel>], iteration_bounds = array<i64: 2, 16>, scalar_prefetch = 0 : i64, scratch_operands = 6 : i64, tpu.core_type = #tpu.core_type<sc_vector_subcore>, window_params = [{transform_indices = #map}, {transform_indices = #map1}, {transform_indices = #map1}, {transform_indices = #map}, {transform_indices = #map}]} {
    %mul3A = arith.constant 2 : i32
    %mul3A_0 = arith.muli %arg1, %mul3A : i32
    %add3A = arith.addi %mul3A_0, %arg0 : i32
    %mul3A_1 = arith.constant 5000 : i32
    %mul3A_2 = arith.muli %add3A, %mul3A_1 : i32
    "tpu.region"() ({
      %run_scoped3A = tpu.sem_alloc : memref<!tpu.dma_semaphore, #tpu.memory_space<semaphore_mem>>
      %dma_start3A_17 = tpu.memref_slice %arg3[%mul3A_2] : memref<160000xi32, #tpu.memory_space<hbm>> -> memref<5000xi32, #tpu.memory_space<hbm>>
      %dma_start3A_18 = tpu.memref_slice %arg3[%mul3A_2] : memref<160000xi32, #tpu.memory_space<hbm>> -> memref<5000xi32, #tpu.memory_space<hbm>>
      tpu.enqueue_dma source(%dma_start3A_18 : memref<5000xi32, #tpu.memory_space<hbm>>) target(%arg7 : memref<5000xi32, #tpu.memory_space<vmem>>) target_semaphore(%run_scoped3A : memref<!tpu.dma_semaphore, #tpu.memory_space<semaphore_mem>>)
      %dma_wait3A = tpu.memref_slice %arg3[%mul3A_2] : memref<160000xi32, #tpu.memory_space<hbm>> -> memref<5000xi32, #tpu.memory_space<hbm>>
      %dma_wait3A_19 = tpu.memref_slice %arg3[%mul3A_2] : memref<160000xi32, #tpu.memory_space<hbm>> -> memref<5000xi32, #tpu.memory_space<hbm>>
      tpu.wait_dma2 semaphore(%run_scoped3A : memref<!tpu.dma_semaphore, #tpu.memory_space<semaphore_mem>>) src(%dma_wait3A_19 : memref<5000xi32, #tpu.memory_space<hbm>>) dst(%arg7 : memref<5000xi32, #tpu.memory_space<vmem>>)
      tpu.yield
    }) : () -> ()
    "tpu.region"() ({
      %run_scoped3A = tpu.sem_alloc : memref<!tpu.dma_semaphore, #tpu.memory_space<semaphore_mem>>
      %dma_start3A_17 = tpu.memref_slice %arg4[%mul3A_2] : memref<160000xi32, #tpu.memory_space<hbm>> -> memref<5000xi32, #tpu.memory_space<hbm>>
      %dma_start3A_18 = tpu.memref_slice %arg4[%mul3A_2] : memref<160000xi32, #tpu.memory_space<hbm>> -> memref<5000xi32, #tpu.memory_space<hbm>>
      tpu.enqueue_dma source(%dma_start3A_18 : memref<5000xi32, #tpu.memory_space<hbm>>) target(%arg8 : memref<5000xi32, #tpu.memory_space<vmem>>) target_semaphore(%run_scoped3A : memref<!tpu.dma_semaphore, #tpu.memory_space<semaphore_mem>>)
      %dma_wait3A = tpu.memref_slice %arg4[%mul3A_2] : memref<160000xi32, #tpu.memory_space<hbm>> -> memref<5000xi32, #tpu.memory_space<hbm>>
      %dma_wait3A_19 = tpu.memref_slice %arg4[%mul3A_2] : memref<160000xi32, #tpu.memory_space<hbm>> -> memref<5000xi32, #tpu.memory_space<hbm>>
      tpu.wait_dma2 semaphore(%run_scoped3A : memref<!tpu.dma_semaphore, #tpu.memory_space<semaphore_mem>>) src(%dma_wait3A_19 : memref<5000xi32, #tpu.memory_space<hbm>>) dst(%arg8 : memref<5000xi32, #tpu.memory_space<vmem>>)
      tpu.yield
    }) : () -> ()
    %dma_start3A = arith.constant 0 : i32
    %dma_start3A_3 = tpu.memref_slice %arg7[%dma_start3A] : memref<5000xi32, #tpu.memory_space<vmem>> -> memref<200xi32, #tpu.memory_space<vmem>>
    %dma_start3A_4 = arith.constant 0 : i32
    %dma_start3A_5 = arith.constant 0 : i32
    %dma_start3A_6 = tpu.memref_slice %arg2[%dma_start3A_4, %dma_start3A_5] : memref<10000x64xf32, #tpu.memory_space<hbm>> -> memref<10000x64xf32, #tpu.memory_space<hbm>>
    tpu.enqueue_indirect_dma source(%dma_start3A_6 : memref<10000x64xf32, #tpu.memory_space<hbm>>) target(%arg9 : memref<200x64xf32, #tpu.memory_space<vmem>>) offsets(%dma_start3A_3 : memref<200xi32, #tpu.memory_space<vmem>>) semaphore(%arg11 : memref<!tpu.dma_semaphore, #tpu.memory_space<semaphore_mem>>)
    %dma_start3A_7 = arith.constant 0 : i32
    %dma_start3A_8 = tpu.memref_slice %arg8[%dma_start3A_7] : memref<5000xi32, #tpu.memory_space<vmem>> -> memref<200xi32, #tpu.memory_space<vmem>>
    %dma_start3A_9 = arith.constant 0 : i32
    %dma_start3A_10 = arith.constant 0 : i32
    %dma_start3A_11 = tpu.memref_slice %arg2[%dma_start3A_9, %dma_start3A_10] : memref<10000x64xf32, #tpu.memory_space<hbm>> -> memref<10000x64xf32, #tpu.memory_space<hbm>>
    tpu.enqueue_indirect_dma source(%dma_start3A_11 : memref<10000x64xf32, #tpu.memory_space<hbm>>) target(%arg10 : memref<200x64xf32, #tpu.memory_space<vmem>>) offsets(%dma_start3A_8 : memref<200xi32, #tpu.memory_space<vmem>>) semaphore(%arg12 : memref<!tpu.dma_semaphore, #tpu.memory_space<semaphore_mem>>)
    %scan3A = arith.constant 0 : i32
    %scan3A_12 = arith.constant 0 : i32
    %scan3A_13 = arith.constant 25 : i32
    %scan3A_14 = arith.addi %scan3A_12, %scan3A_13 : i32
    %scan3A_15 = arith.constant 1 : i32
    scf.for %scan3A_17 = %scan3A_12 to %scan3A_14 step %scan3A_15  : i32 {
      %mul3A_18 = arith.constant 200 : i32
      %mul3A_19 = arith.muli %scan3A_17, %mul3A_18 : i32
      %dma_wait3A = tpu.memref_slice %arg7[%mul3A_19] : memref<5000xi32, #tpu.memory_space<vmem>> -> memref<200xi32, #tpu.memory_space<vmem>>
      %dma_wait3A_20 = arith.constant 0 : i32
      %dma_wait3A_21 = arith.constant 0 : i32
      %dma_wait3A_22 = tpu.memref_slice %arg2[%dma_wait3A_20, %dma_wait3A_21] : memref<10000x64xf32, #tpu.memory_space<hbm>> -> memref<10000x64xf32, #tpu.memory_space<hbm>>
      tpu.wait_indirect_dma semaphore(%arg11 : memref<!tpu.dma_semaphore, #tpu.memory_space<semaphore_mem>>) src(%dma_wait3A_22 : memref<10000x64xf32, #tpu.memory_space<hbm>>) dst(%arg9 : memref<200x64xf32, #tpu.memory_space<vmem>>)
      %add3A_23 = arith.addi %mul3A_2, %mul3A_19 : i32
      "tpu.region"() ({
        %run_scoped3A = tpu.sem_alloc : memref<!tpu.dma_semaphore, #tpu.memory_space<semaphore_mem>>
        %dma_start3A_40 = arith.constant 0 : i32
        %dma_start3A_41 = tpu.memref_slice %arg5[%add3A_23, %dma_start3A_40] : memref<160000x64xf32, #tpu.memory_space<hbm>> -> memref<200x64xf32, #tpu.memory_space<hbm>>
        %dma_start3A_42 = arith.constant 0 : i32
        %dma_start3A_43 = tpu.memref_slice %arg5[%add3A_23, %dma_start3A_42] : memref<160000x64xf32, #tpu.memory_space<hbm>> -> memref<200x64xf32, #tpu.memory_space<hbm>>
        tpu.enqueue_dma source(%arg9 : memref<200x64xf32, #tpu.memory_space<vmem>>) target(%dma_start3A_43 : memref<200x64xf32, #tpu.memory_space<hbm>>) target_semaphore(%run_scoped3A : memref<!tpu.dma_semaphore, #tpu.memory_space<semaphore_mem>>)
        %dma_wait3A_44 = arith.constant 0 : i32
        %dma_wait3A_45 = tpu.memref_slice %arg5[%add3A_23, %dma_wait3A_44] : memref<160000x64xf32, #tpu.memory_space<hbm>> -> memref<200x64xf32, #tpu.memory_space<hbm>>
        %dma_wait3A_46 = arith.constant 0 : i32
        %dma_wait3A_47 = tpu.memref_slice %arg5[%add3A_23, %dma_wait3A_46] : memref<160000x64xf32, #tpu.memory_space<hbm>> -> memref<200x64xf32, #tpu.memory_space<hbm>>
        tpu.wait_dma2 semaphore(%run_scoped3A : memref<!tpu.dma_semaphore, #tpu.memory_space<semaphore_mem>>) src(%arg9 : memref<200x64xf32, #tpu.memory_space<vmem>>) dst(%dma_wait3A_47 : memref<200x64xf32, #tpu.memory_space<hbm>>)
        tpu.yield
      }) : () -> ()
      %add3A_24 = arith.constant 1 : i32
      %add3A_25 = arith.addi %scan3A_17, %add3A_24 : i32
      %lt3A = arith.constant 25 : i32
      %lt3A_26 = arith.cmpi slt, %add3A_25, %lt3A : i32
      %convert_element_type3A = arith.extui %lt3A_26 : i1 to i32
      %cond3A = arith.constant 0 : i32
      %cond3A_27 = arith.cmpi ne, %convert_element_type3A, %cond3A : i32
      scf.if %cond3A_27 {
        %add3A_40 = arith.constant 200 : i32
        %add3A_41 = arith.addi %mul3A_19, %add3A_40 : i32
        %dma_start3A_42 = tpu.memref_slice %arg7[%add3A_41] : memref<5000xi32, #tpu.memory_space<vmem>> -> memref<200xi32, #tpu.memory_space<vmem>>
        %dma_start3A_43 = arith.constant 0 : i32
        %dma_start3A_44 = arith.constant 0 : i32
        %dma_start3A_45 = tpu.memref_slice %arg2[%dma_start3A_43, %dma_start3A_44] : memref<10000x64xf32, #tpu.memory_space<hbm>> -> memref<10000x64xf32, #tpu.memory_space<hbm>>
        tpu.enqueue_indirect_dma source(%dma_start3A_45 : memref<10000x64xf32, #tpu.memory_space<hbm>>) target(%arg9 : memref<200x64xf32, #tpu.memory_space<vmem>>) offsets(%dma_start3A_42 : memref<200xi32, #tpu.memory_space<vmem>>) semaphore(%arg11 : memref<!tpu.dma_semaphore, #tpu.memory_space<semaphore_mem>>)
      } else {
      }
      %dma_wait3A_28 = tpu.memref_slice %arg8[%mul3A_19] : memref<5000xi32, #tpu.memory_space<vmem>> -> memref<200xi32, #tpu.memory_space<vmem>>
      %dma_wait3A_29 = arith.constant 0 : i32
      %dma_wait3A_30 = arith.constant 0 : i32
      %dma_wait3A_31 = tpu.memref_slice %arg2[%dma_wait3A_29, %dma_wait3A_30] : memref<10000x64xf32, #tpu.memory_space<hbm>> -> memref<10000x64xf32, #tpu.memory_space<hbm>>
      tpu.wait_indirect_dma semaphore(%arg12 : memref<!tpu.dma_semaphore, #tpu.memory_space<semaphore_mem>>) src(%dma_wait3A_31 : memref<10000x64xf32, #tpu.memory_space<hbm>>) dst(%arg10 : memref<200x64xf32, #tpu.memory_space<vmem>>)
      %add3A_32 = arith.addi %mul3A_2, %mul3A_19 : i32
      "tpu.region"() ({
        %run_scoped3A = tpu.sem_alloc : memref<!tpu.dma_semaphore, #tpu.memory_space<semaphore_mem>>
        %dma_start3A_40 = arith.constant 0 : i32
        %dma_start3A_41 = tpu.memref_slice %arg6[%add3A_32, %dma_start3A_40] : memref<160000x64xf32, #tpu.memory_space<hbm>> -> memref<200x64xf32, #tpu.memory_space<hbm>>
        %dma_start3A_42 = arith.constant 0 : i32
        %dma_start3A_43 = tpu.memref_slice %arg6[%add3A_32, %dma_start3A_42] : memref<160000x64xf32, #tpu.memory_space<hbm>> -> memref<200x64xf32, #tpu.memory_space<hbm>>
        tpu.enqueue_dma source(%arg10 : memref<200x64xf32, #tpu.memory_space<vmem>>) target(%dma_start3A_43 : memref<200x64xf32, #tpu.memory_space<hbm>>) target_semaphore(%run_scoped3A : memref<!tpu.dma_semaphore, #tpu.memory_space<semaphore_mem>>)
        %dma_wait3A_44 = arith.constant 0 : i32
        %dma_wait3A_45 = tpu.memref_slice %arg6[%add3A_32, %dma_wait3A_44] : memref<160000x64xf32, #tpu.memory_space<hbm>> -> memref<200x64xf32, #tpu.memory_space<hbm>>
        %dma_wait3A_46 = arith.constant 0 : i32
        %dma_wait3A_47 = tpu.memref_slice %arg6[%add3A_32, %dma_wait3A_46] : memref<160000x64xf32, #tpu.memory_space<hbm>> -> memref<200x64xf32, #tpu.memory_space<hbm>>
        tpu.wait_dma2 semaphore(%run_scoped3A : memref<!tpu.dma_semaphore, #tpu.memory_space<semaphore_mem>>) src(%arg10 : memref<200x64xf32, #tpu.memory_space<vmem>>) dst(%dma_wait3A_47 : memref<200x64xf32, #tpu.memory_space<hbm>>)
        tpu.yield
      }) : () -> ()
      %add3A_33 = arith.constant 1 : i32
      %add3A_34 = arith.addi %scan3A_17, %add3A_33 : i32
      %lt3A_35 = arith.constant 25 : i32
      %lt3A_36 = arith.cmpi slt, %add3A_34, %lt3A_35 : i32
      %convert_element_type3A_37 = arith.extui %lt3A_36 : i1 to i32
      %cond3A_38 = arith.constant 0 : i32
      %cond3A_39 = arith.cmpi ne, %convert_element_type3A_37, %cond3A_38 : i32
      scf.if %cond3A_39 {
        %add3A_40 = arith.constant 200 : i32
        %add3A_41 = arith.addi %mul3A_19, %add3A_40 : i32
        %dma_start3A_42 = tpu.memref_slice %arg8[%add3A_41] : memref<5000xi32, #tpu.memory_space<vmem>> -> memref<200xi32, #tpu.memory_space<vmem>>
        %dma_start3A_43 = arith.constant 0 : i32
        %dma_start3A_44 = arith.constant 0 : i32
        %dma_start3A_45 = tpu.memref_slice %arg2[%dma_start3A_43, %dma_start3A_44] : memref<10000x64xf32, #tpu.memory_space<hbm>> -> memref<10000x64xf32, #tpu.memory_space<hbm>>
        tpu.enqueue_indirect_dma source(%dma_start3A_45 : memref<10000x64xf32, #tpu.memory_space<hbm>>) target(%arg10 : memref<200x64xf32, #tpu.memory_space<vmem>>) offsets(%dma_start3A_42 : memref<200xi32, #tpu.memory_space<vmem>>) semaphore(%arg12 : memref<!tpu.dma_semaphore, #tpu.memory_space<semaphore_mem>>)
      } else {
      }
    }
    %scan3A_16 = arith.constant 25 : i32
    return
  }
}

#map = affine_map<(d0, d1) -> (0, 0)>
#map1 = affine_map<(d0, d1) -> (0, 0, 0)>
module attributes {stable_mosaic.version = 14 : i64} {
  func.func @body(%arg0: i32, %arg1: i32, %arg2: memref<160000x64xf32, #tpu.memory_space<hbm>>, %arg3: memref<32x50x100xi32, #tpu.memory_space<hbm>>, %arg4: memref<625x64xf32, #tpu.memory_space<hbm>>, %arg5: memref<2x10000x64xf32, #tpu.memory_space<hbm>>, %arg6: memref<50x100xi32, #tpu.memory_space<vmem>>, %arg7: memref<100x64xf32, #tpu.memory_space<vmem>>, %arg8: memref<100x64xf32, #tpu.memory_space<vmem>>, %arg9: memref<10000x64xf32, #tpu.memory_space<vmem_shared>>, %arg10: memref<!tpu.dma_semaphore, #tpu.memory_space<semaphore_mem>>, %arg11: memref<!tpu.dma_semaphore, #tpu.memory_space<semaphore_mem>>) attributes {dimension_semantics = [#tpu.dimension_semantics<core_parallel>, #tpu.dimension_semantics<subcore_parallel>], iteration_bounds = array<i64: 2, 16>, scalar_prefetch = 0 : i64, scratch_operands = 6 : i64, tpu.core_type = #tpu.core_type<sc_vector_subcore>, window_params = [{transform_indices = #map}, {transform_indices = #map1}, {transform_indices = #map}, {transform_indices = #map1}]} {
    %mul3A = arith.constant 2 : i32
    %mul3A_0 = arith.muli %arg1, %mul3A : i32
    %add3A = arith.addi %mul3A_0, %arg0 : i32
    %mul3A_1 = arith.constant 625 : i32
    %mul3A_2 = arith.muli %arg1, %mul3A_1 : i32
    "tpu.region"() ({
      %run_scoped3A = tpu.sem_alloc : memref<!tpu.dma_semaphore, #tpu.memory_space<semaphore_mem>>
      %dma_start3A_18 = arith.constant 0 : i32
      %dma_start3A_19 = tpu.memref_slice %arg9[%mul3A_2, %dma_start3A_18] : memref<10000x64xf32, #tpu.memory_space<vmem_shared>> -> memref<625x64xf32, #tpu.memory_space<vmem_shared>>
      tpu.enqueue_dma source(%arg4 : memref<625x64xf32, #tpu.memory_space<hbm>>) target(%dma_start3A_19 : memref<625x64xf32, #tpu.memory_space<vmem_shared>>) target_semaphore(%run_scoped3A : memref<!tpu.dma_semaphore, #tpu.memory_space<semaphore_mem>>)
      %dma_wait3A = arith.constant 0 : i32
      %dma_wait3A_20 = tpu.memref_slice %arg9[%mul3A_2, %dma_wait3A] : memref<10000x64xf32, #tpu.memory_space<vmem_shared>> -> memref<625x64xf32, #tpu.memory_space<vmem_shared>>
      tpu.wait_dma2 semaphore(%run_scoped3A : memref<!tpu.dma_semaphore, #tpu.memory_space<semaphore_mem>>) src(%arg4 : memref<625x64xf32, #tpu.memory_space<hbm>>) dst(%dma_wait3A_20 : memref<625x64xf32, #tpu.memory_space<vmem_shared>>)
      tpu.yield
    }) : () -> ()
    "tpu.region"() ({
      %run_scoped3A = tpu.sem_alloc : memref<!tpu.dma_semaphore, #tpu.memory_space<semaphore_mem>>
      %dma_start3A_18 = arith.constant 0 : i32
      %dma_start3A_19 = arith.constant 0 : i32
      %dma_start3A_20 = tpu.memref_slice %arg3[%add3A, %dma_start3A_18, %dma_start3A_19] : memref<32x50x100xi32, #tpu.memory_space<hbm>> -> memref<1x50x100xi32, #tpu.memory_space<hbm>>
      %dma_start3A_21 = tpu.memref_squeeze %dma_start3A_20 : memref<1x50x100xi32, #tpu.memory_space<hbm>> -> memref<50x100xi32, #tpu.memory_space<hbm>>
      %dma_start3A_22 = arith.constant 0 : i32
      %dma_start3A_23 = arith.constant 0 : i32
      %dma_start3A_24 = tpu.memref_slice %arg3[%add3A, %dma_start3A_22, %dma_start3A_23] : memref<32x50x100xi32, #tpu.memory_space<hbm>> -> memref<1x50x100xi32, #tpu.memory_space<hbm>>
      %dma_start3A_25 = tpu.memref_squeeze %dma_start3A_24 : memref<1x50x100xi32, #tpu.memory_space<hbm>> -> memref<50x100xi32, #tpu.memory_space<hbm>>
      tpu.enqueue_dma source(%dma_start3A_25 : memref<50x100xi32, #tpu.memory_space<hbm>>) target(%arg6 : memref<50x100xi32, #tpu.memory_space<vmem>>) target_semaphore(%run_scoped3A : memref<!tpu.dma_semaphore, #tpu.memory_space<semaphore_mem>>)
      %dma_wait3A = arith.constant 0 : i32
      %dma_wait3A_26 = arith.constant 0 : i32
      %dma_wait3A_27 = tpu.memref_slice %arg3[%add3A, %dma_wait3A, %dma_wait3A_26] : memref<32x50x100xi32, #tpu.memory_space<hbm>> -> memref<1x50x100xi32, #tpu.memory_space<hbm>>
      %dma_wait3A_28 = tpu.memref_squeeze %dma_wait3A_27 : memref<1x50x100xi32, #tpu.memory_space<hbm>> -> memref<50x100xi32, #tpu.memory_space<hbm>>
      %dma_wait3A_29 = arith.constant 0 : i32
      %dma_wait3A_30 = arith.constant 0 : i32
      %dma_wait3A_31 = tpu.memref_slice %arg3[%add3A, %dma_wait3A_29, %dma_wait3A_30] : memref<32x50x100xi32, #tpu.memory_space<hbm>> -> memref<1x50x100xi32, #tpu.memory_space<hbm>>
      %dma_wait3A_32 = tpu.memref_squeeze %dma_wait3A_31 : memref<1x50x100xi32, #tpu.memory_space<hbm>> -> memref<50x100xi32, #tpu.memory_space<hbm>>
      tpu.wait_dma2 semaphore(%run_scoped3A : memref<!tpu.dma_semaphore, #tpu.memory_space<semaphore_mem>>) src(%dma_wait3A_32 : memref<50x100xi32, #tpu.memory_space<hbm>>) dst(%arg6 : memref<50x100xi32, #tpu.memory_space<vmem>>)
      tpu.yield
    }) : () -> ()
    %barrier3A = arith.constant 0 : index
    tpu.barrier barrier_id(%barrier3A)
    %mul3A_3 = arith.constant 5000 : i32
    %mul3A_4 = arith.muli %add3A, %mul3A_3 : i32
    %dma_start3A = arith.constant 0 : i32
    %dma_start3A_5 = tpu.memref_slice %arg2[%mul3A_4, %dma_start3A] : memref<160000x64xf32, #tpu.memory_space<hbm>> -> memref<100x64xf32, #tpu.memory_space<hbm>>
    %dma_start3A_6 = arith.constant 0 : i32
    %dma_start3A_7 = tpu.memref_slice %arg2[%mul3A_4, %dma_start3A_6] : memref<160000x64xf32, #tpu.memory_space<hbm>> -> memref<100x64xf32, #tpu.memory_space<hbm>>
    tpu.enqueue_dma source(%dma_start3A_7 : memref<100x64xf32, #tpu.memory_space<hbm>>) target(%arg7 : memref<100x64xf32, #tpu.memory_space<vmem>>) target_semaphore(%arg10 : memref<!tpu.dma_semaphore, #tpu.memory_space<semaphore_mem>>)
    %scan3A = arith.constant 0 : i32
    %scan3A_8 = arith.constant 0 : i32
    %scan3A_9 = arith.constant 25 : i32
    %scan3A_10 = arith.addi %scan3A_8, %scan3A_9 : i32
    %scan3A_11 = arith.constant 1 : i32
    scf.for %scan3A_18 = %scan3A_8 to %scan3A_10 step %scan3A_11  : i32 {
      %mul3A_19 = arith.constant 2 : i32
      %mul3A_20 = arith.muli %mul3A_19, %scan3A_18 : i32
      %add3A_21 = arith.constant 1 : i32
      %add3A_22 = arith.addi %mul3A_20, %add3A_21 : i32
      %mul3A_23 = arith.constant 100 : i32
      %mul3A_24 = arith.muli %add3A_22, %mul3A_23 : i32
      %add3A_25 = arith.addi %mul3A_4, %mul3A_24 : i32
      %dma_start3A_26 = arith.constant 0 : i32
      %dma_start3A_27 = tpu.memref_slice %arg2[%add3A_25, %dma_start3A_26] : memref<160000x64xf32, #tpu.memory_space<hbm>> -> memref<100x64xf32, #tpu.memory_space<hbm>>
      %dma_start3A_28 = arith.constant 0 : i32
      %dma_start3A_29 = tpu.memref_slice %arg2[%add3A_25, %dma_start3A_28] : memref<160000x64xf32, #tpu.memory_space<hbm>> -> memref<100x64xf32, #tpu.memory_space<hbm>>
      tpu.enqueue_dma source(%dma_start3A_29 : memref<100x64xf32, #tpu.memory_space<hbm>>) target(%arg8 : memref<100x64xf32, #tpu.memory_space<vmem>>) target_semaphore(%arg11 : memref<!tpu.dma_semaphore, #tpu.memory_space<semaphore_mem>>)
      %mul3A_30 = arith.constant 100 : i32
      %mul3A_31 = arith.muli %mul3A_20, %mul3A_30 : i32
      %add3A_32 = arith.addi %mul3A_4, %mul3A_31 : i32
      %dma_wait3A = arith.constant 0 : i32
      %dma_wait3A_33 = tpu.memref_slice %arg2[%add3A_32, %dma_wait3A] : memref<160000x64xf32, #tpu.memory_space<hbm>> -> memref<100x64xf32, #tpu.memory_space<hbm>>
      %dma_wait3A_34 = arith.constant 0 : i32
      %dma_wait3A_35 = tpu.memref_slice %arg2[%add3A_32, %dma_wait3A_34] : memref<160000x64xf32, #tpu.memory_space<hbm>> -> memref<100x64xf32, #tpu.memory_space<hbm>>
      tpu.wait_dma2 semaphore(%arg10 : memref<!tpu.dma_semaphore, #tpu.memory_space<semaphore_mem>>) src(%dma_wait3A_35 : memref<100x64xf32, #tpu.memory_space<hbm>>) dst(%arg7 : memref<100x64xf32, #tpu.memory_space<vmem>>)
      "tpu.region"() ({
        %run_scoped3A = tpu.sem_alloc : memref<!tpu.dma_semaphore, #tpu.memory_space<semaphore_mem>>
        %dma_start3A_51 = arith.constant 0 : i32
        %dma_start3A_52 = tpu.memref_slice %arg6[%mul3A_20, %dma_start3A_51] : memref<50x100xi32, #tpu.memory_space<vmem>> -> memref<1x100xi32, #tpu.memory_space<vmem>>
        %dma_start3A_53 = tpu.memref_squeeze %dma_start3A_52 : memref<1x100xi32, #tpu.memory_space<vmem>> -> memref<100xi32, #tpu.memory_space<vmem>>
        %dma_start3A_54 = arith.constant 0 : i32
        %dma_start3A_55 = arith.constant 0 : i32
        %dma_start3A_56 = tpu.memref_slice %arg9[%dma_start3A_54, %dma_start3A_55] : memref<10000x64xf32, #tpu.memory_space<vmem_shared>> -> memref<10000x64xf32, #tpu.memory_space<vmem_shared>>
        tpu.enqueue_indirect_dma source(%arg7 : memref<100x64xf32, #tpu.memory_space<vmem>>) target(%dma_start3A_56 : memref<10000x64xf32, #tpu.memory_space<vmem_shared>>) offsets(%dma_start3A_53 : memref<100xi32, #tpu.memory_space<vmem>>) semaphore(%run_scoped3A : memref<!tpu.dma_semaphore, #tpu.memory_space<semaphore_mem>>) {add = true}
        %dma_wait3A_57 = arith.constant 0 : i32
        %dma_wait3A_58 = tpu.memref_slice %arg6[%mul3A_20, %dma_wait3A_57] : memref<50x100xi32, #tpu.memory_space<vmem>> -> memref<1x100xi32, #tpu.memory_space<vmem>>
        %dma_wait3A_59 = tpu.memref_squeeze %dma_wait3A_58 : memref<1x100xi32, #tpu.memory_space<vmem>> -> memref<100xi32, #tpu.memory_space<vmem>>
        %dma_wait3A_60 = arith.constant 0 : i32
        %dma_wait3A_61 = arith.constant 0 : i32
        %dma_wait3A_62 = tpu.memref_slice %arg9[%dma_wait3A_60, %dma_wait3A_61] : memref<10000x64xf32, #tpu.memory_space<vmem_shared>> -> memref<10000x64xf32, #tpu.memory_space<vmem_shared>>
        tpu.wait_indirect_dma semaphore(%run_scoped3A : memref<!tpu.dma_semaphore, #tpu.memory_space<semaphore_mem>>) src(%arg7 : memref<100x64xf32, #tpu.memory_space<vmem>>) dst(%dma_wait3A_62 : memref<10000x64xf32, #tpu.memory_space<vmem_shared>>)
        tpu.yield
      }) : () -> ()
      %add3A_36 = arith.constant 2 : i32
      %add3A_37 = arith.addi %mul3A_20, %add3A_36 : i32
      %lt3A = arith.constant 50 : i32
      %lt3A_38 = arith.cmpi slt, %add3A_37, %lt3A : i32
      %convert_element_type3A = arith.extui %lt3A_38 : i1 to i32
      %cond3A = arith.constant 0 : i32
      %cond3A_39 = arith.cmpi ne, %convert_element_type3A, %cond3A : i32
      scf.if %cond3A_39 {
        %add3A_51 = arith.constant 2 : i32
        %add3A_52 = arith.addi %mul3A_20, %add3A_51 : i32
        %mul3A_53 = arith.constant 100 : i32
        %mul3A_54 = arith.muli %add3A_52, %mul3A_53 : i32
        %add3A_55 = arith.addi %mul3A_4, %mul3A_54 : i32
        %dma_start3A_56 = arith.constant 0 : i32
        %dma_start3A_57 = tpu.memref_slice %arg2[%add3A_55, %dma_start3A_56] : memref<160000x64xf32, #tpu.memory_space<hbm>> -> memref<100x64xf32, #tpu.memory_space<hbm>>
        %dma_start3A_58 = arith.constant 0 : i32
        %dma_start3A_59 = tpu.memref_slice %arg2[%add3A_55, %dma_start3A_58] : memref<160000x64xf32, #tpu.memory_space<hbm>> -> memref<100x64xf32, #tpu.memory_space<hbm>>
        tpu.enqueue_dma source(%dma_start3A_59 : memref<100x64xf32, #tpu.memory_space<hbm>>) target(%arg7 : memref<100x64xf32, #tpu.memory_space<vmem>>) target_semaphore(%arg10 : memref<!tpu.dma_semaphore, #tpu.memory_space<semaphore_mem>>)
      } else {
      }
      %add3A_40 = arith.constant 1 : i32
      %add3A_41 = arith.addi %mul3A_20, %add3A_40 : i32
      %mul3A_42 = arith.constant 100 : i32
      %mul3A_43 = arith.muli %add3A_41, %mul3A_42 : i32
      %add3A_44 = arith.addi %mul3A_4, %mul3A_43 : i32
      %dma_wait3A_45 = arith.constant 0 : i32
      %dma_wait3A_46 = tpu.memref_slice %arg2[%add3A_44, %dma_wait3A_45] : memref<160000x64xf32, #tpu.memory_space<hbm>> -> memref<100x64xf32, #tpu.memory_space<hbm>>
      %dma_wait3A_47 = arith.constant 0 : i32
      %dma_wait3A_48 = tpu.memref_slice %arg2[%add3A_44, %dma_wait3A_47] : memref<160000x64xf32, #tpu.memory_space<hbm>> -> memref<100x64xf32, #tpu.memory_space<hbm>>
      tpu.wait_dma2 semaphore(%arg11 : memref<!tpu.dma_semaphore, #tpu.memory_space<semaphore_mem>>) src(%dma_wait3A_48 : memref<100x64xf32, #tpu.memory_space<hbm>>) dst(%arg8 : memref<100x64xf32, #tpu.memory_space<vmem>>)
      %add3A_49 = arith.constant 1 : i32
      %add3A_50 = arith.addi %mul3A_20, %add3A_49 : i32
      "tpu.region"() ({
        %run_scoped3A = tpu.sem_alloc : memref<!tpu.dma_semaphore, #tpu.memory_space<semaphore_mem>>
        %dma_start3A_51 = arith.constant 0 : i32
        %dma_start3A_52 = tpu.memref_slice %arg6[%add3A_50, %dma_start3A_51] : memref<50x100xi32, #tpu.memory_space<vmem>> -> memref<1x100xi32, #tpu.memory_space<vmem>>
        %dma_start3A_53 = tpu.memref_squeeze %dma_start3A_52 : memref<1x100xi32, #tpu.memory_space<vmem>> -> memref<100xi32, #tpu.memory_space<vmem>>
        %dma_start3A_54 = arith.constant 0 : i32
        %dma_start3A_55 = arith.constant 0 : i32
        %dma_start3A_56 = tpu.memref_slice %arg9[%dma_start3A_54, %dma_start3A_55] : memref<10000x64xf32, #tpu.memory_space<vmem_shared>> -> memref<10000x64xf32, #tpu.memory_space<vmem_shared>>
        tpu.enqueue_indirect_dma source(%arg8 : memref<100x64xf32, #tpu.memory_space<vmem>>) target(%dma_start3A_56 : memref<10000x64xf32, #tpu.memory_space<vmem_shared>>) offsets(%dma_start3A_53 : memref<100xi32, #tpu.memory_space<vmem>>) semaphore(%run_scoped3A : memref<!tpu.dma_semaphore, #tpu.memory_space<semaphore_mem>>) {add = true}
        %dma_wait3A_57 = arith.constant 0 : i32
        %dma_wait3A_58 = tpu.memref_slice %arg6[%add3A_50, %dma_wait3A_57] : memref<50x100xi32, #tpu.memory_space<vmem>> -> memref<1x100xi32, #tpu.memory_space<vmem>>
        %dma_wait3A_59 = tpu.memref_squeeze %dma_wait3A_58 : memref<1x100xi32, #tpu.memory_space<vmem>> -> memref<100xi32, #tpu.memory_space<vmem>>
        %dma_wait3A_60 = arith.constant 0 : i32
        %dma_wait3A_61 = arith.constant 0 : i32
        %dma_wait3A_62 = tpu.memref_slice %arg9[%dma_wait3A_60, %dma_wait3A_61] : memref<10000x64xf32, #tpu.memory_space<vmem_shared>> -> memref<10000x64xf32, #tpu.memory_space<vmem_shared>>
        tpu.wait_indirect_dma semaphore(%run_scoped3A : memref<!tpu.dma_semaphore, #tpu.memory_space<semaphore_mem>>) src(%arg8 : memref<100x64xf32, #tpu.memory_space<vmem>>) dst(%dma_wait3A_62 : memref<10000x64xf32, #tpu.memory_space<vmem_shared>>)
        tpu.yield
      }) : () -> ()
    }
    %scan3A_12 = arith.constant 25 : i32
    %barrier3A_13 = arith.constant 0 : index
    tpu.barrier barrier_id(%barrier3A_13)
    %mul3A_14 = arith.constant 625 : i32
    %mul3A_15 = arith.muli %arg1, %mul3A_14 : i32
    %mul3A_16 = arith.constant 625 : i32
    %mul3A_17 = arith.muli %arg1, %mul3A_16 : i32
    "tpu.region"() ({
      %run_scoped3A = tpu.sem_alloc : memref<!tpu.dma_semaphore, #tpu.memory_space<semaphore_mem>>
      %dma_start3A_18 = arith.constant 0 : i32
      %dma_start3A_19 = tpu.memref_slice %arg5[%arg0, %mul3A_17, %dma_start3A_18] : memref<2x10000x64xf32, #tpu.memory_space<hbm>> -> memref<1x625x64xf32, #tpu.memory_space<hbm>>
      %dma_start3A_20 = tpu.memref_squeeze %dma_start3A_19 : memref<1x625x64xf32, #tpu.memory_space<hbm>> -> memref<625x64xf32, #tpu.memory_space<hbm>>
      %dma_start3A_21 = arith.constant 0 : i32
      %dma_start3A_22 = tpu.memref_slice %arg9[%mul3A_15, %dma_start3A_21] : memref<10000x64xf32, #tpu.memory_space<vmem_shared>> -> memref<625x64xf32, #tpu.memory_space<vmem_shared>>
      tpu.enqueue_dma source(%dma_start3A_22 : memref<625x64xf32, #tpu.memory_space<vmem_shared>>) target(%dma_start3A_20 : memref<625x64xf32, #tpu.memory_space<hbm>>) target_semaphore(%run_scoped3A : memref<!tpu.dma_semaphore, #tpu.memory_space<semaphore_mem>>)
      %dma_wait3A = arith.constant 0 : i32
      %dma_wait3A_23 = tpu.memref_slice %arg5[%arg0, %mul3A_17, %dma_wait3A] : memref<2x10000x64xf32, #tpu.memory_space<hbm>> -> memref<1x625x64xf32, #tpu.memory_space<hbm>>
      %dma_wait3A_24 = tpu.memref_squeeze %dma_wait3A_23 : memref<1x625x64xf32, #tpu.memory_space<hbm>> -> memref<625x64xf32, #tpu.memory_space<hbm>>
      %dma_wait3A_25 = arith.constant 0 : i32
      %dma_wait3A_26 = tpu.memref_slice %arg9[%mul3A_15, %dma_wait3A_25] : memref<10000x64xf32, #tpu.memory_space<vmem_shared>> -> memref<625x64xf32, #tpu.memory_space<vmem_shared>>
      tpu.wait_dma2 semaphore(%run_scoped3A : memref<!tpu.dma_semaphore, #tpu.memory_space<semaphore_mem>>) src(%dma_wait3A_26 : memref<625x64xf32, #tpu.memory_space<vmem_shared>>) dst(%dma_wait3A_24 : memref<625x64xf32, #tpu.memory_space<hbm>>)
      tpu.yield
    }) : () -> ()
    return
  }
}

#map = affine_map<(d0, d1) -> (0, 0)>
#map1 = affine_map<(d0, d1) -> (0, 0, 0)>
module attributes {stable_mosaic.version = 14 : i64} {
  func.func @body(%arg0: i32, %arg1: i32, %arg2: memref<160000x64xf32, #tpu.memory_space<hbm>>, %arg3: memref<32x50x100xi32, #tpu.memory_space<hbm>>, %arg4: memref<625x64xf32, #tpu.memory_space<hbm>>, %arg5: memref<2x10000x64xf32, #tpu.memory_space<hbm>>, %arg6: memref<50x100xi32, #tpu.memory_space<vmem>>, %arg7: memref<100x64xf32, #tpu.memory_space<vmem>>, %arg8: memref<100x64xf32, #tpu.memory_space<vmem>>, %arg9: memref<10000x64xf32, #tpu.memory_space<vmem_shared>>, %arg10: memref<!tpu.dma_semaphore, #tpu.memory_space<semaphore_mem>>, %arg11: memref<!tpu.dma_semaphore, #tpu.memory_space<semaphore_mem>>) attributes {dimension_semantics = [#tpu.dimension_semantics<core_parallel>, #tpu.dimension_semantics<subcore_parallel>], iteration_bounds = array<i64: 2, 16>, scalar_prefetch = 0 : i64, scratch_operands = 6 : i64, tpu.core_type = #tpu.core_type<sc_vector_subcore>, window_params = [{transform_indices = #map}, {transform_indices = #map1}, {transform_indices = #map}, {transform_indices = #map1}]} {
    %mul3A = arith.constant 2 : i32
    %mul3A_0 = arith.muli %arg1, %mul3A : i32
    %add3A = arith.addi %mul3A_0, %arg0 : i32
    %mul3A_1 = arith.constant 625 : i32
    %mul3A_2 = arith.muli %arg1, %mul3A_1 : i32
    "tpu.region"() ({
      %run_scoped3A = tpu.sem_alloc : memref<!tpu.dma_semaphore, #tpu.memory_space<semaphore_mem>>
      %dma_start3A_18 = arith.constant 0 : i32
      %dma_start3A_19 = tpu.memref_slice %arg9[%mul3A_2, %dma_start3A_18] : memref<10000x64xf32, #tpu.memory_space<vmem_shared>> -> memref<625x64xf32, #tpu.memory_space<vmem_shared>>
      tpu.enqueue_dma source(%arg4 : memref<625x64xf32, #tpu.memory_space<hbm>>) target(%dma_start3A_19 : memref<625x64xf32, #tpu.memory_space<vmem_shared>>) target_semaphore(%run_scoped3A : memref<!tpu.dma_semaphore, #tpu.memory_space<semaphore_mem>>)
      %dma_wait3A = arith.constant 0 : i32
      %dma_wait3A_20 = tpu.memref_slice %arg9[%mul3A_2, %dma_wait3A] : memref<10000x64xf32, #tpu.memory_space<vmem_shared>> -> memref<625x64xf32, #tpu.memory_space<vmem_shared>>
      tpu.wait_dma2 semaphore(%run_scoped3A : memref<!tpu.dma_semaphore, #tpu.memory_space<semaphore_mem>>) src(%arg4 : memref<625x64xf32, #tpu.memory_space<hbm>>) dst(%dma_wait3A_20 : memref<625x64xf32, #tpu.memory_space<vmem_shared>>)
      tpu.yield
    }) : () -> ()
    "tpu.region"() ({
      %run_scoped3A = tpu.sem_alloc : memref<!tpu.dma_semaphore, #tpu.memory_space<semaphore_mem>>
      %dma_start3A_18 = arith.constant 0 : i32
      %dma_start3A_19 = arith.constant 0 : i32
      %dma_start3A_20 = tpu.memref_slice %arg3[%add3A, %dma_start3A_18, %dma_start3A_19] : memref<32x50x100xi32, #tpu.memory_space<hbm>> -> memref<1x50x100xi32, #tpu.memory_space<hbm>>
      %dma_start3A_21 = tpu.memref_squeeze %dma_start3A_20 : memref<1x50x100xi32, #tpu.memory_space<hbm>> -> memref<50x100xi32, #tpu.memory_space<hbm>>
      %dma_start3A_22 = arith.constant 0 : i32
      %dma_start3A_23 = arith.constant 0 : i32
      %dma_start3A_24 = tpu.memref_slice %arg3[%add3A, %dma_start3A_22, %dma_start3A_23] : memref<32x50x100xi32, #tpu.memory_space<hbm>> -> memref<1x50x100xi32, #tpu.memory_space<hbm>>
      %dma_start3A_25 = tpu.memref_squeeze %dma_start3A_24 : memref<1x50x100xi32, #tpu.memory_space<hbm>> -> memref<50x100xi32, #tpu.memory_space<hbm>>
      tpu.enqueue_dma source(%dma_start3A_25 : memref<50x100xi32, #tpu.memory_space<hbm>>) target(%arg6 : memref<50x100xi32, #tpu.memory_space<vmem>>) target_semaphore(%run_scoped3A : memref<!tpu.dma_semaphore, #tpu.memory_space<semaphore_mem>>)
      %dma_wait3A = arith.constant 0 : i32
      %dma_wait3A_26 = arith.constant 0 : i32
      %dma_wait3A_27 = tpu.memref_slice %arg3[%add3A, %dma_wait3A, %dma_wait3A_26] : memref<32x50x100xi32, #tpu.memory_space<hbm>> -> memref<1x50x100xi32, #tpu.memory_space<hbm>>
      %dma_wait3A_28 = tpu.memref_squeeze %dma_wait3A_27 : memref<1x50x100xi32, #tpu.memory_space<hbm>> -> memref<50x100xi32, #tpu.memory_space<hbm>>
      %dma_wait3A_29 = arith.constant 0 : i32
      %dma_wait3A_30 = arith.constant 0 : i32
      %dma_wait3A_31 = tpu.memref_slice %arg3[%add3A, %dma_wait3A_29, %dma_wait3A_30] : memref<32x50x100xi32, #tpu.memory_space<hbm>> -> memref<1x50x100xi32, #tpu.memory_space<hbm>>
      %dma_wait3A_32 = tpu.memref_squeeze %dma_wait3A_31 : memref<1x50x100xi32, #tpu.memory_space<hbm>> -> memref<50x100xi32, #tpu.memory_space<hbm>>
      tpu.wait_dma2 semaphore(%run_scoped3A : memref<!tpu.dma_semaphore, #tpu.memory_space<semaphore_mem>>) src(%dma_wait3A_32 : memref<50x100xi32, #tpu.memory_space<hbm>>) dst(%arg6 : memref<50x100xi32, #tpu.memory_space<vmem>>)
      tpu.yield
    }) : () -> ()
    %barrier3A = arith.constant 0 : index
    tpu.barrier barrier_id(%barrier3A)
    %mul3A_3 = arith.constant 5000 : i32
    %mul3A_4 = arith.muli %add3A, %mul3A_3 : i32
    %dma_start3A = arith.constant 0 : i32
    %dma_start3A_5 = tpu.memref_slice %arg2[%mul3A_4, %dma_start3A] : memref<160000x64xf32, #tpu.memory_space<hbm>> -> memref<100x64xf32, #tpu.memory_space<hbm>>
    %dma_start3A_6 = arith.constant 0 : i32
    %dma_start3A_7 = tpu.memref_slice %arg2[%mul3A_4, %dma_start3A_6] : memref<160000x64xf32, #tpu.memory_space<hbm>> -> memref<100x64xf32, #tpu.memory_space<hbm>>
    tpu.enqueue_dma source(%dma_start3A_7 : memref<100x64xf32, #tpu.memory_space<hbm>>) target(%arg7 : memref<100x64xf32, #tpu.memory_space<vmem>>) target_semaphore(%arg10 : memref<!tpu.dma_semaphore, #tpu.memory_space<semaphore_mem>>)
    %scan3A = arith.constant 0 : i32
    %scan3A_8 = arith.constant 0 : i32
    %scan3A_9 = arith.constant 25 : i32
    %scan3A_10 = arith.addi %scan3A_8, %scan3A_9 : i32
    %scan3A_11 = arith.constant 1 : i32
    scf.for %scan3A_18 = %scan3A_8 to %scan3A_10 step %scan3A_11  : i32 {
      %mul3A_19 = arith.constant 2 : i32
      %mul3A_20 = arith.muli %mul3A_19, %scan3A_18 : i32
      %add3A_21 = arith.constant 1 : i32
      %add3A_22 = arith.addi %mul3A_20, %add3A_21 : i32
      %mul3A_23 = arith.constant 100 : i32
      %mul3A_24 = arith.muli %add3A_22, %mul3A_23 : i32
      %add3A_25 = arith.addi %mul3A_4, %mul3A_24 : i32
      %dma_start3A_26 = arith.constant 0 : i32
      %dma_start3A_27 = tpu.memref_slice %arg2[%add3A_25, %dma_start3A_26] : memref<160000x64xf32, #tpu.memory_space<hbm>> -> memref<100x64xf32, #tpu.memory_space<hbm>>
      %dma_start3A_28 = arith.constant 0 : i32
      %dma_start3A_29 = tpu.memref_slice %arg2[%add3A_25, %dma_start3A_28] : memref<160000x64xf32, #tpu.memory_space<hbm>> -> memref<100x64xf32, #tpu.memory_space<hbm>>
      tpu.enqueue_dma source(%dma_start3A_29 : memref<100x64xf32, #tpu.memory_space<hbm>>) target(%arg8 : memref<100x64xf32, #tpu.memory_space<vmem>>) target_semaphore(%arg11 : memref<!tpu.dma_semaphore, #tpu.memory_space<semaphore_mem>>)
      %mul3A_30 = arith.constant 100 : i32
      %mul3A_31 = arith.muli %mul3A_20, %mul3A_30 : i32
      %add3A_32 = arith.addi %mul3A_4, %mul3A_31 : i32
      %dma_wait3A = arith.constant 0 : i32
      %dma_wait3A_33 = tpu.memref_slice %arg2[%add3A_32, %dma_wait3A] : memref<160000x64xf32, #tpu.memory_space<hbm>> -> memref<100x64xf32, #tpu.memory_space<hbm>>
      %dma_wait3A_34 = arith.constant 0 : i32
      %dma_wait3A_35 = tpu.memref_slice %arg2[%add3A_32, %dma_wait3A_34] : memref<160000x64xf32, #tpu.memory_space<hbm>> -> memref<100x64xf32, #tpu.memory_space<hbm>>
      tpu.wait_dma2 semaphore(%arg10 : memref<!tpu.dma_semaphore, #tpu.memory_space<semaphore_mem>>) src(%dma_wait3A_35 : memref<100x64xf32, #tpu.memory_space<hbm>>) dst(%arg7 : memref<100x64xf32, #tpu.memory_space<vmem>>)
      "tpu.region"() ({
        %run_scoped3A = tpu.sem_alloc : memref<!tpu.dma_semaphore, #tpu.memory_space<semaphore_mem>>
        %dma_start3A_51 = arith.constant 0 : i32
        %dma_start3A_52 = tpu.memref_slice %arg6[%mul3A_20, %dma_start3A_51] : memref<50x100xi32, #tpu.memory_space<vmem>> -> memref<1x100xi32, #tpu.memory_space<vmem>>
        %dma_start3A_53 = tpu.memref_squeeze %dma_start3A_52 : memref<1x100xi32, #tpu.memory_space<vmem>> -> memref<100xi32, #tpu.memory_space<vmem>>
        %dma_start3A_54 = arith.constant 0 : i32
        %dma_start3A_55 = arith.constant 0 : i32
        %dma_start3A_56 = tpu.memref_slice %arg9[%dma_start3A_54, %dma_start3A_55] : memref<10000x64xf32, #tpu.memory_space<vmem_shared>> -> memref<10000x64xf32, #tpu.memory_space<vmem_shared>>
        tpu.enqueue_indirect_dma source(%arg7 : memref<100x64xf32, #tpu.memory_space<vmem>>) target(%dma_start3A_56 : memref<10000x64xf32, #tpu.memory_space<vmem_shared>>) offsets(%dma_start3A_53 : memref<100xi32, #tpu.memory_space<vmem>>) semaphore(%run_scoped3A : memref<!tpu.dma_semaphore, #tpu.memory_space<semaphore_mem>>) {add = true}
        %dma_wait3A_57 = arith.constant 0 : i32
        %dma_wait3A_58 = tpu.memref_slice %arg6[%mul3A_20, %dma_wait3A_57] : memref<50x100xi32, #tpu.memory_space<vmem>> -> memref<1x100xi32, #tpu.memory_space<vmem>>
        %dma_wait3A_59 = tpu.memref_squeeze %dma_wait3A_58 : memref<1x100xi32, #tpu.memory_space<vmem>> -> memref<100xi32, #tpu.memory_space<vmem>>
        %dma_wait3A_60 = arith.constant 0 : i32
        %dma_wait3A_61 = arith.constant 0 : i32
        %dma_wait3A_62 = tpu.memref_slice %arg9[%dma_wait3A_60, %dma_wait3A_61] : memref<10000x64xf32, #tpu.memory_space<vmem_shared>> -> memref<10000x64xf32, #tpu.memory_space<vmem_shared>>
        tpu.wait_indirect_dma semaphore(%run_scoped3A : memref<!tpu.dma_semaphore, #tpu.memory_space<semaphore_mem>>) src(%arg7 : memref<100x64xf32, #tpu.memory_space<vmem>>) dst(%dma_wait3A_62 : memref<10000x64xf32, #tpu.memory_space<vmem_shared>>)
        tpu.yield
      }) : () -> ()
      %add3A_36 = arith.constant 2 : i32
      %add3A_37 = arith.addi %mul3A_20, %add3A_36 : i32
      %lt3A = arith.constant 50 : i32
      %lt3A_38 = arith.cmpi slt, %add3A_37, %lt3A : i32
      %convert_element_type3A = arith.extui %lt3A_38 : i1 to i32
      %cond3A = arith.constant 0 : i32
      %cond3A_39 = arith.cmpi ne, %convert_element_type3A, %cond3A : i32
      scf.if %cond3A_39 {
        %add3A_51 = arith.constant 2 : i32
        %add3A_52 = arith.addi %mul3A_20, %add3A_51 : i32
        %mul3A_53 = arith.constant 100 : i32
        %mul3A_54 = arith.muli %add3A_52, %mul3A_53 : i32
        %add3A_55 = arith.addi %mul3A_4, %mul3A_54 : i32
        %dma_start3A_56 = arith.constant 0 : i32
        %dma_start3A_57 = tpu.memref_slice %arg2[%add3A_55, %dma_start3A_56] : memref<160000x64xf32, #tpu.memory_space<hbm>> -> memref<100x64xf32, #tpu.memory_space<hbm>>
        %dma_start3A_58 = arith.constant 0 : i32
        %dma_start3A_59 = tpu.memref_slice %arg2[%add3A_55, %dma_start3A_58] : memref<160000x64xf32, #tpu.memory_space<hbm>> -> memref<100x64xf32, #tpu.memory_space<hbm>>
        tpu.enqueue_dma source(%dma_start3A_59 : memref<100x64xf32, #tpu.memory_space<hbm>>) target(%arg7 : memref<100x64xf32, #tpu.memory_space<vmem>>) target_semaphore(%arg10 : memref<!tpu.dma_semaphore, #tpu.memory_space<semaphore_mem>>)
      } else {
      }
      %add3A_40 = arith.constant 1 : i32
      %add3A_41 = arith.addi %mul3A_20, %add3A_40 : i32
      %mul3A_42 = arith.constant 100 : i32
      %mul3A_43 = arith.muli %add3A_41, %mul3A_42 : i32
      %add3A_44 = arith.addi %mul3A_4, %mul3A_43 : i32
      %dma_wait3A_45 = arith.constant 0 : i32
      %dma_wait3A_46 = tpu.memref_slice %arg2[%add3A_44, %dma_wait3A_45] : memref<160000x64xf32, #tpu.memory_space<hbm>> -> memref<100x64xf32, #tpu.memory_space<hbm>>
      %dma_wait3A_47 = arith.constant 0 : i32
      %dma_wait3A_48 = tpu.memref_slice %arg2[%add3A_44, %dma_wait3A_47] : memref<160000x64xf32, #tpu.memory_space<hbm>> -> memref<100x64xf32, #tpu.memory_space<hbm>>
      tpu.wait_dma2 semaphore(%arg11 : memref<!tpu.dma_semaphore, #tpu.memory_space<semaphore_mem>>) src(%dma_wait3A_48 : memref<100x64xf32, #tpu.memory_space<hbm>>) dst(%arg8 : memref<100x64xf32, #tpu.memory_space<vmem>>)
      %add3A_49 = arith.constant 1 : i32
      %add3A_50 = arith.addi %mul3A_20, %add3A_49 : i32
      "tpu.region"() ({
        %run_scoped3A = tpu.sem_alloc : memref<!tpu.dma_semaphore, #tpu.memory_space<semaphore_mem>>
        %dma_start3A_51 = arith.constant 0 : i32
        %dma_start3A_52 = tpu.memref_slice %arg6[%add3A_50, %dma_start3A_51] : memref<50x100xi32, #tpu.memory_space<vmem>> -> memref<1x100xi32, #tpu.memory_space<vmem>>
        %dma_start3A_53 = tpu.memref_squeeze %dma_start3A_52 : memref<1x100xi32, #tpu.memory_space<vmem>> -> memref<100xi32, #tpu.memory_space<vmem>>
        %dma_start3A_54 = arith.constant 0 : i32
        %dma_start3A_55 = arith.constant 0 : i32
        %dma_start3A_56 = tpu.memref_slice %arg9[%dma_start3A_54, %dma_start3A_55] : memref<10000x64xf32, #tpu.memory_space<vmem_shared>> -> memref<10000x64xf32, #tpu.memory_space<vmem_shared>>
        tpu.enqueue_indirect_dma source(%arg8 : memref<100x64xf32, #tpu.memory_space<vmem>>) target(%dma_start3A_56 : memref<10000x64xf32, #tpu.memory_space<vmem_shared>>) offsets(%dma_start3A_53 : memref<100xi32, #tpu.memory_space<vmem>>) semaphore(%run_scoped3A : memref<!tpu.dma_semaphore, #tpu.memory_space<semaphore_mem>>) {add = true}
        %dma_wait3A_57 = arith.constant 0 : i32
        %dma_wait3A_58 = tpu.memref_slice %arg6[%add3A_50, %dma_wait3A_57] : memref<50x100xi32, #tpu.memory_space<vmem>> -> memref<1x100xi32, #tpu.memory_space<vmem>>
        %dma_wait3A_59 = tpu.memref_squeeze %dma_wait3A_58 : memref<1x100xi32, #tpu.memory_space<vmem>> -> memref<100xi32, #tpu.memory_space<vmem>>
        %dma_wait3A_60 = arith.constant 0 : i32
        %dma_wait3A_61 = arith.constant 0 : i32
        %dma_wait3A_62 = tpu.memref_slice %arg9[%dma_wait3A_60, %dma_wait3A_61] : memref<10000x64xf32, #tpu.memory_space<vmem_shared>> -> memref<10000x64xf32, #tpu.memory_space<vmem_shared>>
        tpu.wait_indirect_dma semaphore(%run_scoped3A : memref<!tpu.dma_semaphore, #tpu.memory_space<semaphore_mem>>) src(%arg8 : memref<100x64xf32, #tpu.memory_space<vmem>>) dst(%dma_wait3A_62 : memref<10000x64xf32, #tpu.memory_space<vmem_shared>>)
        tpu.yield
      }) : () -> ()
    }
    %scan3A_12 = arith.constant 25 : i32
    %barrier3A_13 = arith.constant 0 : index
    tpu.barrier barrier_id(%barrier3A_13)
    %mul3A_14 = arith.constant 625 : i32
    %mul3A_15 = arith.muli %arg1, %mul3A_14 : i32
    %mul3A_16 = arith.constant 625 : i32
    %mul3A_17 = arith.muli %arg1, %mul3A_16 : i32
    "tpu.region"() ({
      %run_scoped3A = tpu.sem_alloc : memref<!tpu.dma_semaphore, #tpu.memory_space<semaphore_mem>>
      %dma_start3A_18 = arith.constant 0 : i32
      %dma_start3A_19 = tpu.memref_slice %arg5[%arg0, %mul3A_17, %dma_start3A_18] : memref<2x10000x64xf32, #tpu.memory_space<hbm>> -> memref<1x625x64xf32, #tpu.memory_space<hbm>>
      %dma_start3A_20 = tpu.memref_squeeze %dma_start3A_19 : memref<1x625x64xf32, #tpu.memory_space<hbm>> -> memref<625x64xf32, #tpu.memory_space<hbm>>
      %dma_start3A_21 = arith.constant 0 : i32
      %dma_start3A_22 = tpu.memref_slice %arg9[%mul3A_15, %dma_start3A_21] : memref<10000x64xf32, #tpu.memory_space<vmem_shared>> -> memref<625x64xf32, #tpu.memory_space<vmem_shared>>
      tpu.enqueue_dma source(%dma_start3A_22 : memref<625x64xf32, #tpu.memory_space<vmem_shared>>) target(%dma_start3A_20 : memref<625x64xf32, #tpu.memory_space<hbm>>) target_semaphore(%run_scoped3A : memref<!tpu.dma_semaphore, #tpu.memory_space<semaphore_mem>>)
      %dma_wait3A = arith.constant 0 : i32
      %dma_wait3A_23 = tpu.memref_slice %arg5[%arg0, %mul3A_17, %dma_wait3A] : memref<2x10000x64xf32, #tpu.memory_space<hbm>> -> memref<1x625x64xf32, #tpu.memory_space<hbm>>
      %dma_wait3A_24 = tpu.memref_squeeze %dma_wait3A_23 : memref<1x625x64xf32, #tpu.memory_space<hbm>> -> memref<625x64xf32, #tpu.memory_space<hbm>>
      %dma_wait3A_25 = arith.constant 0 : i32
      %dma_wait3A_26 = tpu.memref_slice %arg9[%mul3A_15, %dma_wait3A_25] : memref<10000x64xf32, #tpu.memory_space<vmem_shared>> -> memref<625x64xf32, #tpu.memory_space<vmem_shared>>
      tpu.wait_dma2 semaphore(%run_scoped3A : memref<!tpu.dma_semaphore, #tpu.memory_space<semaphore_mem>>) src(%dma_wait3A_26 : memref<625x64xf32, #tpu.memory_space<vmem_shared>>) dst(%dma_wait3A_24 : memref<625x64xf32, #tpu.memory_space<hbm>>)
      tpu.yield
    }) : () -> ()
    return
  }
}

#map = affine_map<(d0, d1) -> (0, 0)>
#map1 = affine_map<(d0, d1) -> (0)>
module attributes {stable_mosaic.version = 14 : i64} {
  func.func @body(%arg0: i32, %arg1: i32, %arg2: memref<10000x64xf32, #tpu.memory_space<hbm>>, %arg3: memref<160000xi32, #tpu.memory_space<hbm>>, %arg4: memref<160000xi32, #tpu.memory_space<hbm>>, %arg5: memref<160000x64xf32, #tpu.memory_space<hbm>>, %arg6: memref<160000x64xf32, #tpu.memory_space<hbm>>, %arg7: memref<5000xi32, #tpu.memory_space<vmem>>, %arg8: memref<5000xi32, #tpu.memory_space<vmem>>, %arg9: memref<200x64xf32, #tpu.memory_space<vmem>>, %arg10: memref<200x64xf32, #tpu.memory_space<vmem>>, %arg11: memref<!tpu.dma_semaphore, #tpu.memory_space<semaphore_mem>>, %arg12: memref<!tpu.dma_semaphore, #tpu.memory_space<semaphore_mem>>) attributes {dimension_semantics = [#tpu.dimension_semantics<core_parallel>, #tpu.dimension_semantics<subcore_parallel>], iteration_bounds = array<i64: 2, 16>, scalar_prefetch = 0 : i64, scratch_operands = 6 : i64, tpu.core_type = #tpu.core_type<sc_vector_subcore>, window_params = [{transform_indices = #map}, {transform_indices = #map1}, {transform_indices = #map1}, {transform_indices = #map}, {transform_indices = #map}]} {
    %mul3A = arith.constant 2 : i32
    %mul3A_0 = arith.muli %arg1, %mul3A : i32
    %add3A = arith.addi %mul3A_0, %arg0 : i32
    %mul3A_1 = arith.constant 5000 : i32
    %mul3A_2 = arith.muli %add3A, %mul3A_1 : i32
    "tpu.region"() ({
      %run_scoped3A = tpu.sem_alloc : memref<!tpu.dma_semaphore, #tpu.memory_space<semaphore_mem>>
      %dma_start3A_17 = tpu.memref_slice %arg3[%mul3A_2] : memref<160000xi32, #tpu.memory_space<hbm>> -> memref<5000xi32, #tpu.memory_space<hbm>>
      %dma_start3A_18 = tpu.memref_slice %arg3[%mul3A_2] : memref<160000xi32, #tpu.memory_space<hbm>> -> memref<5000xi32, #tpu.memory_space<hbm>>
      tpu.enqueue_dma source(%dma_start3A_18 : memref<5000xi32, #tpu.memory_space<hbm>>) target(%arg7 : memref<5000xi32, #tpu.memory_space<vmem>>) target_semaphore(%run_scoped3A : memref<!tpu.dma_semaphore, #tpu.memory_space<semaphore_mem>>)
      %dma_wait3A = tpu.memref_slice %arg3[%mul3A_2] : memref<160000xi32, #tpu.memory_space<hbm>> -> memref<5000xi32, #tpu.memory_space<hbm>>
      %dma_wait3A_19 = tpu.memref_slice %arg3[%mul3A_2] : memref<160000xi32, #tpu.memory_space<hbm>> -> memref<5000xi32, #tpu.memory_space<hbm>>
      tpu.wait_dma2 semaphore(%run_scoped3A : memref<!tpu.dma_semaphore, #tpu.memory_space<semaphore_mem>>) src(%dma_wait3A_19 : memref<5000xi32, #tpu.memory_space<hbm>>) dst(%arg7 : memref<5000xi32, #tpu.memory_space<vmem>>)
      tpu.yield
    }) : () -> ()
    "tpu.region"() ({
      %run_scoped3A = tpu.sem_alloc : memref<!tpu.dma_semaphore, #tpu.memory_space<semaphore_mem>>
      %dma_start3A_17 = tpu.memref_slice %arg4[%mul3A_2] : memref<160000xi32, #tpu.memory_space<hbm>> -> memref<5000xi32, #tpu.memory_space<hbm>>
      %dma_start3A_18 = tpu.memref_slice %arg4[%mul3A_2] : memref<160000xi32, #tpu.memory_space<hbm>> -> memref<5000xi32, #tpu.memory_space<hbm>>
      tpu.enqueue_dma source(%dma_start3A_18 : memref<5000xi32, #tpu.memory_space<hbm>>) target(%arg8 : memref<5000xi32, #tpu.memory_space<vmem>>) target_semaphore(%run_scoped3A : memref<!tpu.dma_semaphore, #tpu.memory_space<semaphore_mem>>)
      %dma_wait3A = tpu.memref_slice %arg4[%mul3A_2] : memref<160000xi32, #tpu.memory_space<hbm>> -> memref<5000xi32, #tpu.memory_space<hbm>>
      %dma_wait3A_19 = tpu.memref_slice %arg4[%mul3A_2] : memref<160000xi32, #tpu.memory_space<hbm>> -> memref<5000xi32, #tpu.memory_space<hbm>>
      tpu.wait_dma2 semaphore(%run_scoped3A : memref<!tpu.dma_semaphore, #tpu.memory_space<semaphore_mem>>) src(%dma_wait3A_19 : memref<5000xi32, #tpu.memory_space<hbm>>) dst(%arg8 : memref<5000xi32, #tpu.memory_space<vmem>>)
      tpu.yield
    }) : () -> ()
    %dma_start3A = arith.constant 0 : i32
    %dma_start3A_3 = tpu.memref_slice %arg7[%dma_start3A] : memref<5000xi32, #tpu.memory_space<vmem>> -> memref<200xi32, #tpu.memory_space<vmem>>
    %dma_start3A_4 = arith.constant 0 : i32
    %dma_start3A_5 = arith.constant 0 : i32
    %dma_start3A_6 = tpu.memref_slice %arg2[%dma_start3A_4, %dma_start3A_5] : memref<10000x64xf32, #tpu.memory_space<hbm>> -> memref<10000x64xf32, #tpu.memory_space<hbm>>
    tpu.enqueue_indirect_dma source(%dma_start3A_6 : memref<10000x64xf32, #tpu.memory_space<hbm>>) target(%arg9 : memref<200x64xf32, #tpu.memory_space<vmem>>) offsets(%dma_start3A_3 : memref<200xi32, #tpu.memory_space<vmem>>) semaphore(%arg11 : memref<!tpu.dma_semaphore, #tpu.memory_space<semaphore_mem>>)
    %dma_start3A_7 = arith.constant 0 : i32
    %dma_start3A_8 = tpu.memref_slice %arg8[%dma_start3A_7] : memref<5000xi32, #tpu.memory_space<vmem>> -> memref<200xi32, #tpu.memory_space<vmem>>
    %dma_start3A_9 = arith.constant 0 : i32
    %dma_start3A_10 = arith.constant 0 : i32
    %dma_start3A_11 = tpu.memref_slice %arg2[%dma_start3A_9, %dma_start3A_10] : memref<10000x64xf32, #tpu.memory_space<hbm>> -> memref<10000x64xf32, #tpu.memory_space<hbm>>
    tpu.enqueue_indirect_dma source(%dma_start3A_11 : memref<10000x64xf32, #tpu.memory_space<hbm>>) target(%arg10 : memref<200x64xf32, #tpu.memory_space<vmem>>) offsets(%dma_start3A_8 : memref<200xi32, #tpu.memory_space<vmem>>) semaphore(%arg12 : memref<!tpu.dma_semaphore, #tpu.memory_space<semaphore_mem>>)
    %scan3A = arith.constant 0 : i32
    %scan3A_12 = arith.constant 0 : i32
    %scan3A_13 = arith.constant 25 : i32
    %scan3A_14 = arith.addi %scan3A_12, %scan3A_13 : i32
    %scan3A_15 = arith.constant 1 : i32
    scf.for %scan3A_17 = %scan3A_12 to %scan3A_14 step %scan3A_15  : i32 {
      %mul3A_18 = arith.constant 200 : i32
      %mul3A_19 = arith.muli %scan3A_17, %mul3A_18 : i32
      %dma_wait3A = tpu.memref_slice %arg7[%mul3A_19] : memref<5000xi32, #tpu.memory_space<vmem>> -> memref<200xi32, #tpu.memory_space<vmem>>
      %dma_wait3A_20 = arith.constant 0 : i32
      %dma_wait3A_21 = arith.constant 0 : i32
      %dma_wait3A_22 = tpu.memref_slice %arg2[%dma_wait3A_20, %dma_wait3A_21] : memref<10000x64xf32, #tpu.memory_space<hbm>> -> memref<10000x64xf32, #tpu.memory_space<hbm>>
      tpu.wait_indirect_dma semaphore(%arg11 : memref<!tpu.dma_semaphore, #tpu.memory_space<semaphore_mem>>) src(%dma_wait3A_22 : memref<10000x64xf32, #tpu.memory_space<hbm>>) dst(%arg9 : memref<200x64xf32, #tpu.memory_space<vmem>>)
      %add3A_23 = arith.addi %mul3A_2, %mul3A_19 : i32
      "tpu.region"() ({
        %run_scoped3A = tpu.sem_alloc : memref<!tpu.dma_semaphore, #tpu.memory_space<semaphore_mem>>
        %dma_start3A_40 = arith.constant 0 : i32
        %dma_start3A_41 = tpu.memref_slice %arg5[%add3A_23, %dma_start3A_40] : memref<160000x64xf32, #tpu.memory_space<hbm>> -> memref<200x64xf32, #tpu.memory_space<hbm>>
        %dma_start3A_42 = arith.constant 0 : i32
        %dma_start3A_43 = tpu.memref_slice %arg5[%add3A_23, %dma_start3A_42] : memref<160000x64xf32, #tpu.memory_space<hbm>> -> memref<200x64xf32, #tpu.memory_space<hbm>>
        tpu.enqueue_dma source(%arg9 : memref<200x64xf32, #tpu.memory_space<vmem>>) target(%dma_start3A_43 : memref<200x64xf32, #tpu.memory_space<hbm>>) target_semaphore(%run_scoped3A : memref<!tpu.dma_semaphore, #tpu.memory_space<semaphore_mem>>)
        %dma_wait3A_44 = arith.constant 0 : i32
        %dma_wait3A_45 = tpu.memref_slice %arg5[%add3A_23, %dma_wait3A_44] : memref<160000x64xf32, #tpu.memory_space<hbm>> -> memref<200x64xf32, #tpu.memory_space<hbm>>
        %dma_wait3A_46 = arith.constant 0 : i32
        %dma_wait3A_47 = tpu.memref_slice %arg5[%add3A_23, %dma_wait3A_46] : memref<160000x64xf32, #tpu.memory_space<hbm>> -> memref<200x64xf32, #tpu.memory_space<hbm>>
        tpu.wait_dma2 semaphore(%run_scoped3A : memref<!tpu.dma_semaphore, #tpu.memory_space<semaphore_mem>>) src(%arg9 : memref<200x64xf32, #tpu.memory_space<vmem>>) dst(%dma_wait3A_47 : memref<200x64xf32, #tpu.memory_space<hbm>>)
        tpu.yield
      }) : () -> ()
      %add3A_24 = arith.constant 1 : i32
      %add3A_25 = arith.addi %scan3A_17, %add3A_24 : i32
      %lt3A = arith.constant 25 : i32
      %lt3A_26 = arith.cmpi slt, %add3A_25, %lt3A : i32
      %convert_element_type3A = arith.extui %lt3A_26 : i1 to i32
      %cond3A = arith.constant 0 : i32
      %cond3A_27 = arith.cmpi ne, %convert_element_type3A, %cond3A : i32
      scf.if %cond3A_27 {
        %add3A_40 = arith.constant 200 : i32
        %add3A_41 = arith.addi %mul3A_19, %add3A_40 : i32
        %dma_start3A_42 = tpu.memref_slice %arg7[%add3A_41] : memref<5000xi32, #tpu.memory_space<vmem>> -> memref<200xi32, #tpu.memory_space<vmem>>
        %dma_start3A_43 = arith.constant 0 : i32
        %dma_start3A_44 = arith.constant 0 : i32
        %dma_start3A_45 = tpu.memref_slice %arg2[%dma_start3A_43, %dma_start3A_44] : memref<10000x64xf32, #tpu.memory_space<hbm>> -> memref<10000x64xf32, #tpu.memory_space<hbm>>
        tpu.enqueue_indirect_dma source(%dma_start3A_45 : memref<10000x64xf32, #tpu.memory_space<hbm>>) target(%arg9 : memref<200x64xf32, #tpu.memory_space<vmem>>) offsets(%dma_start3A_42 : memref<200xi32, #tpu.memory_space<vmem>>) semaphore(%arg11 : memref<!tpu.dma_semaphore, #tpu.memory_space<semaphore_mem>>)
      } else {
      }
      %dma_wait3A_28 = tpu.memref_slice %arg8[%mul3A_19] : memref<5000xi32, #tpu.memory_space<vmem>> -> memref<200xi32, #tpu.memory_space<vmem>>
      %dma_wait3A_29 = arith.constant 0 : i32
      %dma_wait3A_30 = arith.constant 0 : i32
      %dma_wait3A_31 = tpu.memref_slice %arg2[%dma_wait3A_29, %dma_wait3A_30] : memref<10000x64xf32, #tpu.memory_space<hbm>> -> memref<10000x64xf32, #tpu.memory_space<hbm>>
      tpu.wait_indirect_dma semaphore(%arg12 : memref<!tpu.dma_semaphore, #tpu.memory_space<semaphore_mem>>) src(%dma_wait3A_31 : memref<10000x64xf32, #tpu.memory_space<hbm>>) dst(%arg10 : memref<200x64xf32, #tpu.memory_space<vmem>>)
      %add3A_32 = arith.addi %mul3A_2, %mul3A_19 : i32
      "tpu.region"() ({
        %run_scoped3A = tpu.sem_alloc : memref<!tpu.dma_semaphore, #tpu.memory_space<semaphore_mem>>
        %dma_start3A_40 = arith.constant 0 : i32
        %dma_start3A_41 = tpu.memref_slice %arg6[%add3A_32, %dma_start3A_40] : memref<160000x64xf32, #tpu.memory_space<hbm>> -> memref<200x64xf32, #tpu.memory_space<hbm>>
        %dma_start3A_42 = arith.constant 0 : i32
        %dma_start3A_43 = tpu.memref_slice %arg6[%add3A_32, %dma_start3A_42] : memref<160000x64xf32, #tpu.memory_space<hbm>> -> memref<200x64xf32, #tpu.memory_space<hbm>>
        tpu.enqueue_dma source(%arg10 : memref<200x64xf32, #tpu.memory_space<vmem>>) target(%dma_start3A_43 : memref<200x64xf32, #tpu.memory_space<hbm>>) target_semaphore(%run_scoped3A : memref<!tpu.dma_semaphore, #tpu.memory_space<semaphore_mem>>)
        %dma_wait3A_44 = arith.constant 0 : i32
        %dma_wait3A_45 = tpu.memref_slice %arg6[%add3A_32, %dma_wait3A_44] : memref<160000x64xf32, #tpu.memory_space<hbm>> -> memref<200x64xf32, #tpu.memory_space<hbm>>
        %dma_wait3A_46 = arith.constant 0 : i32
        %dma_wait3A_47 = tpu.memref_slice %arg6[%add3A_32, %dma_wait3A_46] : memref<160000x64xf32, #tpu.memory_space<hbm>> -> memref<200x64xf32, #tpu.memory_space<hbm>>
        tpu.wait_dma2 semaphore(%run_scoped3A : memref<!tpu.dma_semaphore, #tpu.memory_space<semaphore_mem>>) src(%arg10 : memref<200x64xf32, #tpu.memory_space<vmem>>) dst(%dma_wait3A_47 : memref<200x64xf32, #tpu.memory_space<hbm>>)
        tpu.yield
      }) : () -> ()
      %add3A_33 = arith.constant 1 : i32
      %add3A_34 = arith.addi %scan3A_17, %add3A_33 : i32
      %lt3A_35 = arith.constant 25 : i32
      %lt3A_36 = arith.cmpi slt, %add3A_34, %lt3A_35 : i32
      %convert_element_type3A_37 = arith.extui %lt3A_36 : i1 to i32
      %cond3A_38 = arith.constant 0 : i32
      %cond3A_39 = arith.cmpi ne, %convert_element_type3A_37, %cond3A_38 : i32
      scf.if %cond3A_39 {
        %add3A_40 = arith.constant 200 : i32
        %add3A_41 = arith.addi %mul3A_19, %add3A_40 : i32
        %dma_start3A_42 = tpu.memref_slice %arg8[%add3A_41] : memref<5000xi32, #tpu.memory_space<vmem>> -> memref<200xi32, #tpu.memory_space<vmem>>
        %dma_start3A_43 = arith.constant 0 : i32
        %dma_start3A_44 = arith.constant 0 : i32
        %dma_start3A_45 = tpu.memref_slice %arg2[%dma_start3A_43, %dma_start3A_44] : memref<10000x64xf32, #tpu.memory_space<hbm>> -> memref<10000x64xf32, #tpu.memory_space<hbm>>
        tpu.enqueue_indirect_dma source(%dma_start3A_45 : memref<10000x64xf32, #tpu.memory_space<hbm>>) target(%arg10 : memref<200x64xf32, #tpu.memory_space<vmem>>) offsets(%dma_start3A_42 : memref<200xi32, #tpu.memory_space<vmem>>) semaphore(%arg12 : memref<!tpu.dma_semaphore, #tpu.memory_space<semaphore_mem>>)
      } else {
      }
    }
    %scan3A_16 = arith.constant 25 : i32
    return
  }
}

#map = affine_map<(d0, d1) -> (0, 0)>
#map1 = affine_map<(d0, d1) -> (0)>
module attributes {stable_mosaic.version = 14 : i64} {
  func.func @body(%arg0: i32, %arg1: i32, %arg2: memref<10000x64xf32, #tpu.memory_space<hbm>>, %arg3: memref<160000xi32, #tpu.memory_space<hbm>>, %arg4: memref<160000xi32, #tpu.memory_space<hbm>>, %arg5: memref<160000x64xf32, #tpu.memory_space<hbm>>, %arg6: memref<160000x64xf32, #tpu.memory_space<hbm>>, %arg7: memref<5000xi32, #tpu.memory_space<vmem>>, %arg8: memref<5000xi32, #tpu.memory_space<vmem>>, %arg9: memref<200x64xf32, #tpu.memory_space<vmem>>, %arg10: memref<200x64xf32, #tpu.memory_space<vmem>>, %arg11: memref<!tpu.dma_semaphore, #tpu.memory_space<semaphore_mem>>, %arg12: memref<!tpu.dma_semaphore, #tpu.memory_space<semaphore_mem>>) attributes {dimension_semantics = [#tpu.dimension_semantics<core_parallel>, #tpu.dimension_semantics<subcore_parallel>], iteration_bounds = array<i64: 2, 16>, scalar_prefetch = 0 : i64, scratch_operands = 6 : i64, tpu.core_type = #tpu.core_type<sc_vector_subcore>, window_params = [{transform_indices = #map}, {transform_indices = #map1}, {transform_indices = #map1}, {transform_indices = #map}, {transform_indices = #map}]} {
    %mul3A = arith.constant 2 : i32
    %mul3A_0 = arith.muli %arg1, %mul3A : i32
    %add3A = arith.addi %mul3A_0, %arg0 : i32
    %mul3A_1 = arith.constant 5000 : i32
    %mul3A_2 = arith.muli %add3A, %mul3A_1 : i32
    "tpu.region"() ({
      %run_scoped3A = tpu.sem_alloc : memref<!tpu.dma_semaphore, #tpu.memory_space<semaphore_mem>>
      %dma_start3A_17 = tpu.memref_slice %arg3[%mul3A_2] : memref<160000xi32, #tpu.memory_space<hbm>> -> memref<5000xi32, #tpu.memory_space<hbm>>
      %dma_start3A_18 = tpu.memref_slice %arg3[%mul3A_2] : memref<160000xi32, #tpu.memory_space<hbm>> -> memref<5000xi32, #tpu.memory_space<hbm>>
      tpu.enqueue_dma source(%dma_start3A_18 : memref<5000xi32, #tpu.memory_space<hbm>>) target(%arg7 : memref<5000xi32, #tpu.memory_space<vmem>>) target_semaphore(%run_scoped3A : memref<!tpu.dma_semaphore, #tpu.memory_space<semaphore_mem>>)
      %dma_wait3A = tpu.memref_slice %arg3[%mul3A_2] : memref<160000xi32, #tpu.memory_space<hbm>> -> memref<5000xi32, #tpu.memory_space<hbm>>
      %dma_wait3A_19 = tpu.memref_slice %arg3[%mul3A_2] : memref<160000xi32, #tpu.memory_space<hbm>> -> memref<5000xi32, #tpu.memory_space<hbm>>
      tpu.wait_dma2 semaphore(%run_scoped3A : memref<!tpu.dma_semaphore, #tpu.memory_space<semaphore_mem>>) src(%dma_wait3A_19 : memref<5000xi32, #tpu.memory_space<hbm>>) dst(%arg7 : memref<5000xi32, #tpu.memory_space<vmem>>)
      tpu.yield
    }) : () -> ()
    "tpu.region"() ({
      %run_scoped3A = tpu.sem_alloc : memref<!tpu.dma_semaphore, #tpu.memory_space<semaphore_mem>>
      %dma_start3A_17 = tpu.memref_slice %arg4[%mul3A_2] : memref<160000xi32, #tpu.memory_space<hbm>> -> memref<5000xi32, #tpu.memory_space<hbm>>
      %dma_start3A_18 = tpu.memref_slice %arg4[%mul3A_2] : memref<160000xi32, #tpu.memory_space<hbm>> -> memref<5000xi32, #tpu.memory_space<hbm>>
      tpu.enqueue_dma source(%dma_start3A_18 : memref<5000xi32, #tpu.memory_space<hbm>>) target(%arg8 : memref<5000xi32, #tpu.memory_space<vmem>>) target_semaphore(%run_scoped3A : memref<!tpu.dma_semaphore, #tpu.memory_space<semaphore_mem>>)
      %dma_wait3A = tpu.memref_slice %arg4[%mul3A_2] : memref<160000xi32, #tpu.memory_space<hbm>> -> memref<5000xi32, #tpu.memory_space<hbm>>
      %dma_wait3A_19 = tpu.memref_slice %arg4[%mul3A_2] : memref<160000xi32, #tpu.memory_space<hbm>> -> memref<5000xi32, #tpu.memory_space<hbm>>
      tpu.wait_dma2 semaphore(%run_scoped3A : memref<!tpu.dma_semaphore, #tpu.memory_space<semaphore_mem>>) src(%dma_wait3A_19 : memref<5000xi32, #tpu.memory_space<hbm>>) dst(%arg8 : memref<5000xi32, #tpu.memory_space<vmem>>)
      tpu.yield
    }) : () -> ()
    %dma_start3A = arith.constant 0 : i32
    %dma_start3A_3 = tpu.memref_slice %arg7[%dma_start3A] : memref<5000xi32, #tpu.memory_space<vmem>> -> memref<200xi32, #tpu.memory_space<vmem>>
    %dma_start3A_4 = arith.constant 0 : i32
    %dma_start3A_5 = arith.constant 0 : i32
    %dma_start3A_6 = tpu.memref_slice %arg2[%dma_start3A_4, %dma_start3A_5] : memref<10000x64xf32, #tpu.memory_space<hbm>> -> memref<10000x64xf32, #tpu.memory_space<hbm>>
    tpu.enqueue_indirect_dma source(%dma_start3A_6 : memref<10000x64xf32, #tpu.memory_space<hbm>>) target(%arg9 : memref<200x64xf32, #tpu.memory_space<vmem>>) offsets(%dma_start3A_3 : memref<200xi32, #tpu.memory_space<vmem>>) semaphore(%arg11 : memref<!tpu.dma_semaphore, #tpu.memory_space<semaphore_mem>>)
    %dma_start3A_7 = arith.constant 0 : i32
    %dma_start3A_8 = tpu.memref_slice %arg8[%dma_start3A_7] : memref<5000xi32, #tpu.memory_space<vmem>> -> memref<200xi32, #tpu.memory_space<vmem>>
    %dma_start3A_9 = arith.constant 0 : i32
    %dma_start3A_10 = arith.constant 0 : i32
    %dma_start3A_11 = tpu.memref_slice %arg2[%dma_start3A_9, %dma_start3A_10] : memref<10000x64xf32, #tpu.memory_space<hbm>> -> memref<10000x64xf32, #tpu.memory_space<hbm>>
    tpu.enqueue_indirect_dma source(%dma_start3A_11 : memref<10000x64xf32, #tpu.memory_space<hbm>>) target(%arg10 : memref<200x64xf32, #tpu.memory_space<vmem>>) offsets(%dma_start3A_8 : memref<200xi32, #tpu.memory_space<vmem>>) semaphore(%arg12 : memref<!tpu.dma_semaphore, #tpu.memory_space<semaphore_mem>>)
    %scan3A = arith.constant 0 : i32
    %scan3A_12 = arith.constant 0 : i32
    %scan3A_13 = arith.constant 25 : i32
    %scan3A_14 = arith.addi %scan3A_12, %scan3A_13 : i32
    %scan3A_15 = arith.constant 1 : i32
    scf.for %scan3A_17 = %scan3A_12 to %scan3A_14 step %scan3A_15  : i32 {
      %mul3A_18 = arith.constant 200 : i32
      %mul3A_19 = arith.muli %scan3A_17, %mul3A_18 : i32
      %dma_wait3A = tpu.memref_slice %arg7[%mul3A_19] : memref<5000xi32, #tpu.memory_space<vmem>> -> memref<200xi32, #tpu.memory_space<vmem>>
      %dma_wait3A_20 = arith.constant 0 : i32
      %dma_wait3A_21 = arith.constant 0 : i32
      %dma_wait3A_22 = tpu.memref_slice %arg2[%dma_wait3A_20, %dma_wait3A_21] : memref<10000x64xf32, #tpu.memory_space<hbm>> -> memref<10000x64xf32, #tpu.memory_space<hbm>>
      tpu.wait_indirect_dma semaphore(%arg11 : memref<!tpu.dma_semaphore, #tpu.memory_space<semaphore_mem>>) src(%dma_wait3A_22 : memref<10000x64xf32, #tpu.memory_space<hbm>>) dst(%arg9 : memref<200x64xf32, #tpu.memory_space<vmem>>)
      %add3A_23 = arith.addi %mul3A_2, %mul3A_19 : i32
      "tpu.region"() ({
        %run_scoped3A = tpu.sem_alloc : memref<!tpu.dma_semaphore, #tpu.memory_space<semaphore_mem>>
        %dma_start3A_40 = arith.constant 0 : i32
        %dma_start3A_41 = tpu.memref_slice %arg5[%add3A_23, %dma_start3A_40] : memref<160000x64xf32, #tpu.memory_space<hbm>> -> memref<200x64xf32, #tpu.memory_space<hbm>>
        %dma_start3A_42 = arith.constant 0 : i32
        %dma_start3A_43 = tpu.memref_slice %arg5[%add3A_23, %dma_start3A_42] : memref<160000x64xf32, #tpu.memory_space<hbm>> -> memref<200x64xf32, #tpu.memory_space<hbm>>
        tpu.enqueue_dma source(%arg9 : memref<200x64xf32, #tpu.memory_space<vmem>>) target(%dma_start3A_43 : memref<200x64xf32, #tpu.memory_space<hbm>>) target_semaphore(%run_scoped3A : memref<!tpu.dma_semaphore, #tpu.memory_space<semaphore_mem>>)
        %dma_wait3A_44 = arith.constant 0 : i32
        %dma_wait3A_45 = tpu.memref_slice %arg5[%add3A_23, %dma_wait3A_44] : memref<160000x64xf32, #tpu.memory_space<hbm>> -> memref<200x64xf32, #tpu.memory_space<hbm>>
        %dma_wait3A_46 = arith.constant 0 : i32
        %dma_wait3A_47 = tpu.memref_slice %arg5[%add3A_23, %dma_wait3A_46] : memref<160000x64xf32, #tpu.memory_space<hbm>> -> memref<200x64xf32, #tpu.memory_space<hbm>>
        tpu.wait_dma2 semaphore(%run_scoped3A : memref<!tpu.dma_semaphore, #tpu.memory_space<semaphore_mem>>) src(%arg9 : memref<200x64xf32, #tpu.memory_space<vmem>>) dst(%dma_wait3A_47 : memref<200x64xf32, #tpu.memory_space<hbm>>)
        tpu.yield
      }) : () -> ()
      %add3A_24 = arith.constant 1 : i32
      %add3A_25 = arith.addi %scan3A_17, %add3A_24 : i32
      %lt3A = arith.constant 25 : i32
      %lt3A_26 = arith.cmpi slt, %add3A_25, %lt3A : i32
      %convert_element_type3A = arith.extui %lt3A_26 : i1 to i32
      %cond3A = arith.constant 0 : i32
      %cond3A_27 = arith.cmpi ne, %convert_element_type3A, %cond3A : i32
      scf.if %cond3A_27 {
        %add3A_40 = arith.constant 200 : i32
        %add3A_41 = arith.addi %mul3A_19, %add3A_40 : i32
        %dma_start3A_42 = tpu.memref_slice %arg7[%add3A_41] : memref<5000xi32, #tpu.memory_space<vmem>> -> memref<200xi32, #tpu.memory_space<vmem>>
        %dma_start3A_43 = arith.constant 0 : i32
        %dma_start3A_44 = arith.constant 0 : i32
        %dma_start3A_45 = tpu.memref_slice %arg2[%dma_start3A_43, %dma_start3A_44] : memref<10000x64xf32, #tpu.memory_space<hbm>> -> memref<10000x64xf32, #tpu.memory_space<hbm>>
        tpu.enqueue_indirect_dma source(%dma_start3A_45 : memref<10000x64xf32, #tpu.memory_space<hbm>>) target(%arg9 : memref<200x64xf32, #tpu.memory_space<vmem>>) offsets(%dma_start3A_42 : memref<200xi32, #tpu.memory_space<vmem>>) semaphore(%arg11 : memref<!tpu.dma_semaphore, #tpu.memory_space<semaphore_mem>>)
      } else {
      }
      %dma_wait3A_28 = tpu.memref_slice %arg8[%mul3A_19] : memref<5000xi32, #tpu.memory_space<vmem>> -> memref<200xi32, #tpu.memory_space<vmem>>
      %dma_wait3A_29 = arith.constant 0 : i32
      %dma_wait3A_30 = arith.constant 0 : i32
      %dma_wait3A_31 = tpu.memref_slice %arg2[%dma_wait3A_29, %dma_wait3A_30] : memref<10000x64xf32, #tpu.memory_space<hbm>> -> memref<10000x64xf32, #tpu.memory_space<hbm>>
      tpu.wait_indirect_dma semaphore(%arg12 : memref<!tpu.dma_semaphore, #tpu.memory_space<semaphore_mem>>) src(%dma_wait3A_31 : memref<10000x64xf32, #tpu.memory_space<hbm>>) dst(%arg10 : memref<200x64xf32, #tpu.memory_space<vmem>>)
      %add3A_32 = arith.addi %mul3A_2, %mul3A_19 : i32
      "tpu.region"() ({
        %run_scoped3A = tpu.sem_alloc : memref<!tpu.dma_semaphore, #tpu.memory_space<semaphore_mem>>
        %dma_start3A_40 = arith.constant 0 : i32
        %dma_start3A_41 = tpu.memref_slice %arg6[%add3A_32, %dma_start3A_40] : memref<160000x64xf32, #tpu.memory_space<hbm>> -> memref<200x64xf32, #tpu.memory_space<hbm>>
        %dma_start3A_42 = arith.constant 0 : i32
        %dma_start3A_43 = tpu.memref_slice %arg6[%add3A_32, %dma_start3A_42] : memref<160000x64xf32, #tpu.memory_space<hbm>> -> memref<200x64xf32, #tpu.memory_space<hbm>>
        tpu.enqueue_dma source(%arg10 : memref<200x64xf32, #tpu.memory_space<vmem>>) target(%dma_start3A_43 : memref<200x64xf32, #tpu.memory_space<hbm>>) target_semaphore(%run_scoped3A : memref<!tpu.dma_semaphore, #tpu.memory_space<semaphore_mem>>)
        %dma_wait3A_44 = arith.constant 0 : i32
        %dma_wait3A_45 = tpu.memref_slice %arg6[%add3A_32, %dma_wait3A_44] : memref<160000x64xf32, #tpu.memory_space<hbm>> -> memref<200x64xf32, #tpu.memory_space<hbm>>
        %dma_wait3A_46 = arith.constant 0 : i32
        %dma_wait3A_47 = tpu.memref_slice %arg6[%add3A_32, %dma_wait3A_46] : memref<160000x64xf32, #tpu.memory_space<hbm>> -> memref<200x64xf32, #tpu.memory_space<hbm>>
        tpu.wait_dma2 semaphore(%run_scoped3A : memref<!tpu.dma_semaphore, #tpu.memory_space<semaphore_mem>>) src(%arg10 : memref<200x64xf32, #tpu.memory_space<vmem>>) dst(%dma_wait3A_47 : memref<200x64xf32, #tpu.memory_space<hbm>>)
        tpu.yield
      }) : () -> ()
      %add3A_33 = arith.constant 1 : i32
      %add3A_34 = arith.addi %scan3A_17, %add3A_33 : i32
      %lt3A_35 = arith.constant 25 : i32
      %lt3A_36 = arith.cmpi slt, %add3A_34, %lt3A_35 : i32
      %convert_element_type3A_37 = arith.extui %lt3A_36 : i1 to i32
      %cond3A_38 = arith.constant 0 : i32
      %cond3A_39 = arith.cmpi ne, %convert_element_type3A_37, %cond3A_38 : i32
      scf.if %cond3A_39 {
        %add3A_40 = arith.constant 200 : i32
        %add3A_41 = arith.addi %mul3A_19, %add3A_40 : i32
        %dma_start3A_42 = tpu.memref_slice %arg8[%add3A_41] : memref<5000xi32, #tpu.memory_space<vmem>> -> memref<200xi32, #tpu.memory_space<vmem>>
        %dma_start3A_43 = arith.constant 0 : i32
        %dma_start3A_44 = arith.constant 0 : i32
        %dma_start3A_45 = tpu.memref_slice %arg2[%dma_start3A_43, %dma_start3A_44] : memref<10000x64xf32, #tpu.memory_space<hbm>> -> memref<10000x64xf32, #tpu.memory_space<hbm>>
        tpu.enqueue_indirect_dma source(%dma_start3A_45 : memref<10000x64xf32, #tpu.memory_space<hbm>>) target(%arg10 : memref<200x64xf32, #tpu.memory_space<vmem>>) offsets(%dma_start3A_42 : memref<200xi32, #tpu.memory_space<vmem>>) semaphore(%arg12 : memref<!tpu.dma_semaphore, #tpu.memory_space<semaphore_mem>>)
      } else {
      }
    }
    %scan3A_16 = arith.constant 25 : i32
    return
  }
}

module attributes {stable_mosaic.version = 14 : i64} {
  func.func @_node_init_body(%arg0: i32, %arg1: memref<1000x256xf32, #tpu.memory_space<vmem>>, %arg2: memref<1000x128xf32, #tpu.memory_space<vmem>>, %arg3: memref<256x128xf32, #tpu.memory_space<vmem>>, %arg4: memref<1x128xf32, #tpu.memory_space<vmem>>, %arg5: memref<128x128xf32, #tpu.memory_space<vmem>>, %arg6: memref<1x128xf32, #tpu.memory_space<vmem>>, %arg7: memref<128x128xf32, #tpu.memory_space<vmem>>, %arg8: memref<1x128xf32, #tpu.memory_space<vmem>>, %arg9: memref<128x128xf32, #tpu.memory_space<vmem>>, %arg10: memref<1x128xf32, #tpu.memory_space<vmem>>, %arg11: memref<128x2xf32, #tpu.memory_space<vmem>>, %arg12: memref<1x2xf32, #tpu.memory_space<vmem>>, %arg13: memref<1000x128xf32, #tpu.memory_space<vmem>>, %arg14: memref<1000x2xf32, #tpu.memory_space<vmem>>) attributes {dimension_semantics = [#tpu.dimension_semantics<arbitrary>], iteration_bounds = array<i64: 5>, scalar_prefetch = 0 : i64, scratch_operands = 0 : i64, tpu.core_type = #tpu.core_type<tc>, window_params = [{transform_indices = @transform_0, window_bounds = array<i64: 1000, 256>}, {transform_indices = @transform_1, window_bounds = array<i64: 1000, 128>}, {pipeline_mode = #tpu.pipeline_mode<synchronous>, transform_indices = @transform_2, window_bounds = array<i64: 256, 128>}, {pipeline_mode = #tpu.pipeline_mode<synchronous>, transform_indices = @transform_3, window_bounds = array<i64: 1, 128>}, {pipeline_mode = #tpu.pipeline_mode<synchronous>, transform_indices = @transform_4, window_bounds = array<i64: 128, 128>}, {pipeline_mode = #tpu.pipeline_mode<synchronous>, transform_indices = @transform_5, window_bounds = array<i64: 1, 128>}, {pipeline_mode = #tpu.pipeline_mode<synchronous>, transform_indices = @transform_6, window_bounds = array<i64: 128, 128>}, {pipeline_mode = #tpu.pipeline_mode<synchronous>, transform_indices = @transform_7, window_bounds = array<i64: 1, 128>}, {pipeline_mode = #tpu.pipeline_mode<synchronous>, transform_indices = @transform_8, window_bounds = array<i64: 128, 128>}, {pipeline_mode = #tpu.pipeline_mode<synchronous>, transform_indices = @transform_9, window_bounds = array<i64: 1, 128>}, {pipeline_mode = #tpu.pipeline_mode<synchronous>, transform_indices = @transform_10, window_bounds = array<i64: 128, 2>}, {pipeline_mode = #tpu.pipeline_mode<synchronous>, transform_indices = @transform_11, window_bounds = array<i64: 1, 2>}, {transform_indices = @transform_12, window_bounds = array<i64: 1000, 128>}, {transform_indices = @transform_13, window_bounds = array<i64: 1000, 2>}]} {
    %get3A = arith.constant 0 : index
    %get3A_0 = arith.constant 0 : index
    %get3A_1 = vector.load %arg1[%get3A, %get3A_0] : memref<1000x256xf32, #tpu.memory_space<vmem>>, vector<1000x256xf32>
    %get3A_2 = arith.constant 0 : index
    %get3A_3 = arith.constant 0 : index
    %get3A_4 = vector.load %arg3[%get3A_2, %get3A_3] : memref<256x128xf32, #tpu.memory_space<vmem>>, vector<256x128xf32>
    %dot_general3A = arith.constant dense<0.000000e+00> : vector<1000x128xf32>
    %dot_general3A_5 = tpu.matmul %get3A_1, %get3A_4, %dot_general3A {dimension_numbers = #tpu.dot_dimension_numbers<[1], [0], [0], [1], [0, 0, 1, 1], [], []>, transpose_lhs_hint = false} : vector<1000x256xf32>, vector<256x128xf32>, vector<1000x128xf32> -> vector<1000x128xf32>
    %get3A_6 = arith.constant 0 : index
    %get3A_7 = arith.constant 0 : index
    %get3A_8 = vector.load %arg4[%get3A_6, %get3A_7] : memref<1x128xf32, #tpu.memory_space<vmem>>, vector<1x128xf32>
    %add3A = vector.broadcast %get3A_8 : vector<1x128xf32> to vector<1000x128xf32>
    %add3A_9 = arith.addf %dot_general3A_5, %add3A : vector<1000x128xf32>
    %exp3A = math.exp %add3A_9 : vector<1000x128xf32>
    %log1p3A = math.log1p %exp3A : vector<1000x128xf32>
    %gt3A = arith.constant 2.000000e+01 : f32
    %gt3A_10 = vector.broadcast %gt3A : f32 to vector<1000x128xf32>
    %gt3A_11 = arith.cmpf ogt, %add3A_9, %gt3A_10 : vector<1000x128xf32>
    %select_n3A = arith.select %gt3A_11, %add3A_9, %log1p3A : vector<1000x128xi1>, vector<1000x128xf32>
    %get3A_12 = arith.constant 0 : index
    %get3A_13 = arith.constant 0 : index
    %get3A_14 = vector.load %arg5[%get3A_12, %get3A_13] : memref<128x128xf32, #tpu.memory_space<vmem>>, vector<128x128xf32>
    %dot_general3A_15 = arith.constant dense<0.000000e+00> : vector<1000x128xf32>
    %dot_general3A_16 = tpu.matmul %select_n3A, %get3A_14, %dot_general3A_15 {dimension_numbers = #tpu.dot_dimension_numbers<[1], [0], [0], [1], [0, 0, 1, 1], [], []>, transpose_lhs_hint = false} : vector<1000x128xf32>, vector<128x128xf32>, vector<1000x128xf32> -> vector<1000x128xf32>
    %get3A_17 = arith.constant 0 : index
    %get3A_18 = arith.constant 0 : index
    %get3A_19 = vector.load %arg6[%get3A_17, %get3A_18] : memref<1x128xf32, #tpu.memory_space<vmem>>, vector<1x128xf32>
    %add3A_20 = vector.broadcast %get3A_19 : vector<1x128xf32> to vector<1000x128xf32>
    %add3A_21 = arith.addf %dot_general3A_16, %add3A_20 : vector<1000x128xf32>
    %swap3A = arith.constant 0 : index
    %swap3A_22 = arith.constant 0 : index
    %swap3A_23 = vector.load %arg13[%swap3A, %swap3A_22] : memref<1000x128xf32, #tpu.memory_space<vmem>>, vector<1000x128xf32>
    tpu.vector_store %arg13[%swap3A, %swap3A_22], %add3A_21 {strides = array<i32>} : memref<1000x128xf32, #tpu.memory_space<vmem>>, vector<1000x128xf32>,
    %get3A_24 = arith.constant 0 : index
    %get3A_25 = arith.constant 0 : index
    %get3A_26 = vector.load %arg2[%get3A_24, %get3A_25] : memref<1000x128xf32, #tpu.memory_space<vmem>>, vector<1000x128xf32>
    %get3A_27 = arith.constant 0 : index
    %get3A_28 = arith.constant 0 : index
    %get3A_29 = vector.load %arg7[%get3A_27, %get3A_28] : memref<128x128xf32, #tpu.memory_space<vmem>>, vector<128x128xf32>
    %dot_general3A_30 = arith.constant dense<0.000000e+00> : vector<1000x128xf32>
    %dot_general3A_31 = tpu.matmul %get3A_26, %get3A_29, %dot_general3A_30 {dimension_numbers = #tpu.dot_dimension_numbers<[1], [0], [0], [1], [0, 0, 1, 1], [], []>, transpose_lhs_hint = false} : vector<1000x128xf32>, vector<128x128xf32>, vector<1000x128xf32> -> vector<1000x128xf32>
    %get3A_32 = arith.constant 0 : index
    %get3A_33 = arith.constant 0 : index
    %get3A_34 = vector.load %arg8[%get3A_32, %get3A_33] : memref<1x128xf32, #tpu.memory_space<vmem>>, vector<1x128xf32>
    %add3A_35 = vector.broadcast %get3A_34 : vector<1x128xf32> to vector<1000x128xf32>
    %add3A_36 = arith.addf %dot_general3A_31, %add3A_35 : vector<1000x128xf32>
    %exp3A_37 = math.exp %add3A_36 : vector<1000x128xf32>
    %log1p3A_38 = math.log1p %exp3A_37 : vector<1000x128xf32>
    %gt3A_39 = arith.constant 2.000000e+01 : f32
    %gt3A_40 = vector.broadcast %gt3A_39 : f32 to vector<1000x128xf32>
    %gt3A_41 = arith.cmpf ogt, %add3A_36, %gt3A_40 : vector<1000x128xf32>
    %select_n3A_42 = arith.select %gt3A_41, %add3A_36, %log1p3A_38 : vector<1000x128xi1>, vector<1000x128xf32>
    %get3A_43 = arith.constant 0 : index
    %get3A_44 = arith.constant 0 : index
    %get3A_45 = vector.load %arg9[%get3A_43, %get3A_44] : memref<128x128xf32, #tpu.memory_space<vmem>>, vector<128x128xf32>
    %dot_general3A_46 = arith.constant dense<0.000000e+00> : vector<1000x128xf32>
    %dot_general3A_47 = tpu.matmul %select_n3A_42, %get3A_45, %dot_general3A_46 {dimension_numbers = #tpu.dot_dimension_numbers<[1], [0], [0], [1], [0, 0, 1, 1], [], []>, transpose_lhs_hint = false} : vector<1000x128xf32>, vector<128x128xf32>, vector<1000x128xf32> -> vector<1000x128xf32>
    %get3A_48 = arith.constant 0 : index
    %get3A_49 = arith.constant 0 : index
    %get3A_50 = vector.load %arg10[%get3A_48, %get3A_49] : memref<1x128xf32, #tpu.memory_space<vmem>>, vector<1x128xf32>
    %add3A_51 = vector.broadcast %get3A_50 : vector<1x128xf32> to vector<1000x128xf32>
    %add3A_52 = arith.addf %dot_general3A_47, %add3A_51 : vector<1000x128xf32>
    %exp3A_53 = math.exp %add3A_52 : vector<1000x128xf32>
    %log1p3A_54 = math.log1p %exp3A_53 : vector<1000x128xf32>
    %gt3A_55 = arith.constant 2.000000e+01 : f32
    %gt3A_56 = vector.broadcast %gt3A_55 : f32 to vector<1000x128xf32>
    %gt3A_57 = arith.cmpf ogt, %add3A_52, %gt3A_56 : vector<1000x128xf32>
    %select_n3A_58 = arith.select %gt3A_57, %add3A_52, %log1p3A_54 : vector<1000x128xi1>, vector<1000x128xf32>
    %get3A_59 = arith.constant 0 : index
    %get3A_60 = arith.constant 0 : index
    %get3A_61 = vector.load %arg11[%get3A_59, %get3A_60] : memref<128x2xf32, #tpu.memory_space<vmem>>, vector<128x2xf32>
    %dot_general3A_62 = arith.constant dense<0.000000e+00> : vector<1000x2xf32>
    %dot_general3A_63 = tpu.matmul %select_n3A_58, %get3A_61, %dot_general3A_62 {dimension_numbers = #tpu.dot_dimension_numbers<[1], [0], [0], [1], [0, 0, 1, 1], [], []>, transpose_lhs_hint = false} : vector<1000x128xf32>, vector<128x2xf32>, vector<1000x2xf32> -> vector<1000x2xf32>
    %get3A_64 = arith.constant 0 : index
    %get3A_65 = arith.constant 0 : index
    %get3A_66 = vector.load %arg12[%get3A_64, %get3A_65] : memref<1x2xf32, #tpu.memory_space<vmem>>, vector<1x2xf32>
    %add3A_67 = vector.broadcast %get3A_66 : vector<1x2xf32> to vector<1000x2xf32>
    %add3A_68 = arith.addf %dot_general3A_63, %add3A_67 : vector<1000x2xf32>
    %swap3A_69 = arith.constant 0 : index
    %swap3A_70 = arith.constant 0 : index
    %swap3A_71 = vector.load %arg14[%swap3A_69, %swap3A_70] : memref<1000x2xf32, #tpu.memory_space<vmem>>, vector<1000x2xf32>
    tpu.vector_store %arg14[%swap3A_69, %swap3A_70], %add3A_68 {strides = array<i32>} : memref<1000x2xf32, #tpu.memory_space<vmem>>, vector<1000x2xf32>,
    return
  }
  func.func @transform_0(%arg0: i32) -> (i32, i32) {
    %c0_i32 = arith.constant 0 : i32
    %c0_i32_0 = arith.constant 0 : i32
    return %arg0, %c0_i32 : i32, i32
  }
  func.func @transform_1(%arg0: i32) -> (i32, i32) {
    %c0_i32 = arith.constant 0 : i32
    %c0_i32_0 = arith.constant 0 : i32
    return %arg0, %c0_i32 : i32, i32
  }
  func.func @transform_2(%arg0: i32) -> (i32, i32) {
    %c0_i32 = arith.constant 0 : i32
    %c0_i32_0 = arith.constant 0 : i32
    %c0_i32_1 = arith.constant 0 : i32
    return %c0_i32, %c0_i32_0 : i32, i32
  }
  func.func @transform_3(%arg0: i32) -> (i32, i32) {
    %c0_i32 = arith.constant 0 : i32
    %c0_i32_0 = arith.constant 0 : i32
    %c0_i32_1 = arith.constant 0 : i32
    return %c0_i32, %c0_i32_0 : i32, i32
  }
  func.func @transform_4(%arg0: i32) -> (i32, i32) {
    %c0_i32 = arith.constant 0 : i32
    %c0_i32_0 = arith.constant 0 : i32
    %c0_i32_1 = arith.constant 0 : i32
    return %c0_i32, %c0_i32_0 : i32, i32
  }
  func.func @transform_5(%arg0: i32) -> (i32, i32) {
    %c0_i32 = arith.constant 0 : i32
    %c0_i32_0 = arith.constant 0 : i32
    %c0_i32_1 = arith.constant 0 : i32
    return %c0_i32, %c0_i32_0 : i32, i32
  }
  func.func @transform_6(%arg0: i32) -> (i32, i32) {
    %c0_i32 = arith.constant 0 : i32
    %c0_i32_0 = arith.constant 0 : i32
    %c0_i32_1 = arith.constant 0 : i32
    return %c0_i32, %c0_i32_0 : i32, i32
  }
  func.func @transform_7(%arg0: i32) -> (i32, i32) {
    %c0_i32 = arith.constant 0 : i32
    %c0_i32_0 = arith.constant 0 : i32
    %c0_i32_1 = arith.constant 0 : i32
    return %c0_i32, %c0_i32_0 : i32, i32
  }
  func.func @transform_8(%arg0: i32) -> (i32, i32) {
    %c0_i32 = arith.constant 0 : i32
    %c0_i32_0 = arith.constant 0 : i32
    %c0_i32_1 = arith.constant 0 : i32
    return %c0_i32, %c0_i32_0 : i32, i32
  }
  func.func @transform_9(%arg0: i32) -> (i32, i32) {
    %c0_i32 = arith.constant 0 : i32
    %c0_i32_0 = arith.constant 0 : i32
    %c0_i32_1 = arith.constant 0 : i32
    return %c0_i32, %c0_i32_0 : i32, i32
  }
  func.func @transform_10(%arg0: i32) -> (i32, i32) {
    %c0_i32 = arith.constant 0 : i32
    %c0_i32_0 = arith.constant 0 : i32
    %c0_i32_1 = arith.constant 0 : i32
    return %c0_i32, %c0_i32_0 : i32, i32
  }
  func.func @transform_11(%arg0: i32) -> (i32, i32) {
    %c0_i32 = arith.constant 0 : i32
    %c0_i32_0 = arith.constant 0 : i32
    %c0_i32_1 = arith.constant 0 : i32
    return %c0_i32, %c0_i32_0 : i32, i32
  }
  func.func @transform_12(%arg0: i32) -> (i32, i32) {
    %c0_i32 = arith.constant 0 : i32
    %c0_i32_0 = arith.constant 0 : i32
    return %arg0, %c0_i32 : i32, i32
  }
  func.func @transform_13(%arg0: i32) -> (i32, i32) {
    %c0_i32 = arith.constant 0 : i32
    %c0_i32_0 = arith.constant 0 : i32
    return %arg0, %c0_i32 : i32, i32
  }
}

module attributes {stable_mosaic.version = 14 : i64} {
  func.func @_edge_first_body(%arg0: i32, %arg1: memref<3200x128xf32, #tpu.memory_space<vmem>>, %arg2: memref<3200x128xf32, #tpu.memory_space<vmem>>, %arg3: memref<3200x32xf32, #tpu.memory_space<vmem>>, %arg4: memref<32x64xf32, #tpu.memory_space<vmem>>, %arg5: memref<1x64xf32, #tpu.memory_space<vmem>>, %arg6: memref<64x64xf32, #tpu.memory_space<vmem>>, %arg7: memref<1x64xf32, #tpu.memory_space<vmem>>, %arg8: memref<128x128xf32, #tpu.memory_space<vmem>>, %arg9: memref<1x128xf32, #tpu.memory_space<vmem>>, %arg10: memref<128x128xf32, #tpu.memory_space<vmem>>, %arg11: memref<1x128xf32, #tpu.memory_space<vmem>>, %arg12: memref<128x64xf32, #tpu.memory_space<vmem>>, %arg13: memref<1x64xf32, #tpu.memory_space<vmem>>, %arg14: memref<128x128xf32, #tpu.memory_space<vmem>>, %arg15: memref<64x128xf32, #tpu.memory_space<vmem>>, %arg16: memref<1x128xf32, #tpu.memory_space<vmem>>, %arg17: memref<128x128xf32, #tpu.memory_space<vmem>>, %arg18: memref<1x128xf32, #tpu.memory_space<vmem>>, %arg19: memref<128x128xf32, #tpu.memory_space<vmem>>, %arg20: memref<1x128xf32, #tpu.memory_space<vmem>>, %arg21: memref<3200x64xf32, #tpu.memory_space<vmem>>, %arg22: memref<3200x128xf32, #tpu.memory_space<vmem>>) attributes {dimension_semantics = [#tpu.dimension_semantics<arbitrary>], iteration_bounds = array<i64: 25>, scalar_prefetch = 0 : i64, scratch_operands = 0 : i64, tpu.core_type = #tpu.core_type<tc>, window_params = [{transform_indices = @transform_0, window_bounds = array<i64: 3200, 128>}, {transform_indices = @transform_1, window_bounds = array<i64: 3200, 128>}, {transform_indices = @transform_2, window_bounds = array<i64: 3200, 32>}, {pipeline_mode = #tpu.pipeline_mode<synchronous>, transform_indices = @transform_3, window_bounds = array<i64: 32, 64>}, {pipeline_mode = #tpu.pipeline_mode<synchronous>, transform_indices = @transform_4, window_bounds = array<i64: 1, 64>}, {pipeline_mode = #tpu.pipeline_mode<synchronous>, transform_indices = @transform_5, window_bounds = array<i64: 64, 64>}, {pipeline_mode = #tpu.pipeline_mode<synchronous>, transform_indices = @transform_6, window_bounds = array<i64: 1, 64>}, {pipeline_mode = #tpu.pipeline_mode<synchronous>, transform_indices = @transform_7, window_bounds = array<i64: 128, 128>}, {pipeline_mode = #tpu.pipeline_mode<synchronous>, transform_indices = @transform_8, window_bounds = array<i64: 1, 128>}, {pipeline_mode = #tpu.pipeline_mode<synchronous>, transform_indices = @transform_9, window_bounds = array<i64: 128, 128>}, {pipeline_mode = #tpu.pipeline_mode<synchronous>, transform_indices = @transform_10, window_bounds = array<i64: 1, 128>}, {pipeline_mode = #tpu.pipeline_mode<synchronous>, transform_indices = @transform_11, window_bounds = array<i64: 128, 64>}, {pipeline_mode = #tpu.pipeline_mode<synchronous>, transform_indices = @transform_12, window_bounds = array<i64: 1, 64>}, {pipeline_mode = #tpu.pipeline_mode<synchronous>, transform_indices = @transform_13, window_bounds = array<i64: 128, 128>}, {pipeline_mode = #tpu.pipeline_mode<synchronous>, transform_indices = @transform_14, window_bounds = array<i64: 64, 128>}, {pipeline_mode = #tpu.pipeline_mode<synchronous>, transform_indices = @transform_15, window_bounds = array<i64: 1, 128>}, {pipeline_mode = #tpu.pipeline_mode<synchronous>, transform_indices = @transform_16, window_bounds = array<i64: 128, 128>}, {pipeline_mode = #tpu.pipeline_mode<synchronous>, transform_indices = @transform_17, window_bounds = array<i64: 1, 128>}, {pipeline_mode = #tpu.pipeline_mode<synchronous>, transform_indices = @transform_18, window_bounds = array<i64: 128, 128>}, {pipeline_mode = #tpu.pipeline_mode<synchronous>, transform_indices = @transform_19, window_bounds = array<i64: 1, 128>}, {transform_indices = @transform_20, window_bounds = array<i64: 3200, 64>}, {transform_indices = @transform_21, window_bounds = array<i64: 3200, 128>}]} {
    %get3A = arith.constant 0 : index
    %get3A_0 = arith.constant 0 : index
    %get3A_1 = vector.load %arg3[%get3A, %get3A_0] : memref<3200x32xf32, #tpu.memory_space<vmem>>, vector<3200x32xf32>
    %get3A_2 = arith.constant 0 : index
    %get3A_3 = arith.constant 0 : index
    %get3A_4 = vector.load %arg4[%get3A_2, %get3A_3] : memref<32x64xf32, #tpu.memory_space<vmem>>, vector<32x64xf32>
    %dot_general3A = arith.constant dense<0.000000e+00> : vector<3200x64xf32>
    %dot_general3A_5 = tpu.matmul %get3A_1, %get3A_4, %dot_general3A {dimension_numbers = #tpu.dot_dimension_numbers<[1], [0], [0], [1], [0, 0, 1, 1], [], []>, transpose_lhs_hint = false} : vector<3200x32xf32>, vector<32x64xf32>, vector<3200x64xf32> -> vector<3200x64xf32>
    %get3A_6 = arith.constant 0 : index
    %get3A_7 = arith.constant 0 : index
    %get3A_8 = vector.load %arg5[%get3A_6, %get3A_7] : memref<1x64xf32, #tpu.memory_space<vmem>>, vector<1x64xf32>
    %add3A = vector.broadcast %get3A_8 : vector<1x64xf32> to vector<3200x64xf32>
    %add3A_9 = arith.addf %dot_general3A_5, %add3A : vector<3200x64xf32>
    %exp3A = math.exp %add3A_9 : vector<3200x64xf32>
    %log1p3A = math.log1p %exp3A : vector<3200x64xf32>
    %gt3A = arith.constant 2.000000e+01 : f32
    %gt3A_10 = vector.broadcast %gt3A : f32 to vector<3200x64xf32>
    %gt3A_11 = arith.cmpf ogt, %add3A_9, %gt3A_10 : vector<3200x64xf32>
    %select_n3A = arith.select %gt3A_11, %add3A_9, %log1p3A : vector<3200x64xi1>, vector<3200x64xf32>
    %get3A_12 = arith.constant 0 : index
    %get3A_13 = arith.constant 0 : index
    %get3A_14 = vector.load %arg6[%get3A_12, %get3A_13] : memref<64x64xf32, #tpu.memory_space<vmem>>, vector<64x64xf32>
    %dot_general3A_15 = arith.constant dense<0.000000e+00> : vector<3200x64xf32>
    %dot_general3A_16 = tpu.matmul %select_n3A, %get3A_14, %dot_general3A_15 {dimension_numbers = #tpu.dot_dimension_numbers<[1], [0], [0], [1], [0, 0, 1, 1], [], []>, transpose_lhs_hint = false} : vector<3200x64xf32>, vector<64x64xf32>, vector<3200x64xf32> -> vector<3200x64xf32>
    %get3A_17 = arith.constant 0 : index
    %get3A_18 = arith.constant 0 : index
    %get3A_19 = vector.load %arg7[%get3A_17, %get3A_18] : memref<1x64xf32, #tpu.memory_space<vmem>>, vector<1x64xf32>
    %add3A_20 = vector.broadcast %get3A_19 : vector<1x64xf32> to vector<3200x64xf32>
    %add3A_21 = arith.addf %dot_general3A_16, %add3A_20 : vector<3200x64xf32>
    %get3A_22 = arith.constant 0 : index
    %get3A_23 = arith.constant 0 : index
    %get3A_24 = vector.load %arg1[%get3A_22, %get3A_23] : memref<3200x128xf32, #tpu.memory_space<vmem>>, vector<3200x128xf32>
    %get3A_25 = arith.constant 0 : index
    %get3A_26 = arith.constant 0 : index
    %get3A_27 = vector.load %arg2[%get3A_25, %get3A_26] : memref<3200x128xf32, #tpu.memory_space<vmem>>, vector<3200x128xf32>
    %mul3A = arith.mulf %get3A_24, %get3A_27 : vector<3200x128xf32>
    %get3A_28 = arith.constant 0 : index
    %get3A_29 = arith.constant 0 : index
    %get3A_30 = vector.load %arg8[%get3A_28, %get3A_29] : memref<128x128xf32, #tpu.memory_space<vmem>>, vector<128x128xf32>
    %dot_general3A_31 = arith.constant dense<0.000000e+00> : vector<3200x128xf32>
    %dot_general3A_32 = tpu.matmul %mul3A, %get3A_30, %dot_general3A_31 {dimension_numbers = #tpu.dot_dimension_numbers<[1], [0], [0], [1], [0, 0, 1, 1], [], []>, transpose_lhs_hint = false} : vector<3200x128xf32>, vector<128x128xf32>, vector<3200x128xf32> -> vector<3200x128xf32>
    %get3A_33 = arith.constant 0 : index
    %get3A_34 = arith.constant 0 : index
    %get3A_35 = vector.load %arg9[%get3A_33, %get3A_34] : memref<1x128xf32, #tpu.memory_space<vmem>>, vector<1x128xf32>
    %add3A_36 = vector.broadcast %get3A_35 : vector<1x128xf32> to vector<3200x128xf32>
    %add3A_37 = arith.addf %dot_general3A_32, %add3A_36 : vector<3200x128xf32>
    %exp3A_38 = math.exp %add3A_37 : vector<3200x128xf32>
    %log1p3A_39 = math.log1p %exp3A_38 : vector<3200x128xf32>
    %gt3A_40 = arith.constant 2.000000e+01 : f32
    %gt3A_41 = vector.broadcast %gt3A_40 : f32 to vector<3200x128xf32>
    %gt3A_42 = arith.cmpf ogt, %add3A_37, %gt3A_41 : vector<3200x128xf32>
    %select_n3A_43 = arith.select %gt3A_42, %add3A_37, %log1p3A_39 : vector<3200x128xi1>, vector<3200x128xf32>
    %get3A_44 = arith.constant 0 : index
    %get3A_45 = arith.constant 0 : index
    %get3A_46 = vector.load %arg10[%get3A_44, %get3A_45] : memref<128x128xf32, #tpu.memory_space<vmem>>, vector<128x128xf32>
    %dot_general3A_47 = arith.constant dense<0.000000e+00> : vector<3200x128xf32>
    %dot_general3A_48 = tpu.matmul %select_n3A_43, %get3A_46, %dot_general3A_47 {dimension_numbers = #tpu.dot_dimension_numbers<[1], [0], [0], [1], [0, 0, 1, 1], [], []>, transpose_lhs_hint = false} : vector<3200x128xf32>, vector<128x128xf32>, vector<3200x128xf32> -> vector<3200x128xf32>
    %get3A_49 = arith.constant 0 : index
    %get3A_50 = arith.constant 0 : index
    %get3A_51 = vector.load %arg11[%get3A_49, %get3A_50] : memref<1x128xf32, #tpu.memory_space<vmem>>, vector<1x128xf32>
    %add3A_52 = vector.broadcast %get3A_51 : vector<1x128xf32> to vector<3200x128xf32>
    %add3A_53 = arith.addf %dot_general3A_48, %add3A_52 : vector<3200x128xf32>
    %exp3A_54 = math.exp %add3A_53 : vector<3200x128xf32>
    %log1p3A_55 = math.log1p %exp3A_54 : vector<3200x128xf32>
    %gt3A_56 = arith.constant 2.000000e+01 : f32
    %gt3A_57 = vector.broadcast %gt3A_56 : f32 to vector<3200x128xf32>
    %gt3A_58 = arith.cmpf ogt, %add3A_53, %gt3A_57 : vector<3200x128xf32>
    %select_n3A_59 = arith.select %gt3A_58, %add3A_53, %log1p3A_55 : vector<3200x128xi1>, vector<3200x128xf32>
    %get3A_60 = arith.constant 0 : index
    %get3A_61 = arith.constant 0 : index
    %get3A_62 = vector.load %arg12[%get3A_60, %get3A_61] : memref<128x64xf32, #tpu.memory_space<vmem>>, vector<128x64xf32>
    %dot_general3A_63 = arith.constant dense<0.000000e+00> : vector<3200x64xf32>
    %dot_general3A_64 = tpu.matmul %select_n3A_59, %get3A_62, %dot_general3A_63 {dimension_numbers = #tpu.dot_dimension_numbers<[1], [0], [0], [1], [0, 0, 1, 1], [], []>, transpose_lhs_hint = false} : vector<3200x128xf32>, vector<128x64xf32>, vector<3200x64xf32> -> vector<3200x64xf32>
    %get3A_65 = arith.constant 0 : index
    %get3A_66 = arith.constant 0 : index
    %get3A_67 = vector.load %arg13[%get3A_65, %get3A_66] : memref<1x64xf32, #tpu.memory_space<vmem>>, vector<1x64xf32>
    %add3A_68 = vector.broadcast %get3A_67 : vector<1x64xf32> to vector<3200x64xf32>
    %add3A_69 = arith.addf %dot_general3A_64, %add3A_68 : vector<3200x64xf32>
    %add3A_70 = arith.addf %add3A_69, %add3A_21 : vector<3200x64xf32>
    %swap3A = arith.constant 0 : index
    %swap3A_71 = arith.constant 0 : index
    %swap3A_72 = vector.load %arg21[%swap3A, %swap3A_71] : memref<3200x64xf32, #tpu.memory_space<vmem>>, vector<3200x64xf32>
    tpu.vector_store %arg21[%swap3A, %swap3A_71], %add3A_70 {strides = array<i32>} : memref<3200x64xf32, #tpu.memory_space<vmem>>, vector<3200x64xf32>,
    %get3A_73 = arith.constant 0 : index
    %get3A_74 = arith.constant 0 : index
    %get3A_75 = vector.load %arg2[%get3A_73, %get3A_74] : memref<3200x128xf32, #tpu.memory_space<vmem>>, vector<3200x128xf32>
    %get3A_76 = arith.constant 0 : index
    %get3A_77 = arith.constant 0 : index
    %get3A_78 = vector.load %arg14[%get3A_76, %get3A_77] : memref<128x128xf32, #tpu.memory_space<vmem>>, vector<128x128xf32>
    %dot_general3A_79 = arith.constant dense<0.000000e+00> : vector<3200x128xf32>
    %dot_general3A_80 = tpu.matmul %get3A_75, %get3A_78, %dot_general3A_79 {dimension_numbers = #tpu.dot_dimension_numbers<[1], [0], [0], [1], [0, 0, 1, 1], [], []>, transpose_lhs_hint = false} : vector<3200x128xf32>, vector<128x128xf32>, vector<3200x128xf32> -> vector<3200x128xf32>
    %get3A_81 = arith.constant 0 : index
    %get3A_82 = arith.constant 0 : index
    %get3A_83 = vector.load %arg15[%get3A_81, %get3A_82] : memref<64x128xf32, #tpu.memory_space<vmem>>, vector<64x128xf32>
    %dot_general3A_84 = arith.constant dense<0.000000e+00> : vector<3200x128xf32>
    %dot_general3A_85 = tpu.matmul %add3A_70, %get3A_83, %dot_general3A_84 {dimension_numbers = #tpu.dot_dimension_numbers<[1], [0], [0], [1], [0, 0, 1, 1], [], []>, transpose_lhs_hint = false} : vector<3200x64xf32>, vector<64x128xf32>, vector<3200x128xf32> -> vector<3200x128xf32>
    %add3A_86 = arith.addf %dot_general3A_80, %dot_general3A_85 : vector<3200x128xf32>
    %get3A_87 = arith.constant 0 : index
    %get3A_88 = arith.constant 0 : index
    %get3A_89 = vector.load %arg16[%get3A_87, %get3A_88] : memref<1x128xf32, #tpu.memory_space<vmem>>, vector<1x128xf32>
    %add3A_90 = vector.broadcast %get3A_89 : vector<1x128xf32> to vector<3200x128xf32>
    %add3A_91 = arith.addf %add3A_86, %add3A_90 : vector<3200x128xf32>
    %exp3A_92 = math.exp %add3A_91 : vector<3200x128xf32>
    %log1p3A_93 = math.log1p %exp3A_92 : vector<3200x128xf32>
    %gt3A_94 = arith.constant 2.000000e+01 : f32
    %gt3A_95 = vector.broadcast %gt3A_94 : f32 to vector<3200x128xf32>
    %gt3A_96 = arith.cmpf ogt, %add3A_91, %gt3A_95 : vector<3200x128xf32>
    %select_n3A_97 = arith.select %gt3A_96, %add3A_91, %log1p3A_93 : vector<3200x128xi1>, vector<3200x128xf32>
    %get3A_98 = arith.constant 0 : index
    %get3A_99 = arith.constant 0 : index
    %get3A_100 = vector.load %arg17[%get3A_98, %get3A_99] : memref<128x128xf32, #tpu.memory_space<vmem>>, vector<128x128xf32>
    %dot_general3A_101 = arith.constant dense<0.000000e+00> : vector<3200x128xf32>
    %dot_general3A_102 = tpu.matmul %select_n3A_97, %get3A_100, %dot_general3A_101 {dimension_numbers = #tpu.dot_dimension_numbers<[1], [0], [0], [1], [0, 0, 1, 1], [], []>, transpose_lhs_hint = false} : vector<3200x128xf32>, vector<128x128xf32>, vector<3200x128xf32> -> vector<3200x128xf32>
    %get3A_103 = arith.constant 0 : index
    %get3A_104 = arith.constant 0 : index
    %get3A_105 = vector.load %arg18[%get3A_103, %get3A_104] : memref<1x128xf32, #tpu.memory_space<vmem>>, vector<1x128xf32>
    %add3A_106 = vector.broadcast %get3A_105 : vector<1x128xf32> to vector<3200x128xf32>
    %add3A_107 = arith.addf %dot_general3A_102, %add3A_106 : vector<3200x128xf32>
    %exp3A_108 = math.exp %add3A_107 : vector<3200x128xf32>
    %log1p3A_109 = math.log1p %exp3A_108 : vector<3200x128xf32>
    %gt3A_110 = arith.constant 2.000000e+01 : f32
    %gt3A_111 = vector.broadcast %gt3A_110 : f32 to vector<3200x128xf32>
    %gt3A_112 = arith.cmpf ogt, %add3A_107, %gt3A_111 : vector<3200x128xf32>
    %select_n3A_113 = arith.select %gt3A_112, %add3A_107, %log1p3A_109 : vector<3200x128xi1>, vector<3200x128xf32>
    %get3A_114 = arith.constant 0 : index
    %get3A_115 = arith.constant 0 : index
    %get3A_116 = vector.load %arg19[%get3A_114, %get3A_115] : memref<128x128xf32, #tpu.memory_space<vmem>>, vector<128x128xf32>
    %dot_general3A_117 = arith.constant dense<0.000000e+00> : vector<3200x128xf32>
    %dot_general3A_118 = tpu.matmul %select_n3A_113, %get3A_116, %dot_general3A_117 {dimension_numbers = #tpu.dot_dimension_numbers<[1], [0], [0], [1], [0, 0, 1, 1], [], []>, transpose_lhs_hint = false} : vector<3200x128xf32>, vector<128x128xf32>, vector<3200x128xf32> -> vector<3200x128xf32>
    %get3A_119 = arith.constant 0 : index
    %get3A_120 = arith.constant 0 : index
    %get3A_121 = vector.load %arg20[%get3A_119, %get3A_120] : memref<1x128xf32, #tpu.memory_space<vmem>>, vector<1x128xf32>
    %add3A_122 = vector.broadcast %get3A_121 : vector<1x128xf32> to vector<3200x128xf32>
    %add3A_123 = arith.addf %dot_general3A_118, %add3A_122 : vector<3200x128xf32>
    %swap3A_124 = arith.constant 0 : index
    %swap3A_125 = arith.constant 0 : index
    %swap3A_126 = vector.load %arg22[%swap3A_124, %swap3A_125] : memref<3200x128xf32, #tpu.memory_space<vmem>>, vector<3200x128xf32>
    tpu.vector_store %arg22[%swap3A_124, %swap3A_125], %add3A_123 {strides = array<i32>} : memref<3200x128xf32, #tpu.memory_space<vmem>>, vector<3200x128xf32>,
    return
  }
  func.func @transform_0(%arg0: i32) -> (i32, i32) {
    %c0_i32 = arith.constant 0 : i32
    %c0_i32_0 = arith.constant 0 : i32
    return %arg0, %c0_i32 : i32, i32
  }
  func.func @transform_1(%arg0: i32) -> (i32, i32) {
    %c0_i32 = arith.constant 0 : i32
    %c0_i32_0 = arith.constant 0 : i32
    return %arg0, %c0_i32 : i32, i32
  }
  func.func @transform_2(%arg0: i32) -> (i32, i32) {
    %add3A = arith.constant 0 : i32
    %add3A_0 = arith.addi %arg0, %add3A : i32
    %c0_i32 = arith.constant 0 : i32
    %c0_i32_1 = arith.constant 0 : i32
    return %add3A_0, %c0_i32 : i32, i32
  }
  func.func @transform_3(%arg0: i32) -> (i32, i32) {
    %c0_i32 = arith.constant 0 : i32
    %c0_i32_0 = arith.constant 0 : i32
    %c0_i32_1 = arith.constant 0 : i32
    return %c0_i32, %c0_i32_0 : i32, i32
  }
  func.func @transform_4(%arg0: i32) -> (i32, i32) {
    %c0_i32 = arith.constant 0 : i32
    %c0_i32_0 = arith.constant 0 : i32
    %c0_i32_1 = arith.constant 0 : i32
    return %c0_i32, %c0_i32_0 : i32, i32
  }
  func.func @transform_5(%arg0: i32) -> (i32, i32) {
    %c0_i32 = arith.constant 0 : i32
    %c0_i32_0 = arith.constant 0 : i32
    %c0_i32_1 = arith.constant 0 : i32
    return %c0_i32, %c0_i32_0 : i32, i32
  }
  func.func @transform_6(%arg0: i32) -> (i32, i32) {
    %c0_i32 = arith.constant 0 : i32
    %c0_i32_0 = arith.constant 0 : i32
    %c0_i32_1 = arith.constant 0 : i32
    return %c0_i32, %c0_i32_0 : i32, i32
  }
  func.func @transform_7(%arg0: i32) -> (i32, i32) {
    %c0_i32 = arith.constant 0 : i32
    %c0_i32_0 = arith.constant 0 : i32
    %c0_i32_1 = arith.constant 0 : i32
    return %c0_i32, %c0_i32_0 : i32, i32
  }
  func.func @transform_8(%arg0: i32) -> (i32, i32) {
    %c0_i32 = arith.constant 0 : i32
    %c0_i32_0 = arith.constant 0 : i32
    %c0_i32_1 = arith.constant 0 : i32
    return %c0_i32, %c0_i32_0 : i32, i32
  }
  func.func @transform_9(%arg0: i32) -> (i32, i32) {
    %c0_i32 = arith.constant 0 : i32
    %c0_i32_0 = arith.constant 0 : i32
    %c0_i32_1 = arith.constant 0 : i32
    return %c0_i32, %c0_i32_0 : i32, i32
  }
  func.func @transform_10(%arg0: i32) -> (i32, i32) {
    %c0_i32 = arith.constant 0 : i32
    %c0_i32_0 = arith.constant 0 : i32
    %c0_i32_1 = arith.constant 0 : i32
    return %c0_i32, %c0_i32_0 : i32, i32
  }
  func.func @transform_11(%arg0: i32) -> (i32, i32) {
    %c0_i32 = arith.constant 0 : i32
    %c0_i32_0 = arith.constant 0 : i32
    %c0_i32_1 = arith.constant 0 : i32
    return %c0_i32, %c0_i32_0 : i32, i32
  }
  func.func @transform_12(%arg0: i32) -> (i32, i32) {
    %c0_i32 = arith.constant 0 : i32
    %c0_i32_0 = arith.constant 0 : i32
    %c0_i32_1 = arith.constant 0 : i32
    return %c0_i32, %c0_i32_0 : i32, i32
  }
  func.func @transform_13(%arg0: i32) -> (i32, i32) {
    %c0_i32 = arith.constant 0 : i32
    %c0_i32_0 = arith.constant 0 : i32
    %c0_i32_1 = arith.constant 0 : i32
    return %c0_i32, %c0_i32_0 : i32, i32
  }
  func.func @transform_14(%arg0: i32) -> (i32, i32) {
    %c0_i32 = arith.constant 0 : i32
    %c0_i32_0 = arith.constant 0 : i32
    %c0_i32_1 = arith.constant 0 : i32
    return %c0_i32, %c0_i32_0 : i32, i32
  }
  func.func @transform_15(%arg0: i32) -> (i32, i32) {
    %c0_i32 = arith.constant 0 : i32
    %c0_i32_0 = arith.constant 0 : i32
    %c0_i32_1 = arith.constant 0 : i32
    return %c0_i32, %c0_i32_0 : i32, i32
  }
  func.func @transform_16(%arg0: i32) -> (i32, i32) {
    %c0_i32 = arith.constant 0 : i32
    %c0_i32_0 = arith.constant 0 : i32
    %c0_i32_1 = arith.constant 0 : i32
    return %c0_i32, %c0_i32_0 : i32, i32
  }
  func.func @transform_17(%arg0: i32) -> (i32, i32) {
    %c0_i32 = arith.constant 0 : i32
    %c0_i32_0 = arith.constant 0 : i32
    %c0_i32_1 = arith.constant 0 : i32
    return %c0_i32, %c0_i32_0 : i32, i32
  }
  func.func @transform_18(%arg0: i32) -> (i32, i32) {
    %c0_i32 = arith.constant 0 : i32
    %c0_i32_0 = arith.constant 0 : i32
    %c0_i32_1 = arith.constant 0 : i32
    return %c0_i32, %c0_i32_0 : i32, i32
  }
  func.func @transform_19(%arg0: i32) -> (i32, i32) {
    %c0_i32 = arith.constant 0 : i32
    %c0_i32_0 = arith.constant 0 : i32
    %c0_i32_1 = arith.constant 0 : i32
    return %c0_i32, %c0_i32_0 : i32, i32
  }
  func.func @transform_20(%arg0: i32) -> (i32, i32) {
    %c0_i32 = arith.constant 0 : i32
    %c0_i32_0 = arith.constant 0 : i32
    return %arg0, %c0_i32 : i32, i32
  }
  func.func @transform_21(%arg0: i32) -> (i32, i32) {
    %c0_i32 = arith.constant 0 : i32
    %c0_i32_0 = arith.constant 0 : i32
    return %arg0, %c0_i32 : i32, i32
  }
}

module attributes {stable_mosaic.version = 14 : i64} {
  func.func @_edge_first_body(%arg0: i32, %arg1: memref<3200x128xf32, #tpu.memory_space<vmem>>, %arg2: memref<3200x128xf32, #tpu.memory_space<vmem>>, %arg3: memref<3200x32xf32, #tpu.memory_space<vmem>>, %arg4: memref<32x64xf32, #tpu.memory_space<vmem>>, %arg5: memref<1x64xf32, #tpu.memory_space<vmem>>, %arg6: memref<64x64xf32, #tpu.memory_space<vmem>>, %arg7: memref<1x64xf32, #tpu.memory_space<vmem>>, %arg8: memref<128x128xf32, #tpu.memory_space<vmem>>, %arg9: memref<1x128xf32, #tpu.memory_space<vmem>>, %arg10: memref<128x128xf32, #tpu.memory_space<vmem>>, %arg11: memref<1x128xf32, #tpu.memory_space<vmem>>, %arg12: memref<128x64xf32, #tpu.memory_space<vmem>>, %arg13: memref<1x64xf32, #tpu.memory_space<vmem>>, %arg14: memref<128x128xf32, #tpu.memory_space<vmem>>, %arg15: memref<64x128xf32, #tpu.memory_space<vmem>>, %arg16: memref<1x128xf32, #tpu.memory_space<vmem>>, %arg17: memref<128x128xf32, #tpu.memory_space<vmem>>, %arg18: memref<1x128xf32, #tpu.memory_space<vmem>>, %arg19: memref<128x128xf32, #tpu.memory_space<vmem>>, %arg20: memref<1x128xf32, #tpu.memory_space<vmem>>, %arg21: memref<3200x64xf32, #tpu.memory_space<vmem>>, %arg22: memref<3200x128xf32, #tpu.memory_space<vmem>>) attributes {dimension_semantics = [#tpu.dimension_semantics<arbitrary>], iteration_bounds = array<i64: 25>, scalar_prefetch = 0 : i64, scratch_operands = 0 : i64, tpu.core_type = #tpu.core_type<tc>, window_params = [{transform_indices = @transform_0, window_bounds = array<i64: 3200, 128>}, {transform_indices = @transform_1, window_bounds = array<i64: 3200, 128>}, {transform_indices = @transform_2, window_bounds = array<i64: 3200, 32>}, {pipeline_mode = #tpu.pipeline_mode<synchronous>, transform_indices = @transform_3, window_bounds = array<i64: 32, 64>}, {pipeline_mode = #tpu.pipeline_mode<synchronous>, transform_indices = @transform_4, window_bounds = array<i64: 1, 64>}, {pipeline_mode = #tpu.pipeline_mode<synchronous>, transform_indices = @transform_5, window_bounds = array<i64: 64, 64>}, {pipeline_mode = #tpu.pipeline_mode<synchronous>, transform_indices = @transform_6, window_bounds = array<i64: 1, 64>}, {pipeline_mode = #tpu.pipeline_mode<synchronous>, transform_indices = @transform_7, window_bounds = array<i64: 128, 128>}, {pipeline_mode = #tpu.pipeline_mode<synchronous>, transform_indices = @transform_8, window_bounds = array<i64: 1, 128>}, {pipeline_mode = #tpu.pipeline_mode<synchronous>, transform_indices = @transform_9, window_bounds = array<i64: 128, 128>}, {pipeline_mode = #tpu.pipeline_mode<synchronous>, transform_indices = @transform_10, window_bounds = array<i64: 1, 128>}, {pipeline_mode = #tpu.pipeline_mode<synchronous>, transform_indices = @transform_11, window_bounds = array<i64: 128, 64>}, {pipeline_mode = #tpu.pipeline_mode<synchronous>, transform_indices = @transform_12, window_bounds = array<i64: 1, 64>}, {pipeline_mode = #tpu.pipeline_mode<synchronous>, transform_indices = @transform_13, window_bounds = array<i64: 128, 128>}, {pipeline_mode = #tpu.pipeline_mode<synchronous>, transform_indices = @transform_14, window_bounds = array<i64: 64, 128>}, {pipeline_mode = #tpu.pipeline_mode<synchronous>, transform_indices = @transform_15, window_bounds = array<i64: 1, 128>}, {pipeline_mode = #tpu.pipeline_mode<synchronous>, transform_indices = @transform_16, window_bounds = array<i64: 128, 128>}, {pipeline_mode = #tpu.pipeline_mode<synchronous>, transform_indices = @transform_17, window_bounds = array<i64: 1, 128>}, {pipeline_mode = #tpu.pipeline_mode<synchronous>, transform_indices = @transform_18, window_bounds = array<i64: 128, 128>}, {pipeline_mode = #tpu.pipeline_mode<synchronous>, transform_indices = @transform_19, window_bounds = array<i64: 1, 128>}, {transform_indices = @transform_20, window_bounds = array<i64: 3200, 64>}, {transform_indices = @transform_21, window_bounds = array<i64: 3200, 128>}]} {
    %get3A = arith.constant 0 : index
    %get3A_0 = arith.constant 0 : index
    %get3A_1 = vector.load %arg3[%get3A, %get3A_0] : memref<3200x32xf32, #tpu.memory_space<vmem>>, vector<3200x32xf32>
    %get3A_2 = arith.constant 0 : index
    %get3A_3 = arith.constant 0 : index
    %get3A_4 = vector.load %arg4[%get3A_2, %get3A_3] : memref<32x64xf32, #tpu.memory_space<vmem>>, vector<32x64xf32>
    %dot_general3A = arith.constant dense<0.000000e+00> : vector<3200x64xf32>
    %dot_general3A_5 = tpu.matmul %get3A_1, %get3A_4, %dot_general3A {dimension_numbers = #tpu.dot_dimension_numbers<[1], [0], [0], [1], [0, 0, 1, 1], [], []>, transpose_lhs_hint = false} : vector<3200x32xf32>, vector<32x64xf32>, vector<3200x64xf32> -> vector<3200x64xf32>
    %get3A_6 = arith.constant 0 : index
    %get3A_7 = arith.constant 0 : index
    %get3A_8 = vector.load %arg5[%get3A_6, %get3A_7] : memref<1x64xf32, #tpu.memory_space<vmem>>, vector<1x64xf32>
    %add3A = vector.broadcast %get3A_8 : vector<1x64xf32> to vector<3200x64xf32>
    %add3A_9 = arith.addf %dot_general3A_5, %add3A : vector<3200x64xf32>
    %exp3A = math.exp %add3A_9 : vector<3200x64xf32>
    %log1p3A = math.log1p %exp3A : vector<3200x64xf32>
    %gt3A = arith.constant 2.000000e+01 : f32
    %gt3A_10 = vector.broadcast %gt3A : f32 to vector<3200x64xf32>
    %gt3A_11 = arith.cmpf ogt, %add3A_9, %gt3A_10 : vector<3200x64xf32>
    %select_n3A = arith.select %gt3A_11, %add3A_9, %log1p3A : vector<3200x64xi1>, vector<3200x64xf32>
    %get3A_12 = arith.constant 0 : index
    %get3A_13 = arith.constant 0 : index
    %get3A_14 = vector.load %arg6[%get3A_12, %get3A_13] : memref<64x64xf32, #tpu.memory_space<vmem>>, vector<64x64xf32>
    %dot_general3A_15 = arith.constant dense<0.000000e+00> : vector<3200x64xf32>
    %dot_general3A_16 = tpu.matmul %select_n3A, %get3A_14, %dot_general3A_15 {dimension_numbers = #tpu.dot_dimension_numbers<[1], [0], [0], [1], [0, 0, 1, 1], [], []>, transpose_lhs_hint = false} : vector<3200x64xf32>, vector<64x64xf32>, vector<3200x64xf32> -> vector<3200x64xf32>
    %get3A_17 = arith.constant 0 : index
    %get3A_18 = arith.constant 0 : index
    %get3A_19 = vector.load %arg7[%get3A_17, %get3A_18] : memref<1x64xf32, #tpu.memory_space<vmem>>, vector<1x64xf32>
    %add3A_20 = vector.broadcast %get3A_19 : vector<1x64xf32> to vector<3200x64xf32>
    %add3A_21 = arith.addf %dot_general3A_16, %add3A_20 : vector<3200x64xf32>
    %get3A_22 = arith.constant 0 : index
    %get3A_23 = arith.constant 0 : index
    %get3A_24 = vector.load %arg1[%get3A_22, %get3A_23] : memref<3200x128xf32, #tpu.memory_space<vmem>>, vector<3200x128xf32>
    %get3A_25 = arith.constant 0 : index
    %get3A_26 = arith.constant 0 : index
    %get3A_27 = vector.load %arg2[%get3A_25, %get3A_26] : memref<3200x128xf32, #tpu.memory_space<vmem>>, vector<3200x128xf32>
    %mul3A = arith.mulf %get3A_24, %get3A_27 : vector<3200x128xf32>
    %get3A_28 = arith.constant 0 : index
    %get3A_29 = arith.constant 0 : index
    %get3A_30 = vector.load %arg8[%get3A_28, %get3A_29] : memref<128x128xf32, #tpu.memory_space<vmem>>, vector<128x128xf32>
    %dot_general3A_31 = arith.constant dense<0.000000e+00> : vector<3200x128xf32>
    %dot_general3A_32 = tpu.matmul %mul3A, %get3A_30, %dot_general3A_31 {dimension_numbers = #tpu.dot_dimension_numbers<[1], [0], [0], [1], [0, 0, 1, 1], [], []>, transpose_lhs_hint = false} : vector<3200x128xf32>, vector<128x128xf32>, vector<3200x128xf32> -> vector<3200x128xf32>
    %get3A_33 = arith.constant 0 : index
    %get3A_34 = arith.constant 0 : index
    %get3A_35 = vector.load %arg9[%get3A_33, %get3A_34] : memref<1x128xf32, #tpu.memory_space<vmem>>, vector<1x128xf32>
    %add3A_36 = vector.broadcast %get3A_35 : vector<1x128xf32> to vector<3200x128xf32>
    %add3A_37 = arith.addf %dot_general3A_32, %add3A_36 : vector<3200x128xf32>
    %exp3A_38 = math.exp %add3A_37 : vector<3200x128xf32>
    %log1p3A_39 = math.log1p %exp3A_38 : vector<3200x128xf32>
    %gt3A_40 = arith.constant 2.000000e+01 : f32
    %gt3A_41 = vector.broadcast %gt3A_40 : f32 to vector<3200x128xf32>
    %gt3A_42 = arith.cmpf ogt, %add3A_37, %gt3A_41 : vector<3200x128xf32>
    %select_n3A_43 = arith.select %gt3A_42, %add3A_37, %log1p3A_39 : vector<3200x128xi1>, vector<3200x128xf32>
    %get3A_44 = arith.constant 0 : index
    %get3A_45 = arith.constant 0 : index
    %get3A_46 = vector.load %arg10[%get3A_44, %get3A_45] : memref<128x128xf32, #tpu.memory_space<vmem>>, vector<128x128xf32>
    %dot_general3A_47 = arith.constant dense<0.000000e+00> : vector<3200x128xf32>
    %dot_general3A_48 = tpu.matmul %select_n3A_43, %get3A_46, %dot_general3A_47 {dimension_numbers = #tpu.dot_dimension_numbers<[1], [0], [0], [1], [0, 0, 1, 1], [], []>, transpose_lhs_hint = false} : vector<3200x128xf32>, vector<128x128xf32>, vector<3200x128xf32> -> vector<3200x128xf32>
    %get3A_49 = arith.constant 0 : index
    %get3A_50 = arith.constant 0 : index
    %get3A_51 = vector.load %arg11[%get3A_49, %get3A_50] : memref<1x128xf32, #tpu.memory_space<vmem>>, vector<1x128xf32>
    %add3A_52 = vector.broadcast %get3A_51 : vector<1x128xf32> to vector<3200x128xf32>
    %add3A_53 = arith.addf %dot_general3A_48, %add3A_52 : vector<3200x128xf32>
    %exp3A_54 = math.exp %add3A_53 : vector<3200x128xf32>
    %log1p3A_55 = math.log1p %exp3A_54 : vector<3200x128xf32>
    %gt3A_56 = arith.constant 2.000000e+01 : f32
    %gt3A_57 = vector.broadcast %gt3A_56 : f32 to vector<3200x128xf32>
    %gt3A_58 = arith.cmpf ogt, %add3A_53, %gt3A_57 : vector<3200x128xf32>
    %select_n3A_59 = arith.select %gt3A_58, %add3A_53, %log1p3A_55 : vector<3200x128xi1>, vector<3200x128xf32>
    %get3A_60 = arith.constant 0 : index
    %get3A_61 = arith.constant 0 : index
    %get3A_62 = vector.load %arg12[%get3A_60, %get3A_61] : memref<128x64xf32, #tpu.memory_space<vmem>>, vector<128x64xf32>
    %dot_general3A_63 = arith.constant dense<0.000000e+00> : vector<3200x64xf32>
    %dot_general3A_64 = tpu.matmul %select_n3A_59, %get3A_62, %dot_general3A_63 {dimension_numbers = #tpu.dot_dimension_numbers<[1], [0], [0], [1], [0, 0, 1, 1], [], []>, transpose_lhs_hint = false} : vector<3200x128xf32>, vector<128x64xf32>, vector<3200x64xf32> -> vector<3200x64xf32>
    %get3A_65 = arith.constant 0 : index
    %get3A_66 = arith.constant 0 : index
    %get3A_67 = vector.load %arg13[%get3A_65, %get3A_66] : memref<1x64xf32, #tpu.memory_space<vmem>>, vector<1x64xf32>
    %add3A_68 = vector.broadcast %get3A_67 : vector<1x64xf32> to vector<3200x64xf32>
    %add3A_69 = arith.addf %dot_general3A_64, %add3A_68 : vector<3200x64xf32>
    %add3A_70 = arith.addf %add3A_69, %add3A_21 : vector<3200x64xf32>
    %swap3A = arith.constant 0 : index
    %swap3A_71 = arith.constant 0 : index
    %swap3A_72 = vector.load %arg21[%swap3A, %swap3A_71] : memref<3200x64xf32, #tpu.memory_space<vmem>>, vector<3200x64xf32>
    tpu.vector_store %arg21[%swap3A, %swap3A_71], %add3A_70 {strides = array<i32>} : memref<3200x64xf32, #tpu.memory_space<vmem>>, vector<3200x64xf32>,
    %get3A_73 = arith.constant 0 : index
    %get3A_74 = arith.constant 0 : index
    %get3A_75 = vector.load %arg2[%get3A_73, %get3A_74] : memref<3200x128xf32, #tpu.memory_space<vmem>>, vector<3200x128xf32>
    %get3A_76 = arith.constant 0 : index
    %get3A_77 = arith.constant 0 : index
    %get3A_78 = vector.load %arg14[%get3A_76, %get3A_77] : memref<128x128xf32, #tpu.memory_space<vmem>>, vector<128x128xf32>
    %dot_general3A_79 = arith.constant dense<0.000000e+00> : vector<3200x128xf32>
    %dot_general3A_80 = tpu.matmul %get3A_75, %get3A_78, %dot_general3A_79 {dimension_numbers = #tpu.dot_dimension_numbers<[1], [0], [0], [1], [0, 0, 1, 1], [], []>, transpose_lhs_hint = false} : vector<3200x128xf32>, vector<128x128xf32>, vector<3200x128xf32> -> vector<3200x128xf32>
    %get3A_81 = arith.constant 0 : index
    %get3A_82 = arith.constant 0 : index
    %get3A_83 = vector.load %arg15[%get3A_81, %get3A_82] : memref<64x128xf32, #tpu.memory_space<vmem>>, vector<64x128xf32>
    %dot_general3A_84 = arith.constant dense<0.000000e+00> : vector<3200x128xf32>
    %dot_general3A_85 = tpu.matmul %add3A_70, %get3A_83, %dot_general3A_84 {dimension_numbers = #tpu.dot_dimension_numbers<[1], [0], [0], [1], [0, 0, 1, 1], [], []>, transpose_lhs_hint = false} : vector<3200x64xf32>, vector<64x128xf32>, vector<3200x128xf32> -> vector<3200x128xf32>
    %add3A_86 = arith.addf %dot_general3A_80, %dot_general3A_85 : vector<3200x128xf32>
    %get3A_87 = arith.constant 0 : index
    %get3A_88 = arith.constant 0 : index
    %get3A_89 = vector.load %arg16[%get3A_87, %get3A_88] : memref<1x128xf32, #tpu.memory_space<vmem>>, vector<1x128xf32>
    %add3A_90 = vector.broadcast %get3A_89 : vector<1x128xf32> to vector<3200x128xf32>
    %add3A_91 = arith.addf %add3A_86, %add3A_90 : vector<3200x128xf32>
    %exp3A_92 = math.exp %add3A_91 : vector<3200x128xf32>
    %log1p3A_93 = math.log1p %exp3A_92 : vector<3200x128xf32>
    %gt3A_94 = arith.constant 2.000000e+01 : f32
    %gt3A_95 = vector.broadcast %gt3A_94 : f32 to vector<3200x128xf32>
    %gt3A_96 = arith.cmpf ogt, %add3A_91, %gt3A_95 : vector<3200x128xf32>
    %select_n3A_97 = arith.select %gt3A_96, %add3A_91, %log1p3A_93 : vector<3200x128xi1>, vector<3200x128xf32>
    %get3A_98 = arith.constant 0 : index
    %get3A_99 = arith.constant 0 : index
    %get3A_100 = vector.load %arg17[%get3A_98, %get3A_99] : memref<128x128xf32, #tpu.memory_space<vmem>>, vector<128x128xf32>
    %dot_general3A_101 = arith.constant dense<0.000000e+00> : vector<3200x128xf32>
    %dot_general3A_102 = tpu.matmul %select_n3A_97, %get3A_100, %dot_general3A_101 {dimension_numbers = #tpu.dot_dimension_numbers<[1], [0], [0], [1], [0, 0, 1, 1], [], []>, transpose_lhs_hint = false} : vector<3200x128xf32>, vector<128x128xf32>, vector<3200x128xf32> -> vector<3200x128xf32>
    %get3A_103 = arith.constant 0 : index
    %get3A_104 = arith.constant 0 : index
    %get3A_105 = vector.load %arg18[%get3A_103, %get3A_104] : memref<1x128xf32, #tpu.memory_space<vmem>>, vector<1x128xf32>
    %add3A_106 = vector.broadcast %get3A_105 : vector<1x128xf32> to vector<3200x128xf32>
    %add3A_107 = arith.addf %dot_general3A_102, %add3A_106 : vector<3200x128xf32>
    %exp3A_108 = math.exp %add3A_107 : vector<3200x128xf32>
    %log1p3A_109 = math.log1p %exp3A_108 : vector<3200x128xf32>
    %gt3A_110 = arith.constant 2.000000e+01 : f32
    %gt3A_111 = vector.broadcast %gt3A_110 : f32 to vector<3200x128xf32>
    %gt3A_112 = arith.cmpf ogt, %add3A_107, %gt3A_111 : vector<3200x128xf32>
    %select_n3A_113 = arith.select %gt3A_112, %add3A_107, %log1p3A_109 : vector<3200x128xi1>, vector<3200x128xf32>
    %get3A_114 = arith.constant 0 : index
    %get3A_115 = arith.constant 0 : index
    %get3A_116 = vector.load %arg19[%get3A_114, %get3A_115] : memref<128x128xf32, #tpu.memory_space<vmem>>, vector<128x128xf32>
    %dot_general3A_117 = arith.constant dense<0.000000e+00> : vector<3200x128xf32>
    %dot_general3A_118 = tpu.matmul %select_n3A_113, %get3A_116, %dot_general3A_117 {dimension_numbers = #tpu.dot_dimension_numbers<[1], [0], [0], [1], [0, 0, 1, 1], [], []>, transpose_lhs_hint = false} : vector<3200x128xf32>, vector<128x128xf32>, vector<3200x128xf32> -> vector<3200x128xf32>
    %get3A_119 = arith.constant 0 : index
    %get3A_120 = arith.constant 0 : index
    %get3A_121 = vector.load %arg20[%get3A_119, %get3A_120] : memref<1x128xf32, #tpu.memory_space<vmem>>, vector<1x128xf32>
    %add3A_122 = vector.broadcast %get3A_121 : vector<1x128xf32> to vector<3200x128xf32>
    %add3A_123 = arith.addf %dot_general3A_118, %add3A_122 : vector<3200x128xf32>
    %swap3A_124 = arith.constant 0 : index
    %swap3A_125 = arith.constant 0 : index
    %swap3A_126 = vector.load %arg22[%swap3A_124, %swap3A_125] : memref<3200x128xf32, #tpu.memory_space<vmem>>, vector<3200x128xf32>
    tpu.vector_store %arg22[%swap3A_124, %swap3A_125], %add3A_123 {strides = array<i32>} : memref<3200x128xf32, #tpu.memory_space<vmem>>, vector<3200x128xf32>,
    return
  }
  func.func @transform_0(%arg0: i32) -> (i32, i32) {
    %c0_i32 = arith.constant 0 : i32
    %c0_i32_0 = arith.constant 0 : i32
    return %arg0, %c0_i32 : i32, i32
  }
  func.func @transform_1(%arg0: i32) -> (i32, i32) {
    %c0_i32 = arith.constant 0 : i32
    %c0_i32_0 = arith.constant 0 : i32
    return %arg0, %c0_i32 : i32, i32
  }
  func.func @transform_2(%arg0: i32) -> (i32, i32) {
    %add3A = arith.constant 25 : i32
    %add3A_0 = arith.addi %arg0, %add3A : i32
    %c0_i32 = arith.constant 0 : i32
    %c0_i32_1 = arith.constant 0 : i32
    return %add3A_0, %c0_i32 : i32, i32
  }
  func.func @transform_3(%arg0: i32) -> (i32, i32) {
    %c0_i32 = arith.constant 0 : i32
    %c0_i32_0 = arith.constant 0 : i32
    %c0_i32_1 = arith.constant 0 : i32
    return %c0_i32, %c0_i32_0 : i32, i32
  }
  func.func @transform_4(%arg0: i32) -> (i32, i32) {
    %c0_i32 = arith.constant 0 : i32
    %c0_i32_0 = arith.constant 0 : i32
    %c0_i32_1 = arith.constant 0 : i32
    return %c0_i32, %c0_i32_0 : i32, i32
  }
  func.func @transform_5(%arg0: i32) -> (i32, i32) {
    %c0_i32 = arith.constant 0 : i32
    %c0_i32_0 = arith.constant 0 : i32
    %c0_i32_1 = arith.constant 0 : i32
    return %c0_i32, %c0_i32_0 : i32, i32
  }
  func.func @transform_6(%arg0: i32) -> (i32, i32) {
    %c0_i32 = arith.constant 0 : i32
    %c0_i32_0 = arith.constant 0 : i32
    %c0_i32_1 = arith.constant 0 : i32
    return %c0_i32, %c0_i32_0 : i32, i32
  }
  func.func @transform_7(%arg0: i32) -> (i32, i32) {
    %c0_i32 = arith.constant 0 : i32
    %c0_i32_0 = arith.constant 0 : i32
    %c0_i32_1 = arith.constant 0 : i32
    return %c0_i32, %c0_i32_0 : i32, i32
  }
  func.func @transform_8(%arg0: i32) -> (i32, i32) {
    %c0_i32 = arith.constant 0 : i32
    %c0_i32_0 = arith.constant 0 : i32
    %c0_i32_1 = arith.constant 0 : i32
    return %c0_i32, %c0_i32_0 : i32, i32
  }
  func.func @transform_9(%arg0: i32) -> (i32, i32) {
    %c0_i32 = arith.constant 0 : i32
    %c0_i32_0 = arith.constant 0 : i32
    %c0_i32_1 = arith.constant 0 : i32
    return %c0_i32, %c0_i32_0 : i32, i32
  }
  func.func @transform_10(%arg0: i32) -> (i32, i32) {
    %c0_i32 = arith.constant 0 : i32
    %c0_i32_0 = arith.constant 0 : i32
    %c0_i32_1 = arith.constant 0 : i32
    return %c0_i32, %c0_i32_0 : i32, i32
  }
  func.func @transform_11(%arg0: i32) -> (i32, i32) {
    %c0_i32 = arith.constant 0 : i32
    %c0_i32_0 = arith.constant 0 : i32
    %c0_i32_1 = arith.constant 0 : i32
    return %c0_i32, %c0_i32_0 : i32, i32
  }
  func.func @transform_12(%arg0: i32) -> (i32, i32) {
    %c0_i32 = arith.constant 0 : i32
    %c0_i32_0 = arith.constant 0 : i32
    %c0_i32_1 = arith.constant 0 : i32
    return %c0_i32, %c0_i32_0 : i32, i32
  }
  func.func @transform_13(%arg0: i32) -> (i32, i32) {
    %c0_i32 = arith.constant 0 : i32
    %c0_i32_0 = arith.constant 0 : i32
    %c0_i32_1 = arith.constant 0 : i32
    return %c0_i32, %c0_i32_0 : i32, i32
  }
  func.func @transform_14(%arg0: i32) -> (i32, i32) {
    %c0_i32 = arith.constant 0 : i32
    %c0_i32_0 = arith.constant 0 : i32
    %c0_i32_1 = arith.constant 0 : i32
    return %c0_i32, %c0_i32_0 : i32, i32
  }
  func.func @transform_15(%arg0: i32) -> (i32, i32) {
    %c0_i32 = arith.constant 0 : i32
    %c0_i32_0 = arith.constant 0 : i32
    %c0_i32_1 = arith.constant 0 : i32
    return %c0_i32, %c0_i32_0 : i32, i32
  }
  func.func @transform_16(%arg0: i32) -> (i32, i32) {
    %c0_i32 = arith.constant 0 : i32
    %c0_i32_0 = arith.constant 0 : i32
    %c0_i32_1 = arith.constant 0 : i32
    return %c0_i32, %c0_i32_0 : i32, i32
  }
  func.func @transform_17(%arg0: i32) -> (i32, i32) {
    %c0_i32 = arith.constant 0 : i32
    %c0_i32_0 = arith.constant 0 : i32
    %c0_i32_1 = arith.constant 0 : i32
    return %c0_i32, %c0_i32_0 : i32, i32
  }
  func.func @transform_18(%arg0: i32) -> (i32, i32) {
    %c0_i32 = arith.constant 0 : i32
    %c0_i32_0 = arith.constant 0 : i32
    %c0_i32_1 = arith.constant 0 : i32
    return %c0_i32, %c0_i32_0 : i32, i32
  }
  func.func @transform_19(%arg0: i32) -> (i32, i32) {
    %c0_i32 = arith.constant 0 : i32
    %c0_i32_0 = arith.constant 0 : i32
    %c0_i32_1 = arith.constant 0 : i32
    return %c0_i32, %c0_i32_0 : i32, i32
  }
  func.func @transform_20(%arg0: i32) -> (i32, i32) {
    %c0_i32 = arith.constant 0 : i32
    %c0_i32_0 = arith.constant 0 : i32
    return %arg0, %c0_i32 : i32, i32
  }
  func.func @transform_21(%arg0: i32) -> (i32, i32) {
    %c0_i32 = arith.constant 0 : i32
    %c0_i32_0 = arith.constant 0 : i32
    return %arg0, %c0_i32 : i32, i32
  }
}

module attributes {stable_mosaic.version = 14 : i64} {
  func.func @_combine_body(%arg0: i32, %arg1: memref<1000x128xf32, #tpu.memory_space<vmem>>, %arg2: memref<2x1000x128xf32, #tpu.memory_space<vmem>>, %arg3: memref<2x1000x128xf32, #tpu.memory_space<vmem>>, %arg4: memref<1000x128xf32, #tpu.memory_space<vmem>>) attributes {dimension_semantics = [#tpu.dimension_semantics<arbitrary>], iteration_bounds = array<i64: 5>, scalar_prefetch = 0 : i64, scratch_operands = 0 : i64, tpu.core_type = #tpu.core_type<tc>, window_params = [{transform_indices = @transform_0, window_bounds = array<i64: 1000, 128>}, {transform_indices = @transform_1, window_bounds = array<i64: 2, 1000, 128>}, {transform_indices = @transform_2, window_bounds = array<i64: 2, 1000, 128>}, {transform_indices = @transform_3, window_bounds = array<i64: 1000, 128>}]} {
    %get3A = arith.constant 0 : index
    %get3A_0 = arith.constant 0 : index
    %get3A_1 = vector.load %arg1[%get3A, %get3A_0] : memref<1000x128xf32, #tpu.memory_space<vmem>>, vector<1000x128xf32>
    %get3A_2 = arith.constant 0 : index
    %get3A_3 = arith.constant 0 : index
    %get3A_4 = arith.constant 0 : index
    %get3A_5 = vector.load %arg2[%get3A_2, %get3A_3, %get3A_4] : memref<2x1000x128xf32, #tpu.memory_space<vmem>>, vector<1x1000x128xf32>
    %get3A_6 = vector.shape_cast %get3A_5 : vector<1x1000x128xf32> to vector<1000x128xf32>
    %get3A_7 = arith.constant 1 : index
    %get3A_8 = arith.constant 0 : index
    %get3A_9 = arith.constant 0 : index
    %get3A_10 = vector.load %arg2[%get3A_7, %get3A_8, %get3A_9] : memref<2x1000x128xf32, #tpu.memory_space<vmem>>, vector<1x1000x128xf32>
    %get3A_11 = vector.shape_cast %get3A_10 : vector<1x1000x128xf32> to vector<1000x128xf32>
    %add3A = arith.addf %get3A_6, %get3A_11 : vector<1000x128xf32>
    %add3A_12 = arith.addf %get3A_1, %add3A : vector<1000x128xf32>
    %get3A_13 = arith.constant 0 : index
    %get3A_14 = arith.constant 0 : index
    %get3A_15 = arith.constant 0 : index
    %get3A_16 = vector.load %arg3[%get3A_13, %get3A_14, %get3A_15] : memref<2x1000x128xf32, #tpu.memory_space<vmem>>, vector<1x1000x128xf32>
    %get3A_17 = vector.shape_cast %get3A_16 : vector<1x1000x128xf32> to vector<1000x128xf32>
    %get3A_18 = arith.constant 1 : index
    %get3A_19 = arith.constant 0 : index
    %get3A_20 = arith.constant 0 : index
    %get3A_21 = vector.load %arg3[%get3A_18, %get3A_19, %get3A_20] : memref<2x1000x128xf32, #tpu.memory_space<vmem>>, vector<1x1000x128xf32>
    %get3A_22 = vector.shape_cast %get3A_21 : vector<1x1000x128xf32> to vector<1000x128xf32>
    %add3A_23 = arith.addf %get3A_17, %get3A_22 : vector<1000x128xf32>
    %add3A_24 = arith.addf %add3A_12, %add3A_23 : vector<1000x128xf32>
    %swap3A = arith.constant 0 : index
    %swap3A_25 = arith.constant 0 : index
    %swap3A_26 = vector.load %arg4[%swap3A, %swap3A_25] : memref<1000x128xf32, #tpu.memory_space<vmem>>, vector<1000x128xf32>
    tpu.vector_store %arg4[%swap3A, %swap3A_25], %add3A_24 {strides = array<i32>} : memref<1000x128xf32, #tpu.memory_space<vmem>>, vector<1000x128xf32>,
    return
  }
  func.func @transform_0(%arg0: i32) -> (i32, i32) {
    %c0_i32 = arith.constant 0 : i32
    %c0_i32_0 = arith.constant 0 : i32
    return %arg0, %c0_i32 : i32, i32
  }
  func.func @transform_1(%arg0: i32) -> (i32, i32, i32) {
    %c0_i32 = arith.constant 0 : i32
    %c0_i32_0 = arith.constant 0 : i32
    %c0_i32_1 = arith.constant 0 : i32
    return %c0_i32, %arg0, %c0_i32_0 : i32, i32, i32
  }
  func.func @transform_2(%arg0: i32) -> (i32, i32, i32) {
    %c0_i32 = arith.constant 0 : i32
    %c0_i32_0 = arith.constant 0 : i32
    %c0_i32_1 = arith.constant 0 : i32
    return %c0_i32, %arg0, %c0_i32_0 : i32, i32, i32
  }
  func.func @transform_3(%arg0: i32) -> (i32, i32) {
    %c0_i32 = arith.constant 0 : i32
    %c0_i32_0 = arith.constant 0 : i32
    return %arg0, %c0_i32 : i32, i32
  }
}

module attributes {stable_mosaic.version = 14 : i64} {
  func.func @_edge_mid_body(%arg0: i32, %arg1: memref<3200x128xf32, #tpu.memory_space<vmem>>, %arg2: memref<3200x128xf32, #tpu.memory_space<vmem>>, %arg3: memref<3200x64xf32, #tpu.memory_space<vmem>>, %arg4: memref<128x128xf32, #tpu.memory_space<vmem>>, %arg5: memref<1x128xf32, #tpu.memory_space<vmem>>, %arg6: memref<128x128xf32, #tpu.memory_space<vmem>>, %arg7: memref<1x128xf32, #tpu.memory_space<vmem>>, %arg8: memref<128x64xf32, #tpu.memory_space<vmem>>, %arg9: memref<1x64xf32, #tpu.memory_space<vmem>>, %arg10: memref<128x128xf32, #tpu.memory_space<vmem>>, %arg11: memref<64x128xf32, #tpu.memory_space<vmem>>, %arg12: memref<1x128xf32, #tpu.memory_space<vmem>>, %arg13: memref<128x128xf32, #tpu.memory_space<vmem>>, %arg14: memref<1x128xf32, #tpu.memory_space<vmem>>, %arg15: memref<128x128xf32, #tpu.memory_space<vmem>>, %arg16: memref<1x128xf32, #tpu.memory_space<vmem>>, %arg17: memref<3200x64xf32, #tpu.memory_space<vmem>>, %arg18: memref<3200x128xf32, #tpu.memory_space<vmem>>) attributes {dimension_semantics = [#tpu.dimension_semantics<arbitrary>], iteration_bounds = array<i64: 25>, scalar_prefetch = 0 : i64, scratch_operands = 0 : i64, tpu.core_type = #tpu.core_type<tc>, window_params = [{transform_indices = @transform_0, window_bounds = array<i64: 3200, 128>}, {transform_indices = @transform_1, window_bounds = array<i64: 3200, 128>}, {transform_indices = @transform_2, window_bounds = array<i64: 3200, 64>}, {pipeline_mode = #tpu.pipeline_mode<synchronous>, transform_indices = @transform_3, window_bounds = array<i64: 128, 128>}, {pipeline_mode = #tpu.pipeline_mode<synchronous>, transform_indices = @transform_4, window_bounds = array<i64: 1, 128>}, {pipeline_mode = #tpu.pipeline_mode<synchronous>, transform_indices = @transform_5, window_bounds = array<i64: 128, 128>}, {pipeline_mode = #tpu.pipeline_mode<synchronous>, transform_indices = @transform_6, window_bounds = array<i64: 1, 128>}, {pipeline_mode = #tpu.pipeline_mode<synchronous>, transform_indices = @transform_7, window_bounds = array<i64: 128, 64>}, {pipeline_mode = #tpu.pipeline_mode<synchronous>, transform_indices = @transform_8, window_bounds = array<i64: 1, 64>}, {pipeline_mode = #tpu.pipeline_mode<synchronous>, transform_indices = @transform_9, window_bounds = array<i64: 128, 128>}, {pipeline_mode = #tpu.pipeline_mode<synchronous>, transform_indices = @transform_10, window_bounds = array<i64: 64, 128>}, {pipeline_mode = #tpu.pipeline_mode<synchronous>, transform_indices = @transform_11, window_bounds = array<i64: 1, 128>}, {pipeline_mode = #tpu.pipeline_mode<synchronous>, transform_indices = @transform_12, window_bounds = array<i64: 128, 128>}, {pipeline_mode = #tpu.pipeline_mode<synchronous>, transform_indices = @transform_13, window_bounds = array<i64: 1, 128>}, {pipeline_mode = #tpu.pipeline_mode<synchronous>, transform_indices = @transform_14, window_bounds = array<i64: 128, 128>}, {pipeline_mode = #tpu.pipeline_mode<synchronous>, transform_indices = @transform_15, window_bounds = array<i64: 1, 128>}, {transform_indices = @transform_16, window_bounds = array<i64: 3200, 64>}, {transform_indices = @transform_17, window_bounds = array<i64: 3200, 128>}]} {
    %get3A = arith.constant 0 : index
    %get3A_0 = arith.constant 0 : index
    %get3A_1 = vector.load %arg1[%get3A, %get3A_0] : memref<3200x128xf32, #tpu.memory_space<vmem>>, vector<3200x128xf32>
    %get3A_2 = arith.constant 0 : index
    %get3A_3 = arith.constant 0 : index
    %get3A_4 = vector.load %arg2[%get3A_2, %get3A_3] : memref<3200x128xf32, #tpu.memory_space<vmem>>, vector<3200x128xf32>
    %mul3A = arith.mulf %get3A_1, %get3A_4 : vector<3200x128xf32>
    %get3A_5 = arith.constant 0 : index
    %get3A_6 = arith.constant 0 : index
    %get3A_7 = vector.load %arg4[%get3A_5, %get3A_6] : memref<128x128xf32, #tpu.memory_space<vmem>>, vector<128x128xf32>
    %dot_general3A = arith.constant dense<0.000000e+00> : vector<3200x128xf32>
    %dot_general3A_8 = tpu.matmul %mul3A, %get3A_7, %dot_general3A {dimension_numbers = #tpu.dot_dimension_numbers<[1], [0], [0], [1], [0, 0, 1, 1], [], []>, transpose_lhs_hint = false} : vector<3200x128xf32>, vector<128x128xf32>, vector<3200x128xf32> -> vector<3200x128xf32>
    %get3A_9 = arith.constant 0 : index
    %get3A_10 = arith.constant 0 : index
    %get3A_11 = vector.load %arg5[%get3A_9, %get3A_10] : memref<1x128xf32, #tpu.memory_space<vmem>>, vector<1x128xf32>
    %add3A = vector.broadcast %get3A_11 : vector<1x128xf32> to vector<3200x128xf32>
    %add3A_12 = arith.addf %dot_general3A_8, %add3A : vector<3200x128xf32>
    %exp3A = math.exp %add3A_12 : vector<3200x128xf32>
    %log1p3A = math.log1p %exp3A : vector<3200x128xf32>
    %gt3A = arith.constant 2.000000e+01 : f32
    %gt3A_13 = vector.broadcast %gt3A : f32 to vector<3200x128xf32>
    %gt3A_14 = arith.cmpf ogt, %add3A_12, %gt3A_13 : vector<3200x128xf32>
    %select_n3A = arith.select %gt3A_14, %add3A_12, %log1p3A : vector<3200x128xi1>, vector<3200x128xf32>
    %get3A_15 = arith.constant 0 : index
    %get3A_16 = arith.constant 0 : index
    %get3A_17 = vector.load %arg6[%get3A_15, %get3A_16] : memref<128x128xf32, #tpu.memory_space<vmem>>, vector<128x128xf32>
    %dot_general3A_18 = arith.constant dense<0.000000e+00> : vector<3200x128xf32>
    %dot_general3A_19 = tpu.matmul %select_n3A, %get3A_17, %dot_general3A_18 {dimension_numbers = #tpu.dot_dimension_numbers<[1], [0], [0], [1], [0, 0, 1, 1], [], []>, transpose_lhs_hint = false} : vector<3200x128xf32>, vector<128x128xf32>, vector<3200x128xf32> -> vector<3200x128xf32>
    %get3A_20 = arith.constant 0 : index
    %get3A_21 = arith.constant 0 : index
    %get3A_22 = vector.load %arg7[%get3A_20, %get3A_21] : memref<1x128xf32, #tpu.memory_space<vmem>>, vector<1x128xf32>
    %add3A_23 = vector.broadcast %get3A_22 : vector<1x128xf32> to vector<3200x128xf32>
    %add3A_24 = arith.addf %dot_general3A_19, %add3A_23 : vector<3200x128xf32>
    %exp3A_25 = math.exp %add3A_24 : vector<3200x128xf32>
    %log1p3A_26 = math.log1p %exp3A_25 : vector<3200x128xf32>
    %gt3A_27 = arith.constant 2.000000e+01 : f32
    %gt3A_28 = vector.broadcast %gt3A_27 : f32 to vector<3200x128xf32>
    %gt3A_29 = arith.cmpf ogt, %add3A_24, %gt3A_28 : vector<3200x128xf32>
    %select_n3A_30 = arith.select %gt3A_29, %add3A_24, %log1p3A_26 : vector<3200x128xi1>, vector<3200x128xf32>
    %get3A_31 = arith.constant 0 : index
    %get3A_32 = arith.constant 0 : index
    %get3A_33 = vector.load %arg8[%get3A_31, %get3A_32] : memref<128x64xf32, #tpu.memory_space<vmem>>, vector<128x64xf32>
    %dot_general3A_34 = arith.constant dense<0.000000e+00> : vector<3200x64xf32>
    %dot_general3A_35 = tpu.matmul %select_n3A_30, %get3A_33, %dot_general3A_34 {dimension_numbers = #tpu.dot_dimension_numbers<[1], [0], [0], [1], [0, 0, 1, 1], [], []>, transpose_lhs_hint = false} : vector<3200x128xf32>, vector<128x64xf32>, vector<3200x64xf32> -> vector<3200x64xf32>
    %get3A_36 = arith.constant 0 : index
    %get3A_37 = arith.constant 0 : index
    %get3A_38 = vector.load %arg9[%get3A_36, %get3A_37] : memref<1x64xf32, #tpu.memory_space<vmem>>, vector<1x64xf32>
    %add3A_39 = vector.broadcast %get3A_38 : vector<1x64xf32> to vector<3200x64xf32>
    %add3A_40 = arith.addf %dot_general3A_35, %add3A_39 : vector<3200x64xf32>
    %get3A_41 = arith.constant 0 : index
    %get3A_42 = arith.constant 0 : index
    %get3A_43 = vector.load %arg3[%get3A_41, %get3A_42] : memref<3200x64xf32, #tpu.memory_space<vmem>>, vector<3200x64xf32>
    %add3A_44 = arith.addf %add3A_40, %get3A_43 : vector<3200x64xf32>
    %swap3A = arith.constant 0 : index
    %swap3A_45 = arith.constant 0 : index
    %swap3A_46 = vector.load %arg17[%swap3A, %swap3A_45] : memref<3200x64xf32, #tpu.memory_space<vmem>>, vector<3200x64xf32>
    tpu.vector_store %arg17[%swap3A, %swap3A_45], %add3A_44 {strides = array<i32>} : memref<3200x64xf32, #tpu.memory_space<vmem>>, vector<3200x64xf32>,
    %get3A_47 = arith.constant 0 : index
    %get3A_48 = arith.constant 0 : index
    %get3A_49 = vector.load %arg2[%get3A_47, %get3A_48] : memref<3200x128xf32, #tpu.memory_space<vmem>>, vector<3200x128xf32>
    %get3A_50 = arith.constant 0 : index
    %get3A_51 = arith.constant 0 : index
    %get3A_52 = vector.load %arg10[%get3A_50, %get3A_51] : memref<128x128xf32, #tpu.memory_space<vmem>>, vector<128x128xf32>
    %dot_general3A_53 = arith.constant dense<0.000000e+00> : vector<3200x128xf32>
    %dot_general3A_54 = tpu.matmul %get3A_49, %get3A_52, %dot_general3A_53 {dimension_numbers = #tpu.dot_dimension_numbers<[1], [0], [0], [1], [0, 0, 1, 1], [], []>, transpose_lhs_hint = false} : vector<3200x128xf32>, vector<128x128xf32>, vector<3200x128xf32> -> vector<3200x128xf32>
    %get3A_55 = arith.constant 0 : index
    %get3A_56 = arith.constant 0 : index
    %get3A_57 = vector.load %arg11[%get3A_55, %get3A_56] : memref<64x128xf32, #tpu.memory_space<vmem>>, vector<64x128xf32>
    %dot_general3A_58 = arith.constant dense<0.000000e+00> : vector<3200x128xf32>
    %dot_general3A_59 = tpu.matmul %add3A_44, %get3A_57, %dot_general3A_58 {dimension_numbers = #tpu.dot_dimension_numbers<[1], [0], [0], [1], [0, 0, 1, 1], [], []>, transpose_lhs_hint = false} : vector<3200x64xf32>, vector<64x128xf32>, vector<3200x128xf32> -> vector<3200x128xf32>
    %add3A_60 = arith.addf %dot_general3A_54, %dot_general3A_59 : vector<3200x128xf32>
    %get3A_61 = arith.constant 0 : index
    %get3A_62 = arith.constant 0 : index
    %get3A_63 = vector.load %arg12[%get3A_61, %get3A_62] : memref<1x128xf32, #tpu.memory_space<vmem>>, vector<1x128xf32>
    %add3A_64 = vector.broadcast %get3A_63 : vector<1x128xf32> to vector<3200x128xf32>
    %add3A_65 = arith.addf %add3A_60, %add3A_64 : vector<3200x128xf32>
    %exp3A_66 = math.exp %add3A_65 : vector<3200x128xf32>
    %log1p3A_67 = math.log1p %exp3A_66 : vector<3200x128xf32>
    %gt3A_68 = arith.constant 2.000000e+01 : f32
    %gt3A_69 = vector.broadcast %gt3A_68 : f32 to vector<3200x128xf32>
    %gt3A_70 = arith.cmpf ogt, %add3A_65, %gt3A_69 : vector<3200x128xf32>
    %select_n3A_71 = arith.select %gt3A_70, %add3A_65, %log1p3A_67 : vector<3200x128xi1>, vector<3200x128xf32>
    %get3A_72 = arith.constant 0 : index
    %get3A_73 = arith.constant 0 : index
    %get3A_74 = vector.load %arg13[%get3A_72, %get3A_73] : memref<128x128xf32, #tpu.memory_space<vmem>>, vector<128x128xf32>
    %dot_general3A_75 = arith.constant dense<0.000000e+00> : vector<3200x128xf32>
    %dot_general3A_76 = tpu.matmul %select_n3A_71, %get3A_74, %dot_general3A_75 {dimension_numbers = #tpu.dot_dimension_numbers<[1], [0], [0], [1], [0, 0, 1, 1], [], []>, transpose_lhs_hint = false} : vector<3200x128xf32>, vector<128x128xf32>, vector<3200x128xf32> -> vector<3200x128xf32>
    %get3A_77 = arith.constant 0 : index
    %get3A_78 = arith.constant 0 : index
    %get3A_79 = vector.load %arg14[%get3A_77, %get3A_78] : memref<1x128xf32, #tpu.memory_space<vmem>>, vector<1x128xf32>
    %add3A_80 = vector.broadcast %get3A_79 : vector<1x128xf32> to vector<3200x128xf32>
    %add3A_81 = arith.addf %dot_general3A_76, %add3A_80 : vector<3200x128xf32>
    %exp3A_82 = math.exp %add3A_81 : vector<3200x128xf32>
    %log1p3A_83 = math.log1p %exp3A_82 : vector<3200x128xf32>
    %gt3A_84 = arith.constant 2.000000e+01 : f32
    %gt3A_85 = vector.broadcast %gt3A_84 : f32 to vector<3200x128xf32>
    %gt3A_86 = arith.cmpf ogt, %add3A_81, %gt3A_85 : vector<3200x128xf32>
    %select_n3A_87 = arith.select %gt3A_86, %add3A_81, %log1p3A_83 : vector<3200x128xi1>, vector<3200x128xf32>
    %get3A_88 = arith.constant 0 : index
    %get3A_89 = arith.constant 0 : index
    %get3A_90 = vector.load %arg15[%get3A_88, %get3A_89] : memref<128x128xf32, #tpu.memory_space<vmem>>, vector<128x128xf32>
    %dot_general3A_91 = arith.constant dense<0.000000e+00> : vector<3200x128xf32>
    %dot_general3A_92 = tpu.matmul %select_n3A_87, %get3A_90, %dot_general3A_91 {dimension_numbers = #tpu.dot_dimension_numbers<[1], [0], [0], [1], [0, 0, 1, 1], [], []>, transpose_lhs_hint = false} : vector<3200x128xf32>, vector<128x128xf32>, vector<3200x128xf32> -> vector<3200x128xf32>
    %get3A_93 = arith.constant 0 : index
    %get3A_94 = arith.constant 0 : index
    %get3A_95 = vector.load %arg16[%get3A_93, %get3A_94] : memref<1x128xf32, #tpu.memory_space<vmem>>, vector<1x128xf32>
    %add3A_96 = vector.broadcast %get3A_95 : vector<1x128xf32> to vector<3200x128xf32>
    %add3A_97 = arith.addf %dot_general3A_92, %add3A_96 : vector<3200x128xf32>
    %swap3A_98 = arith.constant 0 : index
    %swap3A_99 = arith.constant 0 : index
    %swap3A_100 = vector.load %arg18[%swap3A_98, %swap3A_99] : memref<3200x128xf32, #tpu.memory_space<vmem>>, vector<3200x128xf32>
    tpu.vector_store %arg18[%swap3A_98, %swap3A_99], %add3A_97 {strides = array<i32>} : memref<3200x128xf32, #tpu.memory_space<vmem>>, vector<3200x128xf32>,
    return
  }
  func.func @transform_0(%arg0: i32) -> (i32, i32) {
    %c0_i32 = arith.constant 0 : i32
    %c0_i32_0 = arith.constant 0 : i32
    return %arg0, %c0_i32 : i32, i32
  }
  func.func @transform_1(%arg0: i32) -> (i32, i32) {
    %c0_i32 = arith.constant 0 : i32
    %c0_i32_0 = arith.constant 0 : i32
    return %arg0, %c0_i32 : i32, i32
  }
  func.func @transform_2(%arg0: i32) -> (i32, i32) {
    %add3A = arith.constant 0 : i32
    %add3A_0 = arith.addi %arg0, %add3A : i32
    %c0_i32 = arith.constant 0 : i32
    %c0_i32_1 = arith.constant 0 : i32
    return %add3A_0, %c0_i32 : i32, i32
  }
  func.func @transform_3(%arg0: i32) -> (i32, i32) {
    %c0_i32 = arith.constant 0 : i32
    %c0_i32_0 = arith.constant 0 : i32
    %c0_i32_1 = arith.constant 0 : i32
    return %c0_i32, %c0_i32_0 : i32, i32
  }
  func.func @transform_4(%arg0: i32) -> (i32, i32) {
    %c0_i32 = arith.constant 0 : i32
    %c0_i32_0 = arith.constant 0 : i32
    %c0_i32_1 = arith.constant 0 : i32
    return %c0_i32, %c0_i32_0 : i32, i32
  }
  func.func @transform_5(%arg0: i32) -> (i32, i32) {
    %c0_i32 = arith.constant 0 : i32
    %c0_i32_0 = arith.constant 0 : i32
    %c0_i32_1 = arith.constant 0 : i32
    return %c0_i32, %c0_i32_0 : i32, i32
  }
  func.func @transform_6(%arg0: i32) -> (i32, i32) {
    %c0_i32 = arith.constant 0 : i32
    %c0_i32_0 = arith.constant 0 : i32
    %c0_i32_1 = arith.constant 0 : i32
    return %c0_i32, %c0_i32_0 : i32, i32
  }
  func.func @transform_7(%arg0: i32) -> (i32, i32) {
    %c0_i32 = arith.constant 0 : i32
    %c0_i32_0 = arith.constant 0 : i32
    %c0_i32_1 = arith.constant 0 : i32
    return %c0_i32, %c0_i32_0 : i32, i32
  }
  func.func @transform_8(%arg0: i32) -> (i32, i32) {
    %c0_i32 = arith.constant 0 : i32
    %c0_i32_0 = arith.constant 0 : i32
    %c0_i32_1 = arith.constant 0 : i32
    return %c0_i32, %c0_i32_0 : i32, i32
  }
  func.func @transform_9(%arg0: i32) -> (i32, i32) {
    %c0_i32 = arith.constant 0 : i32
    %c0_i32_0 = arith.constant 0 : i32
    %c0_i32_1 = arith.constant 0 : i32
    return %c0_i32, %c0_i32_0 : i32, i32
  }
  func.func @transform_10(%arg0: i32) -> (i32, i32) {
    %c0_i32 = arith.constant 0 : i32
    %c0_i32_0 = arith.constant 0 : i32
    %c0_i32_1 = arith.constant 0 : i32
    return %c0_i32, %c0_i32_0 : i32, i32
  }
  func.func @transform_11(%arg0: i32) -> (i32, i32) {
    %c0_i32 = arith.constant 0 : i32
    %c0_i32_0 = arith.constant 0 : i32
    %c0_i32_1 = arith.constant 0 : i32
    return %c0_i32, %c0_i32_0 : i32, i32
  }
  func.func @transform_12(%arg0: i32) -> (i32, i32) {
    %c0_i32 = arith.constant 0 : i32
    %c0_i32_0 = arith.constant 0 : i32
    %c0_i32_1 = arith.constant 0 : i32
    return %c0_i32, %c0_i32_0 : i32, i32
  }
  func.func @transform_13(%arg0: i32) -> (i32, i32) {
    %c0_i32 = arith.constant 0 : i32
    %c0_i32_0 = arith.constant 0 : i32
    %c0_i32_1 = arith.constant 0 : i32
    return %c0_i32, %c0_i32_0 : i32, i32
  }
  func.func @transform_14(%arg0: i32) -> (i32, i32) {
    %c0_i32 = arith.constant 0 : i32
    %c0_i32_0 = arith.constant 0 : i32
    %c0_i32_1 = arith.constant 0 : i32
    return %c0_i32, %c0_i32_0 : i32, i32
  }
  func.func @transform_15(%arg0: i32) -> (i32, i32) {
    %c0_i32 = arith.constant 0 : i32
    %c0_i32_0 = arith.constant 0 : i32
    %c0_i32_1 = arith.constant 0 : i32
    return %c0_i32, %c0_i32_0 : i32, i32
  }
  func.func @transform_16(%arg0: i32) -> (i32, i32) {
    %c0_i32 = arith.constant 0 : i32
    %c0_i32_0 = arith.constant 0 : i32
    return %arg0, %c0_i32 : i32, i32
  }
  func.func @transform_17(%arg0: i32) -> (i32, i32) {
    %c0_i32 = arith.constant 0 : i32
    %c0_i32_0 = arith.constant 0 : i32
    return %arg0, %c0_i32 : i32, i32
  }
}

module attributes {stable_mosaic.version = 14 : i64} {
  func.func @_edge_last_body(%arg0: i32, %arg1: memref<3200x128xf32, #tpu.memory_space<vmem>>, %arg2: memref<3200x128xf32, #tpu.memory_space<vmem>>, %arg3: memref<3200x64xf32, #tpu.memory_space<vmem>>, %arg4: memref<128x128xf32, #tpu.memory_space<vmem>>, %arg5: memref<1x128xf32, #tpu.memory_space<vmem>>, %arg6: memref<128x128xf32, #tpu.memory_space<vmem>>, %arg7: memref<1x128xf32, #tpu.memory_space<vmem>>, %arg8: memref<128x64xf32, #tpu.memory_space<vmem>>, %arg9: memref<1x64xf32, #tpu.memory_space<vmem>>, %arg10: memref<64x128xf32, #tpu.memory_space<vmem>>, %arg11: memref<1x128xf32, #tpu.memory_space<vmem>>, %arg12: memref<128x128xf32, #tpu.memory_space<vmem>>, %arg13: memref<1x128xf32, #tpu.memory_space<vmem>>, %arg14: memref<128x2xf32, #tpu.memory_space<vmem>>, %arg15: memref<1x2xf32, #tpu.memory_space<vmem>>, %arg16: memref<2x3200xf32, #tpu.memory_space<vmem>>) attributes {dimension_semantics = [#tpu.dimension_semantics<arbitrary>], iteration_bounds = array<i64: 25>, scalar_prefetch = 0 : i64, scratch_operands = 0 : i64, tpu.core_type = #tpu.core_type<tc>, window_params = [{transform_indices = @transform_0, window_bounds = array<i64: 3200, 128>}, {transform_indices = @transform_1, window_bounds = array<i64: 3200, 128>}, {transform_indices = @transform_2, window_bounds = array<i64: 3200, 64>}, {pipeline_mode = #tpu.pipeline_mode<synchronous>, transform_indices = @transform_3, window_bounds = array<i64: 128, 128>}, {pipeline_mode = #tpu.pipeline_mode<synchronous>, transform_indices = @transform_4, window_bounds = array<i64: 1, 128>}, {pipeline_mode = #tpu.pipeline_mode<synchronous>, transform_indices = @transform_5, window_bounds = array<i64: 128, 128>}, {pipeline_mode = #tpu.pipeline_mode<synchronous>, transform_indices = @transform_6, window_bounds = array<i64: 1, 128>}, {pipeline_mode = #tpu.pipeline_mode<synchronous>, transform_indices = @transform_7, window_bounds = array<i64: 128, 64>}, {pipeline_mode = #tpu.pipeline_mode<synchronous>, transform_indices = @transform_8, window_bounds = array<i64: 1, 64>}, {pipeline_mode = #tpu.pipeline_mode<synchronous>, transform_indices = @transform_9, window_bounds = array<i64: 64, 128>}, {pipeline_mode = #tpu.pipeline_mode<synchronous>, transform_indices = @transform_10, window_bounds = array<i64: 1, 128>}, {pipeline_mode = #tpu.pipeline_mode<synchronous>, transform_indices = @transform_11, window_bounds = array<i64: 128, 128>}, {pipeline_mode = #tpu.pipeline_mode<synchronous>, transform_indices = @transform_12, window_bounds = array<i64: 1, 128>}, {pipeline_mode = #tpu.pipeline_mode<synchronous>, transform_indices = @transform_13, window_bounds = array<i64: 128, 2>}, {pipeline_mode = #tpu.pipeline_mode<synchronous>, transform_indices = @transform_14, window_bounds = array<i64: 1, 2>}, {transform_indices = @transform_15, window_bounds = array<i64: 2, 3200>}]} {
    %get3A = arith.constant 0 : index
    %get3A_0 = arith.constant 0 : index
    %get3A_1 = vector.load %arg1[%get3A, %get3A_0] : memref<3200x128xf32, #tpu.memory_space<vmem>>, vector<3200x128xf32>
    %get3A_2 = arith.constant 0 : index
    %get3A_3 = arith.constant 0 : index
    %get3A_4 = vector.load %arg2[%get3A_2, %get3A_3] : memref<3200x128xf32, #tpu.memory_space<vmem>>, vector<3200x128xf32>
    %mul3A = arith.mulf %get3A_1, %get3A_4 : vector<3200x128xf32>
    %get3A_5 = arith.constant 0 : index
    %get3A_6 = arith.constant 0 : index
    %get3A_7 = vector.load %arg4[%get3A_5, %get3A_6] : memref<128x128xf32, #tpu.memory_space<vmem>>, vector<128x128xf32>
    %dot_general3A = arith.constant dense<0.000000e+00> : vector<3200x128xf32>
    %dot_general3A_8 = tpu.matmul %mul3A, %get3A_7, %dot_general3A {dimension_numbers = #tpu.dot_dimension_numbers<[1], [0], [0], [1], [0, 0, 1, 1], [], []>, transpose_lhs_hint = false} : vector<3200x128xf32>, vector<128x128xf32>, vector<3200x128xf32> -> vector<3200x128xf32>
    %get3A_9 = arith.constant 0 : index
    %get3A_10 = arith.constant 0 : index
    %get3A_11 = vector.load %arg5[%get3A_9, %get3A_10] : memref<1x128xf32, #tpu.memory_space<vmem>>, vector<1x128xf32>
    %add3A = vector.broadcast %get3A_11 : vector<1x128xf32> to vector<3200x128xf32>
    %add3A_12 = arith.addf %dot_general3A_8, %add3A : vector<3200x128xf32>
    %exp3A = math.exp %add3A_12 : vector<3200x128xf32>
    %log1p3A = math.log1p %exp3A : vector<3200x128xf32>
    %gt3A = arith.constant 2.000000e+01 : f32
    %gt3A_13 = vector.broadcast %gt3A : f32 to vector<3200x128xf32>
    %gt3A_14 = arith.cmpf ogt, %add3A_12, %gt3A_13 : vector<3200x128xf32>
    %select_n3A = arith.select %gt3A_14, %add3A_12, %log1p3A : vector<3200x128xi1>, vector<3200x128xf32>
    %get3A_15 = arith.constant 0 : index
    %get3A_16 = arith.constant 0 : index
    %get3A_17 = vector.load %arg6[%get3A_15, %get3A_16] : memref<128x128xf32, #tpu.memory_space<vmem>>, vector<128x128xf32>
    %dot_general3A_18 = arith.constant dense<0.000000e+00> : vector<3200x128xf32>
    %dot_general3A_19 = tpu.matmul %select_n3A, %get3A_17, %dot_general3A_18 {dimension_numbers = #tpu.dot_dimension_numbers<[1], [0], [0], [1], [0, 0, 1, 1], [], []>, transpose_lhs_hint = false} : vector<3200x128xf32>, vector<128x128xf32>, vector<3200x128xf32> -> vector<3200x128xf32>
    %get3A_20 = arith.constant 0 : index
    %get3A_21 = arith.constant 0 : index
    %get3A_22 = vector.load %arg7[%get3A_20, %get3A_21] : memref<1x128xf32, #tpu.memory_space<vmem>>, vector<1x128xf32>
    %add3A_23 = vector.broadcast %get3A_22 : vector<1x128xf32> to vector<3200x128xf32>
    %add3A_24 = arith.addf %dot_general3A_19, %add3A_23 : vector<3200x128xf32>
    %exp3A_25 = math.exp %add3A_24 : vector<3200x128xf32>
    %log1p3A_26 = math.log1p %exp3A_25 : vector<3200x128xf32>
    %gt3A_27 = arith.constant 2.000000e+01 : f32
    %gt3A_28 = vector.broadcast %gt3A_27 : f32 to vector<3200x128xf32>
    %gt3A_29 = arith.cmpf ogt, %add3A_24, %gt3A_28 : vector<3200x128xf32>
    %select_n3A_30 = arith.select %gt3A_29, %add3A_24, %log1p3A_26 : vector<3200x128xi1>, vector<3200x128xf32>
    %get3A_31 = arith.constant 0 : index
    %get3A_32 = arith.constant 0 : index
    %get3A_33 = vector.load %arg8[%get3A_31, %get3A_32] : memref<128x64xf32, #tpu.memory_space<vmem>>, vector<128x64xf32>
    %dot_general3A_34 = arith.constant dense<0.000000e+00> : vector<3200x64xf32>
    %dot_general3A_35 = tpu.matmul %select_n3A_30, %get3A_33, %dot_general3A_34 {dimension_numbers = #tpu.dot_dimension_numbers<[1], [0], [0], [1], [0, 0, 1, 1], [], []>, transpose_lhs_hint = false} : vector<3200x128xf32>, vector<128x64xf32>, vector<3200x64xf32> -> vector<3200x64xf32>
    %get3A_36 = arith.constant 0 : index
    %get3A_37 = arith.constant 0 : index
    %get3A_38 = vector.load %arg9[%get3A_36, %get3A_37] : memref<1x64xf32, #tpu.memory_space<vmem>>, vector<1x64xf32>
    %add3A_39 = vector.broadcast %get3A_38 : vector<1x64xf32> to vector<3200x64xf32>
    %add3A_40 = arith.addf %dot_general3A_35, %add3A_39 : vector<3200x64xf32>
    %get3A_41 = arith.constant 0 : index
    %get3A_42 = arith.constant 0 : index
    %get3A_43 = vector.load %arg3[%get3A_41, %get3A_42] : memref<3200x64xf32, #tpu.memory_space<vmem>>, vector<3200x64xf32>
    %add3A_44 = arith.addf %add3A_40, %get3A_43 : vector<3200x64xf32>
    %get3A_45 = arith.constant 0 : index
    %get3A_46 = arith.constant 0 : index
    %get3A_47 = vector.load %arg10[%get3A_45, %get3A_46] : memref<64x128xf32, #tpu.memory_space<vmem>>, vector<64x128xf32>
    %dot_general3A_48 = arith.constant dense<0.000000e+00> : vector<3200x128xf32>
    %dot_general3A_49 = tpu.matmul %add3A_44, %get3A_47, %dot_general3A_48 {dimension_numbers = #tpu.dot_dimension_numbers<[1], [0], [0], [1], [0, 0, 1, 1], [], []>, transpose_lhs_hint = false} : vector<3200x64xf32>, vector<64x128xf32>, vector<3200x128xf32> -> vector<3200x128xf32>
    %get3A_50 = arith.constant 0 : index
    %get3A_51 = arith.constant 0 : index
    %get3A_52 = vector.load %arg11[%get3A_50, %get3A_51] : memref<1x128xf32, #tpu.memory_space<vmem>>, vector<1x128xf32>
    %add3A_53 = vector.broadcast %get3A_52 : vector<1x128xf32> to vector<3200x128xf32>
    %add3A_54 = arith.addf %dot_general3A_49, %add3A_53 : vector<3200x128xf32>
    %exp3A_55 = math.exp %add3A_54 : vector<3200x128xf32>
    %log1p3A_56 = math.log1p %exp3A_55 : vector<3200x128xf32>
    %gt3A_57 = arith.constant 2.000000e+01 : f32
    %gt3A_58 = vector.broadcast %gt3A_57 : f32 to vector<3200x128xf32>
    %gt3A_59 = arith.cmpf ogt, %add3A_54, %gt3A_58 : vector<3200x128xf32>
    %select_n3A_60 = arith.select %gt3A_59, %add3A_54, %log1p3A_56 : vector<3200x128xi1>, vector<3200x128xf32>
    %get3A_61 = arith.constant 0 : index
    %get3A_62 = arith.constant 0 : index
    %get3A_63 = vector.load %arg12[%get3A_61, %get3A_62] : memref<128x128xf32, #tpu.memory_space<vmem>>, vector<128x128xf32>
    %dot_general3A_64 = arith.constant dense<0.000000e+00> : vector<3200x128xf32>
    %dot_general3A_65 = tpu.matmul %select_n3A_60, %get3A_63, %dot_general3A_64 {dimension_numbers = #tpu.dot_dimension_numbers<[1], [0], [0], [1], [0, 0, 1, 1], [], []>, transpose_lhs_hint = false} : vector<3200x128xf32>, vector<128x128xf32>, vector<3200x128xf32> -> vector<3200x128xf32>
    %get3A_66 = arith.constant 0 : index
    %get3A_67 = arith.constant 0 : index
    %get3A_68 = vector.load %arg13[%get3A_66, %get3A_67] : memref<1x128xf32, #tpu.memory_space<vmem>>, vector<1x128xf32>
    %add3A_69 = vector.broadcast %get3A_68 : vector<1x128xf32> to vector<3200x128xf32>
    %add3A_70 = arith.addf %dot_general3A_65, %add3A_69 : vector<3200x128xf32>
    %exp3A_71 = math.exp %add3A_70 : vector<3200x128xf32>
    %log1p3A_72 = math.log1p %exp3A_71 : vector<3200x128xf32>
    %gt3A_73 = arith.constant 2.000000e+01 : f32
    %gt3A_74 = vector.broadcast %gt3A_73 : f32 to vector<3200x128xf32>
    %gt3A_75 = arith.cmpf ogt, %add3A_70, %gt3A_74 : vector<3200x128xf32>
    %select_n3A_76 = arith.select %gt3A_75, %add3A_70, %log1p3A_72 : vector<3200x128xi1>, vector<3200x128xf32>
    %get3A_77 = arith.constant 0 : index
    %get3A_78 = arith.constant 0 : index
    %get3A_79 = vector.load %arg14[%get3A_77, %get3A_78] : memref<128x2xf32, #tpu.memory_space<vmem>>, vector<128x2xf32>
    %dot_general3A_80 = arith.constant dense<0.000000e+00> : vector<3200x2xf32>
    %dot_general3A_81 = tpu.matmul %select_n3A_76, %get3A_79, %dot_general3A_80 {dimension_numbers = #tpu.dot_dimension_numbers<[1], [0], [0], [1], [0, 0, 1, 1], [], []>, transpose_lhs_hint = false} : vector<3200x128xf32>, vector<128x2xf32>, vector<3200x2xf32> -> vector<3200x2xf32>
    %get3A_82 = arith.constant 0 : index
    %get3A_83 = arith.constant 0 : index
    %get3A_84 = vector.load %arg15[%get3A_82, %get3A_83] : memref<1x2xf32, #tpu.memory_space<vmem>>, vector<1x2xf32>
    %add3A_85 = vector.broadcast %get3A_84 : vector<1x2xf32> to vector<3200x2xf32>
    %add3A_86 = arith.addf %dot_general3A_81, %add3A_85 : vector<3200x2xf32>
    %transpose3A = tpu.transpose %add3A_86, [1, 0] : vector<3200x2xf32> -> vector<2x3200xf32>
    %swap3A = arith.constant 0 : index
    %swap3A_87 = arith.constant 0 : index
    %swap3A_88 = vector.load %arg16[%swap3A, %swap3A_87] : memref<2x3200xf32, #tpu.memory_space<vmem>>, vector<2x3200xf32>
    tpu.vector_store %arg16[%swap3A, %swap3A_87], %transpose3A {strides = array<i32>} : memref<2x3200xf32, #tpu.memory_space<vmem>>, vector<2x3200xf32>,
    return
  }
  func.func @transform_0(%arg0: i32) -> (i32, i32) {
    %c0_i32 = arith.constant 0 : i32
    %c0_i32_0 = arith.constant 0 : i32
    return %arg0, %c0_i32 : i32, i32
  }
  func.func @transform_1(%arg0: i32) -> (i32, i32) {
    %c0_i32 = arith.constant 0 : i32
    %c0_i32_0 = arith.constant 0 : i32
    return %arg0, %c0_i32 : i32, i32
  }
  func.func @transform_2(%arg0: i32) -> (i32, i32) {
    %add3A = arith.constant 0 : i32
    %add3A_0 = arith.addi %arg0, %add3A : i32
    %c0_i32 = arith.constant 0 : i32
    %c0_i32_1 = arith.constant 0 : i32
    return %add3A_0, %c0_i32 : i32, i32
  }
  func.func @transform_3(%arg0: i32) -> (i32, i32) {
    %c0_i32 = arith.constant 0 : i32
    %c0_i32_0 = arith.constant 0 : i32
    %c0_i32_1 = arith.constant 0 : i32
    return %c0_i32, %c0_i32_0 : i32, i32
  }
  func.func @transform_4(%arg0: i32) -> (i32, i32) {
    %c0_i32 = arith.constant 0 : i32
    %c0_i32_0 = arith.constant 0 : i32
    %c0_i32_1 = arith.constant 0 : i32
    return %c0_i32, %c0_i32_0 : i32, i32
  }
  func.func @transform_5(%arg0: i32) -> (i32, i32) {
    %c0_i32 = arith.constant 0 : i32
    %c0_i32_0 = arith.constant 0 : i32
    %c0_i32_1 = arith.constant 0 : i32
    return %c0_i32, %c0_i32_0 : i32, i32
  }
  func.func @transform_6(%arg0: i32) -> (i32, i32) {
    %c0_i32 = arith.constant 0 : i32
    %c0_i32_0 = arith.constant 0 : i32
    %c0_i32_1 = arith.constant 0 : i32
    return %c0_i32, %c0_i32_0 : i32, i32
  }
  func.func @transform_7(%arg0: i32) -> (i32, i32) {
    %c0_i32 = arith.constant 0 : i32
    %c0_i32_0 = arith.constant 0 : i32
    %c0_i32_1 = arith.constant 0 : i32
    return %c0_i32, %c0_i32_0 : i32, i32
  }
  func.func @transform_8(%arg0: i32) -> (i32, i32) {
    %c0_i32 = arith.constant 0 : i32
    %c0_i32_0 = arith.constant 0 : i32
    %c0_i32_1 = arith.constant 0 : i32
    return %c0_i32, %c0_i32_0 : i32, i32
  }
  func.func @transform_9(%arg0: i32) -> (i32, i32) {
    %c0_i32 = arith.constant 0 : i32
    %c0_i32_0 = arith.constant 0 : i32
    %c0_i32_1 = arith.constant 0 : i32
    return %c0_i32, %c0_i32_0 : i32, i32
  }
  func.func @transform_10(%arg0: i32) -> (i32, i32) {
    %c0_i32 = arith.constant 0 : i32
    %c0_i32_0 = arith.constant 0 : i32
    %c0_i32_1 = arith.constant 0 : i32
    return %c0_i32, %c0_i32_0 : i32, i32
  }
  func.func @transform_11(%arg0: i32) -> (i32, i32) {
    %c0_i32 = arith.constant 0 : i32
    %c0_i32_0 = arith.constant 0 : i32
    %c0_i32_1 = arith.constant 0 : i32
    return %c0_i32, %c0_i32_0 : i32, i32
  }
  func.func @transform_12(%arg0: i32) -> (i32, i32) {
    %c0_i32 = arith.constant 0 : i32
    %c0_i32_0 = arith.constant 0 : i32
    %c0_i32_1 = arith.constant 0 : i32
    return %c0_i32, %c0_i32_0 : i32, i32
  }
  func.func @transform_13(%arg0: i32) -> (i32, i32) {
    %c0_i32 = arith.constant 0 : i32
    %c0_i32_0 = arith.constant 0 : i32
    %c0_i32_1 = arith.constant 0 : i32
    return %c0_i32, %c0_i32_0 : i32, i32
  }
  func.func @transform_14(%arg0: i32) -> (i32, i32) {
    %c0_i32 = arith.constant 0 : i32
    %c0_i32_0 = arith.constant 0 : i32
    %c0_i32_1 = arith.constant 0 : i32
    return %c0_i32, %c0_i32_0 : i32, i32
  }
  func.func @transform_15(%arg0: i32) -> (i32, i32) {
    %c0_i32 = arith.constant 0 : i32
    %c0_i32_0 = arith.constant 0 : i32
    return %c0_i32, %arg0 : i32, i32
  }
}

</mosaic_0001>

<sc_bundles>
// kernel: kernel.21.cloned.1.call-start
scs
__scs_entry_jumppad:
0x0: {  	(pc) =	sbr.rel $0x88, $3  }
0x1: {  	(tag) =	ssettag $0x0;
	lr =	simm.s32 $0x1  }
0x2: {  	[smem:$0x3F7D] =	sst lr;
	_ =	strace $0xD0000000  }
0x3: {  	_ = 	snop  }
0x4: {  	_ = 	snop  }
0x5: {  	_ = 	snop  }
0x6: {  	_ = 	snop  }
0x7: {  	_ = 	snop  }
__scs_overlays_trampoline_lowered:
0x8: {  	[smem:$0x3F8C] =	sst s0  }
0x9: {  	[smem:$0x3F8D] =	sst s1  }
0xa: {  	[smem:$0x3F8E] =	sst s2  }
0xb: {  	[smem:$0x3F8F] =	sst s3  }
0xc: {  	[smem:$0x3F90] =	sst s4  }
0xd: {  	[smem:$0x3F91] =	sst s5  }
0xe: {  	[smem:$0x3F92] =	sst s6  }
0xf: {  	[smem:$0x3F93] =	sst s7  }
0x10: {  	[smem:$0x3F94] =	sst s8  }
0x11: {  	[smem:$0x3F95] =	sst s9;
	s0 =	simm.s32 @!p0 $0x0  }
0x12: {  	s1 =	sld [smem:$0x3F7B];
	s0 =	simm.s32 @p0 $0x1  }
0x13: {  	[smem:$0x3F96] =	sst s0;
	s0 =	simm.s32 @!p1 $0x0  }
0x14: {  	s2 =	sld [smem:$0x3F7A];
	s0 =	simm.s32 @p1 $0x1  }
0x15: {  	[smem:$0x3F97] =	sst s0;
	s0 =	simm.s32 @!p2 $0x0  }
0x16: {  	s3 =	sld [smem:$0x3FDB];
	s0 =	simm.s32 @p2 $0x1  }
0x17: {  	s4 =	simm.s32 $0x1BF5;
	[smem:$0x3F99] =	sst s0  }
0x18: {  	s0 =	sld [smem:$0x3F7C];
	_ =	swait.ge [sflag:s4], $0x0  }
0x19: {  	s7 =	sld [smem:$0x3F7D]  }
0x1a: {  	s8 =	sadd.s32 $0xFFFFE003, lr  }
0x1b: {  	s9 =	sadd.s32 $0xFFFFFEF7, lr;
	s5 =	simm.s32 $0xFFFFFFFF;
	p2 =	slt.u32 s8, $0xFFFFF086  }
0x1c: {  	p1 =	slt.u32 s9, $0xF7A;
	s5 =	simm.s32 @!p2 $0x0  }
0x1d: {  	s5 =	simm.s32 @p1 $0x1;
	p0 =	seq.s32 s7, s2  }
0x1e: {  	s7 =	smul.u32 @!p0 $0xF7A, s2;
	p2 =	seq.s32 @!p0 s5, $0x0  }
0x1f: {  	s9 =	smul.u32 $0xF7A, s1;
	s8 =	simm.s32 @!p0 $0x1BF5;
	p2 =	por !p2, p0  }
0x20: {  	[sflag:s8] =	ssyncset.s32 @!p0 $0xFFFFF086;
	s6 =	sadd.s32 @!p0 s3, s7;
	s7 =	simm.s32 @!p0 $0x108  }
0x21: {  	s3 =	sadd.s32 s3, s9;
	s6 =	sadd.s32 @!p0 $0x88, s6;
	s7 =	simm.s32 @p2 $0x1082  }
0x22: {  	[simem:s7], [sflag:s8] =	dma.local @!p0 [hbm:s6], $0xF7A  }
0x23: {  	s9 =	sor.u32 $0xD0000000, s2;
	s6 =	simm.s32 $0x108;
	_ =	swait.ge @!p0 [sflag:s8], $0x0  }
0x24: {  	s3 =	sadd.s32 $0x88, s3;
	s6 =	simm.s32 @!p1 $0x1082;
	[sflag:s4] =	ssyncset.s32 $0xFFFFF086  }
0x25: {  	[simem:s6], [sflag:s4] =	dma.local [hbm:s3], $0xF7A  }
0x26: {  	[smem:$0x3F7D] =	sst s1;
	(tag) =	ssettag s2;
	_ =	strace s9  }
0x27: {  	s1 =	sld [smem:$0x3F8D]  }
0x28: {  	s2 =	sld [smem:$0x3F8E]  }
0x29: {  	s4 =	sld [smem:$0x3F90]  }
0x2a: {  	p0 =	seq.s32 s5, $0x0;
	s5 =	sld [smem:$0x3F91]  }
0x2b: {  	s6 =	sld [smem:$0x3F92]  }
0x2c: {  	s7 =	sld [smem:$0x3F93]  }
0x2d: {  	s3 =	simm.s32 $0x108;
	s8 =	sld [smem:$0x3F94]  }
0x2e: {  	s3 =	simm.s32 @!p0 $0x1082;
	s9 =	sld [smem:$0x3F95]  }
0x2f: {  	lr =	sadd.s32 s0, s3;
	s0 =	sld [smem:$0x3F8C]  }
0x30: {  	s3 =	sld [smem:$0x3F8F]  }
0x31: {  	[smem:$0x3F98] =	sst s10  }
0x32: {  	s10 =	sld [smem:$0x3F96];
	_ =	sdelay $0x3  }
0x33: {  	p0 =	seq.s32 s10, $0x1;
	s10 =	sld [smem:$0x3F98];
	_ =	sdelay $0x3  }
0x34: {  	[smem:$0x3F98] =	sst s10  }
0x35: {  	s10 =	sld [smem:$0x3F97];
	_ =	sdelay $0x3  }
0x36: {  	p1 =	seq.s32 s10, $0x1;
	s10 =	sld [smem:$0x3F98];
	_ =	sdelay $0x3  }
0x37: {  	[smem:$0x3F98] =	sst s10  }
0x38: {  	s10 =	sld [smem:$0x3F99]  }
0x39: {  	_ = 	snop;
	(pc) =	sbr.ind lr, $3  }
0x3a: {  	_ = 	snop  }
0x3b: {  	_ = 	snop  }
0x3c: {  	p2 =	seq.s32 s10, $0x1;
	s10 =	sld [smem:$0x3F98]  }
0x3d: {  	_ =	shalt  }
0x3e: {  	_ =	shalt  }
0x3f: {  	_ =	shalt  }
0x40: {  	_ =	shalt  }
0x41: {  	_ =	shalt  }
0x42: {  	_ =	shalt  }
0x43: {  	_ =	shalt  }
0x44: {  	_ =	shalt  }
0x45: {  	_ =	shalt  }
0x46: {  	_ =	shalt  }
0x47: {  	_ =	shalt  }
0x48: {  	_ =	shalt  }
0x49: {  	_ =	shalt  }
0x4a: {  	_ =	shalt  }
0x4b: {  	_ =	shalt  }
0x4c: {  	_ =	shalt  }
0x4d: {  	_ =	shalt  }
0x4e: {  	_ =	shalt  }
0x4f: {  	_ =	shalt  }
0x50: {  	_ =	shalt  }
0x51: {  	_ =	shalt  }
0x52: {  	_ =	shalt  }
0x53: {  	_ =	shalt  }
0x54: {  	_ =	shalt  }
0x55: {  	_ =	shalt  }
0x56: {  	_ =	shalt  }
0x57: {  	_ =	shalt  }
0x58: {  	_ =	shalt  }
0x59: {  	_ =	shalt  }
0x5a: {  	_ =	shalt  }
0x5b: {  	_ =	shalt  }
0x5c: {  	_ =	shalt  }
0x5d: {  	_ =	shalt  }
0x5e: {  	_ =	shalt  }
0x5f: {  	_ =	shalt  }
0x60: {  	_ =	shalt  }
0x61: {  	_ =	shalt  }
0x62: {  	_ =	shalt  }
0x63: {  	_ =	shalt  }
0x64: {  	_ =	shalt  }
0x65: {  	_ =	shalt  }
0x66: {  	_ =	shalt  }
0x67: {  	_ =	shalt  }
0x68: {  	_ =	shalt  }
0x69: {  	_ =	shalt  }
0x6a: {  	_ =	shalt  }
0x6b: {  	_ =	shalt  }
0x6c: {  	_ =	shalt  }
0x6d: {  	_ =	shalt  }
0x6e: {  	_ =	shalt  }
0x6f: {  	_ =	shalt  }
0x70: {  	_ =	shalt  }
0x71: {  	_ =	shalt  }
0x72: {  	_ =	shalt  }
0x73: {  	_ =	shalt  }
0x74: {  	_ =	shalt  }
0x75: {  	_ =	shalt  }
0x76: {  	_ =	shalt  }
0x77: {  	_ =	shalt  }
0x78: {  	_ =	shalt  }
0x79: {  	_ =	shalt  }
0x7a: {  	_ =	shalt  }
0x7b: {  	_ =	shalt  }
0x7c: {  	_ =	shalt  }
0x7d: {  	_ =	shalt  }
0x7e: {  	_ =	shalt  }
0x7f: {  	_ =	shalt  }
0x80: {  	_ =	shalt  }
0x81: {  	_ =	shalt  }
0x82: {  	_ =	shalt  }
0x83: {  	_ =	shalt  }
0x84: {  	_ =	shalt  }
0x85: {  	_ =	shalt  }
0x86: {  	_ =	shalt  }
0x87: {  	_ =	shalt  }
.Lfunc_end0:
.L_simem_size_0:
called_computation_lowered:
.L_overlay_start_0:
0x88: {  	s2 =	sld [smem:$0x3FD9]  }
0x89: {  	s3 =	sld [smem:$0x3FFE];
	_ =	sdelay $0x1  }
0x8a: {  	s1 =	srdreg.scid  }
0x8b: {  	s0 =	sand.u32 $0x1, s1  }
0x8c: {  	s16 =	sshll.u32 s0, $0xA;
	s2 =	sadd.s32 s3, s2  }
0x8d: {  	s2 =	sadd.s32 s2, s16  }
0x8e: {  	[smem:$0x3FA4] =	sst s2  }
0x8f: {  	_ = 	snop  }
0x90: {  	(tm) =	ssettm $0x1  }
0x91: {  	s17 =	sld [smem:$0x3FFB];
	_ =	sdelay $0x3  }
0x92: {  	_ =	strace s17  }
0x93: {  	s2 =	sld [smem:$0x3FFC];
	_ =	sdelay $0x3  }
0x94: {  	_ =	strace s2  }
0x95: {  	s2 =	sld [smem:$0x3FFD];
	_ =	sdelay $0x3  }
0x96: {  	_ =	strace s2  }
0x97: {  	_ =	strace $0x8FFFFFFF  }
0x98: {  	s18 =	sld [smem:$0x3FDB];
	_ =	sdelay $0x1  }
0x99: {  	s19 =	simm.s32 $_scs_section_size  }
0x9a: {  	s4 =	simm.s32 $_size__tile_overlayer_lowered;
	s5 =	simm.s32 $_tile_overlayer_lowered  }
0x9b: {  	s22 =	simm.s32 $0x1BFF;
	s21 =	sshll.u32 s5, $0x1;
	s2 =	sadd.s32 s19, s18  }
0x9c: {  	s6 =	simm.s32 $0x0;
	s20 =	sshll.u32 s4, $0x1;
	s4 =	sadd.s32 s21, s2  }
0x9d: {  	[timem:s6], [sflag:s22] =	dma.local [hbm:s4], s20  }
0x9e: {  	_ =	swait.ge [sflag:s22], s20  }
0x9f: {  	s3 =	ssub.s32 $0x0, s20;
	[sflag:s22] =	ssyncset.done $0x0  }
0xa0: {  	[sflag:s22] =	ssyncadd.s32 s3;
	_ =	sdelay $0x1  }
0xa1: {  	s23 =	simm.s32 $0x1B8B  }
0xa2: {  	_ =	swait.ge [sflag:s23], $0x1  }
0xa3: {  	[sflag:s23] =	ssyncset.done $0x0  }
0xa4: {  	s25 =	simm.s32 $0x1B8E;
	s24 =	sld [smem:$0x3FFE];
	[sflag:s23] =	ssyncadd.s32 $0xFFFFFFFF  }
0xa5: {  	s26 =	simm.s32 $execute0_lowered;
	[smem:$0x3FD2] =	sst s25  }
0xa6: {  	s4 =	sshll.u32 s26, $0x1;
	_ =	strace $0x80000046;
	[dreg:$0x1] =	wrdreg $0xFFFFFFFF  }
0xa7: {  	s28 =	simm.s32 $_size_execute0_lowered;
	s2 =	sadd.s32 s2, s4;
	[dreg:$0x0] =	wrdreg $0x0  }
0xa8: {  	s4 =	sshll.u32 s28, $0x1;
	[dreg:$0x2] =	wrdreg s2  }
0xa9: {  	[dreg:$0x3] =	wrdreg s4  }
0xaa: {  	[dreg:$0x4] =	wrdreg $0xC0  }
0xab: {  	_ =	task [dreg:s6], $0x5FFFF  }
0xac: {  	[dreg:$0x1] =	wrdreg $0xFFFFFFFF  }
0xad: {  	[dreg:$0x0] =	wrdreg $0x60  }
0xae: {  	[dreg:$0x2] =	wrdreg s24  }
0xaf: {  	[dreg:$0x3] =	wrdreg $0xA  }
0xb0: {  	_ =	task.clear_ibuf [dreg:s6], $0x4FFFF;
	_ =	strace $0x90000046  }
0xb1: {  	s29 =	simm.s32 $0xA;
	_ =	strace $0x80000048  }
0xb2: {  	_ =	swait.ge [sflag:s29], $0x1  }
0xb3: {  	[sflag:s29] =	ssyncadd.s32 $0xFFFFFFFF  }
0xb4: {  	_ =	strace $0x90000048  }
0xb5: {  	_ =	sfence  }
0xb6: {  	s30 =	sld [smem:$0x0];
	_ =	sdelay $0x2  }
0xb7: {  	s31 =	sshll.u32 s1, $0xD;
	s1 =	sshrl.u32 s1, $0x2  }
0xb8: {  	s3 =	sand.u32 $0x4000, s31;
	s1 =	sadd.s32 s1, s30  }
0xb9: {  	s0 =	sor.u32 s3, s0;
	s1 =	sshll.u32 s1, $0x11  }
0xba: {  	s0 =	sor.u32 s1, s0  }
0xbb: {  	s0 =	sadd.s32 $0x8F2B, s0  }
0xbc: {  	[sflag:s0] =	ssyncadd.remote.s32 $0x1  }
0xbd: {  	_ =	sfence.sel $0xFFFF  }
0xbe: {  	[dreg:$0x0] =	wrdreg $0xFFFFFFFF;
	(pc) =	sbr.abs _section_cstart, $3  }
0xbf: {  	[dreg:$0x1] =	wrdreg $0xFFFFFFFF  }
0xc0: {  	_ =	task.clear_ibuf [dreg:s6], $0x2FFFF;
	_ =	strace $0x9FFFFFFF  }
0xc1: {  	(tm) =	ssettm $0x7FFFFFFF  }
tec
execute0_lowered:
.L_overlay_start_1:
0x0: {  	(tag) =	ssettag $0x1  }
0x1: {  	s1 =	srdreg.scid  }
0x2: {  	s0 =	stileid.u32;
	s4 =	rddreg [dreg:$0x0];
	s2 =	simm.s32 $0x0  }
0x3: {  	s15 =	simm.s32 $0x5910;
	s16 =	simm.s32 $0x1;
	s17 =	simm.s32 $0x2  }
0x4: {  	s18 =	simm.s32 $0x0;
	s6 =	sand.u32 $0x1, s1;
	s1 =	rddreg [dreg:$0x1]  }
0x5: {  	s30 =	sshll.u32 s0, $0x1;
	[smem:$0x7FF] =	sst s2;
	s3 =	sadd.s32 $0x16C00, s4  }
0x6: {  	s10 =	sadd.s32 $0x3E000, s4;
	s12 =	smul.u32 $0x13880, s0;
	s5 =	sor.u32 s6, s30  }
0x7: {  	s9 =	sadd.s32 $0x176800, s4;
	s8 =	ssub.s32 $0x2, s6;
	s7 =	smul.u32 $0x1388, s5  }
0x8: {  	_ =	strace $0x80000047;
	s31 =	sshrl.u32 s8, $0x1;
	s11 =	smul.u32 $0x9C40, s5  }
0x9: {  	s13 =	smul.u32 $0x9C40, s6;
	s14 =	sadd.s32 s12, s9;
	s8 =	ssub.s32 s8, s31  }
0xa: {  	s7 =	sshrl.u32 s7, $0x3;
	s11 =	sadd.s32 $0x9600, s11;
	s6 =	smax.u32 s8, $0x1  }
0xb: {  	s7 =	sadd.s32 s7, s4;
	s8 =	sadd.s32 s9, s11;
	s9 =	sadd.s32 s13, s14  }
0xc: {  	s14 =	simm.s32 $0x2710;
	s4 =	sadd.s32 $0x11400, s7;
	s5 =	sadd.s32 $0xC400, s7  }
0xd: {  	s7 =	sadd.s32 s10, s11;
	s10 =	sadd.s32 s12, s10;
	s11 =	simm.s32 $0x3  }
0xe: {  	s12 =	simm.s32 $0x1388;
	s10 =	sadd.s32 s13, s10;
	s13 =	simm.s32 $0xC8  }
.LBB2_1:
0xf: {  	[tilespmem:s2], [sflag:$0x3] =	stream.linear.gather [hbm4b:s4+s2], $0x1388, $0x38;
	[tilespmem:$0x8B10] =	vst v63  }
0x10: {  	_ =	swait.ge [sflag:s11], $0x1388  }
0x11: {  	[sflag:s11] =	ssyncset.done $0x0  }
0x12: {  	[sflag:s11] =	ssyncadd.s32 $0xFFFFEC78  }
0x13: {  	[tilespmem:s12], [sflag:$0x3] =	stream.linear.gather [hbm4b:s5+s2], $0x1388, $0x38;
	[tilespmem:$0x8B10] =	vst v63  }
0x14: {  	_ =	swait.ge [sflag:s11], $0x1388  }
0x15: {  	[sflag:s11] =	ssyncset.done $0x0  }
0x16: {  	[sflag:s11] =	ssyncadd.s32 $0xFFFFEC78  }
0x17: {  	[tilespmem:s14], [sflag:$0x1] =	stream.indirect.gather [hbm4b:s3+s13], $0x40, s2, s13, $0xb8;
	[tilespmem:$0x8B10] =	vst v63  }
0x18: {  	_ = 	snop  }
0x19: {  	[tilespmem:s15], [sflag:$0x2] =	stream.indirect.gather [hbm4b:s3+s13], $0x40, s12, s13, $0xb8;
	[tilespmem:$0x8B10] =	vst v63  }
0x1a: {  	_ =	swait.ge [sflag:s16], $0x3200  }
0x1b: {  	[sflag:s16] =	ssyncset.done $0x0  }
0x1c: {  	[sflag:s16] =	ssyncadd.s32 $0xFFFFCE00  }
0x1d: {  	[hbm4b:s10+s2] =	stream.linear.scatter [tilespmem:s14], [sflag:$0x3], $0x3200, $0x38;
	[tilespmem:$0x8B10] =	vst v63  }
0x1e: {  	_ =	swait.ge [sflag:s11], $0x3200  }
0x1f: {  	[sflag:s11] =	ssyncset.done $0x0  }
0x20: {  	s19 =	simm.s32 $0xC8;
	[sflag:s11] =	ssyncadd.s32 $0xFFFFCE00  }
0x21: {  	[tilespmem:s14], [sflag:$0x1] =	stream.indirect.gather [hbm4b:s3+s13], $0x40, s19, s13, $0xb8;
	[tilespmem:$0x8B10] =	vst v63  }
0x22: {  	_ =	swait.ge [sflag:s17], $0x3200  }
0x23: {  	[sflag:s17] =	ssyncset.done $0x0  }
0x24: {  	[sflag:s17] =	ssyncadd.s32 $0xFFFFCE00  }
0x25: {  	[hbm4b:s9+s2] =	stream.linear.scatter [tilespmem:s15], [sflag:$0x3], $0x3200, $0x38;
	[tilespmem:$0x8B10] =	vst v63  }
0x26: {  	_ =	swait.ge [sflag:s11], $0x3200  }
0x27: {  	s20 =	sadd.s32 $0x640, s10;
	s22 =	simm.s32 $0x1450;
	[sflag:s11] =	ssyncset.done $0x0  }
0x28: {  	s21 =	sadd.s32 $0x640, s9;
	s19 =	simm.s32 $0x640;
	[sflag:s11] =	ssyncadd.s32 $0xFFFFCE00  }
.LBB2_2:
0x29: {  	[tilespmem:s15], [sflag:$0x2] =	stream.indirect.gather [hbm4b:s3+s13], $0x40, s22, s13, $0xb8;
	[tilespmem:$0x8B10] =	vst v63  }
0x2a: {  	s22 =	smov.u32 s19  }
0x2b: {  	p0 =	sne.s32 s19, $0x4B00;
	s19 =	sadd.s32 $0x320, s19;
	_ =	swait.ge [sflag:s16], $0x3200  }
0x2c: {  	[sflag:s16] =	ssyncset.done $0x0  }
0x2d: {  	[sflag:s16] =	ssyncadd.s32 $0xFFFFCE00  }
0x2e: {  	[hbm4b:s20+s2] =	stream.linear.scatter [tilespmem:s14], [sflag:$0x3], $0x3200, $0x38;
	[tilespmem:$0x8B10] =	vst v63  }
0x2f: {  	_ =	swait.ge [sflag:s11], $0x3200  }
0x30: {  	[sflag:s11] =	ssyncset.done $0x0  }
0x31: {  	s22 =	sshra.s32 s22, $0x2;
	[sflag:s11] =	ssyncadd.s32 $0xFFFFCE00  }
0x32: {  	[tilespmem:s14], [sflag:$0x1] =	stream.indirect.gather [hbm4b:s3+s13], $0x40, s22, s13, $0xb8;
	[tilespmem:$0x8B10] =	vst v63  }
0x33: {  	_ =	swait.ge [sflag:s17], $0x3200  }
0x34: {  	[sflag:s17] =	ssyncset.done $0x0  }
.Ltmp0:
0x35: {  	[sflag:s17] =	ssyncadd.s32 $0xFFFFCE00;
	(pc) =	sbr.rel @p0 .LBB2_2-.Ltmp0, $4  }
0x36: {  	[hbm4b:s21+s2] =	stream.linear.scatter [tilespmem:s15], [sflag:$0x3], $0x3200, $0x38;
	[tilespmem:$0x8B10] =	vst v63  }
0x37: {  	_ =	swait.ge [sflag:s11], $0x3200  }
0x38: {  	s20 =	sadd.s32 $0x640, s20;
	[sflag:s11] =	ssyncset.done $0x0  }
0x39: {  	s22 =	sadd.s32 $0x1388, s22;
	s21 =	sadd.s32 $0x640, s21;
	[sflag:s11] =	ssyncadd.s32 $0xFFFFCE00  }
0x3a: {  	[tilespmem:s15], [sflag:$0x2] =	stream.indirect.gather [hbm4b:s3+s13], $0x40, s22, s13, $0xb8;
	[tilespmem:$0x8B10] =	vst v63  }
0x3b: {  	_ =	swait.ge [sflag:s16], $0x3200  }
0x3c: {  	[sflag:s16] =	ssyncset.done $0x0  }
0x3d: {  	[sflag:s16] =	ssyncadd.s32 $0xFFFFCE00  }
0x3e: {  	[hbm4b:s7+s2] =	stream.linear.scatter [tilespmem:s14], [sflag:$0x3], $0x3200, $0x38;
	[tilespmem:$0x8B10] =	vst v63  }
0x3f: {  	_ =	swait.ge [sflag:s11], $0x3200  }
0x40: {  	[sflag:s11] =	ssyncset.done $0x0  }
0x41: {  	[sflag:s11] =	ssyncadd.s32 $0xFFFFCE00  }
0x42: {  	s18 =	sadd.s32 $0x1, s18;
	_ =	swait.ge [sflag:s17], $0x3200  }
0x43: {  	p0 =	sne.s32 s18, s6;
	[sflag:s17] =	ssyncset.done $0x0  }
.Ltmp1:
0x44: {  	[sflag:s17] =	ssyncadd.s32 $0xFFFFCE00;
	(pc) =	sbr.rel @p0 .LBB2_1-.Ltmp1, $4  }
0x45: {  	[hbm4b:s8+s2] =	stream.linear.scatter [tilespmem:s15], [sflag:$0x3], $0x3200, $0x38;
	[tilespmem:$0x8B10] =	vst v63  }
0x46: {  	_ =	swait.ge [sflag:s11], $0x3200  }
0x47: {  	[sflag:s11] =	ssyncset.done $0x0  }
0x48: {  	[sflag:s11] =	ssyncadd.s32 $0xFFFFCE00  }
0x49: {  	_ =	sfence.sel $0x180000  }
0x4a: {  	[bflag:$0x0] =	sbarrier.arrive $0xFFFF  }
0x4b: {  	p0 =	sne.s32 s0, $0x0;
	_ =	strace $0x90000047  }
0x4c: {  	s0 =	sadd.s32 @!p0 $0x100000, s1;
	[bflag:$0x2] =	sbarrier.arrive $0xFFFF  }
0x4d: {  	[sflag:s0] =	ssyncadd.tile.s32 @!p0 $0x1;
	_ =	shalt  }
.Lfunc_end2:
_tile_overlayer_lowered:
.L_overlay_start_2:
0x4e: {  	(tag) =	ssettag $0x2  }
0x4f: {  	s0 =	rddreg [dreg:$0x0];
	s2 =	stileid.u32  }
0x50: {  	s1 =	rddreg [dreg:$0x1];
	p0 =	sne.s32 s2, $0x0  }
0x51: {  	s3 =	rddreg [dreg:$0x2];
	[bflag:$0x3] =	sbarrier.arrive $0xFFFF;
	s2 =	simm.s32 @!p0 $0x1C03  }
0x52: {  	[timem:s3], [sflag:s2] =	dma.local @!p0 [hbm:s0], s1  }
0x53: {  	s0 =	simm.s32 @!p0 $0x3  }
0x54: {  	_ =	swait.ge @!p0 [sflag:s0], s1  }
0x55: {  	s1 =	ssub.s32 @!p0 $0x0, s1;
	[sflag:s0] =	ssyncset.done @!p0 $0x0  }
0x56: {  	[sflag:s0] =	ssyncadd.s32 @!p0 s1  }
0x57: {  	[bflag:$0x3] =	sbarrier.arrive $0xFFFF  }
0x58: {  	_ =	shalt  }

// kernel: kernel.24.cloned.1.call-start
scs
__scs_entry_jumppad:
0x0: {  	(pc) =	sbr.rel $0x88, $3  }
0x1: {  	(tag) =	ssettag $0x0;
	lr =	simm.s32 $0x1  }
0x2: {  	[smem:$0x3F7D] =	sst lr;
	_ =	strace $0xD0000000  }
0x3: {  	_ = 	snop  }
0x4: {  	_ = 	snop  }
0x5: {  	_ = 	snop  }
0x6: {  	_ = 	snop  }
0x7: {  	_ = 	snop  }
__scs_overlays_trampoline_lowered:
0x8: {  	[smem:$0x3F8C] =	sst s0  }
0x9: {  	[smem:$0x3F8D] =	sst s1  }
0xa: {  	[smem:$0x3F8E] =	sst s2  }
0xb: {  	[smem:$0x3F8F] =	sst s3  }
0xc: {  	[smem:$0x3F90] =	sst s4  }
0xd: {  	[smem:$0x3F91] =	sst s5  }
0xe: {  	[smem:$0x3F92] =	sst s6  }
0xf: {  	[smem:$0x3F93] =	sst s7  }
0x10: {  	[smem:$0x3F94] =	sst s8  }
0x11: {  	[smem:$0x3F95] =	sst s9;
	s0 =	simm.s32 @!p0 $0x0  }
0x12: {  	s1 =	sld [smem:$0x3F7B];
	s0 =	simm.s32 @p0 $0x1  }
0x13: {  	[smem:$0x3F96] =	sst s0;
	s0 =	simm.s32 @!p1 $0x0  }
0x14: {  	s2 =	sld [smem:$0x3F7A];
	s0 =	simm.s32 @p1 $0x1  }
0x15: {  	[smem:$0x3F97] =	sst s0;
	s0 =	simm.s32 @!p2 $0x0  }
0x16: {  	s3 =	sld [smem:$0x3FDB];
	s0 =	simm.s32 @p2 $0x1  }
0x17: {  	s4 =	simm.s32 $0x1BF5;
	[smem:$0x3F99] =	sst s0  }
0x18: {  	s0 =	sld [smem:$0x3F7C];
	_ =	swait.ge [sflag:s4], $0x0  }
0x19: {  	s7 =	sld [smem:$0x3F7D]  }
0x1a: {  	s8 =	sadd.s32 $0xFFFFE003, lr  }
0x1b: {  	s9 =	sadd.s32 $0xFFFFFEF7, lr;
	s5 =	simm.s32 $0xFFFFFFFF;
	p2 =	slt.u32 s8, $0xFFFFF086  }
0x1c: {  	p1 =	slt.u32 s9, $0xF7A;
	s5 =	simm.s32 @!p2 $0x0  }
0x1d: {  	s5 =	simm.s32 @p1 $0x1;
	p0 =	seq.s32 s7, s2  }
0x1e: {  	s7 =	smul.u32 @!p0 $0xF7A, s2;
	p2 =	seq.s32 @!p0 s5, $0x0  }
0x1f: {  	s9 =	smul.u32 $0xF7A, s1;
	s8 =	simm.s32 @!p0 $0x1BF5;
	p2 =	por !p2, p0  }
0x20: {  	[sflag:s8] =	ssyncset.s32 @!p0 $0xFFFFF086;
	s6 =	sadd.s32 @!p0 s3, s7;
	s7 =	simm.s32 @!p0 $0x108  }
0x21: {  	s3 =	sadd.s32 s3, s9;
	s6 =	sadd.s32 @!p0 $0x88, s6;
	s7 =	simm.s32 @p2 $0x1082  }
0x22: {  	[simem:s7], [sflag:s8] =	dma.local @!p0 [hbm:s6], $0xF7A  }
0x23: {  	s9 =	sor.u32 $0xD0000000, s2;
	s6 =	simm.s32 $0x108;
	_ =	swait.ge @!p0 [sflag:s8], $0x0  }
0x24: {  	s3 =	sadd.s32 $0x88, s3;
	s6 =	simm.s32 @!p1 $0x1082;
	[sflag:s4] =	ssyncset.s32 $0xFFFFF086  }
0x25: {  	[simem:s6], [sflag:s4] =	dma.local [hbm:s3], $0xF7A  }
0x26: {  	[smem:$0x3F7D] =	sst s1;
	(tag) =	ssettag s2;
	_ =	strace s9  }
0x27: {  	s1 =	sld [smem:$0x3F8D]  }
0x28: {  	s2 =	sld [smem:$0x3F8E]  }
0x29: {  	s4 =	sld [smem:$0x3F90]  }
0x2a: {  	p0 =	seq.s32 s5, $0x0;
	s5 =	sld [smem:$0x3F91]  }
0x2b: {  	s6 =	sld [smem:$0x3F92]  }
0x2c: {  	s7 =	sld [smem:$0x3F93]  }
0x2d: {  	s3 =	simm.s32 $0x108;
	s8 =	sld [smem:$0x3F94]  }
0x2e: {  	s3 =	simm.s32 @!p0 $0x1082;
	s9 =	sld [smem:$0x3F95]  }
0x2f: {  	lr =	sadd.s32 s0, s3;
	s0 =	sld [smem:$0x3F8C]  }
0x30: {  	s3 =	sld [smem:$0x3F8F]  }
0x31: {  	[smem:$0x3F98] =	sst s10  }
0x32: {  	s10 =	sld [smem:$0x3F96];
	_ =	sdelay $0x3  }
0x33: {  	p0 =	seq.s32 s10, $0x1;
	s10 =	sld [smem:$0x3F98];
	_ =	sdelay $0x3  }
0x34: {  	[smem:$0x3F98] =	sst s10  }
0x35: {  	s10 =	sld [smem:$0x3F97];
	_ =	sdelay $0x3  }
0x36: {  	p1 =	seq.s32 s10, $0x1;
	s10 =	sld [smem:$0x3F98];
	_ =	sdelay $0x3  }
0x37: {  	[smem:$0x3F98] =	sst s10  }
0x38: {  	s10 =	sld [smem:$0x3F99]  }
0x39: {  	_ = 	snop;
	(pc) =	sbr.ind lr, $3  }
0x3a: {  	_ = 	snop  }
0x3b: {  	_ = 	snop  }
0x3c: {  	p2 =	seq.s32 s10, $0x1;
	s10 =	sld [smem:$0x3F98]  }
0x3d: {  	_ =	shalt  }
0x3e: {  	_ =	shalt  }
0x3f: {  	_ =	shalt  }
0x40: {  	_ =	shalt  }
0x41: {  	_ =	shalt  }
0x42: {  	_ =	shalt  }
0x43: {  	_ =	shalt  }
0x44: {  	_ =	shalt  }
0x45: {  	_ =	shalt  }
0x46: {  	_ =	shalt  }
0x47: {  	_ =	shalt  }
0x48: {  	_ =	shalt  }
0x49: {  	_ =	shalt  }
0x4a: {  	_ =	shalt  }
0x4b: {  	_ =	shalt  }
0x4c: {  	_ =	shalt  }
0x4d: {  	_ =	shalt  }
0x4e: {  	_ =	shalt  }
0x4f: {  	_ =	shalt  }
0x50: {  	_ =	shalt  }
0x51: {  	_ =	shalt  }
0x52: {  	_ =	shalt  }
0x53: {  	_ =	shalt  }
0x54: {  	_ =	shalt  }
0x55: {  	_ =	shalt  }
0x56: {  	_ =	shalt  }
0x57: {  	_ =	shalt  }
0x58: {  	_ =	shalt  }
0x59: {  	_ =	shalt  }
0x5a: {  	_ =	shalt  }
0x5b: {  	_ =	shalt  }
0x5c: {  	_ =	shalt  }
0x5d: {  	_ =	shalt  }
0x5e: {  	_ =	shalt  }
0x5f: {  	_ =	shalt  }
0x60: {  	_ =	shalt  }
0x61: {  	_ =	shalt  }
0x62: {  	_ =	shalt  }
0x63: {  	_ =	shalt  }
0x64: {  	_ =	shalt  }
0x65: {  	_ =	shalt  }
0x66: {  	_ =	shalt  }
0x67: {  	_ =	shalt  }
0x68: {  	_ =	shalt  }
0x69: {  	_ =	shalt  }
0x6a: {  	_ =	shalt  }
0x6b: {  	_ =	shalt  }
0x6c: {  	_ =	shalt  }
0x6d: {  	_ =	shalt  }
0x6e: {  	_ =	shalt  }
0x6f: {  	_ =	shalt  }
0x70: {  	_ =	shalt  }
0x71: {  	_ =	shalt  }
0x72: {  	_ =	shalt  }
0x73: {  	_ =	shalt  }
0x74: {  	_ =	shalt  }
0x75: {  	_ =	shalt  }
0x76: {  	_ =	shalt  }
0x77: {  	_ =	shalt  }
0x78: {  	_ =	shalt  }
0x79: {  	_ =	shalt  }
0x7a: {  	_ =	shalt  }
0x7b: {  	_ =	shalt  }
0x7c: {  	_ =	shalt  }
0x7d: {  	_ =	shalt  }
0x7e: {  	_ =	shalt  }
0x7f: {  	_ =	shalt  }
0x80: {  	_ =	shalt  }
0x81: {  	_ =	shalt  }
0x82: {  	_ =	shalt  }
0x83: {  	_ =	shalt  }
0x84: {  	_ =	shalt  }
0x85: {  	_ =	shalt  }
0x86: {  	_ =	shalt  }
0x87: {  	_ =	shalt  }
.Lfunc_end0:
.L_simem_size_0:
called_computation.1_lowered:
.L_overlay_start_0:
0x88: {  	s2 =	sld [smem:$0x3FD9]  }
0x89: {  	s3 =	sld [smem:$0x3FFE];
	_ =	sdelay $0x1  }
0x8a: {  	s1 =	srdreg.scid  }
0x8b: {  	s0 =	sand.u32 $0x1, s1  }
0x8c: {  	s17 =	sshll.u32 s0, $0xA;
	s2 =	sadd.s32 s3, s2  }
0x8d: {  	s2 =	sadd.s32 s2, s17  }
0x8e: {  	[smem:$0x3FA4] =	sst s2  }
0x8f: {  	_ = 	snop  }
0x90: {  	(tm) =	ssettm $0x1  }
0x91: {  	s18 =	sld [smem:$0x3FFB];
	_ =	sdelay $0x3  }
0x92: {  	_ =	strace s18  }
0x93: {  	s2 =	sld [smem:$0x3FFC];
	_ =	sdelay $0x3  }
0x94: {  	_ =	strace s2  }
0x95: {  	s2 =	sld [smem:$0x3FFD];
	_ =	sdelay $0x3  }
0x96: {  	_ =	strace s2  }
0x97: {  	_ =	strace $0x8FFFFFFF  }
0x98: {  	s19 =	sld [smem:$0x3FDB];
	_ =	sdelay $0x1  }
0x99: {  	s20 =	simm.s32 $_scs_section_size  }
0x9a: {  	s4 =	simm.s32 $_size__tile_overlayer_lowered;
	s5 =	simm.s32 $_tile_overlayer_lowered  }
0x9b: {  	s6 =	simm.s32 $0x1BFF;
	s21 =	sshll.u32 s5, $0x1;
	s3 =	sadd.s32 s20, s19  }
0x9c: {  	s22 =	simm.s32 $0x0;
	s4 =	sshll.u32 s4, $0x1;
	s5 =	sadd.s32 s21, s3  }
0x9d: {  	[timem:s22], [sflag:s6] =	dma.local [hbm:s5], s4  }
0x9e: {  	_ =	swait.ge [sflag:s6], s4  }
0x9f: {  	s4 =	ssub.s32 $0x0, s4;
	[sflag:s6] =	ssyncset.done $0x0  }
0xa0: {  	[sflag:s6] =	ssyncadd.s32 s4;
	_ =	sdelay $0x1  }
0xa1: {  	s23 =	simm.s32 $0x1B8B  }
0xa2: {  	_ =	swait.ge [sflag:s23], $0x1  }
0xa3: {  	[sflag:s23] =	ssyncset.done $0x0  }
0xa4: {  	[sflag:s23] =	ssyncadd.s32 $0xFFFFFFFF  }
0xa5: {  	s4 =	sld [smem:$0x0]  }
0xa6: {  	s5 =	sand.u32 $0xFFFFFFFE, s1  }
0xa7: {  	p0 =	sne.s32 s1, s5  }
0xa8: {  	s5 =	sshll.u32 @p0 s5, $0xE  }
0xa9: {  	s5 =	sadd.s32 @p0 $0x11B8D, s5;
	s6 =	sshll.u32 @p0 s4, $0x11  }
0xaa: {  	s5 =	sor.u32 @p0 s6, s5  }
0xab: {  	[sflag:s5] =	ssyncadd.remote.s32 @p0 $0x1;
	_ =	sdelay $0x1  }
0xac: {  	s5 =	simm.s32 @p0 $0x1B8D  }
0xad: {  	_ =	swait.eq @p0 [sflag:s5], $0x1  }
0xae: {  	[sflag:s5] =	ssyncadd.s32 @p0 $0xFFFFFFFF  }
0xaf: {  	s6 =	sshll.u32 @!p0 s1, $0xE  }
0xb0: {  	s6 =	sor.u32 @!p0 $0x4000, s6;
	s5 =	simm.s32 @!p0 $0x1B8D  }
0xb1: {  	s4 =	sshll.u32 @!p0 s4, $0x11;
	s6 =	sadd.s32 @!p0 $0x11B8D, s6;
	_ =	swait.eq @!p0 [sflag:s5], $0x1  }
0xb2: {  	s4 =	sor.u32 @!p0 s4, s6;
	[sflag:s5] =	ssyncadd.s32 @!p0 $0xFFFFFFFF  }
0xb3: {  	s25 =	simm.s32 $0x1B8E;
	s24 =	sld [smem:$0x3FFE];
	[sflag:s4] =	ssyncadd.remote.s32 @!p0 $0x1  }
0xb4: {  	s26 =	simm.s32 $execute0_lowered;
	[smem:$0x3FD2] =	sst s25  }
0xb5: {  	s5 =	sshll.u32 s26, $0x1;
	_ =	strace $0x80000049;
	[dreg:$0x1] =	wrdreg $0xFFFFFFFF  }
0xb6: {  	s28 =	simm.s32 $_size_execute0_lowered;
	s3 =	sadd.s32 s3, s5;
	[dreg:$0x0] =	wrdreg $0x0  }
0xb7: {  	s5 =	sshll.u32 s28, $0x1;
	[dreg:$0x2] =	wrdreg s3  }
0xb8: {  	[dreg:$0x3] =	wrdreg s5  }
0xb9: {  	[dreg:$0x4] =	wrdreg $0xC0  }
0xba: {  	_ =	task [dreg:s22], $0x5FFFF  }
0xbb: {  	[dreg:$0x1] =	wrdreg $0xFFFFFFFF  }
0xbc: {  	[dreg:$0x0] =	wrdreg $0x60  }
0xbd: {  	[dreg:$0x2] =	wrdreg s24  }
0xbe: {  	[dreg:$0x3] =	wrdreg $0x9  }
0xbf: {  	_ =	task.clear_ibuf [dreg:s22], $0x4FFFF;
	_ =	strace $0x90000049  }
0xc0: {  	s29 =	simm.s32 $0x9;
	_ =	strace $0x8000004B  }
0xc1: {  	_ =	swait.ge [sflag:s29], $0x1  }
0xc2: {  	[sflag:s29] =	ssyncadd.s32 $0xFFFFFFFF  }
0xc3: {  	_ =	strace $0x9000004B  }
0xc4: {  	_ =	sfence  }
0xc5: {  	s30 =	sld [smem:$0x0];
	_ =	sdelay $0x2  }
0xc6: {  	s31 =	sshll.u32 s1, $0xD;
	s1 =	sshrl.u32 s1, $0x2  }
0xc7: {  	s4 =	sand.u32 $0x4000, s31;
	s1 =	sadd.s32 s1, s30  }
0xc8: {  	s0 =	sor.u32 s4, s0;
	s1 =	sshll.u32 s1, $0x11  }
0xc9: {  	s0 =	sor.u32 s1, s0  }
0xca: {  	s0 =	sadd.s32 $0x8F2B, s0  }
0xcb: {  	[sflag:s0] =	ssyncadd.remote.s32 $0x1  }
0xcc: {  	_ =	sfence.sel $0xFFFF  }
0xcd: {  	[dreg:$0x0] =	wrdreg $0xFFFFFFFF;
	(pc) =	sbr.abs _section_cstart, $3  }
0xce: {  	[dreg:$0x1] =	wrdreg $0xFFFFFFFF  }
0xcf: {  	_ =	task.clear_ibuf [dreg:s22], $0x2FFFF;
	_ =	strace $0x9FFFFFFF  }
0xd0: {  	(tm) =	ssettm $0x7FFFFFFF  }
0xd1: {  	_ =	shalt  }
tec
execute0_lowered:
.L_overlay_start_1:
0x0: {  	(tag) =	ssettag $0x1  }
0x1: {  	s1 =	srdreg.scid  }
0x2: {  	s0 =	stileid.u32;
	s4 =	rddreg [dreg:$0x0];
	s2 =	simm.s32 $0x0  }
0x3: {  	s15 =	simm.s32 $0x5910;
	s16 =	simm.s32 $0x1;
	s17 =	simm.s32 $0x2  }
0x4: {  	s6 =	sand.u32 $0x1, s1;
	s30 =	sshll.u32 s0, $0x1;
	s1 =	rddreg [dreg:$0x1]  }
0x5: {  	[smem:$0x7FF] =	sst s2;
	s3 =	sadd.s32 $0x16C00, s4;
	s12 =	smul.u32 $0x13880, s0  }
0x6: {  	s10 =	sadd.s32 $0x2C2E00, s4;
	s5 =	sor.u32 s6, s30;
	s13 =	smul.u32 $0x9C40, s6  }
0x7: {  	s9 =	sadd.s32 $0x3FB600, s4;
	s8 =	ssub.s32 $0x2, s6;
	s7 =	smul.u32 $0x1388, s5  }
0x8: {  	_ =	strace $0x8000004A;
	s31 =	sshrl.u32 s8, $0x1;
	s11 =	smul.u32 $0x9C40, s5  }
0x9: {  	s14 =	sadd.s32 s12, s9;
	s8 =	ssub.s32 s8, s31;
	s7 =	sshrl.u32 s7, $0x3  }
0xa: {  	s11 =	sadd.s32 $0x9600, s11;
	s6 =	smax.u32 s8, $0x1;
	s7 =	sadd.s32 s7, s4  }
0xb: {  	s8 =	sadd.s32 s9, s11;
	s9 =	sadd.s32 s13, s14;
	s14 =	simm.s32 $0x2710  }
0xc: {  	s18 =	simm.s32 $0x0;
	s4 =	sadd.s32 $0x2B8E00, s7;
	s5 =	sadd.s32 $0x2BDE00, s7  }
0xd: {  	s7 =	sadd.s32 s10, s11;
	s10 =	sadd.s32 s12, s10;
	s11 =	simm.s32 $0x3  }
0xe: {  	s12 =	simm.s32 $0x1388;
	s10 =	sadd.s32 s13, s10;
	s13 =	simm.s32 $0xC8  }
.LBB2_1:
0xf: {  	[tilespmem:s2], [sflag:$0x3] =	stream.linear.gather [hbm4b:s4+s2], $0x1388, $0x38;
	[tilespmem:$0x8B10] =	vst v63  }
0x10: {  	_ =	swait.ge [sflag:s11], $0x1388  }
0x11: {  	[sflag:s11] =	ssyncset.done $0x0  }
0x12: {  	[sflag:s11] =	ssyncadd.s32 $0xFFFFEC78  }
0x13: {  	[tilespmem:s12], [sflag:$0x3] =	stream.linear.gather [hbm4b:s5+s2], $0x1388, $0x38;
	[tilespmem:$0x8B10] =	vst v63  }
0x14: {  	_ =	swait.ge [sflag:s11], $0x1388  }
0x15: {  	[sflag:s11] =	ssyncset.done $0x0  }
0x16: {  	[sflag:s11] =	ssyncadd.s32 $0xFFFFEC78  }
0x17: {  	[tilespmem:s14], [sflag:$0x1] =	stream.indirect.gather [hbm4b:s3+s13], $0x40, s2, s13, $0xb8;
	[tilespmem:$0x8B10] =	vst v63  }
0x18: {  	_ = 	snop  }
0x19: {  	[tilespmem:s15], [sflag:$0x2] =	stream.indirect.gather [hbm4b:s3+s13], $0x40, s12, s13, $0xb8;
	[tilespmem:$0x8B10] =	vst v63  }
0x1a: {  	_ =	swait.ge [sflag:s16], $0x3200  }
0x1b: {  	[sflag:s16] =	ssyncset.done $0x0  }
0x1c: {  	[sflag:s16] =	ssyncadd.s32 $0xFFFFCE00  }
0x1d: {  	[hbm4b:s10+s2] =	stream.linear.scatter [tilespmem:s14], [sflag:$0x3], $0x3200, $0x38;
	[tilespmem:$0x8B10] =	vst v63  }
0x1e: {  	_ =	swait.ge [sflag:s11], $0x3200  }
0x1f: {  	[sflag:s11] =	ssyncset.done $0x0  }
0x20: {  	s19 =	simm.s32 $0xC8;
	[sflag:s11] =	ssyncadd.s32 $0xFFFFCE00  }
0x21: {  	[tilespmem:s14], [sflag:$0x1] =	stream.indirect.gather [hbm4b:s3+s13], $0x40, s19, s13, $0xb8;
	[tilespmem:$0x8B10] =	vst v63  }
0x22: {  	_ =	swait.ge [sflag:s17], $0x3200  }
0x23: {  	[sflag:s17] =	ssyncset.done $0x0  }
0x24: {  	[sflag:s17] =	ssyncadd.s32 $0xFFFFCE00  }
0x25: {  	[hbm4b:s9+s2] =	stream.linear.scatter [tilespmem:s15], [sflag:$0x3], $0x3200, $0x38;
	[tilespmem:$0x8B10] =	vst v63  }
0x26: {  	_ =	swait.ge [sflag:s11], $0x3200  }
0x27: {  	s20 =	sadd.s32 $0x640, s10;
	s22 =	simm.s32 $0x1450;
	[sflag:s11] =	ssyncset.done $0x0  }
0x28: {  	s21 =	sadd.s32 $0x640, s9;
	s19 =	simm.s32 $0x640;
	[sflag:s11] =	ssyncadd.s32 $0xFFFFCE00  }
.LBB2_2:
0x29: {  	[tilespmem:s15], [sflag:$0x2] =	stream.indirect.gather [hbm4b:s3+s13], $0x40, s22, s13, $0xb8;
	[tilespmem:$0x8B10] =	vst v63  }
0x2a: {  	s22 =	smov.u32 s19  }
0x2b: {  	p0 =	sne.s32 s19, $0x4B00;
	s19 =	sadd.s32 $0x320, s19;
	_ =	swait.ge [sflag:s16], $0x3200  }
0x2c: {  	[sflag:s16] =	ssyncset.done $0x0  }
0x2d: {  	[sflag:s16] =	ssyncadd.s32 $0xFFFFCE00  }
0x2e: {  	[hbm4b:s20+s2] =	stream.linear.scatter [tilespmem:s14], [sflag:$0x3], $0x3200, $0x38;
	[tilespmem:$0x8B10] =	vst v63  }
0x2f: {  	_ =	swait.ge [sflag:s11], $0x3200  }
0x30: {  	[sflag:s11] =	ssyncset.done $0x0  }
0x31: {  	s22 =	sshra.s32 s22, $0x2;
	[sflag:s11] =	ssyncadd.s32 $0xFFFFCE00  }
0x32: {  	[tilespmem:s14], [sflag:$0x1] =	stream.indirect.gather [hbm4b:s3+s13], $0x40, s22, s13, $0xb8;
	[tilespmem:$0x8B10] =	vst v63  }
0x33: {  	_ =	swait.ge [sflag:s17], $0x3200  }
0x34: {  	[sflag:s17] =	ssyncset.done $0x0  }
.Ltmp0:
0x35: {  	[sflag:s17] =	ssyncadd.s32 $0xFFFFCE00;
	(pc) =	sbr.rel @p0 .LBB2_2-.Ltmp0, $4  }
0x36: {  	[hbm4b:s21+s2] =	stream.linear.scatter [tilespmem:s15], [sflag:$0x3], $0x3200, $0x38;
	[tilespmem:$0x8B10] =	vst v63  }
0x37: {  	_ =	swait.ge [sflag:s11], $0x3200  }
0x38: {  	s20 =	sadd.s32 $0x640, s20;
	[sflag:s11] =	ssyncset.done $0x0  }
0x39: {  	s22 =	sadd.s32 $0x1388, s22;
	s21 =	sadd.s32 $0x640, s21;
	[sflag:s11] =	ssyncadd.s32 $0xFFFFCE00  }
0x3a: {  	[tilespmem:s15], [sflag:$0x2] =	stream.indirect.gather [hbm4b:s3+s13], $0x40, s22, s13, $0xb8;
	[tilespmem:$0x8B10] =	vst v63  }
0x3b: {  	_ =	swait.ge [sflag:s16], $0x3200  }
0x3c: {  	[sflag:s16] =	ssyncset.done $0x0  }
0x3d: {  	[sflag:s16] =	ssyncadd.s32 $0xFFFFCE00  }
0x3e: {  	[hbm4b:s7+s2] =	stream.linear.scatter [tilespmem:s14], [sflag:$0x3], $0x3200, $0x38;
	[tilespmem:$0x8B10] =	vst v63  }
0x3f: {  	_ =	swait.ge [sflag:s11], $0x3200  }
0x40: {  	[sflag:s11] =	ssyncset.done $0x0  }
0x41: {  	[sflag:s11] =	ssyncadd.s32 $0xFFFFCE00  }
0x42: {  	s18 =	sadd.s32 $0x1, s18;
	_ =	swait.ge [sflag:s17], $0x3200  }
0x43: {  	p0 =	sne.s32 s18, s6;
	[sflag:s17] =	ssyncset.done $0x0  }
.Ltmp1:
0x44: {  	[sflag:s17] =	ssyncadd.s32 $0xFFFFCE00;
	(pc) =	sbr.rel @p0 .LBB2_1-.Ltmp1, $4  }
0x45: {  	[hbm4b:s8+s2] =	stream.linear.scatter [tilespmem:s15], [sflag:$0x3], $0x3200, $0x38;
	[tilespmem:$0x8B10] =	vst v63  }
0x46: {  	_ =	swait.ge [sflag:s11], $0x3200  }
0x47: {  	[sflag:s11] =	ssyncset.done $0x0  }
0x48: {  	[sflag:s11] =	ssyncadd.s32 $0xFFFFCE00  }
0x49: {  	_ =	sfence.sel $0x180000  }
0x4a: {  	[bflag:$0x0] =	sbarrier.arrive $0xFFFF  }
0x4b: {  	p0 =	sne.s32 s0, $0x0;
	_ =	strace $0x9000004A  }
0x4c: {  	s0 =	sadd.s32 @!p0 $0x100000, s1;
	[bflag:$0x2] =	sbarrier.arrive $0xFFFF  }
0x4d: {  	[sflag:s0] =	ssyncadd.tile.s32 @!p0 $0x1;
	_ =	shalt  }
.Lfunc_end2:
_tile_overlayer_lowered:
.L_overlay_start_2:
0x4e: {  	(tag) =	ssettag $0x2  }
0x4f: {  	s0 =	rddreg [dreg:$0x0];
	s2 =	stileid.u32  }
0x50: {  	s1 =	rddreg [dreg:$0x1];
	p0 =	sne.s32 s2, $0x0  }
0x51: {  	s3 =	rddreg [dreg:$0x2];
	[bflag:$0x3] =	sbarrier.arrive $0xFFFF;
	s2 =	simm.s32 @!p0 $0x1C03  }
0x52: {  	[timem:s3], [sflag:s2] =	dma.local @!p0 [hbm:s0], s1  }
0x53: {  	s0 =	simm.s32 @!p0 $0x3  }
0x54: {  	_ =	swait.ge @!p0 [sflag:s0], s1  }
0x55: {  	s1 =	ssub.s32 @!p0 $0x0, s1;
	[sflag:s0] =	ssyncset.done @!p0 $0x0  }
0x56: {  	[sflag:s0] =	ssyncadd.s32 @!p0 s1  }
0x57: {  	[bflag:$0x3] =	sbarrier.arrive $0xFFFF  }
0x58: {  	_ =	shalt  }

// kernel: kernel.27.cloned.1.call-start
scs
__scs_entry_jumppad:
0x0: {  	(pc) =	sbr.rel $0x88, $3  }
0x1: {  	(tag) =	ssettag $0x0;
	lr =	simm.s32 $0x1  }
0x2: {  	[smem:$0x3F7D] =	sst lr;
	_ =	strace $0xD0000000  }
0x3: {  	_ = 	snop  }
0x4: {  	_ = 	snop  }
0x5: {  	_ = 	snop  }
0x6: {  	_ = 	snop  }
0x7: {  	_ = 	snop  }
__scs_overlays_trampoline_lowered:
0x8: {  	[smem:$0x3F8C] =	sst s0  }
0x9: {  	[smem:$0x3F8D] =	sst s1  }
0xa: {  	[smem:$0x3F8E] =	sst s2  }
0xb: {  	[smem:$0x3F8F] =	sst s3  }
0xc: {  	[smem:$0x3F90] =	sst s4  }
0xd: {  	[smem:$0x3F91] =	sst s5  }
0xe: {  	[smem:$0x3F92] =	sst s6  }
0xf: {  	[smem:$0x3F93] =	sst s7  }
0x10: {  	[smem:$0x3F94] =	sst s8  }
0x11: {  	[smem:$0x3F95] =	sst s9;
	s0 =	simm.s32 @!p0 $0x0  }
0x12: {  	s1 =	sld [smem:$0x3F7B];
	s0 =	simm.s32 @p0 $0x1  }
0x13: {  	[smem:$0x3F96] =	sst s0;
	s0 =	simm.s32 @!p1 $0x0  }
0x14: {  	s2 =	sld [smem:$0x3F7A];
	s0 =	simm.s32 @p1 $0x1  }
0x15: {  	[smem:$0x3F97] =	sst s0;
	s0 =	simm.s32 @!p2 $0x0  }
0x16: {  	s3 =	sld [smem:$0x3FDB];
	s0 =	simm.s32 @p2 $0x1  }
0x17: {  	s4 =	simm.s32 $0x1BF5;
	[smem:$0x3F99] =	sst s0  }
0x18: {  	s0 =	sld [smem:$0x3F7C];
	_ =	swait.ge [sflag:s4], $0x0  }
0x19: {  	s7 =	sld [smem:$0x3F7D]  }
0x1a: {  	s8 =	sadd.s32 $0xFFFFE003, lr  }
0x1b: {  	s9 =	sadd.s32 $0xFFFFFEF7, lr;
	s5 =	simm.s32 $0xFFFFFFFF;
	p2 =	slt.u32 s8, $0xFFFFF086  }
0x1c: {  	p1 =	slt.u32 s9, $0xF7A;
	s5 =	simm.s32 @!p2 $0x0  }
0x1d: {  	s5 =	simm.s32 @p1 $0x1;
	p0 =	seq.s32 s7, s2  }
0x1e: {  	s7 =	smul.u32 @!p0 $0xF7A, s2;
	p2 =	seq.s32 @!p0 s5, $0x0  }
0x1f: {  	s9 =	smul.u32 $0xF7A, s1;
	s8 =	simm.s32 @!p0 $0x1BF5;
	p2 =	por !p2, p0  }
0x20: {  	[sflag:s8] =	ssyncset.s32 @!p0 $0xFFFFF086;
	s6 =	sadd.s32 @!p0 s3, s7;
	s7 =	simm.s32 @!p0 $0x108  }
0x21: {  	s3 =	sadd.s32 s3, s9;
	s6 =	sadd.s32 @!p0 $0x88, s6;
	s7 =	simm.s32 @p2 $0x1082  }
0x22: {  	[simem:s7], [sflag:s8] =	dma.local @!p0 [hbm:s6], $0xF7A  }
0x23: {  	s9 =	sor.u32 $0xD0000000, s2;
	s6 =	simm.s32 $0x108;
	_ =	swait.ge @!p0 [sflag:s8], $0x0  }
0x24: {  	s3 =	sadd.s32 $0x88, s3;
	s6 =	simm.s32 @!p1 $0x1082;
	[sflag:s4] =	ssyncset.s32 $0xFFFFF086  }
0x25: {  	[simem:s6], [sflag:s4] =	dma.local [hbm:s3], $0xF7A  }
0x26: {  	[smem:$0x3F7D] =	sst s1;
	(tag) =	ssettag s2;
	_ =	strace s9  }
0x27: {  	s1 =	sld [smem:$0x3F8D]  }
0x28: {  	s2 =	sld [smem:$0x3F8E]  }
0x29: {  	s4 =	sld [smem:$0x3F90]  }
0x2a: {  	p0 =	seq.s32 s5, $0x0;
	s5 =	sld [smem:$0x3F91]  }
0x2b: {  	s6 =	sld [smem:$0x3F92]  }
0x2c: {  	s7 =	sld [smem:$0x3F93]  }
0x2d: {  	s3 =	simm.s32 $0x108;
	s8 =	sld [smem:$0x3F94]  }
0x2e: {  	s3 =	simm.s32 @!p0 $0x1082;
	s9 =	sld [smem:$0x3F95]  }
0x2f: {  	lr =	sadd.s32 s0, s3;
	s0 =	sld [smem:$0x3F8C]  }
0x30: {  	s3 =	sld [smem:$0x3F8F]  }
0x31: {  	[smem:$0x3F98] =	sst s10  }
0x32: {  	s10 =	sld [smem:$0x3F96];
	_ =	sdelay $0x3  }
0x33: {  	p0 =	seq.s32 s10, $0x1;
	s10 =	sld [smem:$0x3F98];
	_ =	sdelay $0x3  }
0x34: {  	[smem:$0x3F98] =	sst s10  }
0x35: {  	s10 =	sld [smem:$0x3F97];
	_ =	sdelay $0x3  }
0x36: {  	p1 =	seq.s32 s10, $0x1;
	s10 =	sld [smem:$0x3F98];
	_ =	sdelay $0x3  }
0x37: {  	[smem:$0x3F98] =	sst s10  }
0x38: {  	s10 =	sld [smem:$0x3F99]  }
0x39: {  	_ = 	snop;
	(pc) =	sbr.ind lr, $3  }
0x3a: {  	_ = 	snop  }
0x3b: {  	_ = 	snop  }
0x3c: {  	p2 =	seq.s32 s10, $0x1;
	s10 =	sld [smem:$0x3F98]  }
0x3d: {  	_ =	shalt  }
0x3e: {  	_ =	shalt  }
0x3f: {  	_ =	shalt  }
0x40: {  	_ =	shalt  }
0x41: {  	_ =	shalt  }
0x42: {  	_ =	shalt  }
0x43: {  	_ =	shalt  }
0x44: {  	_ =	shalt  }
0x45: {  	_ =	shalt  }
0x46: {  	_ =	shalt  }
0x47: {  	_ =	shalt  }
0x48: {  	_ =	shalt  }
0x49: {  	_ =	shalt  }
0x4a: {  	_ =	shalt  }
0x4b: {  	_ =	shalt  }
0x4c: {  	_ =	shalt  }
0x4d: {  	_ =	shalt  }
0x4e: {  	_ =	shalt  }
0x4f: {  	_ =	shalt  }
0x50: {  	_ =	shalt  }
0x51: {  	_ =	shalt  }
0x52: {  	_ =	shalt  }
0x53: {  	_ =	shalt  }
0x54: {  	_ =	shalt  }
0x55: {  	_ =	shalt  }
0x56: {  	_ =	shalt  }
0x57: {  	_ =	shalt  }
0x58: {  	_ =	shalt  }
0x59: {  	_ =	shalt  }
0x5a: {  	_ =	shalt  }
0x5b: {  	_ =	shalt  }
0x5c: {  	_ =	shalt  }
0x5d: {  	_ =	shalt  }
0x5e: {  	_ =	shalt  }
0x5f: {  	_ =	shalt  }
0x60: {  	_ =	shalt  }
0x61: {  	_ =	shalt  }
0x62: {  	_ =	shalt  }
0x63: {  	_ =	shalt  }
0x64: {  	_ =	shalt  }
0x65: {  	_ =	shalt  }
0x66: {  	_ =	shalt  }
0x67: {  	_ =	shalt  }
0x68: {  	_ =	shalt  }
0x69: {  	_ =	shalt  }
0x6a: {  	_ =	shalt  }
0x6b: {  	_ =	shalt  }
0x6c: {  	_ =	shalt  }
0x6d: {  	_ =	shalt  }
0x6e: {  	_ =	shalt  }
0x6f: {  	_ =	shalt  }
0x70: {  	_ =	shalt  }
0x71: {  	_ =	shalt  }
0x72: {  	_ =	shalt  }
0x73: {  	_ =	shalt  }
0x74: {  	_ =	shalt  }
0x75: {  	_ =	shalt  }
0x76: {  	_ =	shalt  }
0x77: {  	_ =	shalt  }
0x78: {  	_ =	shalt  }
0x79: {  	_ =	shalt  }
0x7a: {  	_ =	shalt  }
0x7b: {  	_ =	shalt  }
0x7c: {  	_ =	shalt  }
0x7d: {  	_ =	shalt  }
0x7e: {  	_ =	shalt  }
0x7f: {  	_ =	shalt  }
0x80: {  	_ =	shalt  }
0x81: {  	_ =	shalt  }
0x82: {  	_ =	shalt  }
0x83: {  	_ =	shalt  }
0x84: {  	_ =	shalt  }
0x85: {  	_ =	shalt  }
0x86: {  	_ =	shalt  }
0x87: {  	_ =	shalt  }
.Lfunc_end0:
.L_simem_size_0:
called_computation.2_lowered:
.L_overlay_start_0:
0x88: {  	s2 =	sld [smem:$0x3FD9]  }
0x89: {  	s3 =	sld [smem:$0x3FFE];
	_ =	sdelay $0x1  }
0x8a: {  	s1 =	srdreg.scid  }
0x8b: {  	s0 =	sand.u32 $0x1, s1  }
0x8c: {  	s15 =	sshll.u32 s0, $0xA;
	s2 =	sadd.s32 s3, s2  }
0x8d: {  	s2 =	sadd.s32 s2, s15  }
0x8e: {  	[smem:$0x3FA4] =	sst s2  }
0x8f: {  	_ = 	snop  }
0x90: {  	s2 =	sld [smem:$0x3FD0];
	_ =	sdelay $0x2  }
0x91: {  	s16 =	simm.s32 $0xB;
	s4 =	simm.s32 $0x10  }
0x92: {  	[smem:s4], [sflag:s16] =	dma.local [hbm:s2], $0x1  }
0x93: {  	_ =	swait.eq [sflag:s16], $0x1  }
0x94: {  	[sflag:s16] =	ssyncset.done $0x0  }
0x95: {  	[sflag:s16] =	ssyncadd.s32 $0xFFFFFFFF  }
0x96: {  	s17 =	sld [smem:$0x10];
	(tm) =	ssettm $0x1  }
0x97: {  	s18 =	sld [smem:$0x3FFB];
	_ =	sdelay $0x3  }
0x98: {  	_ =	strace s18  }
0x99: {  	s2 =	sld [smem:$0x3FFC];
	_ =	sdelay $0x3  }
0x9a: {  	_ =	strace s2  }
0x9b: {  	s2 =	sld [smem:$0x3FFD];
	_ =	sdelay $0x3  }
0x9c: {  	_ =	strace s2  }
0x9d: {  	_ =	strace $0x8FFFFFFF  }
0x9e: {  	s19 =	sld [smem:$0x3FDB];
	_ =	sdelay $0x1  }
0x9f: {  	s20 =	simm.s32 $_scs_section_size  }
0xa0: {  	s5 =	simm.s32 $_size__tile_overlayer_lowered;
	s6 =	simm.s32 $_tile_overlayer_lowered  }
0xa1: {  	s7 =	simm.s32 $0x1BFF;
	s21 =	sshll.u32 s6, $0x1;
	s4 =	sadd.s32 s20, s19  }
0xa2: {  	s22 =	simm.s32 $0x0;
	s5 =	sshll.u32 s5, $0x1;
	s6 =	sadd.s32 s21, s4  }
0xa3: {  	[timem:s22], [sflag:s7] =	dma.local [hbm:s6], s5  }
0xa4: {  	_ =	swait.ge [sflag:s7], s5  }
0xa5: {  	s5 =	ssub.s32 $0x0, s5;
	[sflag:s7] =	ssyncset.done $0x0  }
0xa6: {  	[sflag:s7] =	ssyncadd.s32 s5;
	_ =	sdelay $0x1  }
0xa7: {  	s23 =	simm.s32 $0x1B8B  }
0xa8: {  	_ =	swait.ge [sflag:s23], $0x1  }
0xa9: {  	[sflag:s23] =	ssyncset.done $0x0  }
0xaa: {  	[sflag:s23] =	ssyncadd.s32 $0xFFFFFFFF  }
0xab: {  	s5 =	sld [smem:$0x0]  }
0xac: {  	s6 =	sand.u32 $0xFFFFFFFE, s1  }
0xad: {  	p0 =	sne.s32 s1, s6  }
0xae: {  	s6 =	sshll.u32 @p0 s6, $0xE  }
0xaf: {  	s6 =	sadd.s32 @p0 $0x11B8D, s6;
	s7 =	sshll.u32 @p0 s5, $0x11  }
0xb0: {  	s6 =	sor.u32 @p0 s7, s6  }
0xb1: {  	[sflag:s6] =	ssyncadd.remote.s32 @p0 $0x1;
	_ =	sdelay $0x1  }
0xb2: {  	s6 =	simm.s32 @p0 $0x1B8D  }
0xb3: {  	_ =	swait.eq @p0 [sflag:s6], $0x1  }
0xb4: {  	[sflag:s6] =	ssyncadd.s32 @p0 $0xFFFFFFFF  }
0xb5: {  	s7 =	sshll.u32 @!p0 s1, $0xE  }
0xb6: {  	s7 =	sor.u32 @!p0 $0x4000, s7;
	s6 =	simm.s32 @!p0 $0x1B8D  }
0xb7: {  	s5 =	sshll.u32 @!p0 s5, $0x11;
	s7 =	sadd.s32 @!p0 $0x11B8D, s7;
	_ =	swait.eq @!p0 [sflag:s6], $0x1  }
0xb8: {  	s5 =	sor.u32 @!p0 s5, s7;
	[sflag:s6] =	ssyncadd.s32 @!p0 $0xFFFFFFFF  }
0xb9: {  	s25 =	simm.s32 $0x1B8E;
	s24 =	sld [smem:$0x3FFE];
	[sflag:s5] =	ssyncadd.remote.s32 @!p0 $0x1  }
0xba: {  	s26 =	simm.s32 $execute0_lowered;
	[smem:$0x3FD2] =	sst s25  }
0xbb: {  	s6 =	sshll.u32 s26, $0x1;
	_ =	strace $0x8000004C;
	[dreg:$0x1] =	wrdreg $0xFFFFFFFF  }
0xbc: {  	s28 =	simm.s32 $_size_execute0_lowered;
	s4 =	sadd.s32 s4, s6;
	[dreg:$0x0] =	wrdreg $0x0  }
0xbd: {  	s6 =	sshll.u32 s28, $0x1;
	[dreg:$0x2] =	wrdreg s4  }
0xbe: {  	[dreg:$0x3] =	wrdreg s6  }
0xbf: {  	[dreg:$0x4] =	wrdreg $0xC0  }
0xc0: {  	_ =	task [dreg:s22], $0x5FFFF  }
0xc1: {  	[dreg:$0x1] =	wrdreg $0xFFFFFFFF  }
0xc2: {  	[dreg:$0x0] =	wrdreg $0x60  }
0xc3: {  	[dreg:$0x2] =	wrdreg s24  }
0xc4: {  	[dreg:$0x3] =	wrdreg s17  }
0xc5: {  	[dreg:$0x4] =	wrdreg $0x46500  }
0xc6: {  	[dreg:$0x5] =	wrdreg $0xA  }
0xc7: {  	_ =	task.clear_ibuf [dreg:s22], $0x6FFFF;
	_ =	strace $0x9000004C  }
0xc8: {  	s29 =	simm.s32 $0xA;
	_ =	strace $0x8000004E  }
0xc9: {  	_ =	swait.ge [sflag:s29], $0x1  }
0xca: {  	[sflag:s29] =	ssyncadd.s32 $0xFFFFFFFF  }
0xcb: {  	_ =	strace $0x9000004E  }
0xcc: {  	_ =	sfence  }
0xcd: {  	s30 =	sld [smem:$0x0];
	_ =	sdelay $0x2  }
0xce: {  	s31 =	sshll.u32 s1, $0xD;
	s1 =	sshrl.u32 s1, $0x2  }
0xcf: {  	s4 =	sand.u32 $0x4000, s31;
	s1 =	sadd.s32 s1, s30  }
0xd0: {  	s0 =	sor.u32 s4, s0;
	s1 =	sshll.u32 s1, $0x11  }
0xd1: {  	s0 =	sor.u32 s1, s0  }
0xd2: {  	s0 =	sadd.s32 $0x8F2B, s0  }
0xd3: {  	[sflag:s0] =	ssyncadd.remote.s32 $0x1  }
0xd4: {  	_ =	sfence.sel $0xFFFF  }
0xd5: {  	[dreg:$0x0] =	wrdreg $0xFFFFFFFF;
	(pc) =	sbr.abs _section_cstart, $3  }
0xd6: {  	[dreg:$0x1] =	wrdreg $0xFFFFFFFF  }
0xd7: {  	_ =	task.clear_ibuf [dreg:s22], $0x2FFFF;
	_ =	strace $0x9FFFFFFF  }
0xd8: {  	(tm) =	ssettm $0x7FFFFFFF  }
0xd9: {  	_ =	shalt  }
tec
execute0_lowered:
.L_overlay_start_1:
0x0: {  	(tag) =	ssettag $0x1  }
0x1: {  	s5 =	rddreg [dreg:$0x0]  }
0x2: {  	s6 =	rddreg [dreg:$0x1]  }
0x3: {  	s2 =	rddreg [dreg:$0x2]  }
0x4: {  	s0 =	rddreg [dreg:$0x3]  }
0x5: {  	s3 =	simm.s32 $0x0;
	s4 =	srdreg.scid;
	s1 =	stileid.u32  }
0x6: {  	s16 =	simm.s32 $0x2D50;
	s17 =	simm.s32 $0x1;
	s18 =	simm.s32 $0x64  }
0x7: {  	s19 =	simm.s32 $0x2;
	s20 =	simm.s32 $0x1380;
	s21 =	simm.s32 $0x13E8  }
0x8: {  	s22 =	simm.s32 $0x0;
	[smem:$0x7FF] =	sst s3;
	s8 =	smul.u32 $0x9C40, s1  }
0x9: {  	s7 =	sand.u32 $0x1, s4;
	s11 =	sadd.s32 $0x534600, s5;
	s15 =	smul.u32 $0x2710, s1  }
0xa: {  	s10 =	sshll.u32 s1, $0x1;
	s4 =	sadd.s32 $0x7A5600, s5;
	s9 =	smul.u32 $0x9C400, s7  }
0xb: {  	s10 =	sor.u32 s7, s10;
	s12 =	ssub.s32 $0x2, s7;
	s7 =	smul.u32 $0x1388, s7  }
0xc: {  	s26 =	sshll.u32 s1, $0x6;
	_ =	strace $0x8000004D;
	s13 =	smul.u32 $0x28A, s10  }
0xd: {  	s14 =	sshrl.u32 s12, $0x1;
	s25 =	sadd.s32 s8, s2;
	s28 =	smul.u32 $0x9C40, s10  }
0xe: {  	s9 =	sadd.s32 s8, s9;
	s12 =	ssub.s32 s12, s14;
	s29 =	sadd.s32 s7, s15  }
0xf: {  	s14 =	simm.s32 $0x3;
	s15 =	simm.s32 $0x1450;
	s9 =	sshrl.u32 s9, $0x3  }
0x10: {  	s6 =	sadd.s32 s6, s13;
	s7 =	sadd.s32 s11, s28;
	s30 =	sshll.u32 s29, $0x3  }
0x11: {  	s13 =	sshrl.u32 s25, $0x3;
	s9 =	sadd.s32 s9, s5;
	s5 =	sor.u32 $0x1C03, s26  }
0x12: {  	s10 =	sadd.s32 $0x9920, s7;
	s31 =	sadd.s32 s11, s30;
	s8 =	sadd.s32 $0x7A6A00, s9  }
0x13: {  	s9 =	smax.u32 s12, $0x1;
	s11 =	sadd.s32 $0x320, s31;
	s12 =	sadd.s32 $0x640, s31  }
.LBB2_1:
0x14: {  	[spmem:s13], [sflag:s5] =	dma.local [hbm:s4], $0x1388  }
0x15: {  	_ =	swait.ge [sflag:s14], $0x1388  }
0x16: {  	[sflag:s14] =	ssyncset.done $0x0  }
0x17: {  	[sflag:s14] =	ssyncadd.s32 $0xFFFFEC78  }
0x18: {  	[tilespmem:s3], [sflag:$0x3] =	stream.linear.gather [hbm4b:s6+s3], $0x1450, $0x38;
	[tilespmem:$0xE290] =	vst v63  }
0x19: {  	_ =	swait.ge [sflag:s14], $0x1450  }
0x1a: {  	[sflag:s14] =	ssyncset.done $0x0  }
0x1b: {  	[sflag:s14] =	ssyncadd.s32 $0xFFFFEBB0  }
0x1c: {  	[bflag:$0x0] =	sbarrier.arrive $0xFFFF  }
0x1d: {  	[tilespmem:s15], [sflag:$0x1] =	stream.linear.gather [hbm4b:s7+s3], $0x1900, $0x38;
	[tilespmem:$0xE290] =	vst v63  }
0x1e: {  	s23 =	sadd.s32 $0x0, s11  }
0x1f: {  	[tilespmem:s16], [sflag:$0x2] =	stream.linear.gather [hbm4b:s23+s3], $0x1900, $0x38;
	[tilespmem:$0xE290] =	vst v63  }
0x20: {  	_ =	swait.ge [sflag:s17], $0x1900  }
0x21: {  	[sflag:s17] =	ssyncset.done $0x0  }
0x22: {  	[sflag:s17] =	ssyncadd.s32 $0xFFFFE700  }
0x23: {  	[spmem:s2] =	stream.indirect.scatter.add.f32 [tilespmem:s15], [sflag:$0x3], $0x40, s3, s18, $0xb8;
	[tilespmem:$0xE290] =	vst v63  }
0x24: {  	_ =	swait.ge [sflag:s14], $0x1900  }
0x25: {  	[sflag:s14] =	ssyncset.done $0x0  }
0x26: {  	s30 =	sadd.s32 $0x0, s12;
	[sflag:s14] =	ssyncadd.s32 $0xFFFFE700  }
0x27: {  	[tilespmem:s15], [sflag:$0x1] =	stream.linear.gather [hbm4b:s30+s3], $0x1900, $0x38;
	[tilespmem:$0xE290] =	vst v63  }
0x28: {  	_ =	swait.ge [sflag:s19], $0x1900  }
0x29: {  	[sflag:s19] =	ssyncset.done $0x0  }
0x2a: {  	s31 =	simm.s32 $0x68;
	[sflag:s19] =	ssyncadd.s32 $0xFFFFE700  }
0x2b: {  	[spmem:s2] =	stream.indirect.scatter.add.f32 [tilespmem:s16], [sflag:$0x3], $0x40, s31, s18, $0xb8;
	[tilespmem:$0xE290] =	vst v63  }
0x2c: {  	s24 =	simm.s32 $0x640;
	_ =	swait.ge [sflag:s14], $0x1900  }
0x2d: {  	s25 =	simm.s32 $0xC80;
	s23 =	simm.s32 $0xD0;
	[sflag:s14] =	ssyncset.done $0x0  }
.LBB2_2:
0x2e: {  	s26 =	sadd.s32 s24, s11  }
0x2f: {  	[sflag:s14] =	ssyncadd.s32 $0xFFFFE700;
	s28 =	smov.u32 s25;
	s29 =	sadd.s32 $0x640, s25  }
0x30: {  	[tilespmem:s16], [sflag:$0x2] =	stream.linear.gather [hbm4b:s26+s3], $0x1900, $0x38;
	[tilespmem:$0xE290] =	vst v63  }
0x31: {  	p0 =	sne.s32 s25, $0x8FC0;
	_ =	swait.ge [sflag:s17], $0x1900  }
0x32: {  	[sflag:s17] =	ssyncset.done $0x0  }
0x33: {  	[sflag:s17] =	ssyncadd.s32 $0xFFFFE700  }
0x34: {  	[spmem:s2] =	stream.indirect.scatter.add.f32 [tilespmem:s15], [sflag:$0x3], $0x40, s23, s18, $0xb8;
	[tilespmem:$0xE290] =	vst v63  }
0x35: {  	_ =	swait.ge [sflag:s14], $0x1900  }
0x36: {  	[sflag:s14] =	ssyncset.done $0x0  }
0x37: {  	s25 =	sadd.s32 s24, s12;
	s24 =	smov.u32 s28;
	[sflag:s14] =	ssyncadd.s32 $0xFFFFE700  }
0x38: {  	[tilespmem:s15], [sflag:$0x1] =	stream.linear.gather [hbm4b:s25+s3], $0x1900, $0x38;
	[tilespmem:$0xE290] =	vst v63  }
0x39: {  	_ =	swait.ge [sflag:s19], $0x1900  }
.Ltmp0:
0x3a: {  	[sflag:s19] =	ssyncset.done $0x0;
	(pc) =	sbr.rel @p0 .LBB2_2-.Ltmp0, $4  }
0x3b: {  	s25 =	sadd.s32 $0x68, s23;
	[sflag:s19] =	ssyncadd.s32 $0xFFFFE700  }
0x3c: {  	[spmem:s2] =	stream.indirect.scatter.add.f32 [tilespmem:s16], [sflag:$0x3], $0x40, s25, s18, $0xb8;
	[tilespmem:$0xE290] =	vst v63  }
0x3d: {  	_ =	swait.ge [sflag:s14], $0x1900  }
0x3e: {  	s23 =	sadd.s32 $0xD0, s23;
	s25 =	smov.u32 s29;
	[sflag:s14] =	ssyncset.done $0x0  }
0x3f: {  	s25 =	sadd.s32 s24, s11;
	[sflag:s14] =	ssyncadd.s32 $0xFFFFE700  }
0x40: {  	[tilespmem:s16], [sflag:$0x2] =	stream.linear.gather [hbm4b:s25+s3], $0x1900, $0x38;
	[tilespmem:$0xE290] =	vst v63  }
0x41: {  	_ =	swait.ge [sflag:s17], $0x1900  }
0x42: {  	[sflag:s17] =	ssyncset.done $0x0  }
0x43: {  	[sflag:s17] =	ssyncadd.s32 $0xFFFFE700  }
0x44: {  	[spmem:s2] =	stream.indirect.scatter.add.f32 [tilespmem:s15], [sflag:$0x3], $0x40, s23, s18, $0xb8;
	[tilespmem:$0xE290] =	vst v63  }
0x45: {  	_ =	swait.ge [sflag:s14], $0x1900  }
0x46: {  	[sflag:s14] =	ssyncset.done $0x0  }
0x47: {  	s30 =	sadd.s32 s24, s12;
	[sflag:s14] =	ssyncadd.s32 $0xFFFFE700  }
0x48: {  	[tilespmem:s15], [sflag:$0x1] =	stream.linear.gather [hbm4b:s30+s3], $0x1900, $0x38;
	[tilespmem:$0xE290] =	vst v63  }
0x49: {  	_ =	swait.ge [sflag:s19], $0x1900  }
0x4a: {  	[sflag:s19] =	ssyncset.done $0x0  }
0x4b: {  	s31 =	sadd.s32 $0x68, s23;
	[sflag:s19] =	ssyncadd.s32 $0xFFFFE700  }
0x4c: {  	[spmem:s2] =	stream.indirect.scatter.add.f32 [tilespmem:s16], [sflag:$0x3], $0x40, s31, s18, $0xb8;
	[tilespmem:$0xE290] =	vst v63  }
0x4d: {  	_ =	swait.ge [sflag:s14], $0x1900  }
0x4e: {  	[sflag:s14] =	ssyncset.done $0x0  }
0x4f: {  	[sflag:s14] =	ssyncadd.s32 $0xFFFFE700  }
0x50: {  	[tilespmem:s16], [sflag:$0x2] =	stream.linear.gather [hbm4b:s10+s3], $0x1900, $0x38;
	[tilespmem:$0xE290] =	vst v63  }
0x51: {  	_ =	swait.ge [sflag:s17], $0x1900  }
0x52: {  	[sflag:s17] =	ssyncset.done $0x0  }
0x53: {  	[sflag:s17] =	ssyncadd.s32 $0xFFFFE700  }
0x54: {  	[spmem:s2] =	stream.indirect.scatter.add.f32 [tilespmem:s15], [sflag:$0x3], $0x40, s20, s18, $0xb8;
	[tilespmem:$0xE290] =	vst v63  }
0x55: {  	_ =	swait.ge [sflag:s14], $0x1900  }
0x56: {  	[sflag:s14] =	ssyncset.done $0x0  }
0x57: {  	[sflag:s14] =	ssyncadd.s32 $0xFFFFE700  }
0x58: {  	_ =	swait.ge [sflag:s19], $0x1900  }
0x59: {  	[sflag:s19] =	ssyncset.done $0x0  }
0x5a: {  	[sflag:s19] =	ssyncadd.s32 $0xFFFFE700  }
0x5b: {  	[spmem:s2] =	stream.indirect.scatter.add.f32 [tilespmem:s16], [sflag:$0x3], $0x40, s21, s18, $0xb8;
	[tilespmem:$0xE290] =	vst v63  }
0x5c: {  	_ =	swait.ge [sflag:s14], $0x1900  }
0x5d: {  	s22 =	sadd.s32 $0x1, s22;
	[sflag:s14] =	ssyncset.done $0x0  }
0x5e: {  	p0 =	sne.s32 s22, s9;
	[sflag:s14] =	ssyncadd.s32 $0xFFFFE700  }
.Ltmp1:
0x5f: {  	[bflag:$0x0] =	sbarrier.arrive $0xFFFF;
	(pc) =	sbr.rel @p0 .LBB2_1-.Ltmp1, $4  }
0x60: {  	[hbm:s8], [sflag:s5] =	dma.local [spmem:s13], $0x1388  }
0x61: {  	_ =	swait.ge [sflag:s14], $0x1388  }
0x62: {  	[sflag:s14] =	ssyncset.done $0x0  }
0x63: {  	[sflag:s14] =	ssyncadd.s32 $0xFFFFEC78  }
0x64: {  	_ =	sfence.sel $0x180000  }
0x65: {  	[bflag:$0x0] =	sbarrier.arrive $0xFFFF  }
0x66: {  	p0 =	sne.s32 s1, $0x0;
	_ =	strace $0x9000004D  }
0x67: {  	s0 =	sadd.s32 @!p0 $0x100000, s0;
	[bflag:$0x2] =	sbarrier.arrive $0xFFFF  }
0x68: {  	[sflag:s0] =	ssyncadd.tile.s32 @!p0 $0x1;
	_ =	shalt  }
.Lfunc_end2:
_tile_overlayer_lowered:
.L_overlay_start_2:
0x69: {  	(tag) =	ssettag $0x2  }
0x6a: {  	s0 =	rddreg [dreg:$0x0];
	s2 =	stileid.u32  }
0x6b: {  	s1 =	rddreg [dreg:$0x1];
	p0 =	sne.s32 s2, $0x0  }
0x6c: {  	s3 =	rddreg [dreg:$0x2];
	[bflag:$0x3] =	sbarrier.arrive $0xFFFF;
	s2 =	simm.s32 @!p0 $0x1C03  }
0x6d: {  	[timem:s3], [sflag:s2] =	dma.local @!p0 [hbm:s0], s1  }
0x6e: {  	s0 =	simm.s32 @!p0 $0x3  }
0x6f: {  	_ =	swait.ge @!p0 [sflag:s0], s1  }
0x70: {  	s1 =	ssub.s32 @!p0 $0x0, s1;
	[sflag:s0] =	ssyncset.done @!p0 $0x0  }
0x71: {  	[sflag:s0] =	ssyncadd.s32 @!p0 s1  }
0x72: {  	[bflag:$0x3] =	sbarrier.arrive $0xFFFF  }
0x73: {  	_ =	shalt  }

// kernel: kernel.30.cloned.1.call-start
scs
__scs_entry_jumppad:
0x0: {  	(pc) =	sbr.rel $0x88, $3  }
0x1: {  	(tag) =	ssettag $0x0;
	lr =	simm.s32 $0x1  }
0x2: {  	[smem:$0x3F7D] =	sst lr;
	_ =	strace $0xD0000000  }
0x3: {  	_ = 	snop  }
0x4: {  	_ = 	snop  }
0x5: {  	_ = 	snop  }
0x6: {  	_ = 	snop  }
0x7: {  	_ = 	snop  }
__scs_overlays_trampoline_lowered:
0x8: {  	[smem:$0x3F8C] =	sst s0  }
0x9: {  	[smem:$0x3F8D] =	sst s1  }
0xa: {  	[smem:$0x3F8E] =	sst s2  }
0xb: {  	[smem:$0x3F8F] =	sst s3  }
0xc: {  	[smem:$0x3F90] =	sst s4  }
0xd: {  	[smem:$0x3F91] =	sst s5  }
0xe: {  	[smem:$0x3F92] =	sst s6  }
0xf: {  	[smem:$0x3F93] =	sst s7  }
0x10: {  	[smem:$0x3F94] =	sst s8  }
0x11: {  	[smem:$0x3F95] =	sst s9;
	s0 =	simm.s32 @!p0 $0x0  }
0x12: {  	s1 =	sld [smem:$0x3F7B];
	s0 =	simm.s32 @p0 $0x1  }
0x13: {  	[smem:$0x3F96] =	sst s0;
	s0 =	simm.s32 @!p1 $0x0  }
0x14: {  	s2 =	sld [smem:$0x3F7A];
	s0 =	simm.s32 @p1 $0x1  }
0x15: {  	[smem:$0x3F97] =	sst s0;
	s0 =	simm.s32 @!p2 $0x0  }
0x16: {  	s3 =	sld [smem:$0x3FDB];
	s0 =	simm.s32 @p2 $0x1  }
0x17: {  	s4 =	simm.s32 $0x1BF5;
	[smem:$0x3F99] =	sst s0  }
0x18: {  	s0 =	sld [smem:$0x3F7C];
	_ =	swait.ge [sflag:s4], $0x0  }
0x19: {  	s7 =	sld [smem:$0x3F7D]  }
0x1a: {  	s8 =	sadd.s32 $0xFFFFE003, lr  }
0x1b: {  	s9 =	sadd.s32 $0xFFFFFEF7, lr;
	s5 =	simm.s32 $0xFFFFFFFF;
	p2 =	slt.u32 s8, $0xFFFFF086  }
0x1c: {  	p1 =	slt.u32 s9, $0xF7A;
	s5 =	simm.s32 @!p2 $0x0  }
0x1d: {  	s5 =	simm.s32 @p1 $0x1;
	p0 =	seq.s32 s7, s2  }
0x1e: {  	s7 =	smul.u32 @!p0 $0xF7A, s2;
	p2 =	seq.s32 @!p0 s5, $0x0  }
0x1f: {  	s9 =	smul.u32 $0xF7A, s1;
	s8 =	simm.s32 @!p0 $0x1BF5;
	p2 =	por !p2, p0  }
0x20: {  	[sflag:s8] =	ssyncset.s32 @!p0 $0xFFFFF086;
	s6 =	sadd.s32 @!p0 s3, s7;
	s7 =	simm.s32 @!p0 $0x108  }
0x21: {  	s3 =	sadd.s32 s3, s9;
	s6 =	sadd.s32 @!p0 $0x88, s6;
	s7 =	simm.s32 @p2 $0x1082  }
0x22: {  	[simem:s7], [sflag:s8] =	dma.local @!p0 [hbm:s6], $0xF7A  }
0x23: {  	s9 =	sor.u32 $0xD0000000, s2;
	s6 =	simm.s32 $0x108;
	_ =	swait.ge @!p0 [sflag:s8], $0x0  }
0x24: {  	s3 =	sadd.s32 $0x88, s3;
	s6 =	simm.s32 @!p1 $0x1082;
	[sflag:s4] =	ssyncset.s32 $0xFFFFF086  }
0x25: {  	[simem:s6], [sflag:s4] =	dma.local [hbm:s3], $0xF7A  }
0x26: {  	[smem:$0x3F7D] =	sst s1;
	(tag) =	ssettag s2;
	_ =	strace s9  }
0x27: {  	s1 =	sld [smem:$0x3F8D]  }
0x28: {  	s2 =	sld [smem:$0x3F8E]  }
0x29: {  	s4 =	sld [smem:$0x3F90]  }
0x2a: {  	p0 =	seq.s32 s5, $0x0;
	s5 =	sld [smem:$0x3F91]  }
0x2b: {  	s6 =	sld [smem:$0x3F92]  }
0x2c: {  	s7 =	sld [smem:$0x3F93]  }
0x2d: {  	s3 =	simm.s32 $0x108;
	s8 =	sld [smem:$0x3F94]  }
0x2e: {  	s3 =	simm.s32 @!p0 $0x1082;
	s9 =	sld [smem:$0x3F95]  }
0x2f: {  	lr =	sadd.s32 s0, s3;
	s0 =	sld [smem:$0x3F8C]  }
0x30: {  	s3 =	sld [smem:$0x3F8F]  }
0x31: {  	[smem:$0x3F98] =	sst s10  }
0x32: {  	s10 =	sld [smem:$0x3F96];
	_ =	sdelay $0x3  }
0x33: {  	p0 =	seq.s32 s10, $0x1;
	s10 =	sld [smem:$0x3F98];
	_ =	sdelay $0x3  }
0x34: {  	[smem:$0x3F98] =	sst s10  }
0x35: {  	s10 =	sld [smem:$0x3F97];
	_ =	sdelay $0x3  }
0x36: {  	p1 =	seq.s32 s10, $0x1;
	s10 =	sld [smem:$0x3F98];
	_ =	sdelay $0x3  }
0x37: {  	[smem:$0x3F98] =	sst s10  }
0x38: {  	s10 =	sld [smem:$0x3F99]  }
0x39: {  	_ = 	snop;
	(pc) =	sbr.ind lr, $3  }
0x3a: {  	_ = 	snop  }
0x3b: {  	_ = 	snop  }
0x3c: {  	p2 =	seq.s32 s10, $0x1;
	s10 =	sld [smem:$0x3F98]  }
0x3d: {  	_ =	shalt  }
0x3e: {  	_ =	shalt  }
0x3f: {  	_ =	shalt  }
0x40: {  	_ =	shalt  }
0x41: {  	_ =	shalt  }
0x42: {  	_ =	shalt  }
0x43: {  	_ =	shalt  }
0x44: {  	_ =	shalt  }
0x45: {  	_ =	shalt  }
0x46: {  	_ =	shalt  }
0x47: {  	_ =	shalt  }
0x48: {  	_ =	shalt  }
0x49: {  	_ =	shalt  }
0x4a: {  	_ =	shalt  }
0x4b: {  	_ =	shalt  }
0x4c: {  	_ =	shalt  }
0x4d: {  	_ =	shalt  }
0x4e: {  	_ =	shalt  }
0x4f: {  	_ =	shalt  }
0x50: {  	_ =	shalt  }
0x51: {  	_ =	shalt  }
0x52: {  	_ =	shalt  }
0x53: {  	_ =	shalt  }
0x54: {  	_ =	shalt  }
0x55: {  	_ =	shalt  }
0x56: {  	_ =	shalt  }
0x57: {  	_ =	shalt  }
0x58: {  	_ =	shalt  }
0x59: {  	_ =	shalt  }
0x5a: {  	_ =	shalt  }
0x5b: {  	_ =	shalt  }
0x5c: {  	_ =	shalt  }
0x5d: {  	_ =	shalt  }
0x5e: {  	_ =	shalt  }
0x5f: {  	_ =	shalt  }
0x60: {  	_ =	shalt  }
0x61: {  	_ =	shalt  }
0x62: {  	_ =	shalt  }
0x63: {  	_ =	shalt  }
0x64: {  	_ =	shalt  }
0x65: {  	_ =	shalt  }
0x66: {  	_ =	shalt  }
0x67: {  	_ =	shalt  }
0x68: {  	_ =	shalt  }
0x69: {  	_ =	shalt  }
0x6a: {  	_ =	shalt  }
0x6b: {  	_ =	shalt  }
0x6c: {  	_ =	shalt  }
0x6d: {  	_ =	shalt  }
0x6e: {  	_ =	shalt  }
0x6f: {  	_ =	shalt  }
0x70: {  	_ =	shalt  }
0x71: {  	_ =	shalt  }
0x72: {  	_ =	shalt  }
0x73: {  	_ =	shalt  }
0x74: {  	_ =	shalt  }
0x75: {  	_ =	shalt  }
0x76: {  	_ =	shalt  }
0x77: {  	_ =	shalt  }
0x78: {  	_ =	shalt  }
0x79: {  	_ =	shalt  }
0x7a: {  	_ =	shalt  }
0x7b: {  	_ =	shalt  }
0x7c: {  	_ =	shalt  }
0x7d: {  	_ =	shalt  }
0x7e: {  	_ =	shalt  }
0x7f: {  	_ =	shalt  }
0x80: {  	_ =	shalt  }
0x81: {  	_ =	shalt  }
0x82: {  	_ =	shalt  }
0x83: {  	_ =	shalt  }
0x84: {  	_ =	shalt  }
0x85: {  	_ =	shalt  }
0x86: {  	_ =	shalt  }
0x87: {  	_ =	shalt  }
.Lfunc_end0:
.L_simem_size_0:
called_computation.3_lowered:
.L_overlay_start_0:
0x88: {  	s2 =	sld [smem:$0x3FD9]  }
0x89: {  	s3 =	sld [smem:$0x3FFE];
	_ =	sdelay $0x1  }
0x8a: {  	s1 =	srdreg.scid  }
0x8b: {  	s0 =	sand.u32 $0x1, s1  }
0x8c: {  	s17 =	sshll.u32 s0, $0xA;
	s2 =	sadd.s32 s3, s2  }
0x8d: {  	s2 =	sadd.s32 s2, s17  }
0x8e: {  	[smem:$0x3FA4] =	sst s2  }
0x8f: {  	_ = 	snop  }
0x90: {  	(tm) =	ssettm $0x1  }
0x91: {  	s18 =	sld [smem:$0x3FFB];
	_ =	sdelay $0x3  }
0x92: {  	_ =	strace s18  }
0x93: {  	s2 =	sld [smem:$0x3FFC];
	_ =	sdelay $0x3  }
0x94: {  	_ =	strace s2  }
0x95: {  	s2 =	sld [smem:$0x3FFD];
	_ =	sdelay $0x3  }
0x96: {  	_ =	strace s2  }
0x97: {  	_ =	strace $0x8FFFFFFF  }
0x98: {  	s19 =	sld [smem:$0x3FDB];
	_ =	sdelay $0x1  }
0x99: {  	s20 =	simm.s32 $_scs_section_size  }
0x9a: {  	s4 =	simm.s32 $_size__tile_overlayer_lowered;
	s5 =	simm.s32 $_tile_overlayer_lowered  }
0x9b: {  	s6 =	simm.s32 $0x1BFF;
	s21 =	sshll.u32 s5, $0x1;
	s3 =	sadd.s32 s20, s19  }
0x9c: {  	s22 =	simm.s32 $0x0;
	s4 =	sshll.u32 s4, $0x1;
	s5 =	sadd.s32 s21, s3  }
0x9d: {  	[timem:s22], [sflag:s6] =	dma.local [hbm:s5], s4  }
0x9e: {  	_ =	swait.ge [sflag:s6], s4  }
0x9f: {  	s4 =	ssub.s32 $0x0, s4;
	[sflag:s6] =	ssyncset.done $0x0  }
0xa0: {  	[sflag:s6] =	ssyncadd.s32 s4;
	_ =	sdelay $0x1  }
0xa1: {  	s23 =	simm.s32 $0x1B8B  }
0xa2: {  	_ =	swait.ge [sflag:s23], $0x1  }
0xa3: {  	[sflag:s23] =	ssyncset.done $0x0  }
0xa4: {  	[sflag:s23] =	ssyncadd.s32 $0xFFFFFFFF  }
0xa5: {  	s4 =	sld [smem:$0x0]  }
0xa6: {  	s5 =	sand.u32 $0xFFFFFFFE, s1  }
0xa7: {  	p0 =	sne.s32 s1, s5  }
0xa8: {  	s5 =	sshll.u32 @p0 s5, $0xE  }
0xa9: {  	s5 =	sadd.s32 @p0 $0x11B8D, s5;
	s6 =	sshll.u32 @p0 s4, $0x11  }
0xaa: {  	s5 =	sor.u32 @p0 s6, s5  }
0xab: {  	[sflag:s5] =	ssyncadd.remote.s32 @p0 $0x1;
	_ =	sdelay $0x1  }
0xac: {  	s5 =	simm.s32 @p0 $0x1B8D  }
0xad: {  	_ =	swait.eq @p0 [sflag:s5], $0x1  }
0xae: {  	[sflag:s5] =	ssyncadd.s32 @p0 $0xFFFFFFFF  }
0xaf: {  	s6 =	sshll.u32 @!p0 s1, $0xE  }
0xb0: {  	s6 =	sor.u32 @!p0 $0x4000, s6;
	s5 =	simm.s32 @!p0 $0x1B8D  }
0xb1: {  	s4 =	sshll.u32 @!p0 s4, $0x11;
	s6 =	sadd.s32 @!p0 $0x11B8D, s6;
	_ =	swait.eq @!p0 [sflag:s5], $0x1  }
0xb2: {  	s4 =	sor.u32 @!p0 s4, s6;
	[sflag:s5] =	ssyncadd.s32 @!p0 $0xFFFFFFFF  }
0xb3: {  	s25 =	simm.s32 $0x1B8E;
	s24 =	sld [smem:$0x3FFE];
	[sflag:s4] =	ssyncadd.remote.s32 @!p0 $0x1  }
0xb4: {  	s26 =	simm.s32 $execute0_lowered;
	[smem:$0x3FD2] =	sst s25  }
0xb5: {  	s5 =	sshll.u32 s26, $0x1;
	_ =	strace $0x8000004F;
	[dreg:$0x1] =	wrdreg $0xFFFFFFFF  }
0xb6: {  	s28 =	simm.s32 $_size_execute0_lowered;
	s3 =	sadd.s32 s3, s5;
	[dreg:$0x0] =	wrdreg $0x0  }
0xb7: {  	s5 =	sshll.u32 s28, $0x1;
	[dreg:$0x2] =	wrdreg s3  }
0xb8: {  	[dreg:$0x3] =	wrdreg s5  }
0xb9: {  	[dreg:$0x4] =	wrdreg $0xC0  }
0xba: {  	_ =	task [dreg:s22], $0x5FFFF  }
0xbb: {  	[dreg:$0x1] =	wrdreg $0xFFFFFFFF  }
0xbc: {  	[dreg:$0x0] =	wrdreg $0x60  }
0xbd: {  	[dreg:$0x2] =	wrdreg s24  }
0xbe: {  	[dreg:$0x3] =	wrdreg $0x46500  }
0xbf: {  	[dreg:$0x4] =	wrdreg $0x9  }
0xc0: {  	_ =	task.clear_ibuf [dreg:s22], $0x5FFFF;
	_ =	strace $0x9000004F  }
0xc1: {  	s29 =	simm.s32 $0x9;
	_ =	strace $0x80000051  }
0xc2: {  	_ =	swait.ge [sflag:s29], $0x1  }
0xc3: {  	[sflag:s29] =	ssyncadd.s32 $0xFFFFFFFF  }
0xc4: {  	_ =	strace $0x90000051  }
0xc5: {  	_ =	sfence  }
0xc6: {  	s30 =	sld [smem:$0x0];
	_ =	sdelay $0x2  }
0xc7: {  	s31 =	sshll.u32 s1, $0xD;
	s1 =	sshrl.u32 s1, $0x2  }
0xc8: {  	s4 =	sand.u32 $0x4000, s31;
	s1 =	sadd.s32 s1, s30  }
0xc9: {  	s0 =	sor.u32 s4, s0;
	s1 =	sshll.u32 s1, $0x11  }
0xca: {  	s0 =	sor.u32 s1, s0  }
0xcb: {  	s0 =	sadd.s32 $0x8F2B, s0  }
0xcc: {  	[sflag:s0] =	ssyncadd.remote.s32 $0x1  }
0xcd: {  	_ =	sfence.sel $0xFFFF  }
0xce: {  	[dreg:$0x0] =	wrdreg $0xFFFFFFFF;
	(pc) =	sbr.abs _section_cstart, $3  }
0xcf: {  	[dreg:$0x1] =	wrdreg $0xFFFFFFFF  }
0xd0: {  	_ =	task.clear_ibuf [dreg:s22], $0x2FFFF;
	_ =	strace $0x9FFFFFFF  }
0xd1: {  	(tm) =	ssettm $0x7FFFFFFF  }
tec
execute0_lowered:
.L_overlay_start_1:
0x0: {  	(tag) =	ssettag $0x1  }
0x1: {  	s1 =	srdreg.scid;
	s6 =	rddreg [dreg:$0x0]  }
0x2: {  	s0 =	stileid.u32;
	s2 =	rddreg [dreg:$0x1]  }
0x3: {  	s3 =	simm.s32 $0x0;
	s16 =	simm.s32 $0x2D50;
	s17 =	simm.s32 $0x1  }
0x4: {  	s18 =	simm.s32 $0x64;
	s19 =	simm.s32 $0x2;
	s20 =	simm.s32 $0x1380  }
0x5: {  	s21 =	simm.s32 $0x13E8;
	s22 =	simm.s32 $0x0;
	s5 =	sand.u32 $0x1, s1  }
0x6: {  	s26 =	sshll.u32 s0, $0x1;
	s1 =	rddreg [dreg:$0x2];
	s8 =	smul.u32 $0x9C40, s0  }
0x7: {  	[smem:$0x7FF] =	sst s3;
	s11 =	sadd.s32 $0x7D2E00, s6;
	s14 =	smul.u32 $0x2710, s0  }
0x8: {  	s29 =	sshll.u32 s0, $0x6;
	s7 =	sor.u32 s5, s26;
	s9 =	smul.u32 $0x9C400, s5  }
0x9: {  	_ =	strace $0x80000050;
	s12 =	ssub.s32 $0x2, s5;
	s28 =	smul.u32 $0x1388, s5  }
0xa: {  	s5 =	sor.u32 $0x1C03, s29;
	s4 =	smul.u32 $0x28A, s7;
	s13 =	sshrl.u32 s12, $0x1  }
0xb: {  	s15 =	sadd.s32 s8, s2;
	s7 =	smul.u32 $0x9C40, s7;
	s9 =	sadd.s32 s8, s9  }
0xc: {  	s12 =	ssub.s32 s12, s13;
	s30 =	sadd.s32 s28, s14;
	s14 =	simm.s32 $0x3  }
0xd: {  	s10 =	sadd.s32 s4, s6;
	s4 =	sadd.s32 $0x7A5600, s6;
	s9 =	sshrl.u32 s9, $0x3  }
0xe: {  	s7 =	sadd.s32 s11, s7;
	s13 =	sshll.u32 s30, $0x3;
	s9 =	sadd.s32 s9, s6  }
0xf: {  	s6 =	sadd.s32 $0x7CDC00, s10;
	s10 =	sadd.s32 $0x9920, s7;
	s31 =	sadd.s32 s11, s13  }
0x10: {  	s13 =	sshrl.u32 s15, $0x3;
	s15 =	simm.s32 $0x1450;
	s8 =	sadd.s32 $0x176800, s9  }
0x11: {  	s9 =	smax.u32 s12, $0x1;
	s11 =	sadd.s32 $0x320, s31;
	s12 =	sadd.s32 $0x640, s31  }
.LBB2_1:
0x12: {  	[spmem:s13], [sflag:s5] =	dma.local [hbm:s4], $0x1388  }
0x13: {  	_ =	swait.ge [sflag:s14], $0x1388  }
0x14: {  	[sflag:s14] =	ssyncset.done $0x0  }
0x15: {  	[sflag:s14] =	ssyncadd.s32 $0xFFFFEC78  }
0x16: {  	[tilespmem:s3], [sflag:$0x3] =	stream.linear.gather [hbm4b:s6+s3], $0x1450, $0x38;
	[tilespmem:$0xE290] =	vst v63  }
0x17: {  	_ =	swait.ge [sflag:s14], $0x1450  }
0x18: {  	[sflag:s14] =	ssyncset.done $0x0  }
0x19: {  	[sflag:s14] =	ssyncadd.s32 $0xFFFFEBB0  }
0x1a: {  	[bflag:$0x0] =	sbarrier.arrive $0xFFFF  }
0x1b: {  	[tilespmem:s15], [sflag:$0x1] =	stream.linear.gather [hbm4b:s7+s3], $0x1900, $0x38;
	[tilespmem:$0xE290] =	vst v63  }
0x1c: {  	s23 =	sadd.s32 $0x0, s11  }
0x1d: {  	[tilespmem:s16], [sflag:$0x2] =	stream.linear.gather [hbm4b:s23+s3], $0x1900, $0x38;
	[tilespmem:$0xE290] =	vst v63  }
0x1e: {  	_ =	swait.ge [sflag:s17], $0x1900  }
0x1f: {  	[sflag:s17] =	ssyncset.done $0x0  }
0x20: {  	[sflag:s17] =	ssyncadd.s32 $0xFFFFE700  }
0x21: {  	[spmem:s2] =	stream.indirect.scatter.add.f32 [tilespmem:s15], [sflag:$0x3], $0x40, s3, s18, $0xb8;
	[tilespmem:$0xE290] =	vst v63  }
0x22: {  	_ =	swait.ge [sflag:s14], $0x1900  }
0x23: {  	[sflag:s14] =	ssyncset.done $0x0  }
0x24: {  	s30 =	sadd.s32 $0x0, s12;
	[sflag:s14] =	ssyncadd.s32 $0xFFFFE700  }
0x25: {  	[tilespmem:s15], [sflag:$0x1] =	stream.linear.gather [hbm4b:s30+s3], $0x1900, $0x38;
	[tilespmem:$0xE290] =	vst v63  }
0x26: {  	_ =	swait.ge [sflag:s19], $0x1900  }
0x27: {  	[sflag:s19] =	ssyncset.done $0x0  }
0x28: {  	s31 =	simm.s32 $0x68;
	[sflag:s19] =	ssyncadd.s32 $0xFFFFE700  }
0x29: {  	[spmem:s2] =	stream.indirect.scatter.add.f32 [tilespmem:s16], [sflag:$0x3], $0x40, s31, s18, $0xb8;
	[tilespmem:$0xE290] =	vst v63  }
0x2a: {  	s24 =	simm.s32 $0x640;
	_ =	swait.ge [sflag:s14], $0x1900  }
0x2b: {  	s25 =	simm.s32 $0xC80;
	s23 =	simm.s32 $0xD0;
	[sflag:s14] =	ssyncset.done $0x0  }
.LBB2_2:
0x2c: {  	s26 =	sadd.s32 s24, s11  }
0x2d: {  	[sflag:s14] =	ssyncadd.s32 $0xFFFFE700;
	s28 =	smov.u32 s25;
	s29 =	sadd.s32 $0x640, s25  }
0x2e: {  	[tilespmem:s16], [sflag:$0x2] =	stream.linear.gather [hbm4b:s26+s3], $0x1900, $0x38;
	[tilespmem:$0xE290] =	vst v63  }
0x2f: {  	p0 =	sne.s32 s25, $0x8FC0;
	_ =	swait.ge [sflag:s17], $0x1900  }
0x30: {  	[sflag:s17] =	ssyncset.done $0x0  }
0x31: {  	[sflag:s17] =	ssyncadd.s32 $0xFFFFE700  }
0x32: {  	[spmem:s2] =	stream.indirect.scatter.add.f32 [tilespmem:s15], [sflag:$0x3], $0x40, s23, s18, $0xb8;
	[tilespmem:$0xE290] =	vst v63  }
0x33: {  	_ =	swait.ge [sflag:s14], $0x1900  }
0x34: {  	[sflag:s14] =	ssyncset.done $0x0  }
0x35: {  	s25 =	sadd.s32 s24, s12;
	s24 =	smov.u32 s28;
	[sflag:s14] =	ssyncadd.s32 $0xFFFFE700  }
0x36: {  	[tilespmem:s15], [sflag:$0x1] =	stream.linear.gather [hbm4b:s25+s3], $0x1900, $0x38;
	[tilespmem:$0xE290] =	vst v63  }
0x37: {  	_ =	swait.ge [sflag:s19], $0x1900  }
.Ltmp0:
0x38: {  	[sflag:s19] =	ssyncset.done $0x0;
	(pc) =	sbr.rel @p0 .LBB2_2-.Ltmp0, $4  }
0x39: {  	s25 =	sadd.s32 $0x68, s23;
	[sflag:s19] =	ssyncadd.s32 $0xFFFFE700  }
0x3a: {  	[spmem:s2] =	stream.indirect.scatter.add.f32 [tilespmem:s16], [sflag:$0x3], $0x40, s25, s18, $0xb8;
	[tilespmem:$0xE290] =	vst v63  }
0x3b: {  	_ =	swait.ge [sflag:s14], $0x1900  }
0x3c: {  	s23 =	sadd.s32 $0xD0, s23;
	s25 =	smov.u32 s29;
	[sflag:s14] =	ssyncset.done $0x0  }
0x3d: {  	s25 =	sadd.s32 s24, s11;
	[sflag:s14] =	ssyncadd.s32 $0xFFFFE700  }
0x3e: {  	[tilespmem:s16], [sflag:$0x2] =	stream.linear.gather [hbm4b:s25+s3], $0x1900, $0x38;
	[tilespmem:$0xE290] =	vst v63  }
0x3f: {  	_ =	swait.ge [sflag:s17], $0x1900  }
0x40: {  	[sflag:s17] =	ssyncset.done $0x0  }
0x41: {  	[sflag:s17] =	ssyncadd.s32 $0xFFFFE700  }
0x42: {  	[spmem:s2] =	stream.indirect.scatter.add.f32 [tilespmem:s15], [sflag:$0x3], $0x40, s23, s18, $0xb8;
	[tilespmem:$0xE290] =	vst v63  }
0x43: {  	_ =	swait.ge [sflag:s14], $0x1900  }
0x44: {  	[sflag:s14] =	ssyncset.done $0x0  }
0x45: {  	s30 =	sadd.s32 s24, s12;
	[sflag:s14] =	ssyncadd.s32 $0xFFFFE700  }
0x46: {  	[tilespmem:s15], [sflag:$0x1] =	stream.linear.gather [hbm4b:s30+s3], $0x1900, $0x38;
	[tilespmem:$0xE290] =	vst v63  }
0x47: {  	_ =	swait.ge [sflag:s19], $0x1900  }
0x48: {  	[sflag:s19] =	ssyncset.done $0x0  }
0x49: {  	s31 =	sadd.s32 $0x68, s23;
	[sflag:s19] =	ssyncadd.s32 $0xFFFFE700  }
0x4a: {  	[spmem:s2] =	stream.indirect.scatter.add.f32 [tilespmem:s16], [sflag:$0x3], $0x40, s31, s18, $0xb8;
	[tilespmem:$0xE290] =	vst v63  }
0x4b: {  	_ =	swait.ge [sflag:s14], $0x1900  }
0x4c: {  	[sflag:s14] =	ssyncset.done $0x0  }
0x4d: {  	[sflag:s14] =	ssyncadd.s32 $0xFFFFE700  }
0x4e: {  	[tilespmem:s16], [sflag:$0x2] =	stream.linear.gather [hbm4b:s10+s3], $0x1900, $0x38;
	[tilespmem:$0xE290] =	vst v63  }
0x4f: {  	_ =	swait.ge [sflag:s17], $0x1900  }
0x50: {  	[sflag:s17] =	ssyncset.done $0x0  }
0x51: {  	[sflag:s17] =	ssyncadd.s32 $0xFFFFE700  }
0x52: {  	[spmem:s2] =	stream.indirect.scatter.add.f32 [tilespmem:s15], [sflag:$0x3], $0x40, s20, s18, $0xb8;
	[tilespmem:$0xE290] =	vst v63  }
0x53: {  	_ =	swait.ge [sflag:s14], $0x1900  }
0x54: {  	[sflag:s14] =	ssyncset.done $0x0  }
0x55: {  	[sflag:s14] =	ssyncadd.s32 $0xFFFFE700  }
0x56: {  	_ =	swait.ge [sflag:s19], $0x1900  }
0x57: {  	[sflag:s19] =	ssyncset.done $0x0  }
0x58: {  	[sflag:s19] =	ssyncadd.s32 $0xFFFFE700  }
0x59: {  	[spmem:s2] =	stream.indirect.scatter.add.f32 [tilespmem:s16], [sflag:$0x3], $0x40, s21, s18, $0xb8;
	[tilespmem:$0xE290] =	vst v63  }
0x5a: {  	_ =	swait.ge [sflag:s14], $0x1900  }
0x5b: {  	s22 =	sadd.s32 $0x1, s22;
	[sflag:s14] =	ssyncset.done $0x0  }
0x5c: {  	p0 =	sne.s32 s22, s9;
	[sflag:s14] =	ssyncadd.s32 $0xFFFFE700  }
.Ltmp1:
0x5d: {  	[bflag:$0x0] =	sbarrier.arrive $0xFFFF;
	(pc) =	sbr.rel @p0 .LBB2_1-.Ltmp1, $4  }
0x5e: {  	[hbm:s8], [sflag:s5] =	dma.local [spmem:s13], $0x1388  }
0x5f: {  	_ =	swait.ge [sflag:s14], $0x1388  }
0x60: {  	[sflag:s14] =	ssyncset.done $0x0  }
0x61: {  	[sflag:s14] =	ssyncadd.s32 $0xFFFFEC78  }
0x62: {  	_ =	sfence.sel $0x180000  }
0x63: {  	[bflag:$0x0] =	sbarrier.arrive $0xFFFF  }
0x64: {  	p0 =	sne.s32 s0, $0x0;
	_ =	strace $0x90000050  }
0x65: {  	s0 =	sadd.s32 @!p0 $0x100000, s1;
	[bflag:$0x2] =	sbarrier.arrive $0xFFFF  }
0x66: {  	[sflag:s0] =	ssyncadd.tile.s32 @!p0 $0x1;
	_ =	shalt  }
.Lfunc_end2:
_tile_overlayer_lowered:
.L_overlay_start_2:
0x67: {  	(tag) =	ssettag $0x2  }
0x68: {  	s0 =	rddreg [dreg:$0x0];
	s2 =	stileid.u32  }
0x69: {  	s1 =	rddreg [dreg:$0x1];
	p0 =	sne.s32 s2, $0x0  }
0x6a: {  	s3 =	rddreg [dreg:$0x2];
	[bflag:$0x3] =	sbarrier.arrive $0xFFFF;
	s2 =	simm.s32 @!p0 $0x1C03  }
0x6b: {  	[timem:s3], [sflag:s2] =	dma.local @!p0 [hbm:s0], s1  }
0x6c: {  	s0 =	simm.s32 @!p0 $0x3  }
0x6d: {  	_ =	swait.ge @!p0 [sflag:s0], s1  }
0x6e: {  	s1 =	ssub.s32 @!p0 $0x0, s1;
	[sflag:s0] =	ssyncset.done @!p0 $0x0  }
0x6f: {  	[sflag:s0] =	ssyncadd.s32 @!p0 s1  }
0x70: {  	[bflag:$0x3] =	sbarrier.arrive $0xFFFF  }
0x71: {  	_ =	shalt  }

// kernel: kernel.33.cloned.1.call-start
scs
__scs_entry_jumppad:
0x0: {  	(pc) =	sbr.rel $0x88, $3  }
0x1: {  	(tag) =	ssettag $0x0;
	lr =	simm.s32 $0x1  }
0x2: {  	[smem:$0x3F7D] =	sst lr;
	_ =	strace $0xD0000000  }
0x3: {  	_ = 	snop  }
0x4: {  	_ = 	snop  }
0x5: {  	_ = 	snop  }
0x6: {  	_ = 	snop  }
0x7: {  	_ = 	snop  }
__scs_overlays_trampoline_lowered:
0x8: {  	[smem:$0x3F8C] =	sst s0  }
0x9: {  	[smem:$0x3F8D] =	sst s1  }
0xa: {  	[smem:$0x3F8E] =	sst s2  }
0xb: {  	[smem:$0x3F8F] =	sst s3  }
0xc: {  	[smem:$0x3F90] =	sst s4  }
0xd: {  	[smem:$0x3F91] =	sst s5  }
0xe: {  	[smem:$0x3F92] =	sst s6  }
0xf: {  	[smem:$0x3F93] =	sst s7  }
0x10: {  	[smem:$0x3F94] =	sst s8  }
0x11: {  	[smem:$0x3F95] =	sst s9;
	s0 =	simm.s32 @!p0 $0x0  }
0x12: {  	s1 =	sld [smem:$0x3F7B];
	s0 =	simm.s32 @p0 $0x1  }
0x13: {  	[smem:$0x3F96] =	sst s0;
	s0 =	simm.s32 @!p1 $0x0  }
0x14: {  	s2 =	sld [smem:$0x3F7A];
	s0 =	simm.s32 @p1 $0x1  }
0x15: {  	[smem:$0x3F97] =	sst s0;
	s0 =	simm.s32 @!p2 $0x0  }
0x16: {  	s3 =	sld [smem:$0x3FDB];
	s0 =	simm.s32 @p2 $0x1  }
0x17: {  	s4 =	simm.s32 $0x1BF5;
	[smem:$0x3F99] =	sst s0  }
0x18: {  	s0 =	sld [smem:$0x3F7C];
	_ =	swait.ge [sflag:s4], $0x0  }
0x19: {  	s7 =	sld [smem:$0x3F7D]  }
0x1a: {  	s8 =	sadd.s32 $0xFFFFE003, lr  }
0x1b: {  	s9 =	sadd.s32 $0xFFFFFEF7, lr;
	s5 =	simm.s32 $0xFFFFFFFF;
	p2 =	slt.u32 s8, $0xFFFFF086  }
0x1c: {  	p1 =	slt.u32 s9, $0xF7A;
	s5 =	simm.s32 @!p2 $0x0  }
0x1d: {  	s5 =	simm.s32 @p1 $0x1;
	p0 =	seq.s32 s7, s2  }
0x1e: {  	s7 =	smul.u32 @!p0 $0xF7A, s2;
	p2 =	seq.s32 @!p0 s5, $0x0  }
0x1f: {  	s9 =	smul.u32 $0xF7A, s1;
	s8 =	simm.s32 @!p0 $0x1BF5;
	p2 =	por !p2, p0  }
0x20: {  	[sflag:s8] =	ssyncset.s32 @!p0 $0xFFFFF086;
	s6 =	sadd.s32 @!p0 s3, s7;
	s7 =	simm.s32 @!p0 $0x108  }
0x21: {  	s3 =	sadd.s32 s3, s9;
	s6 =	sadd.s32 @!p0 $0x88, s6;
	s7 =	simm.s32 @p2 $0x1082  }
0x22: {  	[simem:s7], [sflag:s8] =	dma.local @!p0 [hbm:s6], $0xF7A  }
0x23: {  	s9 =	sor.u32 $0xD0000000, s2;
	s6 =	simm.s32 $0x108;
	_ =	swait.ge @!p0 [sflag:s8], $0x0  }
0x24: {  	s3 =	sadd.s32 $0x88, s3;
	s6 =	simm.s32 @!p1 $0x1082;
	[sflag:s4] =	ssyncset.s32 $0xFFFFF086  }
0x25: {  	[simem:s6], [sflag:s4] =	dma.local [hbm:s3], $0xF7A  }
0x26: {  	[smem:$0x3F7D] =	sst s1;
	(tag) =	ssettag s2;
	_ =	strace s9  }
0x27: {  	s1 =	sld [smem:$0x3F8D]  }
0x28: {  	s2 =	sld [smem:$0x3F8E]  }
0x29: {  	s4 =	sld [smem:$0x3F90]  }
0x2a: {  	p0 =	seq.s32 s5, $0x0;
	s5 =	sld [smem:$0x3F91]  }
0x2b: {  	s6 =	sld [smem:$0x3F92]  }
0x2c: {  	s7 =	sld [smem:$0x3F93]  }
0x2d: {  	s3 =	simm.s32 $0x108;
	s8 =	sld [smem:$0x3F94]  }
0x2e: {  	s3 =	simm.s32 @!p0 $0x1082;
	s9 =	sld [smem:$0x3F95]  }
0x2f: {  	lr =	sadd.s32 s0, s3;
	s0 =	sld [smem:$0x3F8C]  }
0x30: {  	s3 =	sld [smem:$0x3F8F]  }
0x31: {  	[smem:$0x3F98] =	sst s10  }
0x32: {  	s10 =	sld [smem:$0x3F96];
	_ =	sdelay $0x3  }
0x33: {  	p0 =	seq.s32 s10, $0x1;
	s10 =	sld [smem:$0x3F98];
	_ =	sdelay $0x3  }
0x34: {  	[smem:$0x3F98] =	sst s10  }
0x35: {  	s10 =	sld [smem:$0x3F97];
	_ =	sdelay $0x3  }
0x36: {  	p1 =	seq.s32 s10, $0x1;
	s10 =	sld [smem:$0x3F98];
	_ =	sdelay $0x3  }
0x37: {  	[smem:$0x3F98] =	sst s10  }
0x38: {  	s10 =	sld [smem:$0x3F99]  }
0x39: {  	_ = 	snop;
	(pc) =	sbr.ind lr, $3  }
0x3a: {  	_ = 	snop  }
0x3b: {  	_ = 	snop  }
0x3c: {  	p2 =	seq.s32 s10, $0x1;
	s10 =	sld [smem:$0x3F98]  }
0x3d: {  	_ =	shalt  }
0x3e: {  	_ =	shalt  }
0x3f: {  	_ =	shalt  }
0x40: {  	_ =	shalt  }
0x41: {  	_ =	shalt  }
0x42: {  	_ =	shalt  }
0x43: {  	_ =	shalt  }
0x44: {  	_ =	shalt  }
0x45: {  	_ =	shalt  }
0x46: {  	_ =	shalt  }
0x47: {  	_ =	shalt  }
0x48: {  	_ =	shalt  }
0x49: {  	_ =	shalt  }
0x4a: {  	_ =	shalt  }
0x4b: {  	_ =	shalt  }
0x4c: {  	_ =	shalt  }
0x4d: {  	_ =	shalt  }
0x4e: {  	_ =	shalt  }
0x4f: {  	_ =	shalt  }
0x50: {  	_ =	shalt  }
0x51: {  	_ =	shalt  }
0x52: {  	_ =	shalt  }
0x53: {  	_ =	shalt  }
0x54: {  	_ =	shalt  }
0x55: {  	_ =	shalt  }
0x56: {  	_ =	shalt  }
0x57: {  	_ =	shalt  }
0x58: {  	_ =	shalt  }
0x59: {  	_ =	shalt  }
0x5a: {  	_ =	shalt  }
0x5b: {  	_ =	shalt  }
0x5c: {  	_ =	shalt  }
0x5d: {  	_ =	shalt  }
0x5e: {  	_ =	shalt  }
0x5f: {  	_ =	shalt  }
0x60: {  	_ =	shalt  }
0x61: {  	_ =	shalt  }
0x62: {  	_ =	shalt  }
0x63: {  	_ =	shalt  }
0x64: {  	_ =	shalt  }
0x65: {  	_ =	shalt  }
0x66: {  	_ =	shalt  }
0x67: {  	_ =	shalt  }
0x68: {  	_ =	shalt  }
0x69: {  	_ =	shalt  }
0x6a: {  	_ =	shalt  }
0x6b: {  	_ =	shalt  }
0x6c: {  	_ =	shalt  }
0x6d: {  	_ =	shalt  }
0x6e: {  	_ =	shalt  }
0x6f: {  	_ =	shalt  }
0x70: {  	_ =	shalt  }
0x71: {  	_ =	shalt  }
0x72: {  	_ =	shalt  }
0x73: {  	_ =	shalt  }
0x74: {  	_ =	shalt  }
0x75: {  	_ =	shalt  }
0x76: {  	_ =	shalt  }
0x77: {  	_ =	shalt  }
0x78: {  	_ =	shalt  }
0x79: {  	_ =	shalt  }
0x7a: {  	_ =	shalt  }
0x7b: {  	_ =	shalt  }
0x7c: {  	_ =	shalt  }
0x7d: {  	_ =	shalt  }
0x7e: {  	_ =	shalt  }
0x7f: {  	_ =	shalt  }
0x80: {  	_ =	shalt  }
0x81: {  	_ =	shalt  }
0x82: {  	_ =	shalt  }
0x83: {  	_ =	shalt  }
0x84: {  	_ =	shalt  }
0x85: {  	_ =	shalt  }
0x86: {  	_ =	shalt  }
0x87: {  	_ =	shalt  }
.Lfunc_end0:
.L_simem_size_0:
called_computation.4_lowered:
.L_overlay_start_0:
0x88: {  	s2 =	sld [smem:$0x3FD9]  }
0x89: {  	s3 =	sld [smem:$0x3FFE];
	_ =	sdelay $0x1  }
0x8a: {  	s1 =	srdreg.scid  }
0x8b: {  	s0 =	sand.u32 $0x1, s1  }
0x8c: {  	s16 =	sshll.u32 s0, $0xA;
	s2 =	sadd.s32 s3, s2  }
0x8d: {  	s2 =	sadd.s32 s2, s16  }
0x8e: {  	[smem:$0x3FA4] =	sst s2  }
0x8f: {  	_ = 	snop  }
0x90: {  	(tm) =	ssettm $0x1  }
0x91: {  	s17 =	sld [smem:$0x3FFB];
	_ =	sdelay $0x3  }
0x92: {  	_ =	strace s17  }
0x93: {  	s2 =	sld [smem:$0x3FFC];
	_ =	sdelay $0x3  }
0x94: {  	_ =	strace s2  }
0x95: {  	s2 =	sld [smem:$0x3FFD];
	_ =	sdelay $0x3  }
0x96: {  	_ =	strace s2  }
0x97: {  	_ =	strace $0x8FFFFFFF  }
0x98: {  	s18 =	sld [smem:$0x3FDB];
	_ =	sdelay $0x1  }
0x99: {  	s19 =	simm.s32 $_scs_section_size  }
0x9a: {  	s4 =	simm.s32 $_size__tile_overlayer_lowered;
	s5 =	simm.s32 $_tile_overlayer_lowered  }
0x9b: {  	s22 =	simm.s32 $0x1BFF;
	s21 =	sshll.u32 s5, $0x1;
	s2 =	sadd.s32 s19, s18  }
0x9c: {  	s6 =	simm.s32 $0x0;
	s20 =	sshll.u32 s4, $0x1;
	s4 =	sadd.s32 s21, s2  }
0x9d: {  	[timem:s6], [sflag:s22] =	dma.local [hbm:s4], s20  }
0x9e: {  	_ =	swait.ge [sflag:s22], s20  }
0x9f: {  	s3 =	ssub.s32 $0x0, s20;
	[sflag:s22] =	ssyncset.done $0x0  }
0xa0: {  	[sflag:s22] =	ssyncadd.s32 s3;
	_ =	sdelay $0x1  }
0xa1: {  	s23 =	simm.s32 $0x1B8B  }
0xa2: {  	_ =	swait.ge [sflag:s23], $0x1  }
0xa3: {  	[sflag:s23] =	ssyncset.done $0x0  }
0xa4: {  	s25 =	simm.s32 $0x1B8E;
	s24 =	sld [smem:$0x3FFE];
	[sflag:s23] =	ssyncadd.s32 $0xFFFFFFFF  }
0xa5: {  	s26 =	simm.s32 $execute0_lowered;
	[smem:$0x3FD2] =	sst s25  }
0xa6: {  	s4 =	sshll.u32 s26, $0x1;
	_ =	strace $0x80000052;
	[dreg:$0x1] =	wrdreg $0xFFFFFFFF  }
0xa7: {  	s28 =	simm.s32 $_size_execute0_lowered;
	s2 =	sadd.s32 s2, s4;
	[dreg:$0x0] =	wrdreg $0x0  }
0xa8: {  	s4 =	sshll.u32 s28, $0x1;
	[dreg:$0x2] =	wrdreg s2  }
0xa9: {  	[dreg:$0x3] =	wrdreg s4  }
0xaa: {  	[dreg:$0x4] =	wrdreg $0xC0  }
0xab: {  	_ =	task [dreg:s6], $0x5FFFF  }
0xac: {  	[dreg:$0x1] =	wrdreg $0xFFFFFFFF  }
0xad: {  	[dreg:$0x0] =	wrdreg $0x60  }
0xae: {  	[dreg:$0x2] =	wrdreg s24  }
0xaf: {  	[dreg:$0x3] =	wrdreg $0xA  }
0xb0: {  	_ =	task.clear_ibuf [dreg:s6], $0x4FFFF;
	_ =	strace $0x90000052  }
0xb1: {  	s29 =	simm.s32 $0xA;
	_ =	strace $0x80000054  }
0xb2: {  	_ =	swait.ge [sflag:s29], $0x1  }
0xb3: {  	[sflag:s29] =	ssyncadd.s32 $0xFFFFFFFF  }
0xb4: {  	_ =	strace $0x90000054  }
0xb5: {  	_ =	sfence  }
0xb6: {  	s30 =	sld [smem:$0x0];
	_ =	sdelay $0x2  }
0xb7: {  	s31 =	sshll.u32 s1, $0xD;
	s1 =	sshrl.u32 s1, $0x2  }
0xb8: {  	s3 =	sand.u32 $0x4000, s31;
	s1 =	sadd.s32 s1, s30  }
0xb9: {  	s0 =	sor.u32 s3, s0;
	s1 =	sshll.u32 s1, $0x11  }
0xba: {  	s0 =	sor.u32 s1, s0  }
0xbb: {  	s0 =	sadd.s32 $0x8F2B, s0  }
0xbc: {  	[sflag:s0] =	ssyncadd.remote.s32 $0x1  }
0xbd: {  	_ =	sfence.sel $0xFFFF  }
0xbe: {  	[dreg:$0x0] =	wrdreg $0xFFFFFFFF;
	(pc) =	sbr.abs _section_cstart, $3  }
0xbf: {  	[dreg:$0x1] =	wrdreg $0xFFFFFFFF  }
0xc0: {  	_ =	task.clear_ibuf [dreg:s6], $0x2FFFF;
	_ =	strace $0x9FFFFFFF  }
0xc1: {  	(tm) =	ssettm $0x7FFFFFFF  }
tec
execute0_lowered:
.L_overlay_start_1:
0x0: {  	(tag) =	ssettag $0x1  }
0x1: {  	s1 =	srdreg.scid  }
0x2: {  	s0 =	stileid.u32;
	s4 =	rddreg [dreg:$0x0];
	s2 =	simm.s32 $0x0  }
0x3: {  	s15 =	simm.s32 $0x5910;
	s16 =	simm.s32 $0x1;
	s17 =	simm.s32 $0x2  }
0x4: {  	s18 =	simm.s32 $0x0;
	s6 =	sand.u32 $0x1, s1;
	s1 =	rddreg [dreg:$0x1]  }
0x5: {  	s30 =	sshll.u32 s0, $0x1;
	[smem:$0x7FF] =	sst s2;
	s3 =	sadd.s32 $0x16C00, s4  }
0x6: {  	s10 =	sadd.s32 $0x534600, s4;
	s12 =	smul.u32 $0x13880, s0;
	s5 =	sor.u32 s6, s30  }
0x7: {  	s9 =	sadd.s32 $0x176800, s4;
	s8 =	ssub.s32 $0x2, s6;
	s7 =	smul.u32 $0x1388, s5  }
0x8: {  	_ =	strace $0x80000053;
	s31 =	sshrl.u32 s8, $0x1;
	s11 =	smul.u32 $0x9C40, s5  }
0x9: {  	s13 =	smul.u32 $0x9C40, s6;
	s14 =	sadd.s32 s12, s9;
	s8 =	ssub.s32 s8, s31  }
0xa: {  	s7 =	sshrl.u32 s7, $0x3;
	s11 =	sadd.s32 $0x9600, s11;
	s6 =	smax.u32 s8, $0x1  }
0xb: {  	s7 =	sadd.s32 s7, s4;
	s8 =	sadd.s32 s9, s11;
	s9 =	sadd.s32 s13, s14  }
0xc: {  	s14 =	simm.s32 $0x2710;
	s4 =	sadd.s32 $0x11400, s7;
	s5 =	sadd.s32 $0xC400, s7  }
0xd: {  	s7 =	sadd.s32 s10, s11;
	s10 =	sadd.s32 s12, s10;
	s11 =	simm.s32 $0x3  }
0xe: {  	s12 =	simm.s32 $0x1388;
	s10 =	sadd.s32 s13, s10;
	s13 =	simm.s32 $0xC8  }
.LBB2_1:
0xf: {  	[tilespmem:s2], [sflag:$0x3] =	stream.linear.gather [hbm4b:s4+s2], $0x1388, $0x38;
	[tilespmem:$0x8B10] =	vst v63  }
0x10: {  	_ =	swait.ge [sflag:s11], $0x1388  }
0x11: {  	[sflag:s11] =	ssyncset.done $0x0  }
0x12: {  	[sflag:s11] =	ssyncadd.s32 $0xFFFFEC78  }
0x13: {  	[tilespmem:s12], [sflag:$0x3] =	stream.linear.gather [hbm4b:s5+s2], $0x1388, $0x38;
	[tilespmem:$0x8B10] =	vst v63  }
0x14: {  	_ =	swait.ge [sflag:s11], $0x1388  }
0x15: {  	[sflag:s11] =	ssyncset.done $0x0  }
0x16: {  	[sflag:s11] =	ssyncadd.s32 $0xFFFFEC78  }
0x17: {  	[tilespmem:s14], [sflag:$0x1] =	stream.indirect.gather [hbm4b:s3+s13], $0x40, s2, s13, $0xb8;
	[tilespmem:$0x8B10] =	vst v63  }
0x18: {  	_ = 	snop  }
0x19: {  	[tilespmem:s15], [sflag:$0x2] =	stream.indirect.gather [hbm4b:s3+s13], $0x40, s12, s13, $0xb8;
	[tilespmem:$0x8B10] =	vst v63  }
0x1a: {  	_ =	swait.ge [sflag:s16], $0x3200  }
0x1b: {  	[sflag:s16] =	ssyncset.done $0x0  }
0x1c: {  	[sflag:s16] =	ssyncadd.s32 $0xFFFFCE00  }
0x1d: {  	[hbm4b:s10+s2] =	stream.linear.scatter [tilespmem:s14], [sflag:$0x3], $0x3200, $0x38;
	[tilespmem:$0x8B10] =	vst v63  }
0x1e: {  	_ =	swait.ge [sflag:s11], $0x3200  }
0x1f: {  	[sflag:s11] =	ssyncset.done $0x0  }
0x20: {  	s19 =	simm.s32 $0xC8;
	[sflag:s11] =	ssyncadd.s32 $0xFFFFCE00  }
0x21: {  	[tilespmem:s14], [sflag:$0x1] =	stream.indirect.gather [hbm4b:s3+s13], $0x40, s19, s13, $0xb8;
	[tilespmem:$0x8B10] =	vst v63  }
0x22: {  	_ =	swait.ge [sflag:s17], $0x3200  }
0x23: {  	[sflag:s17] =	ssyncset.done $0x0  }
0x24: {  	[sflag:s17] =	ssyncadd.s32 $0xFFFFCE00  }
0x25: {  	[hbm4b:s9+s2] =	stream.linear.scatter [tilespmem:s15], [sflag:$0x3], $0x3200, $0x38;
	[tilespmem:$0x8B10] =	vst v63  }
0x26: {  	_ =	swait.ge [sflag:s11], $0x3200  }
0x27: {  	s20 =	sadd.s32 $0x640, s10;
	s22 =	simm.s32 $0x1450;
	[sflag:s11] =	ssyncset.done $0x0  }
0x28: {  	s21 =	sadd.s32 $0x640, s9;
	s19 =	simm.s32 $0x640;
	[sflag:s11] =	ssyncadd.s32 $0xFFFFCE00  }
.LBB2_2:
0x29: {  	[tilespmem:s15], [sflag:$0x2] =	stream.indirect.gather [hbm4b:s3+s13], $0x40, s22, s13, $0xb8;
	[tilespmem:$0x8B10] =	vst v63  }
0x2a: {  	s22 =	smov.u32 s19  }
0x2b: {  	p0 =	sne.s32 s19, $0x4B00;
	s19 =	sadd.s32 $0x320, s19;
	_ =	swait.ge [sflag:s16], $0x3200  }
0x2c: {  	[sflag:s16] =	ssyncset.done $0x0  }
0x2d: {  	[sflag:s16] =	ssyncadd.s32 $0xFFFFCE00  }
0x2e: {  	[hbm4b:s20+s2] =	stream.linear.scatter [tilespmem:s14], [sflag:$0x3], $0x3200, $0x38;
	[tilespmem:$0x8B10] =	vst v63  }
0x2f: {  	_ =	swait.ge [sflag:s11], $0x3200  }
0x30: {  	[sflag:s11] =	ssyncset.done $0x0  }
0x31: {  	s22 =	sshra.s32 s22, $0x2;
	[sflag:s11] =	ssyncadd.s32 $0xFFFFCE00  }
0x32: {  	[tilespmem:s14], [sflag:$0x1] =	stream.indirect.gather [hbm4b:s3+s13], $0x40, s22, s13, $0xb8;
	[tilespmem:$0x8B10] =	vst v63  }
0x33: {  	_ =	swait.ge [sflag:s17], $0x3200  }
0x34: {  	[sflag:s17] =	ssyncset.done $0x0  }
.Ltmp0:
0x35: {  	[sflag:s17] =	ssyncadd.s32 $0xFFFFCE00;
	(pc) =	sbr.rel @p0 .LBB2_2-.Ltmp0, $4  }
0x36: {  	[hbm4b:s21+s2] =	stream.linear.scatter [tilespmem:s15], [sflag:$0x3], $0x3200, $0x38;
	[tilespmem:$0x8B10] =	vst v63  }
0x37: {  	_ =	swait.ge [sflag:s11], $0x3200  }
0x38: {  	s20 =	sadd.s32 $0x640, s20;
	[sflag:s11] =	ssyncset.done $0x0  }
0x39: {  	s22 =	sadd.s32 $0x1388, s22;
	s21 =	sadd.s32 $0x640, s21;
	[sflag:s11] =	ssyncadd.s32 $0xFFFFCE00  }
0x3a: {  	[tilespmem:s15], [sflag:$0x2] =	stream.indirect.gather [hbm4b:s3+s13], $0x40, s22, s13, $0xb8;
	[tilespmem:$0x8B10] =	vst v63  }
0x3b: {  	_ =	swait.ge [sflag:s16], $0x3200  }
0x3c: {  	[sflag:s16] =	ssyncset.done $0x0  }
0x3d: {  	[sflag:s16] =	ssyncadd.s32 $0xFFFFCE00  }
0x3e: {  	[hbm4b:s7+s2] =	stream.linear.scatter [tilespmem:s14], [sflag:$0x3], $0x3200, $0x38;
	[tilespmem:$0x8B10] =	vst v63  }
0x3f: {  	_ =	swait.ge [sflag:s11], $0x3200  }
0x40: {  	[sflag:s11] =	ssyncset.done $0x0  }
0x41: {  	[sflag:s11] =	ssyncadd.s32 $0xFFFFCE00  }
0x42: {  	s18 =	sadd.s32 $0x1, s18;
	_ =	swait.ge [sflag:s17], $0x3200  }
0x43: {  	p0 =	sne.s32 s18, s6;
	[sflag:s17] =	ssyncset.done $0x0  }
.Ltmp1:
0x44: {  	[sflag:s17] =	ssyncadd.s32 $0xFFFFCE00;
	(pc) =	sbr.rel @p0 .LBB2_1-.Ltmp1, $4  }
0x45: {  	[hbm4b:s8+s2] =	stream.linear.scatter [tilespmem:s15], [sflag:$0x3], $0x3200, $0x38;
	[tilespmem:$0x8B10] =	vst v63  }
0x46: {  	_ =	swait.ge [sflag:s11], $0x3200  }
0x47: {  	[sflag:s11] =	ssyncset.done $0x0  }
0x48: {  	[sflag:s11] =	ssyncadd.s32 $0xFFFFCE00  }
0x49: {  	_ =	sfence.sel $0x180000  }
0x4a: {  	[bflag:$0x0] =	sbarrier.arrive $0xFFFF  }
0x4b: {  	p0 =	sne.s32 s0, $0x0;
	_ =	strace $0x90000053  }
0x4c: {  	s0 =	sadd.s32 @!p0 $0x100000, s1;
	[bflag:$0x2] =	sbarrier.arrive $0xFFFF  }
0x4d: {  	[sflag:s0] =	ssyncadd.tile.s32 @!p0 $0x1;
	_ =	shalt  }
.Lfunc_end2:
_tile_overlayer_lowered:
.L_overlay_start_2:
0x4e: {  	(tag) =	ssettag $0x2  }
0x4f: {  	s0 =	rddreg [dreg:$0x0];
	s2 =	stileid.u32  }
0x50: {  	s1 =	rddreg [dreg:$0x1];
	p0 =	sne.s32 s2, $0x0  }
0x51: {  	s3 =	rddreg [dreg:$0x2];
	[bflag:$0x3] =	sbarrier.arrive $0xFFFF;
	s2 =	simm.s32 @!p0 $0x1C03  }
0x52: {  	[timem:s3], [sflag:s2] =	dma.local @!p0 [hbm:s0], s1  }
0x53: {  	s0 =	simm.s32 @!p0 $0x3  }
0x54: {  	_ =	swait.ge @!p0 [sflag:s0], s1  }
0x55: {  	s1 =	ssub.s32 @!p0 $0x0, s1;
	[sflag:s0] =	ssyncset.done @!p0 $0x0  }
0x56: {  	[sflag:s0] =	ssyncadd.s32 @!p0 s1  }
0x57: {  	[bflag:$0x3] =	sbarrier.arrive $0xFFFF  }
0x58: {  	_ =	shalt  }

// kernel: kernel.36.cloned.1.call-start
scs
__scs_entry_jumppad:
0x0: {  	(pc) =	sbr.rel $0x88, $3  }
0x1: {  	(tag) =	ssettag $0x0;
	lr =	simm.s32 $0x1  }
0x2: {  	[smem:$0x3F7D] =	sst lr;
	_ =	strace $0xD0000000  }
0x3: {  	_ = 	snop  }
0x4: {  	_ = 	snop  }
0x5: {  	_ = 	snop  }
0x6: {  	_ = 	snop  }
0x7: {  	_ = 	snop  }
__scs_overlays_trampoline_lowered:
0x8: {  	[smem:$0x3F8C] =	sst s0  }
0x9: {  	[smem:$0x3F8D] =	sst s1  }
0xa: {  	[smem:$0x3F8E] =	sst s2  }
0xb: {  	[smem:$0x3F8F] =	sst s3  }
0xc: {  	[smem:$0x3F90] =	sst s4  }
0xd: {  	[smem:$0x3F91] =	sst s5  }
0xe: {  	[smem:$0x3F92] =	sst s6  }
0xf: {  	[smem:$0x3F93] =	sst s7  }
0x10: {  	[smem:$0x3F94] =	sst s8  }
0x11: {  	[smem:$0x3F95] =	sst s9;
	s0 =	simm.s32 @!p0 $0x0  }
0x12: {  	s1 =	sld [smem:$0x3F7B];
	s0 =	simm.s32 @p0 $0x1  }
0x13: {  	[smem:$0x3F96] =	sst s0;
	s0 =	simm.s32 @!p1 $0x0  }
0x14: {  	s2 =	sld [smem:$0x3F7A];
	s0 =	simm.s32 @p1 $0x1  }
0x15: {  	[smem:$0x3F97] =	sst s0;
	s0 =	simm.s32 @!p2 $0x0  }
0x16: {  	s3 =	sld [smem:$0x3FDB];
	s0 =	simm.s32 @p2 $0x1  }
0x17: {  	s4 =	simm.s32 $0x1BF5;
	[smem:$0x3F99] =	sst s0  }
0x18: {  	s0 =	sld [smem:$0x3F7C];
	_ =	swait.ge [sflag:s4], $0x0  }
0x19: {  	s7 =	sld [smem:$0x3F7D]  }
0x1a: {  	s8 =	sadd.s32 $0xFFFFE003, lr  }
0x1b: {  	s9 =	sadd.s32 $0xFFFFFEF7, lr;
	s5 =	simm.s32 $0xFFFFFFFF;
	p2 =	slt.u32 s8, $0xFFFFF086  }
0x1c: {  	p1 =	slt.u32 s9, $0xF7A;
	s5 =	simm.s32 @!p2 $0x0  }
0x1d: {  	s5 =	simm.s32 @p1 $0x1;
	p0 =	seq.s32 s7, s2  }
0x1e: {  	s7 =	smul.u32 @!p0 $0xF7A, s2;
	p2 =	seq.s32 @!p0 s5, $0x0  }
0x1f: {  	s9 =	smul.u32 $0xF7A, s1;
	s8 =	simm.s32 @!p0 $0x1BF5;
	p2 =	por !p2, p0  }
0x20: {  	[sflag:s8] =	ssyncset.s32 @!p0 $0xFFFFF086;
	s6 =	sadd.s32 @!p0 s3, s7;
	s7 =	simm.s32 @!p0 $0x108  }
0x21: {  	s3 =	sadd.s32 s3, s9;
	s6 =	sadd.s32 @!p0 $0x88, s6;
	s7 =	simm.s32 @p2 $0x1082  }
0x22: {  	[simem:s7], [sflag:s8] =	dma.local @!p0 [hbm:s6], $0xF7A  }
0x23: {  	s9 =	sor.u32 $0xD0000000, s2;
	s6 =	simm.s32 $0x108;
	_ =	swait.ge @!p0 [sflag:s8], $0x0  }
0x24: {  	s3 =	sadd.s32 $0x88, s3;
	s6 =	simm.s32 @!p1 $0x1082;
	[sflag:s4] =	ssyncset.s32 $0xFFFFF086  }
0x25: {  	[simem:s6], [sflag:s4] =	dma.local [hbm:s3], $0xF7A  }
0x26: {  	[smem:$0x3F7D] =	sst s1;
	(tag) =	ssettag s2;
	_ =	strace s9  }
0x27: {  	s1 =	sld [smem:$0x3F8D]  }
0x28: {  	s2 =	sld [smem:$0x3F8E]  }
0x29: {  	s4 =	sld [smem:$0x3F90]  }
0x2a: {  	p0 =	seq.s32 s5, $0x0;
	s5 =	sld [smem:$0x3F91]  }
0x2b: {  	s6 =	sld [smem:$0x3F92]  }
0x2c: {  	s7 =	sld [smem:$0x3F93]  }
0x2d: {  	s3 =	simm.s32 $0x108;
	s8 =	sld [smem:$0x3F94]  }
0x2e: {  	s3 =	simm.s32 @!p0 $0x1082;
	s9 =	sld [smem:$0x3F95]  }
0x2f: {  	lr =	sadd.s32 s0, s3;
	s0 =	sld [smem:$0x3F8C]  }
0x30: {  	s3 =	sld [smem:$0x3F8F]  }
0x31: {  	[smem:$0x3F98] =	sst s10  }
0x32: {  	s10 =	sld [smem:$0x3F96];
	_ =	sdelay $0x3  }
0x33: {  	p0 =	seq.s32 s10, $0x1;
	s10 =	sld [smem:$0x3F98];
	_ =	sdelay $0x3  }
0x34: {  	[smem:$0x3F98] =	sst s10  }
0x35: {  	s10 =	sld [smem:$0x3F97];
	_ =	sdelay $0x3  }
0x36: {  	p1 =	seq.s32 s10, $0x1;
	s10 =	sld [smem:$0x3F98];
	_ =	sdelay $0x3  }
0x37: {  	[smem:$0x3F98] =	sst s10  }
0x38: {  	s10 =	sld [smem:$0x3F99]  }
0x39: {  	_ = 	snop;
	(pc) =	sbr.ind lr, $3  }
0x3a: {  	_ = 	snop  }
0x3b: {  	_ = 	snop  }
0x3c: {  	p2 =	seq.s32 s10, $0x1;
	s10 =	sld [smem:$0x3F98]  }
0x3d: {  	_ =	shalt  }
0x3e: {  	_ =	shalt  }
0x3f: {  	_ =	shalt  }
0x40: {  	_ =	shalt  }
0x41: {  	_ =	shalt  }
0x42: {  	_ =	shalt  }
0x43: {  	_ =	shalt  }
0x44: {  	_ =	shalt  }
0x45: {  	_ =	shalt  }
0x46: {  	_ =	shalt  }
0x47: {  	_ =	shalt  }
0x48: {  	_ =	shalt  }
0x49: {  	_ =	shalt  }
0x4a: {  	_ =	shalt  }
0x4b: {  	_ =	shalt  }
0x4c: {  	_ =	shalt  }
0x4d: {  	_ =	shalt  }
0x4e: {  	_ =	shalt  }
0x4f: {  	_ =	shalt  }
0x50: {  	_ =	shalt  }
0x51: {  	_ =	shalt  }
0x52: {  	_ =	shalt  }
0x53: {  	_ =	shalt  }
0x54: {  	_ =	shalt  }
0x55: {  	_ =	shalt  }
0x56: {  	_ =	shalt  }
0x57: {  	_ =	shalt  }
0x58: {  	_ =	shalt  }
0x59: {  	_ =	shalt  }
0x5a: {  	_ =	shalt  }
0x5b: {  	_ =	shalt  }
0x5c: {  	_ =	shalt  }
0x5d: {  	_ =	shalt  }
0x5e: {  	_ =	shalt  }
0x5f: {  	_ =	shalt  }
0x60: {  	_ =	shalt  }
0x61: {  	_ =	shalt  }
0x62: {  	_ =	shalt  }
0x63: {  	_ =	shalt  }
0x64: {  	_ =	shalt  }
0x65: {  	_ =	shalt  }
0x66: {  	_ =	shalt  }
0x67: {  	_ =	shalt  }
0x68: {  	_ =	shalt  }
0x69: {  	_ =	shalt  }
0x6a: {  	_ =	shalt  }
0x6b: {  	_ =	shalt  }
0x6c: {  	_ =	shalt  }
0x6d: {  	_ =	shalt  }
0x6e: {  	_ =	shalt  }
0x6f: {  	_ =	shalt  }
0x70: {  	_ =	shalt  }
0x71: {  	_ =	shalt  }
0x72: {  	_ =	shalt  }
0x73: {  	_ =	shalt  }
0x74: {  	_ =	shalt  }
0x75: {  	_ =	shalt  }
0x76: {  	_ =	shalt  }
0x77: {  	_ =	shalt  }
0x78: {  	_ =	shalt  }
0x79: {  	_ =	shalt  }
0x7a: {  	_ =	shalt  }
0x7b: {  	_ =	shalt  }
0x7c: {  	_ =	shalt  }
0x7d: {  	_ =	shalt  }
0x7e: {  	_ =	shalt  }
0x7f: {  	_ =	shalt  }
0x80: {  	_ =	shalt  }
0x81: {  	_ =	shalt  }
0x82: {  	_ =	shalt  }
0x83: {  	_ =	shalt  }
0x84: {  	_ =	shalt  }
0x85: {  	_ =	shalt  }
0x86: {  	_ =	shalt  }
0x87: {  	_ =	shalt  }
.Lfunc_end0:
.L_simem_size_0:
called_computation.5_lowered:
.L_overlay_start_0:
0x88: {  	s2 =	sld [smem:$0x3FD9]  }
0x89: {  	s3 =	sld [smem:$0x3FFE];
	_ =	sdelay $0x1  }
0x8a: {  	s1 =	srdreg.scid  }
0x8b: {  	s0 =	sand.u32 $0x1, s1  }
0x8c: {  	s17 =	sshll.u32 s0, $0xA;
	s2 =	sadd.s32 s3, s2  }
0x8d: {  	s2 =	sadd.s32 s2, s17  }
0x8e: {  	[smem:$0x3FA4] =	sst s2  }
0x8f: {  	_ = 	snop  }
0x90: {  	(tm) =	ssettm $0x1  }
0x91: {  	s18 =	sld [smem:$0x3FFB];
	_ =	sdelay $0x3  }
0x92: {  	_ =	strace s18  }
0x93: {  	s2 =	sld [smem:$0x3FFC];
	_ =	sdelay $0x3  }
0x94: {  	_ =	strace s2  }
0x95: {  	s2 =	sld [smem:$0x3FFD];
	_ =	sdelay $0x3  }
0x96: {  	_ =	strace s2  }
0x97: {  	_ =	strace $0x8FFFFFFF  }
0x98: {  	s19 =	sld [smem:$0x3FDB];
	_ =	sdelay $0x1  }
0x99: {  	s20 =	simm.s32 $_scs_section_size  }
0x9a: {  	s4 =	simm.s32 $_size__tile_overlayer_lowered;
	s5 =	simm.s32 $_tile_overlayer_lowered  }
0x9b: {  	s6 =	simm.s32 $0x1BFF;
	s21 =	sshll.u32 s5, $0x1;
	s3 =	sadd.s32 s20, s19  }
0x9c: {  	s22 =	simm.s32 $0x0;
	s4 =	sshll.u32 s4, $0x1;
	s5 =	sadd.s32 s21, s3  }
0x9d: {  	[timem:s22], [sflag:s6] =	dma.local [hbm:s5], s4  }
0x9e: {  	_ =	swait.ge [sflag:s6], s4  }
0x9f: {  	s4 =	ssub.s32 $0x0, s4;
	[sflag:s6] =	ssyncset.done $0x0  }
0xa0: {  	[sflag:s6] =	ssyncadd.s32 s4;
	_ =	sdelay $0x1  }
0xa1: {  	s23 =	simm.s32 $0x1B8B  }
0xa2: {  	_ =	swait.ge [sflag:s23], $0x1  }
0xa3: {  	[sflag:s23] =	ssyncset.done $0x0  }
0xa4: {  	[sflag:s23] =	ssyncadd.s32 $0xFFFFFFFF  }
0xa5: {  	s4 =	sld [smem:$0x0]  }
0xa6: {  	s5 =	sand.u32 $0xFFFFFFFE, s1  }
0xa7: {  	p0 =	sne.s32 s1, s5  }
0xa8: {  	s5 =	sshll.u32 @p0 s5, $0xE  }
0xa9: {  	s5 =	sadd.s32 @p0 $0x11B8D, s5;
	s6 =	sshll.u32 @p0 s4, $0x11  }
0xaa: {  	s5 =	sor.u32 @p0 s6, s5  }
0xab: {  	[sflag:s5] =	ssyncadd.remote.s32 @p0 $0x1;
	_ =	sdelay $0x1  }
0xac: {  	s5 =	simm.s32 @p0 $0x1B8D  }
0xad: {  	_ =	swait.eq @p0 [sflag:s5], $0x1  }
0xae: {  	[sflag:s5] =	ssyncadd.s32 @p0 $0xFFFFFFFF  }
0xaf: {  	s6 =	sshll.u32 @!p0 s1, $0xE  }
0xb0: {  	s6 =	sor.u32 @!p0 $0x4000, s6;
	s5 =	simm.s32 @!p0 $0x1B8D  }
0xb1: {  	s4 =	sshll.u32 @!p0 s4, $0x11;
	s6 =	sadd.s32 @!p0 $0x11B8D, s6;
	_ =	swait.eq @!p0 [sflag:s5], $0x1  }
0xb2: {  	s4 =	sor.u32 @!p0 s4, s6;
	[sflag:s5] =	ssyncadd.s32 @!p0 $0xFFFFFFFF  }
0xb3: {  	s25 =	simm.s32 $0x1B8E;
	s24 =	sld [smem:$0x3FFE];
	[sflag:s4] =	ssyncadd.remote.s32 @!p0 $0x1  }
0xb4: {  	s26 =	simm.s32 $execute0_lowered;
	[smem:$0x3FD2] =	sst s25  }
0xb5: {  	s5 =	sshll.u32 s26, $0x1;
	_ =	strace $0x80000055;
	[dreg:$0x1] =	wrdreg $0xFFFFFFFF  }
0xb6: {  	s28 =	simm.s32 $_size_execute0_lowered;
	s3 =	sadd.s32 s3, s5;
	[dreg:$0x0] =	wrdreg $0x0  }
0xb7: {  	s5 =	sshll.u32 s28, $0x1;
	[dreg:$0x2] =	wrdreg s3  }
0xb8: {  	[dreg:$0x3] =	wrdreg s5  }
0xb9: {  	[dreg:$0x4] =	wrdreg $0xC0  }
0xba: {  	_ =	task [dreg:s22], $0x5FFFF  }
0xbb: {  	[dreg:$0x1] =	wrdreg $0xFFFFFFFF  }
0xbc: {  	[dreg:$0x0] =	wrdreg $0x60  }
0xbd: {  	[dreg:$0x2] =	wrdreg s24  }
0xbe: {  	[dreg:$0x3] =	wrdreg $0x9  }
0xbf: {  	_ =	task.clear_ibuf [dreg:s22], $0x4FFFF;
	_ =	strace $0x90000055  }
0xc0: {  	s29 =	simm.s32 $0x9;
	_ =	strace $0x80000057  }
0xc1: {  	_ =	swait.ge [sflag:s29], $0x1  }
0xc2: {  	[sflag:s29] =	ssyncadd.s32 $0xFFFFFFFF  }
0xc3: {  	_ =	strace $0x90000057  }
0xc4: {  	_ =	sfence  }
0xc5: {  	s30 =	sld [smem:$0x0];
	_ =	sdelay $0x2  }
0xc6: {  	s31 =	sshll.u32 s1, $0xD;
	s1 =	sshrl.u32 s1, $0x2  }
0xc7: {  	s4 =	sand.u32 $0x4000, s31;
	s1 =	sadd.s32 s1, s30  }
0xc8: {  	s0 =	sor.u32 s4, s0;
	s1 =	sshll.u32 s1, $0x11  }
0xc9: {  	s0 =	sor.u32 s1, s0  }
0xca: {  	s0 =	sadd.s32 $0x8F2B, s0  }
0xcb: {  	[sflag:s0] =	ssyncadd.remote.s32 $0x1  }
0xcc: {  	_ =	sfence.sel $0xFFFF  }
0xcd: {  	[dreg:$0x0] =	wrdreg $0xFFFFFFFF;
	(pc) =	sbr.abs _section_cstart, $3  }
0xce: {  	[dreg:$0x1] =	wrdreg $0xFFFFFFFF  }
0xcf: {  	_ =	task.clear_ibuf [dreg:s22], $0x2FFFF;
	_ =	strace $0x9FFFFFFF  }
0xd0: {  	(tm) =	ssettm $0x7FFFFFFF  }
0xd1: {  	_ =	shalt  }
tec
execute0_lowered:
.L_overlay_start_1:
0x0: {  	(tag) =	ssettag $0x1  }
0x1: {  	s1 =	srdreg.scid  }
0x2: {  	s0 =	stileid.u32;
	s4 =	rddreg [dreg:$0x0];
	s2 =	simm.s32 $0x0  }
0x3: {  	s15 =	simm.s32 $0x5910;
	s16 =	simm.s32 $0x1;
	s17 =	simm.s32 $0x2  }
0x4: {  	s6 =	sand.u32 $0x1, s1;
	s30 =	sshll.u32 s0, $0x1;
	s1 =	rddreg [dreg:$0x1]  }
0x5: {  	[smem:$0x7FF] =	sst s2;
	s3 =	sadd.s32 $0x16C00, s4;
	s12 =	smul.u32 $0x13880, s0  }
0x6: {  	s10 =	sadd.s32 $0x2C2E00, s4;
	s5 =	sor.u32 s6, s30;
	s13 =	smul.u32 $0x9C40, s6  }
0x7: {  	s9 =	sadd.s32 $0x3FB600, s4;
	s8 =	ssub.s32 $0x2, s6;
	s7 =	smul.u32 $0x1388, s5  }
0x8: {  	_ =	strace $0x80000056;
	s31 =	sshrl.u32 s8, $0x1;
	s11 =	smul.u32 $0x9C40, s5  }
0x9: {  	s14 =	sadd.s32 s12, s9;
	s8 =	ssub.s32 s8, s31;
	s7 =	sshrl.u32 s7, $0x3  }
0xa: {  	s11 =	sadd.s32 $0x9600, s11;
	s6 =	smax.u32 s8, $0x1;
	s7 =	sadd.s32 s7, s4  }
0xb: {  	s8 =	sadd.s32 s9, s11;
	s9 =	sadd.s32 s13, s14;
	s14 =	simm.s32 $0x2710  }
0xc: {  	s18 =	simm.s32 $0x0;
	s4 =	sadd.s32 $0x2B8E00, s7;
	s5 =	sadd.s32 $0x2BDE00, s7  }
0xd: {  	s7 =	sadd.s32 s10, s11;
	s10 =	sadd.s32 s12, s10;
	s11 =	simm.s32 $0x3  }
0xe: {  	s12 =	simm.s32 $0x1388;
	s10 =	sadd.s32 s13, s10;
	s13 =	simm.s32 $0xC8  }
.LBB2_1:
0xf: {  	[tilespmem:s2], [sflag:$0x3] =	stream.linear.gather [hbm4b:s4+s2], $0x1388, $0x38;
	[tilespmem:$0x8B10] =	vst v63  }
0x10: {  	_ =	swait.ge [sflag:s11], $0x1388  }
0x11: {  	[sflag:s11] =	ssyncset.done $0x0  }
0x12: {  	[sflag:s11] =	ssyncadd.s32 $0xFFFFEC78  }
0x13: {  	[tilespmem:s12], [sflag:$0x3] =	stream.linear.gather [hbm4b:s5+s2], $0x1388, $0x38;
	[tilespmem:$0x8B10] =	vst v63  }
0x14: {  	_ =	swait.ge [sflag:s11], $0x1388  }
0x15: {  	[sflag:s11] =	ssyncset.done $0x0  }
0x16: {  	[sflag:s11] =	ssyncadd.s32 $0xFFFFEC78  }
0x17: {  	[tilespmem:s14], [sflag:$0x1] =	stream.indirect.gather [hbm4b:s3+s13], $0x40, s2, s13, $0xb8;
	[tilespmem:$0x8B10] =	vst v63  }
0x18: {  	_ = 	snop  }
0x19: {  	[tilespmem:s15], [sflag:$0x2] =	stream.indirect.gather [hbm4b:s3+s13], $0x40, s12, s13, $0xb8;
	[tilespmem:$0x8B10] =	vst v63  }
0x1a: {  	_ =	swait.ge [sflag:s16], $0x3200  }
0x1b: {  	[sflag:s16] =	ssyncset.done $0x0  }
0x1c: {  	[sflag:s16] =	ssyncadd.s32 $0xFFFFCE00  }
0x1d: {  	[hbm4b:s10+s2] =	stream.linear.scatter [tilespmem:s14], [sflag:$0x3], $0x3200, $0x38;
	[tilespmem:$0x8B10] =	vst v63  }
0x1e: {  	_ =	swait.ge [sflag:s11], $0x3200  }
0x1f: {  	[sflag:s11] =	ssyncset.done $0x0  }
0x20: {  	s19 =	simm.s32 $0xC8;
	[sflag:s11] =	ssyncadd.s32 $0xFFFFCE00  }
0x21: {  	[tilespmem:s14], [sflag:$0x1] =	stream.indirect.gather [hbm4b:s3+s13], $0x40, s19, s13, $0xb8;
	[tilespmem:$0x8B10] =	vst v63  }
0x22: {  	_ =	swait.ge [sflag:s17], $0x3200  }
0x23: {  	[sflag:s17] =	ssyncset.done $0x0  }
0x24: {  	[sflag:s17] =	ssyncadd.s32 $0xFFFFCE00  }
0x25: {  	[hbm4b:s9+s2] =	stream.linear.scatter [tilespmem:s15], [sflag:$0x3], $0x3200, $0x38;
	[tilespmem:$0x8B10] =	vst v63  }
0x26: {  	_ =	swait.ge [sflag:s11], $0x3200  }
0x27: {  	s20 =	sadd.s32 $0x640, s10;
	s22 =	simm.s32 $0x1450;
	[sflag:s11] =	ssyncset.done $0x0  }
0x28: {  	s21 =	sadd.s32 $0x640, s9;
	s19 =	simm.s32 $0x640;
	[sflag:s11] =	ssyncadd.s32 $0xFFFFCE00  }
.LBB2_2:
0x29: {  	[tilespmem:s15], [sflag:$0x2] =	stream.indirect.gather [hbm4b:s3+s13], $0x40, s22, s13, $0xb8;
	[tilespmem:$0x8B10] =	vst v63  }
0x2a: {  	s22 =	smov.u32 s19  }
0x2b: {  	p0 =	sne.s32 s19, $0x4B00;
	s19 =	sadd.s32 $0x320, s19;
	_ =	swait.ge [sflag:s16], $0x3200  }
0x2c: {  	[sflag:s16] =	ssyncset.done $0x0  }
0x2d: {  	[sflag:s16] =	ssyncadd.s32 $0xFFFFCE00  }
0x2e: {  	[hbm4b:s20+s2] =	stream.linear.scatter [tilespmem:s14], [sflag:$0x3], $0x3200, $0x38;
	[tilespmem:$0x8B10] =	vst v63  }
0x2f: {  	_ =	swait.ge [sflag:s11], $0x3200  }
0x30: {  	[sflag:s11] =	ssyncset.done $0x0  }
0x31: {  	s22 =	sshra.s32 s22, $0x2;
	[sflag:s11] =	ssyncadd.s32 $0xFFFFCE00  }
0x32: {  	[tilespmem:s14], [sflag:$0x1] =	stream.indirect.gather [hbm4b:s3+s13], $0x40, s22, s13, $0xb8;
	[tilespmem:$0x8B10] =	vst v63  }
0x33: {  	_ =	swait.ge [sflag:s17], $0x3200  }
0x34: {  	[sflag:s17] =	ssyncset.done $0x0  }
.Ltmp0:
0x35: {  	[sflag:s17] =	ssyncadd.s32 $0xFFFFCE00;
	(pc) =	sbr.rel @p0 .LBB2_2-.Ltmp0, $4  }
0x36: {  	[hbm4b:s21+s2] =	stream.linear.scatter [tilespmem:s15], [sflag:$0x3], $0x3200, $0x38;
	[tilespmem:$0x8B10] =	vst v63  }
0x37: {  	_ =	swait.ge [sflag:s11], $0x3200  }
0x38: {  	s20 =	sadd.s32 $0x640, s20;
	[sflag:s11] =	ssyncset.done $0x0  }
0x39: {  	s22 =	sadd.s32 $0x1388, s22;
	s21 =	sadd.s32 $0x640, s21;
	[sflag:s11] =	ssyncadd.s32 $0xFFFFCE00  }
0x3a: {  	[tilespmem:s15], [sflag:$0x2] =	stream.indirect.gather [hbm4b:s3+s13], $0x40, s22, s13, $0xb8;
	[tilespmem:$0x8B10] =	vst v63  }
0x3b: {  	_ =	swait.ge [sflag:s16], $0x3200  }
0x3c: {  	[sflag:s16] =	ssyncset.done $0x0  }
0x3d: {  	[sflag:s16] =	ssyncadd.s32 $0xFFFFCE00  }
0x3e: {  	[hbm4b:s7+s2] =	stream.linear.scatter [tilespmem:s14], [sflag:$0x3], $0x3200, $0x38;
	[tilespmem:$0x8B10] =	vst v63  }
0x3f: {  	_ =	swait.ge [sflag:s11], $0x3200  }
0x40: {  	[sflag:s11] =	ssyncset.done $0x0  }
0x41: {  	[sflag:s11] =	ssyncadd.s32 $0xFFFFCE00  }
0x42: {  	s18 =	sadd.s32 $0x1, s18;
	_ =	swait.ge [sflag:s17], $0x3200  }
0x43: {  	p0 =	sne.s32 s18, s6;
	[sflag:s17] =	ssyncset.done $0x0  }
.Ltmp1:
0x44: {  	[sflag:s17] =	ssyncadd.s32 $0xFFFFCE00;
	(pc) =	sbr.rel @p0 .LBB2_1-.Ltmp1, $4  }
0x45: {  	[hbm4b:s8+s2] =	stream.linear.scatter [tilespmem:s15], [sflag:$0x3], $0x3200, $0x38;
	[tilespmem:$0x8B10] =	vst v63  }
0x46: {  	_ =	swait.ge [sflag:s11], $0x3200  }
0x47: {  	[sflag:s11] =	ssyncset.done $0x0  }
0x48: {  	[sflag:s11] =	ssyncadd.s32 $0xFFFFCE00  }
0x49: {  	_ =	sfence.sel $0x180000  }
0x4a: {  	[bflag:$0x0] =	sbarrier.arrive $0xFFFF  }
0x4b: {  	p0 =	sne.s32 s0, $0x0;
	_ =	strace $0x90000056  }
0x4c: {  	s0 =	sadd.s32 @!p0 $0x100000, s1;
	[bflag:$0x2] =	sbarrier.arrive $0xFFFF  }
0x4d: {  	[sflag:s0] =	ssyncadd.tile.s32 @!p0 $0x1;
	_ =	shalt  }
.Lfunc_end2:
_tile_overlayer_lowered:
.L_overlay_start_2:
0x4e: {  	(tag) =	ssettag $0x2  }
0x4f: {  	s0 =	rddreg [dreg:$0x0];
	s2 =	stileid.u32  }
0x50: {  	s1 =	rddreg [dreg:$0x1];
	p0 =	sne.s32 s2, $0x0  }
0x51: {  	s3 =	rddreg [dreg:$0x2];
	[bflag:$0x3] =	sbarrier.arrive $0xFFFF;
	s2 =	simm.s32 @!p0 $0x1C03  }
0x52: {  	[timem:s3], [sflag:s2] =	dma.local @!p0 [hbm:s0], s1  }
0x53: {  	s0 =	simm.s32 @!p0 $0x3  }
0x54: {  	_ =	swait.ge @!p0 [sflag:s0], s1  }
0x55: {  	s1 =	ssub.s32 @!p0 $0x0, s1;
	[sflag:s0] =	ssyncset.done @!p0 $0x0  }
0x56: {  	[sflag:s0] =	ssyncadd.s32 @!p0 s1  }
0x57: {  	[bflag:$0x3] =	sbarrier.arrive $0xFFFF  }
0x58: {  	_ =	shalt  }

// kernel: kernel.39.cloned.1.call-start
scs
__scs_entry_jumppad:
0x0: {  	(pc) =	sbr.rel $0x88, $3  }
0x1: {  	(tag) =	ssettag $0x0;
	lr =	simm.s32 $0x1  }
0x2: {  	[smem:$0x3F7D] =	sst lr;
	_ =	strace $0xD0000000  }
0x3: {  	_ = 	snop  }
0x4: {  	_ = 	snop  }
0x5: {  	_ = 	snop  }
0x6: {  	_ = 	snop  }
0x7: {  	_ = 	snop  }
__scs_overlays_trampoline_lowered:
0x8: {  	[smem:$0x3F8C] =	sst s0  }
0x9: {  	[smem:$0x3F8D] =	sst s1  }
0xa: {  	[smem:$0x3F8E] =	sst s2  }
0xb: {  	[smem:$0x3F8F] =	sst s3  }
0xc: {  	[smem:$0x3F90] =	sst s4  }
0xd: {  	[smem:$0x3F91] =	sst s5  }
0xe: {  	[smem:$0x3F92] =	sst s6  }
0xf: {  	[smem:$0x3F93] =	sst s7  }
0x10: {  	[smem:$0x3F94] =	sst s8  }
0x11: {  	[smem:$0x3F95] =	sst s9;
	s0 =	simm.s32 @!p0 $0x0  }
0x12: {  	s1 =	sld [smem:$0x3F7B];
	s0 =	simm.s32 @p0 $0x1  }
0x13: {  	[smem:$0x3F96] =	sst s0;
	s0 =	simm.s32 @!p1 $0x0  }
0x14: {  	s2 =	sld [smem:$0x3F7A];
	s0 =	simm.s32 @p1 $0x1  }
0x15: {  	[smem:$0x3F97] =	sst s0;
	s0 =	simm.s32 @!p2 $0x0  }
0x16: {  	s3 =	sld [smem:$0x3FDB];
	s0 =	simm.s32 @p2 $0x1  }
0x17: {  	s4 =	simm.s32 $0x1BF5;
	[smem:$0x3F99] =	sst s0  }
0x18: {  	s0 =	sld [smem:$0x3F7C];
	_ =	swait.ge [sflag:s4], $0x0  }
0x19: {  	s7 =	sld [smem:$0x3F7D]  }
0x1a: {  	s8 =	sadd.s32 $0xFFFFE003, lr  }
0x1b: {  	s9 =	sadd.s32 $0xFFFFFEF7, lr;
	s5 =	simm.s32 $0xFFFFFFFF;
	p2 =	slt.u32 s8, $0xFFFFF086  }
0x1c: {  	p1 =	slt.u32 s9, $0xF7A;
	s5 =	simm.s32 @!p2 $0x0  }
0x1d: {  	s5 =	simm.s32 @p1 $0x1;
	p0 =	seq.s32 s7, s2  }
0x1e: {  	s7 =	smul.u32 @!p0 $0xF7A, s2;
	p2 =	seq.s32 @!p0 s5, $0x0  }
0x1f: {  	s9 =	smul.u32 $0xF7A, s1;
	s8 =	simm.s32 @!p0 $0x1BF5;
	p2 =	por !p2, p0  }
0x20: {  	[sflag:s8] =	ssyncset.s32 @!p0 $0xFFFFF086;
	s6 =	sadd.s32 @!p0 s3, s7;
	s7 =	simm.s32 @!p0 $0x108  }
0x21: {  	s3 =	sadd.s32 s3, s9;
	s6 =	sadd.s32 @!p0 $0x88, s6;
	s7 =	simm.s32 @p2 $0x1082  }
0x22: {  	[simem:s7], [sflag:s8] =	dma.local @!p0 [hbm:s6], $0xF7A  }
0x23: {  	s9 =	sor.u32 $0xD0000000, s2;
	s6 =	simm.s32 $0x108;
	_ =	swait.ge @!p0 [sflag:s8], $0x0  }
0x24: {  	s3 =	sadd.s32 $0x88, s3;
	s6 =	simm.s32 @!p1 $0x1082;
	[sflag:s4] =	ssyncset.s32 $0xFFFFF086  }
0x25: {  	[simem:s6], [sflag:s4] =	dma.local [hbm:s3], $0xF7A  }
0x26: {  	[smem:$0x3F7D] =	sst s1;
	(tag) =	ssettag s2;
	_ =	strace s9  }
0x27: {  	s1 =	sld [smem:$0x3F8D]  }
0x28: {  	s2 =	sld [smem:$0x3F8E]  }
0x29: {  	s4 =	sld [smem:$0x3F90]  }
0x2a: {  	p0 =	seq.s32 s5, $0x0;
	s5 =	sld [smem:$0x3F91]  }
0x2b: {  	s6 =	sld [smem:$0x3F92]  }
0x2c: {  	s7 =	sld [smem:$0x3F93]  }
0x2d: {  	s3 =	simm.s32 $0x108;
	s8 =	sld [smem:$0x3F94]  }
0x2e: {  	s3 =	simm.s32 @!p0 $0x1082;
	s9 =	sld [smem:$0x3F95]  }
0x2f: {  	lr =	sadd.s32 s0, s3;
	s0 =	sld [smem:$0x3F8C]  }
0x30: {  	s3 =	sld [smem:$0x3F8F]  }
0x31: {  	[smem:$0x3F98] =	sst s10  }
0x32: {  	s10 =	sld [smem:$0x3F96];
	_ =	sdelay $0x3  }
0x33: {  	p0 =	seq.s32 s10, $0x1;
	s10 =	sld [smem:$0x3F98];
	_ =	sdelay $0x3  }
0x34: {  	[smem:$0x3F98] =	sst s10  }
0x35: {  	s10 =	sld [smem:$0x3F97];
	_ =	sdelay $0x3  }
0x36: {  	p1 =	seq.s32 s10, $0x1;
	s10 =	sld [smem:$0x3F98];
	_ =	sdelay $0x3  }
0x37: {  	[smem:$0x3F98] =	sst s10  }
0x38: {  	s10 =	sld [smem:$0x3F99]  }
0x39: {  	_ = 	snop;
	(pc) =	sbr.ind lr, $3  }
0x3a: {  	_ = 	snop  }
0x3b: {  	_ = 	snop  }
0x3c: {  	p2 =	seq.s32 s10, $0x1;
	s10 =	sld [smem:$0x3F98]  }
0x3d: {  	_ =	shalt  }
0x3e: {  	_ =	shalt  }
0x3f: {  	_ =	shalt  }
0x40: {  	_ =	shalt  }
0x41: {  	_ =	shalt  }
0x42: {  	_ =	shalt  }
0x43: {  	_ =	shalt  }
0x44: {  	_ =	shalt  }
0x45: {  	_ =	shalt  }
0x46: {  	_ =	shalt  }
0x47: {  	_ =	shalt  }
0x48: {  	_ =	shalt  }
0x49: {  	_ =	shalt  }
0x4a: {  	_ =	shalt  }
0x4b: {  	_ =	shalt  }
0x4c: {  	_ =	shalt  }
0x4d: {  	_ =	shalt  }
0x4e: {  	_ =	shalt  }
0x4f: {  	_ =	shalt  }
0x50: {  	_ =	shalt  }
0x51: {  	_ =	shalt  }
0x52: {  	_ =	shalt  }
0x53: {  	_ =	shalt  }
0x54: {  	_ =	shalt  }
0x55: {  	_ =	shalt  }
0x56: {  	_ =	shalt  }
0x57: {  	_ =	shalt  }
0x58: {  	_ =	shalt  }
0x59: {  	_ =	shalt  }
0x5a: {  	_ =	shalt  }
0x5b: {  	_ =	shalt  }
0x5c: {  	_ =	shalt  }
0x5d: {  	_ =	shalt  }
0x5e: {  	_ =	shalt  }
0x5f: {  	_ =	shalt  }
0x60: {  	_ =	shalt  }
0x61: {  	_ =	shalt  }
0x62: {  	_ =	shalt  }
0x63: {  	_ =	shalt  }
0x64: {  	_ =	shalt  }
0x65: {  	_ =	shalt  }
0x66: {  	_ =	shalt  }
0x67: {  	_ =	shalt  }
0x68: {  	_ =	shalt  }
0x69: {  	_ =	shalt  }
0x6a: {  	_ =	shalt  }
0x6b: {  	_ =	shalt  }
0x6c: {  	_ =	shalt  }
0x6d: {  	_ =	shalt  }
0x6e: {  	_ =	shalt  }
0x6f: {  	_ =	shalt  }
0x70: {  	_ =	shalt  }
0x71: {  	_ =	shalt  }
0x72: {  	_ =	shalt  }
0x73: {  	_ =	shalt  }
0x74: {  	_ =	shalt  }
0x75: {  	_ =	shalt  }
0x76: {  	_ =	shalt  }
0x77: {  	_ =	shalt  }
0x78: {  	_ =	shalt  }
0x79: {  	_ =	shalt  }
0x7a: {  	_ =	shalt  }
0x7b: {  	_ =	shalt  }
0x7c: {  	_ =	shalt  }
0x7d: {  	_ =	shalt  }
0x7e: {  	_ =	shalt  }
0x7f: {  	_ =	shalt  }
0x80: {  	_ =	shalt  }
0x81: {  	_ =	shalt  }
0x82: {  	_ =	shalt  }
0x83: {  	_ =	shalt  }
0x84: {  	_ =	shalt  }
0x85: {  	_ =	shalt  }
0x86: {  	_ =	shalt  }
0x87: {  	_ =	shalt  }
.Lfunc_end0:
.L_simem_size_0:
called_computation.6_lowered:
.L_overlay_start_0:
0x88: {  	s2 =	sld [smem:$0x3FD9]  }
0x89: {  	s3 =	sld [smem:$0x3FFE];
	_ =	sdelay $0x1  }
0x8a: {  	s1 =	srdreg.scid  }
0x8b: {  	s0 =	sand.u32 $0x1, s1  }
0x8c: {  	s15 =	sshll.u32 s0, $0xA;
	s2 =	sadd.s32 s3, s2  }
0x8d: {  	s2 =	sadd.s32 s2, s15  }
0x8e: {  	[smem:$0x3FA4] =	sst s2  }
0x8f: {  	_ = 	snop  }
0x90: {  	s2 =	sld [smem:$0x3FD0];
	_ =	sdelay $0x2  }
0x91: {  	s16 =	simm.s32 $0xB;
	s4 =	simm.s32 $0x10  }
0x92: {  	[smem:s4], [sflag:s16] =	dma.local [hbm:s2], $0x1  }
0x93: {  	_ =	swait.eq [sflag:s16], $0x1  }
0x94: {  	[sflag:s16] =	ssyncset.done $0x0  }
0x95: {  	[sflag:s16] =	ssyncadd.s32 $0xFFFFFFFF  }
0x96: {  	s17 =	sld [smem:$0x10];
	(tm) =	ssettm $0x1  }
0x97: {  	s18 =	sld [smem:$0x3FFB];
	_ =	sdelay $0x3  }
0x98: {  	_ =	strace s18  }
0x99: {  	s2 =	sld [smem:$0x3FFC];
	_ =	sdelay $0x3  }
0x9a: {  	_ =	strace s2  }
0x9b: {  	s2 =	sld [smem:$0x3FFD];
	_ =	sdelay $0x3  }
0x9c: {  	_ =	strace s2  }
0x9d: {  	_ =	strace $0x8FFFFFFF  }
0x9e: {  	s19 =	sld [smem:$0x3FDB];
	_ =	sdelay $0x1  }
0x9f: {  	s20 =	simm.s32 $_scs_section_size  }
0xa0: {  	s5 =	simm.s32 $_size__tile_overlayer_lowered;
	s6 =	simm.s32 $_tile_overlayer_lowered  }
0xa1: {  	s7 =	simm.s32 $0x1BFF;
	s21 =	sshll.u32 s6, $0x1;
	s4 =	sadd.s32 s20, s19  }
0xa2: {  	s22 =	simm.s32 $0x0;
	s5 =	sshll.u32 s5, $0x1;
	s6 =	sadd.s32 s21, s4  }
0xa3: {  	[timem:s22], [sflag:s7] =	dma.local [hbm:s6], s5  }
0xa4: {  	_ =	swait.ge [sflag:s7], s5  }
0xa5: {  	s5 =	ssub.s32 $0x0, s5;
	[sflag:s7] =	ssyncset.done $0x0  }
0xa6: {  	[sflag:s7] =	ssyncadd.s32 s5;
	_ =	sdelay $0x1  }
0xa7: {  	s23 =	simm.s32 $0x1B8B  }
0xa8: {  	_ =	swait.ge [sflag:s23], $0x1  }
0xa9: {  	[sflag:s23] =	ssyncset.done $0x0  }
0xaa: {  	[sflag:s23] =	ssyncadd.s32 $0xFFFFFFFF  }
0xab: {  	s5 =	sld [smem:$0x0]  }
0xac: {  	s6 =	sand.u32 $0xFFFFFFFE, s1  }
0xad: {  	p0 =	sne.s32 s1, s6  }
0xae: {  	s6 =	sshll.u32 @p0 s6, $0xE  }
0xaf: {  	s6 =	sadd.s32 @p0 $0x11B8D, s6;
	s7 =	sshll.u32 @p0 s5, $0x11  }
0xb0: {  	s6 =	sor.u32 @p0 s7, s6  }
0xb1: {  	[sflag:s6] =	ssyncadd.remote.s32 @p0 $0x1;
	_ =	sdelay $0x1  }
0xb2: {  	s6 =	simm.s32 @p0 $0x1B8D  }
0xb3: {  	_ =	swait.eq @p0 [sflag:s6], $0x1  }
0xb4: {  	[sflag:s6] =	ssyncadd.s32 @p0 $0xFFFFFFFF  }
0xb5: {  	s7 =	sshll.u32 @!p0 s1, $0xE  }
0xb6: {  	s7 =	sor.u32 @!p0 $0x4000, s7;
	s6 =	simm.s32 @!p0 $0x1B8D  }
0xb7: {  	s5 =	sshll.u32 @!p0 s5, $0x11;
	s7 =	sadd.s32 @!p0 $0x11B8D, s7;
	_ =	swait.eq @!p0 [sflag:s6], $0x1  }
0xb8: {  	s5 =	sor.u32 @!p0 s5, s7;
	[sflag:s6] =	ssyncadd.s32 @!p0 $0xFFFFFFFF  }
0xb9: {  	s25 =	simm.s32 $0x1B8E;
	s24 =	sld [smem:$0x3FFE];
	[sflag:s5] =	ssyncadd.remote.s32 @!p0 $0x1  }
0xba: {  	s26 =	simm.s32 $execute0_lowered;
	[smem:$0x3FD2] =	sst s25  }
0xbb: {  	s6 =	sshll.u32 s26, $0x1;
	_ =	strace $0x80000058;
	[dreg:$0x1] =	wrdreg $0xFFFFFFFF  }
0xbc: {  	s28 =	simm.s32 $_size_execute0_lowered;
	s4 =	sadd.s32 s4, s6;
	[dreg:$0x0] =	wrdreg $0x0  }
0xbd: {  	s6 =	sshll.u32 s28, $0x1;
	[dreg:$0x2] =	wrdreg s4  }
0xbe: {  	[dreg:$0x3] =	wrdreg s6  }
0xbf: {  	[dreg:$0x4] =	wrdreg $0xC0  }
0xc0: {  	_ =	task [dreg:s22], $0x5FFFF  }
0xc1: {  	[dreg:$0x1] =	wrdreg $0xFFFFFFFF  }
0xc2: {  	[dreg:$0x0] =	wrdreg $0x60  }
0xc3: {  	[dreg:$0x2] =	wrdreg s24  }
0xc4: {  	[dreg:$0x3] =	wrdreg s17  }
0xc5: {  	[dreg:$0x4] =	wrdreg $0x46500  }
0xc6: {  	[dreg:$0x5] =	wrdreg $0xA  }
0xc7: {  	_ =	task.clear_ibuf [dreg:s22], $0x6FFFF;
	_ =	strace $0x90000058  }
0xc8: {  	s29 =	simm.s32 $0xA;
	_ =	strace $0x8000005A  }
0xc9: {  	_ =	swait.ge [sflag:s29], $0x1  }
0xca: {  	[sflag:s29] =	ssyncadd.s32 $0xFFFFFFFF  }
0xcb: {  	_ =	strace $0x9000005A  }
0xcc: {  	_ =	sfence  }
0xcd: {  	s30 =	sld [smem:$0x0];
	_ =	sdelay $0x2  }
0xce: {  	s31 =	sshll.u32 s1, $0xD;
	s1 =	sshrl.u32 s1, $0x2  }
0xcf: {  	s4 =	sand.u32 $0x4000, s31;
	s1 =	sadd.s32 s1, s30  }
0xd0: {  	s0 =	sor.u32 s4, s0;
	s1 =	sshll.u32 s1, $0x11  }
0xd1: {  	s0 =	sor.u32 s1, s0  }
0xd2: {  	s0 =	sadd.s32 $0x8F2B, s0  }
0xd3: {  	[sflag:s0] =	ssyncadd.remote.s32 $0x1  }
0xd4: {  	_ =	sfence.sel $0xFFFF  }
0xd5: {  	[dreg:$0x0] =	wrdreg $0xFFFFFFFF;
	(pc) =	sbr.abs _section_cstart, $3  }
0xd6: {  	[dreg:$0x1] =	wrdreg $0xFFFFFFFF  }
0xd7: {  	_ =	task.clear_ibuf [dreg:s22], $0x2FFFF;
	_ =	strace $0x9FFFFFFF  }
0xd8: {  	(tm) =	ssettm $0x7FFFFFFF  }
0xd9: {  	_ =	shalt  }
tec
execute0_lowered:
.L_overlay_start_1:
0x0: {  	(tag) =	ssettag $0x1  }
0x1: {  	s5 =	rddreg [dreg:$0x0]  }
0x2: {  	s6 =	rddreg [dreg:$0x1]  }
0x3: {  	s2 =	rddreg [dreg:$0x2]  }
0x4: {  	s0 =	rddreg [dreg:$0x3]  }
0x5: {  	s3 =	simm.s32 $0x0;
	s4 =	srdreg.scid;
	s1 =	stileid.u32  }
0x6: {  	s16 =	simm.s32 $0x2D50;
	s17 =	simm.s32 $0x1;
	s18 =	simm.s32 $0x64  }
0x7: {  	s19 =	simm.s32 $0x2;
	s20 =	simm.s32 $0x1380;
	s21 =	simm.s32 $0x13E8  }
0x8: {  	s22 =	simm.s32 $0x0;
	[smem:$0x7FF] =	sst s3;
	s8 =	smul.u32 $0x9C40, s1  }
0x9: {  	s7 =	sand.u32 $0x1, s4;
	s11 =	sadd.s32 $0x7D2E00, s5;
	s15 =	smul.u32 $0x2710, s1  }
0xa: {  	s10 =	sshll.u32 s1, $0x1;
	s4 =	sadd.s32 $0x7A5600, s5;
	s9 =	smul.u32 $0x9C400, s7  }
0xb: {  	s10 =	sor.u32 s7, s10;
	s12 =	ssub.s32 $0x2, s7;
	s7 =	smul.u32 $0x1388, s7  }
0xc: {  	s26 =	sshll.u32 s1, $0x6;
	_ =	strace $0x80000059;
	s13 =	smul.u32 $0x28A, s10  }
0xd: {  	s14 =	sshrl.u32 s12, $0x1;
	s25 =	sadd.s32 s8, s2;
	s28 =	smul.u32 $0x9C40, s10  }
0xe: {  	s9 =	sadd.s32 s8, s9;
	s12 =	ssub.s32 s12, s14;
	s29 =	sadd.s32 s7, s15  }
0xf: {  	s14 =	simm.s32 $0x3;
	s15 =	simm.s32 $0x1450;
	s9 =	sshrl.u32 s9, $0x3  }
0x10: {  	s6 =	sadd.s32 s6, s13;
	s7 =	sadd.s32 s11, s28;
	s30 =	sshll.u32 s29, $0x3  }
0x11: {  	s13 =	sshrl.u32 s25, $0x3;
	s9 =	sadd.s32 s9, s5;
	s5 =	sor.u32 $0x1C03, s26  }
0x12: {  	s10 =	sadd.s32 $0x9920, s7;
	s31 =	sadd.s32 s11, s30;
	s8 =	sadd.s32 $0x7A6A00, s9  }
0x13: {  	s9 =	smax.u32 s12, $0x1;
	s11 =	sadd.s32 $0x320, s31;
	s12 =	sadd.s32 $0x640, s31  }
.LBB2_1:
0x14: {  	[spmem:s13], [sflag:s5] =	dma.local [hbm:s4], $0x1388  }
0x15: {  	_ =	swait.ge [sflag:s14], $0x1388  }
0x16: {  	[sflag:s14] =	ssyncset.done $0x0  }
0x17: {  	[sflag:s14] =	ssyncadd.s32 $0xFFFFEC78  }
0x18: {  	[tilespmem:s3], [sflag:$0x3] =	stream.linear.gather [hbm4b:s6+s3], $0x1450, $0x38;
	[tilespmem:$0xE290] =	vst v63  }
0x19: {  	_ =	swait.ge [sflag:s14], $0x1450  }
0x1a: {  	[sflag:s14] =	ssyncset.done $0x0  }
0x1b: {  	[sflag:s14] =	ssyncadd.s32 $0xFFFFEBB0  }
0x1c: {  	[bflag:$0x0] =	sbarrier.arrive $0xFFFF  }
0x1d: {  	[tilespmem:s15], [sflag:$0x1] =	stream.linear.gather [hbm4b:s7+s3], $0x1900, $0x38;
	[tilespmem:$0xE290] =	vst v63  }
0x1e: {  	s23 =	sadd.s32 $0x0, s11  }
0x1f: {  	[tilespmem:s16], [sflag:$0x2] =	stream.linear.gather [hbm4b:s23+s3], $0x1900, $0x38;
	[tilespmem:$0xE290] =	vst v63  }
0x20: {  	_ =	swait.ge [sflag:s17], $0x1900  }
0x21: {  	[sflag:s17] =	ssyncset.done $0x0  }
0x22: {  	[sflag:s17] =	ssyncadd.s32 $0xFFFFE700  }
0x23: {  	[spmem:s2] =	stream.indirect.scatter.add.f32 [tilespmem:s15], [sflag:$0x3], $0x40, s3, s18, $0xb8;
	[tilespmem:$0xE290] =	vst v63  }
0x24: {  	_ =	swait.ge [sflag:s14], $0x1900  }
0x25: {  	[sflag:s14] =	ssyncset.done $0x0  }
0x26: {  	s30 =	sadd.s32 $0x0, s12;
	[sflag:s14] =	ssyncadd.s32 $0xFFFFE700  }
0x27: {  	[tilespmem:s15], [sflag:$0x1] =	stream.linear.gather [hbm4b:s30+s3], $0x1900, $0x38;
	[tilespmem:$0xE290] =	vst v63  }
0x28: {  	_ =	swait.ge [sflag:s19], $0x1900  }
0x29: {  	[sflag:s19] =	ssyncset.done $0x0  }
0x2a: {  	s31 =	simm.s32 $0x68;
	[sflag:s19] =	ssyncadd.s32 $0xFFFFE700  }
0x2b: {  	[spmem:s2] =	stream.indirect.scatter.add.f32 [tilespmem:s16], [sflag:$0x3], $0x40, s31, s18, $0xb8;
	[tilespmem:$0xE290] =	vst v63  }
0x2c: {  	s24 =	simm.s32 $0x640;
	_ =	swait.ge [sflag:s14], $0x1900  }
0x2d: {  	s25 =	simm.s32 $0xC80;
	s23 =	simm.s32 $0xD0;
	[sflag:s14] =	ssyncset.done $0x0  }
.LBB2_2:
0x2e: {  	s26 =	sadd.s32 s24, s11  }
0x2f: {  	[sflag:s14] =	ssyncadd.s32 $0xFFFFE700;
	s28 =	smov.u32 s25;
	s29 =	sadd.s32 $0x640, s25  }
0x30: {  	[tilespmem:s16], [sflag:$0x2] =	stream.linear.gather [hbm4b:s26+s3], $0x1900, $0x38;
	[tilespmem:$0xE290] =	vst v63  }
0x31: {  	p0 =	sne.s32 s25, $0x8FC0;
	_ =	swait.ge [sflag:s17], $0x1900  }
0x32: {  	[sflag:s17] =	ssyncset.done $0x0  }
0x33: {  	[sflag:s17] =	ssyncadd.s32 $0xFFFFE700  }
0x34: {  	[spmem:s2] =	stream.indirect.scatter.add.f32 [tilespmem:s15], [sflag:$0x3], $0x40, s23, s18, $0xb8;
	[tilespmem:$0xE290] =	vst v63  }
0x35: {  	_ =	swait.ge [sflag:s14], $0x1900  }
0x36: {  	[sflag:s14] =	ssyncset.done $0x0  }
0x37: {  	s25 =	sadd.s32 s24, s12;
	s24 =	smov.u32 s28;
	[sflag:s14] =	ssyncadd.s32 $0xFFFFE700  }
0x38: {  	[tilespmem:s15], [sflag:$0x1] =	stream.linear.gather [hbm4b:s25+s3], $0x1900, $0x38;
	[tilespmem:$0xE290] =	vst v63  }
0x39: {  	_ =	swait.ge [sflag:s19], $0x1900  }
.Ltmp0:
0x3a: {  	[sflag:s19] =	ssyncset.done $0x0;
	(pc) =	sbr.rel @p0 .LBB2_2-.Ltmp0, $4  }
0x3b: {  	s25 =	sadd.s32 $0x68, s23;
	[sflag:s19] =	ssyncadd.s32 $0xFFFFE700  }
0x3c: {  	[spmem:s2] =	stream.indirect.scatter.add.f32 [tilespmem:s16], [sflag:$0x3], $0x40, s25, s18, $0xb8;
	[tilespmem:$0xE290] =	vst v63  }
0x3d: {  	_ =	swait.ge [sflag:s14], $0x1900  }
0x3e: {  	s23 =	sadd.s32 $0xD0, s23;
	s25 =	smov.u32 s29;
	[sflag:s14] =	ssyncset.done $0x0  }
0x3f: {  	s25 =	sadd.s32 s24, s11;
	[sflag:s14] =	ssyncadd.s32 $0xFFFFE700  }
0x40: {  	[tilespmem:s16], [sflag:$0x2] =	stream.linear.gather [hbm4b:s25+s3], $0x1900, $0x38;
	[tilespmem:$0xE290] =	vst v63  }
0x41: {  	_ =	swait.ge [sflag:s17], $0x1900  }
0x42: {  	[sflag:s17] =	ssyncset.done $0x0  }
0x43: {  	[sflag:s17] =	ssyncadd.s32 $0xFFFFE700  }
0x44: {  	[spmem:s2] =	stream.indirect.scatter.add.f32 [tilespmem:s15], [sflag:$0x3], $0x40, s23, s18, $0xb8;
	[tilespmem:$0xE290] =	vst v63  }
0x45: {  	_ =	swait.ge [sflag:s14], $0x1900  }
0x46: {  	[sflag:s14] =	ssyncset.done $0x0  }
0x47: {  	s30 =	sadd.s32 s24, s12;
	[sflag:s14] =	ssyncadd.s32 $0xFFFFE700  }
0x48: {  	[tilespmem:s15], [sflag:$0x1] =	stream.linear.gather [hbm4b:s30+s3], $0x1900, $0x38;
	[tilespmem:$0xE290] =	vst v63  }
0x49: {  	_ =	swait.ge [sflag:s19], $0x1900  }
0x4a: {  	[sflag:s19] =	ssyncset.done $0x0  }
0x4b: {  	s31 =	sadd.s32 $0x68, s23;
	[sflag:s19] =	ssyncadd.s32 $0xFFFFE700  }
0x4c: {  	[spmem:s2] =	stream.indirect.scatter.add.f32 [tilespmem:s16], [sflag:$0x3], $0x40, s31, s18, $0xb8;
	[tilespmem:$0xE290] =	vst v63  }
0x4d: {  	_ =	swait.ge [sflag:s14], $0x1900  }
0x4e: {  	[sflag:s14] =	ssyncset.done $0x0  }
0x4f: {  	[sflag:s14] =	ssyncadd.s32 $0xFFFFE700  }
0x50: {  	[tilespmem:s16], [sflag:$0x2] =	stream.linear.gather [hbm4b:s10+s3], $0x1900, $0x38;
	[tilespmem:$0xE290] =	vst v63  }
0x51: {  	_ =	swait.ge [sflag:s17], $0x1900  }
0x52: {  	[sflag:s17] =	ssyncset.done $0x0  }
0x53: {  	[sflag:s17] =	ssyncadd.s32 $0xFFFFE700  }
0x54: {  	[spmem:s2] =	stream.indirect.scatter.add.f32 [tilespmem:s15], [sflag:$0x3], $0x40, s20, s18, $0xb8;
	[tilespmem:$0xE290] =	vst v63  }
0x55: {  	_ =	swait.ge [sflag:s14], $0x1900  }
0x56: {  	[sflag:s14] =	ssyncset.done $0x0  }
0x57: {  	[sflag:s14] =	ssyncadd.s32 $0xFFFFE700  }
0x58: {  	_ =	swait.ge [sflag:s19], $0x1900  }
0x59: {  	[sflag:s19] =	ssyncset.done $0x0  }
0x5a: {  	[sflag:s19] =	ssyncadd.s32 $0xFFFFE700  }
0x5b: {  	[spmem:s2] =	stream.indirect.scatter.add.f32 [tilespmem:s16], [sflag:$0x3], $0x40, s21, s18, $0xb8;
	[tilespmem:$0xE290] =	vst v63  }
0x5c: {  	_ =	swait.ge [sflag:s14], $0x1900  }
0x5d: {  	s22 =	sadd.s32 $0x1, s22;
	[sflag:s14] =	ssyncset.done $0x0  }
0x5e: {  	p0 =	sne.s32 s22, s9;
	[sflag:s14] =	ssyncadd.s32 $0xFFFFE700  }
.Ltmp1:
0x5f: {  	[bflag:$0x0] =	sbarrier.arrive $0xFFFF;
	(pc) =	sbr.rel @p0 .LBB2_1-.Ltmp1, $4  }
0x60: {  	[hbm:s8], [sflag:s5] =	dma.local [spmem:s13], $0x1388  }
0x61: {  	_ =	swait.ge [sflag:s14], $0x1388  }
0x62: {  	[sflag:s14] =	ssyncset.done $0x0  }
0x63: {  	[sflag:s14] =	ssyncadd.s32 $0xFFFFEC78  }
0x64: {  	_ =	sfence.sel $0x180000  }
0x65: {  	[bflag:$0x0] =	sbarrier.arrive $0xFFFF  }
0x66: {  	p0 =	sne.s32 s1, $0x0;
	_ =	strace $0x90000059  }
0x67: {  	s0 =	sadd.s32 @!p0 $0x100000, s0;
	[bflag:$0x2] =	sbarrier.arrive $0xFFFF  }
0x68: {  	[sflag:s0] =	ssyncadd.tile.s32 @!p0 $0x1;
	_ =	shalt  }
.Lfunc_end2:
_tile_overlayer_lowered:
.L_overlay_start_2:
0x69: {  	(tag) =	ssettag $0x2  }
0x6a: {  	s0 =	rddreg [dreg:$0x0];
	s2 =	stileid.u32  }
0x6b: {  	s1 =	rddreg [dreg:$0x1];
	p0 =	sne.s32 s2, $0x0  }
0x6c: {  	s3 =	rddreg [dreg:$0x2];
	[bflag:$0x3] =	sbarrier.arrive $0xFFFF;
	s2 =	simm.s32 @!p0 $0x1C03  }
0x6d: {  	[timem:s3], [sflag:s2] =	dma.local @!p0 [hbm:s0], s1  }
0x6e: {  	s0 =	simm.s32 @!p0 $0x3  }
0x6f: {  	_ =	swait.ge @!p0 [sflag:s0], s1  }
0x70: {  	s1 =	ssub.s32 @!p0 $0x0, s1;
	[sflag:s0] =	ssyncset.done @!p0 $0x0  }
0x71: {  	[sflag:s0] =	ssyncadd.s32 @!p0 s1  }
0x72: {  	[bflag:$0x3] =	sbarrier.arrive $0xFFFF  }
0x73: {  	_ =	shalt  }

// kernel: kernel.42.cloned.1.call-start
scs
__scs_entry_jumppad:
0x0: {  	(pc) =	sbr.rel $0x88, $3  }
0x1: {  	(tag) =	ssettag $0x0;
	lr =	simm.s32 $0x1  }
0x2: {  	[smem:$0x3F7D] =	sst lr;
	_ =	strace $0xD0000000  }
0x3: {  	_ = 	snop  }
0x4: {  	_ = 	snop  }
0x5: {  	_ = 	snop  }
0x6: {  	_ = 	snop  }
0x7: {  	_ = 	snop  }
__scs_overlays_trampoline_lowered:
0x8: {  	[smem:$0x3F8C] =	sst s0  }
0x9: {  	[smem:$0x3F8D] =	sst s1  }
0xa: {  	[smem:$0x3F8E] =	sst s2  }
0xb: {  	[smem:$0x3F8F] =	sst s3  }
0xc: {  	[smem:$0x3F90] =	sst s4  }
0xd: {  	[smem:$0x3F91] =	sst s5  }
0xe: {  	[smem:$0x3F92] =	sst s6  }
0xf: {  	[smem:$0x3F93] =	sst s7  }
0x10: {  	[smem:$0x3F94] =	sst s8  }
0x11: {  	[smem:$0x3F95] =	sst s9;
	s0 =	simm.s32 @!p0 $0x0  }
0x12: {  	s1 =	sld [smem:$0x3F7B];
	s0 =	simm.s32 @p0 $0x1  }
0x13: {  	[smem:$0x3F96] =	sst s0;
	s0 =	simm.s32 @!p1 $0x0  }
0x14: {  	s2 =	sld [smem:$0x3F7A];
	s0 =	simm.s32 @p1 $0x1  }
0x15: {  	[smem:$0x3F97] =	sst s0;
	s0 =	simm.s32 @!p2 $0x0  }
0x16: {  	s3 =	sld [smem:$0x3FDB];
	s0 =	simm.s32 @p2 $0x1  }
0x17: {  	s4 =	simm.s32 $0x1BF5;
	[smem:$0x3F99] =	sst s0  }
0x18: {  	s0 =	sld [smem:$0x3F7C];
	_ =	swait.ge [sflag:s4], $0x0  }
0x19: {  	s7 =	sld [smem:$0x3F7D]  }
0x1a: {  	s8 =	sadd.s32 $0xFFFFE003, lr  }
0x1b: {  	s9 =	sadd.s32 $0xFFFFFEF7, lr;
	s5 =	simm.s32 $0xFFFFFFFF;
	p2 =	slt.u32 s8, $0xFFFFF086  }
0x1c: {  	p1 =	slt.u32 s9, $0xF7A;
	s5 =	simm.s32 @!p2 $0x0  }
0x1d: {  	s5 =	simm.s32 @p1 $0x1;
	p0 =	seq.s32 s7, s2  }
0x1e: {  	s7 =	smul.u32 @!p0 $0xF7A, s2;
	p2 =	seq.s32 @!p0 s5, $0x0  }
0x1f: {  	s9 =	smul.u32 $0xF7A, s1;
	s8 =	simm.s32 @!p0 $0x1BF5;
	p2 =	por !p2, p0  }
0x20: {  	[sflag:s8] =	ssyncset.s32 @!p0 $0xFFFFF086;
	s6 =	sadd.s32 @!p0 s3, s7;
	s7 =	simm.s32 @!p0 $0x108  }
0x21: {  	s3 =	sadd.s32 s3, s9;
	s6 =	sadd.s32 @!p0 $0x88, s6;
	s7 =	simm.s32 @p2 $0x1082  }
0x22: {  	[simem:s7], [sflag:s8] =	dma.local @!p0 [hbm:s6], $0xF7A  }
0x23: {  	s9 =	sor.u32 $0xD0000000, s2;
	s6 =	simm.s32 $0x108;
	_ =	swait.ge @!p0 [sflag:s8], $0x0  }
0x24: {  	s3 =	sadd.s32 $0x88, s3;
	s6 =	simm.s32 @!p1 $0x1082;
	[sflag:s4] =	ssyncset.s32 $0xFFFFF086  }
0x25: {  	[simem:s6], [sflag:s4] =	dma.local [hbm:s3], $0xF7A  }
0x26: {  	[smem:$0x3F7D] =	sst s1;
	(tag) =	ssettag s2;
	_ =	strace s9  }
0x27: {  	s1 =	sld [smem:$0x3F8D]  }
0x28: {  	s2 =	sld [smem:$0x3F8E]  }
0x29: {  	s4 =	sld [smem:$0x3F90]  }
0x2a: {  	p0 =	seq.s32 s5, $0x0;
	s5 =	sld [smem:$0x3F91]  }
0x2b: {  	s6 =	sld [smem:$0x3F92]  }
0x2c: {  	s7 =	sld [smem:$0x3F93]  }
0x2d: {  	s3 =	simm.s32 $0x108;
	s8 =	sld [smem:$0x3F94]  }
0x2e: {  	s3 =	simm.s32 @!p0 $0x1082;
	s9 =	sld [smem:$0x3F95]  }
0x2f: {  	lr =	sadd.s32 s0, s3;
	s0 =	sld [smem:$0x3F8C]  }
0x30: {  	s3 =	sld [smem:$0x3F8F]  }
0x31: {  	[smem:$0x3F98] =	sst s10  }
0x32: {  	s10 =	sld [smem:$0x3F96];
	_ =	sdelay $0x3  }
0x33: {  	p0 =	seq.s32 s10, $0x1;
	s10 =	sld [smem:$0x3F98];
	_ =	sdelay $0x3  }
0x34: {  	[smem:$0x3F98] =	sst s10  }
0x35: {  	s10 =	sld [smem:$0x3F97];
	_ =	sdelay $0x3  }
0x36: {  	p1 =	seq.s32 s10, $0x1;
	s10 =	sld [smem:$0x3F98];
	_ =	sdelay $0x3  }
0x37: {  	[smem:$0x3F98] =	sst s10  }
0x38: {  	s10 =	sld [smem:$0x3F99]  }
0x39: {  	_ = 	snop;
	(pc) =	sbr.ind lr, $3  }
0x3a: {  	_ = 	snop  }
0x3b: {  	_ = 	snop  }
0x3c: {  	p2 =	seq.s32 s10, $0x1;
	s10 =	sld [smem:$0x3F98]  }
0x3d: {  	_ =	shalt  }
0x3e: {  	_ =	shalt  }
0x3f: {  	_ =	shalt  }
0x40: {  	_ =	shalt  }
0x41: {  	_ =	shalt  }
0x42: {  	_ =	shalt  }
0x43: {  	_ =	shalt  }
0x44: {  	_ =	shalt  }
0x45: {  	_ =	shalt  }
0x46: {  	_ =	shalt  }
0x47: {  	_ =	shalt  }
0x48: {  	_ =	shalt  }
0x49: {  	_ =	shalt  }
0x4a: {  	_ =	shalt  }
0x4b: {  	_ =	shalt  }
0x4c: {  	_ =	shalt  }
0x4d: {  	_ =	shalt  }
0x4e: {  	_ =	shalt  }
0x4f: {  	_ =	shalt  }
0x50: {  	_ =	shalt  }
0x51: {  	_ =	shalt  }
0x52: {  	_ =	shalt  }
0x53: {  	_ =	shalt  }
0x54: {  	_ =	shalt  }
0x55: {  	_ =	shalt  }
0x56: {  	_ =	shalt  }
0x57: {  	_ =	shalt  }
0x58: {  	_ =	shalt  }
0x59: {  	_ =	shalt  }
0x5a: {  	_ =	shalt  }
0x5b: {  	_ =	shalt  }
0x5c: {  	_ =	shalt  }
0x5d: {  	_ =	shalt  }
0x5e: {  	_ =	shalt  }
0x5f: {  	_ =	shalt  }
0x60: {  	_ =	shalt  }
0x61: {  	_ =	shalt  }
0x62: {  	_ =	shalt  }
0x63: {  	_ =	shalt  }
0x64: {  	_ =	shalt  }
0x65: {  	_ =	shalt  }
0x66: {  	_ =	shalt  }
0x67: {  	_ =	shalt  }
0x68: {  	_ =	shalt  }
0x69: {  	_ =	shalt  }
0x6a: {  	_ =	shalt  }
0x6b: {  	_ =	shalt  }
0x6c: {  	_ =	shalt  }
0x6d: {  	_ =	shalt  }
0x6e: {  	_ =	shalt  }
0x6f: {  	_ =	shalt  }
0x70: {  	_ =	shalt  }
0x71: {  	_ =	shalt  }
0x72: {  	_ =	shalt  }
0x73: {  	_ =	shalt  }
0x74: {  	_ =	shalt  }
0x75: {  	_ =	shalt  }
0x76: {  	_ =	shalt  }
0x77: {  	_ =	shalt  }
0x78: {  	_ =	shalt  }
0x79: {  	_ =	shalt  }
0x7a: {  	_ =	shalt  }
0x7b: {  	_ =	shalt  }
0x7c: {  	_ =	shalt  }
0x7d: {  	_ =	shalt  }
0x7e: {  	_ =	shalt  }
0x7f: {  	_ =	shalt  }
0x80: {  	_ =	shalt  }
0x81: {  	_ =	shalt  }
0x82: {  	_ =	shalt  }
0x83: {  	_ =	shalt  }
0x84: {  	_ =	shalt  }
0x85: {  	_ =	shalt  }
0x86: {  	_ =	shalt  }
0x87: {  	_ =	shalt  }
.Lfunc_end0:
.L_simem_size_0:
called_computation.7_lowered:
.L_overlay_start_0:
0x88: {  	s2 =	sld [smem:$0x3FD9]  }
0x89: {  	s3 =	sld [smem:$0x3FFE];
	_ =	sdelay $0x1  }
0x8a: {  	s1 =	srdreg.scid  }
0x8b: {  	s0 =	sand.u32 $0x1, s1  }
0x8c: {  	s17 =	sshll.u32 s0, $0xA;
	s2 =	sadd.s32 s3, s2  }
0x8d: {  	s2 =	sadd.s32 s2, s17  }
0x8e: {  	[smem:$0x3FA4] =	sst s2  }
0x8f: {  	_ = 	snop  }
0x90: {  	(tm) =	ssettm $0x1  }
0x91: {  	s18 =	sld [smem:$0x3FFB];
	_ =	sdelay $0x3  }
0x92: {  	_ =	strace s18  }
0x93: {  	s2 =	sld [smem:$0x3FFC];
	_ =	sdelay $0x3  }
0x94: {  	_ =	strace s2  }
0x95: {  	s2 =	sld [smem:$0x3FFD];
	_ =	sdelay $0x3  }
0x96: {  	_ =	strace s2  }
0x97: {  	_ =	strace $0x8FFFFFFF  }
0x98: {  	s19 =	sld [smem:$0x3FDB];
	_ =	sdelay $0x1  }
0x99: {  	s20 =	simm.s32 $_scs_section_size  }
0x9a: {  	s4 =	simm.s32 $_size__tile_overlayer_lowered;
	s5 =	simm.s32 $_tile_overlayer_lowered  }
0x9b: {  	s6 =	simm.s32 $0x1BFF;
	s21 =	sshll.u32 s5, $0x1;
	s3 =	sadd.s32 s20, s19  }
0x9c: {  	s22 =	simm.s32 $0x0;
	s4 =	sshll.u32 s4, $0x1;
	s5 =	sadd.s32 s21, s3  }
0x9d: {  	[timem:s22], [sflag:s6] =	dma.local [hbm:s5], s4  }
0x9e: {  	_ =	swait.ge [sflag:s6], s4  }
0x9f: {  	s4 =	ssub.s32 $0x0, s4;
	[sflag:s6] =	ssyncset.done $0x0  }
0xa0: {  	[sflag:s6] =	ssyncadd.s32 s4;
	_ =	sdelay $0x1  }
0xa1: {  	s23 =	simm.s32 $0x1B8B  }
0xa2: {  	_ =	swait.ge [sflag:s23], $0x1  }
0xa3: {  	[sflag:s23] =	ssyncset.done $0x0  }
0xa4: {  	[sflag:s23] =	ssyncadd.s32 $0xFFFFFFFF  }
0xa5: {  	s4 =	sld [smem:$0x0]  }
0xa6: {  	s5 =	sand.u32 $0xFFFFFFFE, s1  }
0xa7: {  	p0 =	sne.s32 s1, s5  }
0xa8: {  	s5 =	sshll.u32 @p0 s5, $0xE  }
0xa9: {  	s5 =	sadd.s32 @p0 $0x11B8D, s5;
	s6 =	sshll.u32 @p0 s4, $0x11  }
0xaa: {  	s5 =	sor.u32 @p0 s6, s5  }
0xab: {  	[sflag:s5] =	ssyncadd.remote.s32 @p0 $0x1;
	_ =	sdelay $0x1  }
0xac: {  	s5 =	simm.s32 @p0 $0x1B8D  }
0xad: {  	_ =	swait.eq @p0 [sflag:s5], $0x1  }
0xae: {  	[sflag:s5] =	ssyncadd.s32 @p0 $0xFFFFFFFF  }
0xaf: {  	s6 =	sshll.u32 @!p0 s1, $0xE  }
0xb0: {  	s6 =	sor.u32 @!p0 $0x4000, s6;
	s5 =	simm.s32 @!p0 $0x1B8D  }
0xb1: {  	s4 =	sshll.u32 @!p0 s4, $0x11;
	s6 =	sadd.s32 @!p0 $0x11B8D, s6;
	_ =	swait.eq @!p0 [sflag:s5], $0x1  }
0xb2: {  	s4 =	sor.u32 @!p0 s4, s6;
	[sflag:s5] =	ssyncadd.s32 @!p0 $0xFFFFFFFF  }
0xb3: {  	s25 =	simm.s32 $0x1B8E;
	s24 =	sld [smem:$0x3FFE];
	[sflag:s4] =	ssyncadd.remote.s32 @!p0 $0x1  }
0xb4: {  	s26 =	simm.s32 $execute0_lowered;
	[smem:$0x3FD2] =	sst s25  }
0xb5: {  	s5 =	sshll.u32 s26, $0x1;
	_ =	strace $0x8000005B;
	[dreg:$0x1] =	wrdreg $0xFFFFFFFF  }
0xb6: {  	s28 =	simm.s32 $_size_execute0_lowered;
	s3 =	sadd.s32 s3, s5;
	[dreg:$0x0] =	wrdreg $0x0  }
0xb7: {  	s5 =	sshll.u32 s28, $0x1;
	[dreg:$0x2] =	wrdreg s3  }
0xb8: {  	[dreg:$0x3] =	wrdreg s5  }
0xb9: {  	[dreg:$0x4] =	wrdreg $0xC0  }
0xba: {  	_ =	task [dreg:s22], $0x5FFFF  }
0xbb: {  	[dreg:$0x1] =	wrdreg $0xFFFFFFFF  }
0xbc: {  	[dreg:$0x0] =	wrdreg $0x60  }
0xbd: {  	[dreg:$0x2] =	wrdreg s24  }
0xbe: {  	[dreg:$0x3] =	wrdreg $0x46500  }
0xbf: {  	[dreg:$0x4] =	wrdreg $0x9  }
0xc0: {  	_ =	task.clear_ibuf [dreg:s22], $0x5FFFF;
	_ =	strace $0x9000005B  }
0xc1: {  	s29 =	simm.s32 $0x9;
	_ =	strace $0x8000005D  }
0xc2: {  	_ =	swait.ge [sflag:s29], $0x1  }
0xc3: {  	[sflag:s29] =	ssyncadd.s32 $0xFFFFFFFF  }
0xc4: {  	_ =	strace $0x9000005D  }
0xc5: {  	_ =	sfence  }
0xc6: {  	s30 =	sld [smem:$0x0];
	_ =	sdelay $0x2  }
0xc7: {  	s31 =	sshll.u32 s1, $0xD;
	s1 =	sshrl.u32 s1, $0x2  }
0xc8: {  	s4 =	sand.u32 $0x4000, s31;
	s1 =	sadd.s32 s1, s30  }
0xc9: {  	s0 =	sor.u32 s4, s0;
	s1 =	sshll.u32 s1, $0x11  }
0xca: {  	s0 =	sor.u32 s1, s0  }
0xcb: {  	s0 =	sadd.s32 $0x8F2B, s0  }
0xcc: {  	[sflag:s0] =	ssyncadd.remote.s32 $0x1  }
0xcd: {  	_ =	sfence.sel $0xFFFF  }
0xce: {  	[dreg:$0x0] =	wrdreg $0xFFFFFFFF;
	(pc) =	sbr.abs _section_cstart, $3  }
0xcf: {  	[dreg:$0x1] =	wrdreg $0xFFFFFFFF  }
0xd0: {  	_ =	task.clear_ibuf [dreg:s22], $0x2FFFF;
	_ =	strace $0x9FFFFFFF  }
0xd1: {  	(tm) =	ssettm $0x7FFFFFFF  }
tec
execute0_lowered:
.L_overlay_start_1:
0x0: {  	(tag) =	ssettag $0x1  }
0x1: {  	s1 =	srdreg.scid;
	s6 =	rddreg [dreg:$0x0]  }
0x2: {  	s0 =	stileid.u32;
	s2 =	rddreg [dreg:$0x1]  }
0x3: {  	s3 =	simm.s32 $0x0;
	s16 =	simm.s32 $0x2D50;
	s17 =	simm.s32 $0x1  }
0x4: {  	s18 =	simm.s32 $0x64;
	s19 =	simm.s32 $0x2;
	s20 =	simm.s32 $0x1380  }
0x5: {  	s21 =	simm.s32 $0x13E8;
	s22 =	simm.s32 $0x0;
	s5 =	sand.u32 $0x1, s1  }
0x6: {  	s26 =	sshll.u32 s0, $0x1;
	s1 =	rddreg [dreg:$0x2];
	s8 =	smul.u32 $0x9C40, s0  }
0x7: {  	[smem:$0x7FF] =	sst s3;
	s11 =	sadd.s32 $0x176800, s6;
	s14 =	smul.u32 $0x2710, s0  }
0x8: {  	s29 =	sshll.u32 s0, $0x6;
	s7 =	sor.u32 s5, s26;
	s9 =	smul.u32 $0x9C400, s5  }
0x9: {  	_ =	strace $0x8000005C;
	s12 =	ssub.s32 $0x2, s5;
	s28 =	smul.u32 $0x1388, s5  }
0xa: {  	s5 =	sor.u32 $0x1C03, s29;
	s4 =	smul.u32 $0x28A, s7;
	s13 =	sshrl.u32 s12, $0x1  }
0xb: {  	s15 =	sadd.s32 s8, s2;
	s7 =	smul.u32 $0x9C40, s7;
	s9 =	sadd.s32 s8, s9  }
0xc: {  	s12 =	ssub.s32 s12, s13;
	s30 =	sadd.s32 s28, s14;
	s14 =	simm.s32 $0x3  }
0xd: {  	s10 =	sadd.s32 s4, s6;
	s4 =	sadd.s32 $0x7A5600, s6;
	s9 =	sshrl.u32 s9, $0x3  }
0xe: {  	s7 =	sadd.s32 s11, s7;
	s13 =	sshll.u32 s30, $0x3;
	s9 =	sadd.s32 s9, s6  }
0xf: {  	s6 =	sadd.s32 $0x7CDC00, s10;
	s10 =	sadd.s32 $0x9920, s7;
	s31 =	sadd.s32 s11, s13  }
0x10: {  	s13 =	sshrl.u32 s15, $0x3;
	s15 =	simm.s32 $0x1450;
	s8 =	sadd.s32 $0x3E000, s9  }
0x11: {  	s9 =	smax.u32 s12, $0x1;
	s11 =	sadd.s32 $0x320, s31;
	s12 =	sadd.s32 $0x640, s31  }
.LBB2_1:
0x12: {  	[spmem:s13], [sflag:s5] =	dma.local [hbm:s4], $0x1388  }
0x13: {  	_ =	swait.ge [sflag:s14], $0x1388  }
0x14: {  	[sflag:s14] =	ssyncset.done $0x0  }
0x15: {  	[sflag:s14] =	ssyncadd.s32 $0xFFFFEC78  }
0x16: {  	[tilespmem:s3], [sflag:$0x3] =	stream.linear.gather [hbm4b:s6+s3], $0x1450, $0x38;
	[tilespmem:$0xE290] =	vst v63  }
0x17: {  	_ =	swait.ge [sflag:s14], $0x1450  }
0x18: {  	[sflag:s14] =	ssyncset.done $0x0  }
0x19: {  	[sflag:s14] =	ssyncadd.s32 $0xFFFFEBB0  }
0x1a: {  	[bflag:$0x0] =	sbarrier.arrive $0xFFFF  }
0x1b: {  	[tilespmem:s15], [sflag:$0x1] =	stream.linear.gather [hbm4b:s7+s3], $0x1900, $0x38;
	[tilespmem:$0xE290] =	vst v63  }
0x1c: {  	s23 =	sadd.s32 $0x0, s11  }
0x1d: {  	[tilespmem:s16], [sflag:$0x2] =	stream.linear.gather [hbm4b:s23+s3], $0x1900, $0x38;
	[tilespmem:$0xE290] =	vst v63  }
0x1e: {  	_ =	swait.ge [sflag:s17], $0x1900  }
0x1f: {  	[sflag:s17] =	ssyncset.done $0x0  }
0x20: {  	[sflag:s17] =	ssyncadd.s32 $0xFFFFE700  }
0x21: {  	[spmem:s2] =	stream.indirect.scatter.add.f32 [tilespmem:s15], [sflag:$0x3], $0x40, s3, s18, $0xb8;
	[tilespmem:$0xE290] =	vst v63  }
0x22: {  	_ =	swait.ge [sflag:s14], $0x1900  }
0x23: {  	[sflag:s14] =	ssyncset.done $0x0  }
0x24: {  	s30 =	sadd.s32 $0x0, s12;
	[sflag:s14] =	ssyncadd.s32 $0xFFFFE700  }
0x25: {  	[tilespmem:s15], [sflag:$0x1] =	stream.linear.gather [hbm4b:s30+s3], $0x1900, $0x38;
	[tilespmem:$0xE290] =	vst v63  }
0x26: {  	_ =	swait.ge [sflag:s19], $0x1900  }
0x27: {  	[sflag:s19] =	ssyncset.done $0x0  }
0x28: {  	s31 =	simm.s32 $0x68;
	[sflag:s19] =	ssyncadd.s32 $0xFFFFE700  }
0x29: {  	[spmem:s2] =	stream.indirect.scatter.add.f32 [tilespmem:s16], [sflag:$0x3], $0x40, s31, s18, $0xb8;
	[tilespmem:$0xE290] =	vst v63  }
0x2a: {  	s24 =	simm.s32 $0x640;
	_ =	swait.ge [sflag:s14], $0x1900  }
0x2b: {  	s25 =	simm.s32 $0xC80;
	s23 =	simm.s32 $0xD0;
	[sflag:s14] =	ssyncset.done $0x0  }
.LBB2_2:
0x2c: {  	s26 =	sadd.s32 s24, s11  }
0x2d: {  	[sflag:s14] =	ssyncadd.s32 $0xFFFFE700;
	s28 =	smov.u32 s25;
	s29 =	sadd.s32 $0x640, s25  }
0x2e: {  	[tilespmem:s16], [sflag:$0x2] =	stream.linear.gather [hbm4b:s26+s3], $0x1900, $0x38;
	[tilespmem:$0xE290] =	vst v63  }
0x2f: {  	p0 =	sne.s32 s25, $0x8FC0;
	_ =	swait.ge [sflag:s17], $0x1900  }
0x30: {  	[sflag:s17] =	ssyncset.done $0x0  }
0x31: {  	[sflag:s17] =	ssyncadd.s32 $0xFFFFE700  }
0x32: {  	[spmem:s2] =	stream.indirect.scatter.add.f32 [tilespmem:s15], [sflag:$0x3], $0x40, s23, s18, $0xb8;
	[tilespmem:$0xE290] =	vst v63  }
0x33: {  	_ =	swait.ge [sflag:s14], $0x1900  }
0x34: {  	[sflag:s14] =	ssyncset.done $0x0  }
0x35: {  	s25 =	sadd.s32 s24, s12;
	s24 =	smov.u32 s28;
	[sflag:s14] =	ssyncadd.s32 $0xFFFFE700  }
0x36: {  	[tilespmem:s15], [sflag:$0x1] =	stream.linear.gather [hbm4b:s25+s3], $0x1900, $0x38;
	[tilespmem:$0xE290] =	vst v63  }
0x37: {  	_ =	swait.ge [sflag:s19], $0x1900  }
.Ltmp0:
0x38: {  	[sflag:s19] =	ssyncset.done $0x0;
	(pc) =	sbr.rel @p0 .LBB2_2-.Ltmp0, $4  }
0x39: {  	s25 =	sadd.s32 $0x68, s23;
	[sflag:s19] =	ssyncadd.s32 $0xFFFFE700  }
0x3a: {  	[spmem:s2] =	stream.indirect.scatter.add.f32 [tilespmem:s16], [sflag:$0x3], $0x40, s25, s18, $0xb8;
	[tilespmem:$0xE290] =	vst v63  }
0x3b: {  	_ =	swait.ge [sflag:s14], $0x1900  }
0x3c: {  	s23 =	sadd.s32 $0xD0, s23;
	s25 =	smov.u32 s29;
	[sflag:s14] =	ssyncset.done $0x0  }
0x3d: {  	s25 =	sadd.s32 s24, s11;
	[sflag:s14] =	ssyncadd.s32 $0xFFFFE700  }
0x3e: {  	[tilespmem:s16], [sflag:$0x2] =	stream.linear.gather [hbm4b:s25+s3], $0x1900, $0x38;
	[tilespmem:$0xE290] =	vst v63  }
0x3f: {  	_ =	swait.ge [sflag:s17], $0x1900  }
0x40: {  	[sflag:s17] =	ssyncset.done $0x0  }
0x41: {  	[sflag:s17] =	ssyncadd.s32 $0xFFFFE700  }
0x42: {  	[spmem:s2] =	stream.indirect.scatter.add.f32 [tilespmem:s15], [sflag:$0x3], $0x40, s23, s18, $0xb8;
	[tilespmem:$0xE290] =	vst v63  }
0x43: {  	_ =	swait.ge [sflag:s14], $0x1900  }
0x44: {  	[sflag:s14] =	ssyncset.done $0x0  }
0x45: {  	s30 =	sadd.s32 s24, s12;
	[sflag:s14] =	ssyncadd.s32 $0xFFFFE700  }
0x46: {  	[tilespmem:s15], [sflag:$0x1] =	stream.linear.gather [hbm4b:s30+s3], $0x1900, $0x38;
	[tilespmem:$0xE290] =	vst v63  }
0x47: {  	_ =	swait.ge [sflag:s19], $0x1900  }
0x48: {  	[sflag:s19] =	ssyncset.done $0x0  }
0x49: {  	s31 =	sadd.s32 $0x68, s23;
	[sflag:s19] =	ssyncadd.s32 $0xFFFFE700  }
0x4a: {  	[spmem:s2] =	stream.indirect.scatter.add.f32 [tilespmem:s16], [sflag:$0x3], $0x40, s31, s18, $0xb8;
	[tilespmem:$0xE290] =	vst v63  }
0x4b: {  	_ =	swait.ge [sflag:s14], $0x1900  }
0x4c: {  	[sflag:s14] =	ssyncset.done $0x0  }
0x4d: {  	[sflag:s14] =	ssyncadd.s32 $0xFFFFE700  }
0x4e: {  	[tilespmem:s16], [sflag:$0x2] =	stream.linear.gather [hbm4b:s10+s3], $0x1900, $0x38;
	[tilespmem:$0xE290] =	vst v63  }
0x4f: {  	_ =	swait.ge [sflag:s17], $0x1900  }
0x50: {  	[sflag:s17] =	ssyncset.done $0x0  }
0x51: {  	[sflag:s17] =	ssyncadd.s32 $0xFFFFE700  }
0x52: {  	[spmem:s2] =	stream.indirect.scatter.add.f32 [tilespmem:s15], [sflag:$0x3], $0x40, s20, s18, $0xb8;
	[tilespmem:$0xE290] =	vst v63  }
0x53: {  	_ =	swait.ge [sflag:s14], $0x1900  }
0x54: {  	[sflag:s14] =	ssyncset.done $0x0  }
0x55: {  	[sflag:s14] =	ssyncadd.s32 $0xFFFFE700  }
0x56: {  	_ =	swait.ge [sflag:s19], $0x1900  }
0x57: {  	[sflag:s19] =	ssyncset.done $0x0  }
0x58: {  	[sflag:s19] =	ssyncadd.s32 $0xFFFFE700  }
0x59: {  	[spmem:s2] =	stream.indirect.scatter.add.f32 [tilespmem:s16], [sflag:$0x3], $0x40, s21, s18, $0xb8;
	[tilespmem:$0xE290] =	vst v63  }
0x5a: {  	_ =	swait.ge [sflag:s14], $0x1900  }
0x5b: {  	s22 =	sadd.s32 $0x1, s22;
	[sflag:s14] =	ssyncset.done $0x0  }
0x5c: {  	p0 =	sne.s32 s22, s9;
	[sflag:s14] =	ssyncadd.s32 $0xFFFFE700  }
.Ltmp1:
0x5d: {  	[bflag:$0x0] =	sbarrier.arrive $0xFFFF;
	(pc) =	sbr.rel @p0 .LBB2_1-.Ltmp1, $4  }
0x5e: {  	[hbm:s8], [sflag:s5] =	dma.local [spmem:s13], $0x1388  }
0x5f: {  	_ =	swait.ge [sflag:s14], $0x1388  }
0x60: {  	[sflag:s14] =	ssyncset.done $0x0  }
0x61: {  	[sflag:s14] =	ssyncadd.s32 $0xFFFFEC78  }
0x62: {  	_ =	sfence.sel $0x180000  }
0x63: {  	[bflag:$0x0] =	sbarrier.arrive $0xFFFF  }
0x64: {  	p0 =	sne.s32 s0, $0x0;
	_ =	strace $0x9000005C  }
0x65: {  	s0 =	sadd.s32 @!p0 $0x100000, s1;
	[bflag:$0x2] =	sbarrier.arrive $0xFFFF  }
0x66: {  	[sflag:s0] =	ssyncadd.tile.s32 @!p0 $0x1;
	_ =	shalt  }
.Lfunc_end2:
_tile_overlayer_lowered:
.L_overlay_start_2:
0x67: {  	(tag) =	ssettag $0x2  }
0x68: {  	s0 =	rddreg [dreg:$0x0];
	s2 =	stileid.u32  }
0x69: {  	s1 =	rddreg [dreg:$0x1];
	p0 =	sne.s32 s2, $0x0  }
0x6a: {  	s3 =	rddreg [dreg:$0x2];
	[bflag:$0x3] =	sbarrier.arrive $0xFFFF;
	s2 =	simm.s32 @!p0 $0x1C03  }
0x6b: {  	[timem:s3], [sflag:s2] =	dma.local @!p0 [hbm:s0], s1  }
0x6c: {  	s0 =	simm.s32 @!p0 $0x3  }
0x6d: {  	_ =	swait.ge @!p0 [sflag:s0], s1  }
0x6e: {  	s1 =	ssub.s32 @!p0 $0x0, s1;
	[sflag:s0] =	ssyncset.done @!p0 $0x0  }
0x6f: {  	[sflag:s0] =	ssyncadd.s32 @!p0 s1  }
0x70: {  	[bflag:$0x3] =	sbarrier.arrive $0xFFFF  }
0x71: {  	_ =	shalt  }

// kernel: kernel.45.cloned.1.call-start
scs
__scs_entry_jumppad:
0x0: {  	(pc) =	sbr.rel $0x88, $3  }
0x1: {  	(tag) =	ssettag $0x0;
	lr =	simm.s32 $0x1  }
0x2: {  	[smem:$0x3F7D] =	sst lr;
	_ =	strace $0xD0000000  }
0x3: {  	_ = 	snop  }
0x4: {  	_ = 	snop  }
0x5: {  	_ = 	snop  }
0x6: {  	_ = 	snop  }
0x7: {  	_ = 	snop  }
__scs_overlays_trampoline_lowered:
0x8: {  	[smem:$0x3F8C] =	sst s0  }
0x9: {  	[smem:$0x3F8D] =	sst s1  }
0xa: {  	[smem:$0x3F8E] =	sst s2  }
0xb: {  	[smem:$0x3F8F] =	sst s3  }
0xc: {  	[smem:$0x3F90] =	sst s4  }
0xd: {  	[smem:$0x3F91] =	sst s5  }
0xe: {  	[smem:$0x3F92] =	sst s6  }
0xf: {  	[smem:$0x3F93] =	sst s7  }
0x10: {  	[smem:$0x3F94] =	sst s8  }
0x11: {  	[smem:$0x3F95] =	sst s9;
	s0 =	simm.s32 @!p0 $0x0  }
0x12: {  	s1 =	sld [smem:$0x3F7B];
	s0 =	simm.s32 @p0 $0x1  }
0x13: {  	[smem:$0x3F96] =	sst s0;
	s0 =	simm.s32 @!p1 $0x0  }
0x14: {  	s2 =	sld [smem:$0x3F7A];
	s0 =	simm.s32 @p1 $0x1  }
0x15: {  	[smem:$0x3F97] =	sst s0;
	s0 =	simm.s32 @!p2 $0x0  }
0x16: {  	s3 =	sld [smem:$0x3FDB];
	s0 =	simm.s32 @p2 $0x1  }
0x17: {  	s4 =	simm.s32 $0x1BF5;
	[smem:$0x3F99] =	sst s0  }
0x18: {  	s0 =	sld [smem:$0x3F7C];
	_ =	swait.ge [sflag:s4], $0x0  }
0x19: {  	s7 =	sld [smem:$0x3F7D]  }
0x1a: {  	s8 =	sadd.s32 $0xFFFFE003, lr  }
0x1b: {  	s9 =	sadd.s32 $0xFFFFFEF7, lr;
	s5 =	simm.s32 $0xFFFFFFFF;
	p2 =	slt.u32 s8, $0xFFFFF086  }
0x1c: {  	p1 =	slt.u32 s9, $0xF7A;
	s5 =	simm.s32 @!p2 $0x0  }
0x1d: {  	s5 =	simm.s32 @p1 $0x1;
	p0 =	seq.s32 s7, s2  }
0x1e: {  	s7 =	smul.u32 @!p0 $0xF7A, s2;
	p2 =	seq.s32 @!p0 s5, $0x0  }
0x1f: {  	s9 =	smul.u32 $0xF7A, s1;
	s8 =	simm.s32 @!p0 $0x1BF5;
	p2 =	por !p2, p0  }
0x20: {  	[sflag:s8] =	ssyncset.s32 @!p0 $0xFFFFF086;
	s6 =	sadd.s32 @!p0 s3, s7;
	s7 =	simm.s32 @!p0 $0x108  }
0x21: {  	s3 =	sadd.s32 s3, s9;
	s6 =	sadd.s32 @!p0 $0x88, s6;
	s7 =	simm.s32 @p2 $0x1082  }
0x22: {  	[simem:s7], [sflag:s8] =	dma.local @!p0 [hbm:s6], $0xF7A  }
0x23: {  	s9 =	sor.u32 $0xD0000000, s2;
	s6 =	simm.s32 $0x108;
	_ =	swait.ge @!p0 [sflag:s8], $0x0  }
0x24: {  	s3 =	sadd.s32 $0x88, s3;
	s6 =	simm.s32 @!p1 $0x1082;
	[sflag:s4] =	ssyncset.s32 $0xFFFFF086  }
0x25: {  	[simem:s6], [sflag:s4] =	dma.local [hbm:s3], $0xF7A  }
0x26: {  	[smem:$0x3F7D] =	sst s1;
	(tag) =	ssettag s2;
	_ =	strace s9  }
0x27: {  	s1 =	sld [smem:$0x3F8D]  }
0x28: {  	s2 =	sld [smem:$0x3F8E]  }
0x29: {  	s4 =	sld [smem:$0x3F90]  }
0x2a: {  	p0 =	seq.s32 s5, $0x0;
	s5 =	sld [smem:$0x3F91]  }
0x2b: {  	s6 =	sld [smem:$0x3F92]  }
0x2c: {  	s7 =	sld [smem:$0x3F93]  }
0x2d: {  	s3 =	simm.s32 $0x108;
	s8 =	sld [smem:$0x3F94]  }
0x2e: {  	s3 =	simm.s32 @!p0 $0x1082;
	s9 =	sld [smem:$0x3F95]  }
0x2f: {  	lr =	sadd.s32 s0, s3;
	s0 =	sld [smem:$0x3F8C]  }
0x30: {  	s3 =	sld [smem:$0x3F8F]  }
0x31: {  	[smem:$0x3F98] =	sst s10  }
0x32: {  	s10 =	sld [smem:$0x3F96];
	_ =	sdelay $0x3  }
0x33: {  	p0 =	seq.s32 s10, $0x1;
	s10 =	sld [smem:$0x3F98];
	_ =	sdelay $0x3  }
0x34: {  	[smem:$0x3F98] =	sst s10  }
0x35: {  	s10 =	sld [smem:$0x3F97];
	_ =	sdelay $0x3  }
0x36: {  	p1 =	seq.s32 s10, $0x1;
	s10 =	sld [smem:$0x3F98];
	_ =	sdelay $0x3  }
0x37: {  	[smem:$0x3F98] =	sst s10  }
0x38: {  	s10 =	sld [smem:$0x3F99]  }
0x39: {  	_ = 	snop;
	(pc) =	sbr.ind lr, $3  }
0x3a: {  	_ = 	snop  }
0x3b: {  	_ = 	snop  }
0x3c: {  	p2 =	seq.s32 s10, $0x1;
	s10 =	sld [smem:$0x3F98]  }
0x3d: {  	_ =	shalt  }
0x3e: {  	_ =	shalt  }
0x3f: {  	_ =	shalt  }
0x40: {  	_ =	shalt  }
0x41: {  	_ =	shalt  }
0x42: {  	_ =	shalt  }
0x43: {  	_ =	shalt  }
0x44: {  	_ =	shalt  }
0x45: {  	_ =	shalt  }
0x46: {  	_ =	shalt  }
0x47: {  	_ =	shalt  }
0x48: {  	_ =	shalt  }
0x49: {  	_ =	shalt  }
0x4a: {  	_ =	shalt  }
0x4b: {  	_ =	shalt  }
0x4c: {  	_ =	shalt  }
0x4d: {  	_ =	shalt  }
0x4e: {  	_ =	shalt  }
0x4f: {  	_ =	shalt  }
0x50: {  	_ =	shalt  }
0x51: {  	_ =	shalt  }
0x52: {  	_ =	shalt  }
0x53: {  	_ =	shalt  }
0x54: {  	_ =	shalt  }
0x55: {  	_ =	shalt  }
0x56: {  	_ =	shalt  }
0x57: {  	_ =	shalt  }
0x58: {  	_ =	shalt  }
0x59: {  	_ =	shalt  }
0x5a: {  	_ =	shalt  }
0x5b: {  	_ =	shalt  }
0x5c: {  	_ =	shalt  }
0x5d: {  	_ =	shalt  }
0x5e: {  	_ =	shalt  }
0x5f: {  	_ =	shalt  }
0x60: {  	_ =	shalt  }
0x61: {  	_ =	shalt  }
0x62: {  	_ =	shalt  }
0x63: {  	_ =	shalt  }
0x64: {  	_ =	shalt  }
0x65: {  	_ =	shalt  }
0x66: {  	_ =	shalt  }
0x67: {  	_ =	shalt  }
0x68: {  	_ =	shalt  }
0x69: {  	_ =	shalt  }
0x6a: {  	_ =	shalt  }
0x6b: {  	_ =	shalt  }
0x6c: {  	_ =	shalt  }
0x6d: {  	_ =	shalt  }
0x6e: {  	_ =	shalt  }
0x6f: {  	_ =	shalt  }
0x70: {  	_ =	shalt  }
0x71: {  	_ =	shalt  }
0x72: {  	_ =	shalt  }
0x73: {  	_ =	shalt  }
0x74: {  	_ =	shalt  }
0x75: {  	_ =	shalt  }
0x76: {  	_ =	shalt  }
0x77: {  	_ =	shalt  }
0x78: {  	_ =	shalt  }
0x79: {  	_ =	shalt  }
0x7a: {  	_ =	shalt  }
0x7b: {  	_ =	shalt  }
0x7c: {  	_ =	shalt  }
0x7d: {  	_ =	shalt  }
0x7e: {  	_ =	shalt  }
0x7f: {  	_ =	shalt  }
0x80: {  	_ =	shalt  }
0x81: {  	_ =	shalt  }
0x82: {  	_ =	shalt  }
0x83: {  	_ =	shalt  }
0x84: {  	_ =	shalt  }
0x85: {  	_ =	shalt  }
0x86: {  	_ =	shalt  }
0x87: {  	_ =	shalt  }
.Lfunc_end0:
.L_simem_size_0:
called_computation.8_lowered:
.L_overlay_start_0:
0x88: {  	s2 =	sld [smem:$0x3FD9]  }
0x89: {  	s3 =	sld [smem:$0x3FFE];
	_ =	sdelay $0x1  }
0x8a: {  	s1 =	srdreg.scid  }
0x8b: {  	s0 =	sand.u32 $0x1, s1  }
0x8c: {  	s17 =	sshll.u32 s0, $0xA;
	s2 =	sadd.s32 s3, s2  }
0x8d: {  	s2 =	sadd.s32 s2, s17  }
0x8e: {  	[smem:$0x3FA4] =	sst s2  }
0x8f: {  	_ = 	snop  }
0x90: {  	(tm) =	ssettm $0x1  }
0x91: {  	s18 =	sld [smem:$0x3FFB];
	_ =	sdelay $0x3  }
0x92: {  	_ =	strace s18  }
0x93: {  	s2 =	sld [smem:$0x3FFC];
	_ =	sdelay $0x3  }
0x94: {  	_ =	strace s2  }
0x95: {  	s2 =	sld [smem:$0x3FFD];
	_ =	sdelay $0x3  }
0x96: {  	_ =	strace s2  }
0x97: {  	_ =	strace $0x8FFFFFFF  }
0x98: {  	s19 =	sld [smem:$0x3FDB];
	_ =	sdelay $0x1  }
0x99: {  	s20 =	simm.s32 $_scs_section_size  }
0x9a: {  	s4 =	simm.s32 $_size__tile_overlayer_lowered;
	s5 =	simm.s32 $_tile_overlayer_lowered  }
0x9b: {  	s6 =	simm.s32 $0x1BFF;
	s21 =	sshll.u32 s5, $0x1;
	s3 =	sadd.s32 s20, s19  }
0x9c: {  	s22 =	simm.s32 $0x0;
	s4 =	sshll.u32 s4, $0x1;
	s5 =	sadd.s32 s21, s3  }
0x9d: {  	[timem:s22], [sflag:s6] =	dma.local [hbm:s5], s4  }
0x9e: {  	_ =	swait.ge [sflag:s6], s4  }
0x9f: {  	s4 =	ssub.s32 $0x0, s4;
	[sflag:s6] =	ssyncset.done $0x0  }
0xa0: {  	[sflag:s6] =	ssyncadd.s32 s4;
	_ =	sdelay $0x1  }
0xa1: {  	s23 =	simm.s32 $0x1B8B  }
0xa2: {  	_ =	swait.ge [sflag:s23], $0x1  }
0xa3: {  	[sflag:s23] =	ssyncset.done $0x0  }
0xa4: {  	[sflag:s23] =	ssyncadd.s32 $0xFFFFFFFF  }
0xa5: {  	s4 =	sld [smem:$0x0]  }
0xa6: {  	s5 =	sand.u32 $0xFFFFFFFE, s1  }
0xa7: {  	p0 =	sne.s32 s1, s5  }
0xa8: {  	s5 =	sshll.u32 @p0 s5, $0xE  }
0xa9: {  	s5 =	sadd.s32 @p0 $0x11B8D, s5;
	s6 =	sshll.u32 @p0 s4, $0x11  }
0xaa: {  	s5 =	sor.u32 @p0 s6, s5  }
0xab: {  	[sflag:s5] =	ssyncadd.remote.s32 @p0 $0x1;
	_ =	sdelay $0x1  }
0xac: {  	s5 =	simm.s32 @p0 $0x1B8D  }
0xad: {  	_ =	swait.eq @p0 [sflag:s5], $0x1  }
0xae: {  	[sflag:s5] =	ssyncadd.s32 @p0 $0xFFFFFFFF  }
0xaf: {  	s6 =	sshll.u32 @!p0 s1, $0xE  }
0xb0: {  	s6 =	sor.u32 @!p0 $0x4000, s6;
	s5 =	simm.s32 @!p0 $0x1B8D  }
0xb1: {  	s4 =	sshll.u32 @!p0 s4, $0x11;
	s6 =	sadd.s32 @!p0 $0x11B8D, s6;
	_ =	swait.eq @!p0 [sflag:s5], $0x1  }
0xb2: {  	s4 =	sor.u32 @!p0 s4, s6;
	[sflag:s5] =	ssyncadd.s32 @!p0 $0xFFFFFFFF  }
0xb3: {  	s25 =	simm.s32 $0x1B8E;
	s24 =	sld [smem:$0x3FFE];
	[sflag:s4] =	ssyncadd.remote.s32 @!p0 $0x1  }
0xb4: {  	s26 =	simm.s32 $execute0_lowered;
	[smem:$0x3FD2] =	sst s25  }
0xb5: {  	s5 =	sshll.u32 s26, $0x1;
	_ =	strace $0x80000061;
	[dreg:$0x1] =	wrdreg $0xFFFFFFFF  }
0xb6: {  	s28 =	simm.s32 $_size_execute0_lowered;
	s3 =	sadd.s32 s3, s5;
	[dreg:$0x0] =	wrdreg $0x0  }
0xb7: {  	s5 =	sshll.u32 s28, $0x1;
	[dreg:$0x2] =	wrdreg s3  }
0xb8: {  	[dreg:$0x3] =	wrdreg s5  }
0xb9: {  	[dreg:$0x4] =	wrdreg $0xC0  }
0xba: {  	_ =	task [dreg:s22], $0x5FFFF  }
0xbb: {  	[dreg:$0x1] =	wrdreg $0xFFFFFFFF  }
0xbc: {  	[dreg:$0x0] =	wrdreg $0x60  }
0xbd: {  	[dreg:$0x2] =	wrdreg s24  }
0xbe: {  	[dreg:$0x3] =	wrdreg $0x9  }
0xbf: {  	_ =	task.clear_ibuf [dreg:s22], $0x4FFFF;
	_ =	strace $0x90000061  }
0xc0: {  	s29 =	simm.s32 $0x9;
	_ =	strace $0x80000063  }
0xc1: {  	_ =	swait.ge [sflag:s29], $0x1  }
0xc2: {  	[sflag:s29] =	ssyncadd.s32 $0xFFFFFFFF  }
0xc3: {  	_ =	strace $0x90000063  }
0xc4: {  	_ =	sfence  }
0xc5: {  	s30 =	sld [smem:$0x0];
	_ =	sdelay $0x2  }
0xc6: {  	s31 =	sshll.u32 s1, $0xD;
	s1 =	sshrl.u32 s1, $0x2  }
0xc7: {  	s4 =	sand.u32 $0x4000, s31;
	s1 =	sadd.s32 s1, s30  }
0xc8: {  	s0 =	sor.u32 s4, s0;
	s1 =	sshll.u32 s1, $0x11  }
0xc9: {  	s0 =	sor.u32 s1, s0  }
0xca: {  	s0 =	sadd.s32 $0x8F2B, s0  }
0xcb: {  	[sflag:s0] =	ssyncadd.remote.s32 $0x1  }
0xcc: {  	_ =	sfence.sel $0xFFFF  }
0xcd: {  	[dreg:$0x0] =	wrdreg $0xFFFFFFFF;
	(pc) =	sbr.abs _section_cstart, $3  }
0xce: {  	[dreg:$0x1] =	wrdreg $0xFFFFFFFF  }
0xcf: {  	_ =	task.clear_ibuf [dreg:s22], $0x2FFFF;
	_ =	strace $0x9FFFFFFF  }
0xd0: {  	(tm) =	ssettm $0x7FFFFFFF  }
0xd1: {  	_ =	shalt  }
tec
execute0_lowered:
.L_overlay_start_1:
0x0: {  	(tag) =	ssettag $0x1  }
0x1: {  	s1 =	srdreg.scid  }
0x2: {  	s0 =	stileid.u32;
	s4 =	rddreg [dreg:$0x0];
	s2 =	simm.s32 $0x0  }
0x3: {  	s15 =	simm.s32 $0x5910;
	s16 =	simm.s32 $0x1;
	s17 =	simm.s32 $0x2  }
0x4: {  	s18 =	simm.s32 $0x0;
	s6 =	sand.u32 $0x1, s1;
	s1 =	rddreg [dreg:$0x1]  }
0x5: {  	s30 =	sshll.u32 s0, $0x1;
	[smem:$0x7FF] =	sst s2;
	s3 =	sadd.s32 $0x16C00, s4  }
0x6: {  	s10 =	sadd.s32 $0x3E000, s4;
	s12 =	smul.u32 $0x13880, s0;
	s5 =	sor.u32 s6, s30  }
0x7: {  	s9 =	sadd.s32 $0x176800, s4;
	s8 =	ssub.s32 $0x2, s6;
	s7 =	smul.u32 $0x1388, s5  }
0x8: {  	_ =	strace $0x80000062;
	s31 =	sshrl.u32 s8, $0x1;
	s11 =	smul.u32 $0x9C40, s5  }
0x9: {  	s13 =	smul.u32 $0x9C40, s6;
	s14 =	sadd.s32 s12, s9;
	s8 =	ssub.s32 s8, s31  }
0xa: {  	s7 =	sshrl.u32 s7, $0x3;
	s11 =	sadd.s32 $0x9600, s11;
	s6 =	smax.u32 s8, $0x1  }
0xb: {  	s7 =	sadd.s32 s7, s4;
	s8 =	sadd.s32 s9, s11;
	s9 =	sadd.s32 s13, s14  }
0xc: {  	s14 =	simm.s32 $0x2710;
	s4 =	sadd.s32 $0x11400, s7;
	s5 =	sadd.s32 $0xC400, s7  }
0xd: {  	s7 =	sadd.s32 s10, s11;
	s10 =	sadd.s32 s12, s10;
	s11 =	simm.s32 $0x3  }
0xe: {  	s12 =	simm.s32 $0x1388;
	s10 =	sadd.s32 s13, s10;
	s13 =	simm.s32 $0xC8  }
.LBB2_1:
0xf: {  	[tilespmem:s2], [sflag:$0x3] =	stream.linear.gather [hbm4b:s4+s2], $0x1388, $0x38;
	[tilespmem:$0x8B10] =	vst v63  }
0x10: {  	_ =	swait.ge [sflag:s11], $0x1388  }
0x11: {  	[sflag:s11] =	ssyncset.done $0x0  }
0x12: {  	[sflag:s11] =	ssyncadd.s32 $0xFFFFEC78  }
0x13: {  	[tilespmem:s12], [sflag:$0x3] =	stream.linear.gather [hbm4b:s5+s2], $0x1388, $0x38;
	[tilespmem:$0x8B10] =	vst v63  }
0x14: {  	_ =	swait.ge [sflag:s11], $0x1388  }
0x15: {  	[sflag:s11] =	ssyncset.done $0x0  }
0x16: {  	[sflag:s11] =	ssyncadd.s32 $0xFFFFEC78  }
0x17: {  	[tilespmem:s14], [sflag:$0x1] =	stream.indirect.gather [hbm4b:s3+s13], $0x40, s2, s13, $0xb8;
	[tilespmem:$0x8B10] =	vst v63  }
0x18: {  	_ = 	snop  }
0x19: {  	[tilespmem:s15], [sflag:$0x2] =	stream.indirect.gather [hbm4b:s3+s13], $0x40, s12, s13, $0xb8;
	[tilespmem:$0x8B10] =	vst v63  }
0x1a: {  	_ =	swait.ge [sflag:s16], $0x3200  }
0x1b: {  	[sflag:s16] =	ssyncset.done $0x0  }
0x1c: {  	[sflag:s16] =	ssyncadd.s32 $0xFFFFCE00  }
0x1d: {  	[hbm4b:s10+s2] =	stream.linear.scatter [tilespmem:s14], [sflag:$0x3], $0x3200, $0x38;
	[tilespmem:$0x8B10] =	vst v63  }
0x1e: {  	_ =	swait.ge [sflag:s11], $0x3200  }
0x1f: {  	[sflag:s11] =	ssyncset.done $0x0  }
0x20: {  	s19 =	simm.s32 $0xC8;
	[sflag:s11] =	ssyncadd.s32 $0xFFFFCE00  }
0x21: {  	[tilespmem:s14], [sflag:$0x1] =	stream.indirect.gather [hbm4b:s3+s13], $0x40, s19, s13, $0xb8;
	[tilespmem:$0x8B10] =	vst v63  }
0x22: {  	_ =	swait.ge [sflag:s17], $0x3200  }
0x23: {  	[sflag:s17] =	ssyncset.done $0x0  }
0x24: {  	[sflag:s17] =	ssyncadd.s32 $0xFFFFCE00  }
0x25: {  	[hbm4b:s9+s2] =	stream.linear.scatter [tilespmem:s15], [sflag:$0x3], $0x3200, $0x38;
	[tilespmem:$0x8B10] =	vst v63  }
0x26: {  	_ =	swait.ge [sflag:s11], $0x3200  }
0x27: {  	s20 =	sadd.s32 $0x640, s10;
	s22 =	simm.s32 $0x1450;
	[sflag:s11] =	ssyncset.done $0x0  }
0x28: {  	s21 =	sadd.s32 $0x640, s9;
	s19 =	simm.s32 $0x640;
	[sflag:s11] =	ssyncadd.s32 $0xFFFFCE00  }
.LBB2_2:
0x29: {  	[tilespmem:s15], [sflag:$0x2] =	stream.indirect.gather [hbm4b:s3+s13], $0x40, s22, s13, $0xb8;
	[tilespmem:$0x8B10] =	vst v63  }
0x2a: {  	s22 =	smov.u32 s19  }
0x2b: {  	p0 =	sne.s32 s19, $0x4B00;
	s19 =	sadd.s32 $0x320, s19;
	_ =	swait.ge [sflag:s16], $0x3200  }
0x2c: {  	[sflag:s16] =	ssyncset.done $0x0  }
0x2d: {  	[sflag:s16] =	ssyncadd.s32 $0xFFFFCE00  }
0x2e: {  	[hbm4b:s20+s2] =	stream.linear.scatter [tilespmem:s14], [sflag:$0x3], $0x3200, $0x38;
	[tilespmem:$0x8B10] =	vst v63  }
0x2f: {  	_ =	swait.ge [sflag:s11], $0x3200  }
0x30: {  	[sflag:s11] =	ssyncset.done $0x0  }
0x31: {  	s22 =	sshra.s32 s22, $0x2;
	[sflag:s11] =	ssyncadd.s32 $0xFFFFCE00  }
0x32: {  	[tilespmem:s14], [sflag:$0x1] =	stream.indirect.gather [hbm4b:s3+s13], $0x40, s22, s13, $0xb8;
	[tilespmem:$0x8B10] =	vst v63  }
0x33: {  	_ =	swait.ge [sflag:s17], $0x3200  }
0x34: {  	[sflag:s17] =	ssyncset.done $0x0  }
.Ltmp0:
0x35: {  	[sflag:s17] =	ssyncadd.s32 $0xFFFFCE00;
	(pc) =	sbr.rel @p0 .LBB2_2-.Ltmp0, $4  }
0x36: {  	[hbm4b:s21+s2] =	stream.linear.scatter [tilespmem:s15], [sflag:$0x3], $0x3200, $0x38;
	[tilespmem:$0x8B10] =	vst v63  }
0x37: {  	_ =	swait.ge [sflag:s11], $0x3200  }
0x38: {  	s20 =	sadd.s32 $0x640, s20;
	[sflag:s11] =	ssyncset.done $0x0  }
0x39: {  	s22 =	sadd.s32 $0x1388, s22;
	s21 =	sadd.s32 $0x640, s21;
	[sflag:s11] =	ssyncadd.s32 $0xFFFFCE00  }
0x3a: {  	[tilespmem:s15], [sflag:$0x2] =	stream.indirect.gather [hbm4b:s3+s13], $0x40, s22, s13, $0xb8;
	[tilespmem:$0x8B10] =	vst v63  }
0x3b: {  	_ =	swait.ge [sflag:s16], $0x3200  }
0x3c: {  	[sflag:s16] =	ssyncset.done $0x0  }
0x3d: {  	[sflag:s16] =	ssyncadd.s32 $0xFFFFCE00  }
0x3e: {  	[hbm4b:s7+s2] =	stream.linear.scatter [tilespmem:s14], [sflag:$0x3], $0x3200, $0x38;
	[tilespmem:$0x8B10] =	vst v63  }
0x3f: {  	_ =	swait.ge [sflag:s11], $0x3200  }
0x40: {  	[sflag:s11] =	ssyncset.done $0x0  }
0x41: {  	[sflag:s11] =	ssyncadd.s32 $0xFFFFCE00  }
0x42: {  	s18 =	sadd.s32 $0x1, s18;
	_ =	swait.ge [sflag:s17], $0x3200  }
0x43: {  	p0 =	sne.s32 s18, s6;
	[sflag:s17] =	ssyncset.done $0x0  }
.Ltmp1:
0x44: {  	[sflag:s17] =	ssyncadd.s32 $0xFFFFCE00;
	(pc) =	sbr.rel @p0 .LBB2_1-.Ltmp1, $4  }
0x45: {  	[hbm4b:s8+s2] =	stream.linear.scatter [tilespmem:s15], [sflag:$0x3], $0x3200, $0x38;
	[tilespmem:$0x8B10] =	vst v63  }
0x46: {  	_ =	swait.ge [sflag:s11], $0x3200  }
0x47: {  	[sflag:s11] =	ssyncset.done $0x0  }
0x48: {  	[sflag:s11] =	ssyncadd.s32 $0xFFFFCE00  }
0x49: {  	_ =	sfence.sel $0x180000  }
0x4a: {  	[bflag:$0x0] =	sbarrier.arrive $0xFFFF  }
0x4b: {  	p0 =	sne.s32 s0, $0x0;
	_ =	strace $0x90000062  }
0x4c: {  	s0 =	sadd.s32 @!p0 $0x100000, s1;
	[bflag:$0x2] =	sbarrier.arrive $0xFFFF  }
0x4d: {  	[sflag:s0] =	ssyncadd.tile.s32 @!p0 $0x1;
	_ =	shalt  }
.Lfunc_end2:
_tile_overlayer_lowered:
.L_overlay_start_2:
0x4e: {  	(tag) =	ssettag $0x2  }
0x4f: {  	s0 =	rddreg [dreg:$0x0];
	s2 =	stileid.u32  }
0x50: {  	s1 =	rddreg [dreg:$0x1];
	p0 =	sne.s32 s2, $0x0  }
0x51: {  	s3 =	rddreg [dreg:$0x2];
	[bflag:$0x3] =	sbarrier.arrive $0xFFFF;
	s2 =	simm.s32 @!p0 $0x1C03  }
0x52: {  	[timem:s3], [sflag:s2] =	dma.local @!p0 [hbm:s0], s1  }
0x53: {  	s0 =	simm.s32 @!p0 $0x3  }
0x54: {  	_ =	swait.ge @!p0 [sflag:s0], s1  }
0x55: {  	s1 =	ssub.s32 @!p0 $0x0, s1;
	[sflag:s0] =	ssyncset.done @!p0 $0x0  }
0x56: {  	[sflag:s0] =	ssyncadd.s32 @!p0 s1  }
0x57: {  	[bflag:$0x3] =	sbarrier.arrive $0xFFFF  }
0x58: {  	_ =	shalt  }

// kernel: kernel.48.cloned.1.call-start
scs
__scs_entry_jumppad:
0x0: {  	(pc) =	sbr.rel $0x88, $3  }
0x1: {  	(tag) =	ssettag $0x0;
	lr =	simm.s32 $0x1  }
0x2: {  	[smem:$0x3F7D] =	sst lr;
	_ =	strace $0xD0000000  }
0x3: {  	_ = 	snop  }
0x4: {  	_ = 	snop  }
0x5: {  	_ = 	snop  }
0x6: {  	_ = 	snop  }
0x7: {  	_ = 	snop  }
__scs_overlays_trampoline_lowered:
0x8: {  	[smem:$0x3F8C] =	sst s0  }
0x9: {  	[smem:$0x3F8D] =	sst s1  }
0xa: {  	[smem:$0x3F8E] =	sst s2  }
0xb: {  	[smem:$0x3F8F] =	sst s3  }
0xc: {  	[smem:$0x3F90] =	sst s4  }
0xd: {  	[smem:$0x3F91] =	sst s5  }
0xe: {  	[smem:$0x3F92] =	sst s6  }
0xf: {  	[smem:$0x3F93] =	sst s7  }
0x10: {  	[smem:$0x3F94] =	sst s8  }
0x11: {  	[smem:$0x3F95] =	sst s9;
	s0 =	simm.s32 @!p0 $0x0  }
0x12: {  	s1 =	sld [smem:$0x3F7B];
	s0 =	simm.s32 @p0 $0x1  }
0x13: {  	[smem:$0x3F96] =	sst s0;
	s0 =	simm.s32 @!p1 $0x0  }
0x14: {  	s2 =	sld [smem:$0x3F7A];
	s0 =	simm.s32 @p1 $0x1  }
0x15: {  	[smem:$0x3F97] =	sst s0;
	s0 =	simm.s32 @!p2 $0x0  }
0x16: {  	s3 =	sld [smem:$0x3FDB];
	s0 =	simm.s32 @p2 $0x1  }
0x17: {  	s4 =	simm.s32 $0x1BF5;
	[smem:$0x3F99] =	sst s0  }
0x18: {  	s0 =	sld [smem:$0x3F7C];
	_ =	swait.ge [sflag:s4], $0x0  }
0x19: {  	s7 =	sld [smem:$0x3F7D]  }
0x1a: {  	s8 =	sadd.s32 $0xFFFFE003, lr  }
0x1b: {  	s9 =	sadd.s32 $0xFFFFFEF7, lr;
	s5 =	simm.s32 $0xFFFFFFFF;
	p2 =	slt.u32 s8, $0xFFFFF086  }
0x1c: {  	p1 =	slt.u32 s9, $0xF7A;
	s5 =	simm.s32 @!p2 $0x0  }
0x1d: {  	s5 =	simm.s32 @p1 $0x1;
	p0 =	seq.s32 s7, s2  }
0x1e: {  	s7 =	smul.u32 @!p0 $0xF7A, s2;
	p2 =	seq.s32 @!p0 s5, $0x0  }
0x1f: {  	s9 =	smul.u32 $0xF7A, s1;
	s8 =	simm.s32 @!p0 $0x1BF5;
	p2 =	por !p2, p0  }
0x20: {  	[sflag:s8] =	ssyncset.s32 @!p0 $0xFFFFF086;
	s6 =	sadd.s32 @!p0 s3, s7;
	s7 =	simm.s32 @!p0 $0x108  }
0x21: {  	s3 =	sadd.s32 s3, s9;
	s6 =	sadd.s32 @!p0 $0x88, s6;
	s7 =	simm.s32 @p2 $0x1082  }
0x22: {  	[simem:s7], [sflag:s8] =	dma.local @!p0 [hbm:s6], $0xF7A  }
0x23: {  	s9 =	sor.u32 $0xD0000000, s2;
	s6 =	simm.s32 $0x108;
	_ =	swait.ge @!p0 [sflag:s8], $0x0  }
0x24: {  	s3 =	sadd.s32 $0x88, s3;
	s6 =	simm.s32 @!p1 $0x1082;
	[sflag:s4] =	ssyncset.s32 $0xFFFFF086  }
0x25: {  	[simem:s6], [sflag:s4] =	dma.local [hbm:s3], $0xF7A  }
0x26: {  	[smem:$0x3F7D] =	sst s1;
	(tag) =	ssettag s2;
	_ =	strace s9  }
0x27: {  	s1 =	sld [smem:$0x3F8D]  }
0x28: {  	s2 =	sld [smem:$0x3F8E]  }
0x29: {  	s4 =	sld [smem:$0x3F90]  }
0x2a: {  	p0 =	seq.s32 s5, $0x0;
	s5 =	sld [smem:$0x3F91]  }
0x2b: {  	s6 =	sld [smem:$0x3F92]  }
0x2c: {  	s7 =	sld [smem:$0x3F93]  }
0x2d: {  	s3 =	simm.s32 $0x108;
	s8 =	sld [smem:$0x3F94]  }
0x2e: {  	s3 =	simm.s32 @!p0 $0x1082;
	s9 =	sld [smem:$0x3F95]  }
0x2f: {  	lr =	sadd.s32 s0, s3;
	s0 =	sld [smem:$0x3F8C]  }
0x30: {  	s3 =	sld [smem:$0x3F8F]  }
0x31: {  	[smem:$0x3F98] =	sst s10  }
0x32: {  	s10 =	sld [smem:$0x3F96];
	_ =	sdelay $0x3  }
0x33: {  	p0 =	seq.s32 s10, $0x1;
	s10 =	sld [smem:$0x3F98];
	_ =	sdelay $0x3  }
0x34: {  	[smem:$0x3F98] =	sst s10  }
0x35: {  	s10 =	sld [smem:$0x3F97];
	_ =	sdelay $0x3  }
0x36: {  	p1 =	seq.s32 s10, $0x1;
	s10 =	sld [smem:$0x3F98];
	_ =	sdelay $0x3  }
0x37: {  	[smem:$0x3F98] =	sst s10  }
0x38: {  	s10 =	sld [smem:$0x3F99]  }
0x39: {  	_ = 	snop;
	(pc) =	sbr.ind lr, $3  }
0x3a: {  	_ = 	snop  }
0x3b: {  	_ = 	snop  }
0x3c: {  	p2 =	seq.s32 s10, $0x1;
	s10 =	sld [smem:$0x3F98]  }
0x3d: {  	_ =	shalt  }
0x3e: {  	_ =	shalt  }
0x3f: {  	_ =	shalt  }
0x40: {  	_ =	shalt  }
0x41: {  	_ =	shalt  }
0x42: {  	_ =	shalt  }
0x43: {  	_ =	shalt  }
0x44: {  	_ =	shalt  }
0x45: {  	_ =	shalt  }
0x46: {  	_ =	shalt  }
0x47: {  	_ =	shalt  }
0x48: {  	_ =	shalt  }
0x49: {  	_ =	shalt  }
0x4a: {  	_ =	shalt  }
0x4b: {  	_ =	shalt  }
0x4c: {  	_ =	shalt  }
0x4d: {  	_ =	shalt  }
0x4e: {  	_ =	shalt  }
0x4f: {  	_ =	shalt  }
0x50: {  	_ =	shalt  }
0x51: {  	_ =	shalt  }
0x52: {  	_ =	shalt  }
0x53: {  	_ =	shalt  }
0x54: {  	_ =	shalt  }
0x55: {  	_ =	shalt  }
0x56: {  	_ =	shalt  }
0x57: {  	_ =	shalt  }
0x58: {  	_ =	shalt  }
0x59: {  	_ =	shalt  }
0x5a: {  	_ =	shalt  }
0x5b: {  	_ =	shalt  }
0x5c: {  	_ =	shalt  }
0x5d: {  	_ =	shalt  }
0x5e: {  	_ =	shalt  }
0x5f: {  	_ =	shalt  }
0x60: {  	_ =	shalt  }
0x61: {  	_ =	shalt  }
0x62: {  	_ =	shalt  }
0x63: {  	_ =	shalt  }
0x64: {  	_ =	shalt  }
0x65: {  	_ =	shalt  }
0x66: {  	_ =	shalt  }
0x67: {  	_ =	shalt  }
0x68: {  	_ =	shalt  }
0x69: {  	_ =	shalt  }
0x6a: {  	_ =	shalt  }
0x6b: {  	_ =	shalt  }
0x6c: {  	_ =	shalt  }
0x6d: {  	_ =	shalt  }
0x6e: {  	_ =	shalt  }
0x6f: {  	_ =	shalt  }
0x70: {  	_ =	shalt  }
0x71: {  	_ =	shalt  }
0x72: {  	_ =	shalt  }
0x73: {  	_ =	shalt  }
0x74: {  	_ =	shalt  }
0x75: {  	_ =	shalt  }
0x76: {  	_ =	shalt  }
0x77: {  	_ =	shalt  }
0x78: {  	_ =	shalt  }
0x79: {  	_ =	shalt  }
0x7a: {  	_ =	shalt  }
0x7b: {  	_ =	shalt  }
0x7c: {  	_ =	shalt  }
0x7d: {  	_ =	shalt  }
0x7e: {  	_ =	shalt  }
0x7f: {  	_ =	shalt  }
0x80: {  	_ =	shalt  }
0x81: {  	_ =	shalt  }
0x82: {  	_ =	shalt  }
0x83: {  	_ =	shalt  }
0x84: {  	_ =	shalt  }
0x85: {  	_ =	shalt  }
0x86: {  	_ =	shalt  }
0x87: {  	_ =	shalt  }
.Lfunc_end0:
.L_simem_size_0:
called_computation.9_lowered:
.L_overlay_start_0:
0x88: {  	s2 =	sld [smem:$0x3FD9]  }
0x89: {  	s3 =	sld [smem:$0x3FFE];
	_ =	sdelay $0x1  }
0x8a: {  	s1 =	srdreg.scid  }
0x8b: {  	s0 =	sand.u32 $0x1, s1  }
0x8c: {  	s16 =	sshll.u32 s0, $0xA;
	s2 =	sadd.s32 s3, s2  }
0x8d: {  	s2 =	sadd.s32 s2, s16  }
0x8e: {  	[smem:$0x3FA4] =	sst s2  }
0x8f: {  	_ = 	snop  }
0x90: {  	(tm) =	ssettm $0x1  }
0x91: {  	s17 =	sld [smem:$0x3FFB];
	_ =	sdelay $0x3  }
0x92: {  	_ =	strace s17  }
0x93: {  	s2 =	sld [smem:$0x3FFC];
	_ =	sdelay $0x3  }
0x94: {  	_ =	strace s2  }
0x95: {  	s2 =	sld [smem:$0x3FFD];
	_ =	sdelay $0x3  }
0x96: {  	_ =	strace s2  }
0x97: {  	_ =	strace $0x8FFFFFFF  }
0x98: {  	s18 =	sld [smem:$0x3FDB];
	_ =	sdelay $0x1  }
0x99: {  	s19 =	simm.s32 $_scs_section_size  }
0x9a: {  	s4 =	simm.s32 $_size__tile_overlayer_lowered;
	s5 =	simm.s32 $_tile_overlayer_lowered  }
0x9b: {  	s22 =	simm.s32 $0x1BFF;
	s21 =	sshll.u32 s5, $0x1;
	s2 =	sadd.s32 s19, s18  }
0x9c: {  	s6 =	simm.s32 $0x0;
	s20 =	sshll.u32 s4, $0x1;
	s4 =	sadd.s32 s21, s2  }
0x9d: {  	[timem:s6], [sflag:s22] =	dma.local [hbm:s4], s20  }
0x9e: {  	_ =	swait.ge [sflag:s22], s20  }
0x9f: {  	s3 =	ssub.s32 $0x0, s20;
	[sflag:s22] =	ssyncset.done $0x0  }
0xa0: {  	[sflag:s22] =	ssyncadd.s32 s3;
	_ =	sdelay $0x1  }
0xa1: {  	s23 =	simm.s32 $0x1B8B  }
0xa2: {  	_ =	swait.ge [sflag:s23], $0x1  }
0xa3: {  	[sflag:s23] =	ssyncset.done $0x0  }
0xa4: {  	s25 =	simm.s32 $0x1B8E;
	s24 =	sld [smem:$0x3FFE];
	[sflag:s23] =	ssyncadd.s32 $0xFFFFFFFF  }
0xa5: {  	s26 =	simm.s32 $execute0_lowered;
	[smem:$0x3FD2] =	sst s25  }
0xa6: {  	s4 =	sshll.u32 s26, $0x1;
	_ =	strace $0x8000005E;
	[dreg:$0x1] =	wrdreg $0xFFFFFFFF  }
0xa7: {  	s28 =	simm.s32 $_size_execute0_lowered;
	s2 =	sadd.s32 s2, s4;
	[dreg:$0x0] =	wrdreg $0x0  }
0xa8: {  	s4 =	sshll.u32 s28, $0x1;
	[dreg:$0x2] =	wrdreg s2  }
0xa9: {  	[dreg:$0x3] =	wrdreg s4  }
0xaa: {  	[dreg:$0x4] =	wrdreg $0xC0  }
0xab: {  	_ =	task [dreg:s6], $0x5FFFF  }
0xac: {  	[dreg:$0x1] =	wrdreg $0xFFFFFFFF  }
0xad: {  	[dreg:$0x0] =	wrdreg $0x60  }
0xae: {  	[dreg:$0x2] =	wrdreg s24  }
0xaf: {  	[dreg:$0x3] =	wrdreg $0xA  }
0xb0: {  	_ =	task.clear_ibuf [dreg:s6], $0x4FFFF;
	_ =	strace $0x9000005E  }
0xb1: {  	s29 =	simm.s32 $0xA;
	_ =	strace $0x80000060  }
0xb2: {  	_ =	swait.ge [sflag:s29], $0x1  }
0xb3: {  	[sflag:s29] =	ssyncadd.s32 $0xFFFFFFFF  }
0xb4: {  	_ =	strace $0x90000060  }
0xb5: {  	_ =	sfence  }
0xb6: {  	s30 =	sld [smem:$0x0];
	_ =	sdelay $0x2  }
0xb7: {  	s31 =	sshll.u32 s1, $0xD;
	s1 =	sshrl.u32 s1, $0x2  }
0xb8: {  	s3 =	sand.u32 $0x4000, s31;
	s1 =	sadd.s32 s1, s30  }
0xb9: {  	s0 =	sor.u32 s3, s0;
	s1 =	sshll.u32 s1, $0x11  }
0xba: {  	s0 =	sor.u32 s1, s0  }
0xbb: {  	s0 =	sadd.s32 $0x8F2B, s0  }
0xbc: {  	[sflag:s0] =	ssyncadd.remote.s32 $0x1  }
0xbd: {  	_ =	sfence.sel $0xFFFF  }
0xbe: {  	[dreg:$0x0] =	wrdreg $0xFFFFFFFF;
	(pc) =	sbr.abs _section_cstart, $3  }
0xbf: {  	[dreg:$0x1] =	wrdreg $0xFFFFFFFF  }
0xc0: {  	_ =	task.clear_ibuf [dreg:s6], $0x2FFFF;
	_ =	strace $0x9FFFFFFF  }
0xc1: {  	(tm) =	ssettm $0x7FFFFFFF  }
tec
execute0_lowered:
.L_overlay_start_1:
0x0: {  	(tag) =	ssettag $0x1  }
0x1: {  	s1 =	srdreg.scid  }
0x2: {  	s0 =	stileid.u32;
	s4 =	rddreg [dreg:$0x0];
	s2 =	simm.s32 $0x0  }
0x3: {  	s15 =	simm.s32 $0x5910;
	s16 =	simm.s32 $0x1;
	s17 =	simm.s32 $0x2  }
0x4: {  	s6 =	sand.u32 $0x1, s1;
	s30 =	sshll.u32 s0, $0x1;
	s1 =	rddreg [dreg:$0x1]  }
0x5: {  	[smem:$0x7FF] =	sst s2;
	s3 =	sadd.s32 $0x16C00, s4;
	s12 =	smul.u32 $0x13880, s0  }
0x6: {  	s10 =	sadd.s32 $0x2C2E00, s4;
	s5 =	sor.u32 s6, s30;
	s13 =	smul.u32 $0x9C40, s6  }
0x7: {  	s9 =	sadd.s32 $0x3FB600, s4;
	s8 =	ssub.s32 $0x2, s6;
	s7 =	smul.u32 $0x1388, s5  }
0x8: {  	_ =	strace $0x8000005F;
	s31 =	sshrl.u32 s8, $0x1;
	s11 =	smul.u32 $0x9C40, s5  }
0x9: {  	s14 =	sadd.s32 s12, s9;
	s8 =	ssub.s32 s8, s31;
	s7 =	sshrl.u32 s7, $0x3  }
0xa: {  	s11 =	sadd.s32 $0x9600, s11;
	s6 =	smax.u32 s8, $0x1;
	s7 =	sadd.s32 s7, s4  }
0xb: {  	s8 =	sadd.s32 s9, s11;
	s9 =	sadd.s32 s13, s14;
	s14 =	simm.s32 $0x2710  }
0xc: {  	s18 =	simm.s32 $0x0;
	s4 =	sadd.s32 $0x2B8E00, s7;
	s5 =	sadd.s32 $0x2BDE00, s7  }
0xd: {  	s7 =	sadd.s32 s10, s11;
	s10 =	sadd.s32 s12, s10;
	s11 =	simm.s32 $0x3  }
0xe: {  	s12 =	simm.s32 $0x1388;
	s10 =	sadd.s32 s13, s10;
	s13 =	simm.s32 $0xC8  }
.LBB2_1:
0xf: {  	[tilespmem:s2], [sflag:$0x3] =	stream.linear.gather [hbm4b:s4+s2], $0x1388, $0x38;
	[tilespmem:$0x8B10] =	vst v63  }
0x10: {  	_ =	swait.ge [sflag:s11], $0x1388  }
0x11: {  	[sflag:s11] =	ssyncset.done $0x0  }
0x12: {  	[sflag:s11] =	ssyncadd.s32 $0xFFFFEC78  }
0x13: {  	[tilespmem:s12], [sflag:$0x3] =	stream.linear.gather [hbm4b:s5+s2], $0x1388, $0x38;
	[tilespmem:$0x8B10] =	vst v63  }
0x14: {  	_ =	swait.ge [sflag:s11], $0x1388  }
0x15: {  	[sflag:s11] =	ssyncset.done $0x0  }
0x16: {  	[sflag:s11] =	ssyncadd.s32 $0xFFFFEC78  }
0x17: {  	[tilespmem:s14], [sflag:$0x1] =	stream.indirect.gather [hbm4b:s3+s13], $0x40, s2, s13, $0xb8;
	[tilespmem:$0x8B10] =	vst v63  }
0x18: {  	_ = 	snop  }
0x19: {  	[tilespmem:s15], [sflag:$0x2] =	stream.indirect.gather [hbm4b:s3+s13], $0x40, s12, s13, $0xb8;
	[tilespmem:$0x8B10] =	vst v63  }
0x1a: {  	_ =	swait.ge [sflag:s16], $0x3200  }
0x1b: {  	[sflag:s16] =	ssyncset.done $0x0  }
0x1c: {  	[sflag:s16] =	ssyncadd.s32 $0xFFFFCE00  }
0x1d: {  	[hbm4b:s10+s2] =	stream.linear.scatter [tilespmem:s14], [sflag:$0x3], $0x3200, $0x38;
	[tilespmem:$0x8B10] =	vst v63  }
0x1e: {  	_ =	swait.ge [sflag:s11], $0x3200  }
0x1f: {  	[sflag:s11] =	ssyncset.done $0x0  }
0x20: {  	s19 =	simm.s32 $0xC8;
	[sflag:s11] =	ssyncadd.s32 $0xFFFFCE00  }
0x21: {  	[tilespmem:s14], [sflag:$0x1] =	stream.indirect.gather [hbm4b:s3+s13], $0x40, s19, s13, $0xb8;
	[tilespmem:$0x8B10] =	vst v63  }
0x22: {  	_ =	swait.ge [sflag:s17], $0x3200  }
0x23: {  	[sflag:s17] =	ssyncset.done $0x0  }
0x24: {  	[sflag:s17] =	ssyncadd.s32 $0xFFFFCE00  }
0x25: {  	[hbm4b:s9+s2] =	stream.linear.scatter [tilespmem:s15], [sflag:$0x3], $0x3200, $0x38;
	[tilespmem:$0x8B10] =	vst v63  }
0x26: {  	_ =	swait.ge [sflag:s11], $0x3200  }
0x27: {  	s20 =	sadd.s32 $0x640, s10;
	s22 =	simm.s32 $0x1450;
	[sflag:s11] =	ssyncset.done $0x0  }
0x28: {  	s21 =	sadd.s32 $0x640, s9;
	s19 =	simm.s32 $0x640;
	[sflag:s11] =	ssyncadd.s32 $0xFFFFCE00  }
.LBB2_2:
0x29: {  	[tilespmem:s15], [sflag:$0x2] =	stream.indirect.gather [hbm4b:s3+s13], $0x40, s22, s13, $0xb8;
	[tilespmem:$0x8B10] =	vst v63  }
0x2a: {  	s22 =	smov.u32 s19  }
0x2b: {  	p0 =	sne.s32 s19, $0x4B00;
	s19 =	sadd.s32 $0x320, s19;
	_ =	swait.ge [sflag:s16], $0x3200  }
0x2c: {  	[sflag:s16] =	ssyncset.done $0x0  }
0x2d: {  	[sflag:s16] =	ssyncadd.s32 $0xFFFFCE00  }
0x2e: {  	[hbm4b:s20+s2] =	stream.linear.scatter [tilespmem:s14], [sflag:$0x3], $0x3200, $0x38;
	[tilespmem:$0x8B10] =	vst v63  }
0x2f: {  	_ =	swait.ge [sflag:s11], $0x3200  }
0x30: {  	[sflag:s11] =	ssyncset.done $0x0  }
0x31: {  	s22 =	sshra.s32 s22, $0x2;
	[sflag:s11] =	ssyncadd.s32 $0xFFFFCE00  }
0x32: {  	[tilespmem:s14], [sflag:$0x1] =	stream.indirect.gather [hbm4b:s3+s13], $0x40, s22, s13, $0xb8;
	[tilespmem:$0x8B10] =	vst v63  }
0x33: {  	_ =	swait.ge [sflag:s17], $0x3200  }
0x34: {  	[sflag:s17] =	ssyncset.done $0x0  }
.Ltmp0:
0x35: {  	[sflag:s17] =	ssyncadd.s32 $0xFFFFCE00;
	(pc) =	sbr.rel @p0 .LBB2_2-.Ltmp0, $4  }
0x36: {  	[hbm4b:s21+s2] =	stream.linear.scatter [tilespmem:s15], [sflag:$0x3], $0x3200, $0x38;
	[tilespmem:$0x8B10] =	vst v63  }
0x37: {  	_ =	swait.ge [sflag:s11], $0x3200  }
0x38: {  	s20 =	sadd.s32 $0x640, s20;
	[sflag:s11] =	ssyncset.done $0x0  }
0x39: {  	s22 =	sadd.s32 $0x1388, s22;
	s21 =	sadd.s32 $0x640, s21;
	[sflag:s11] =	ssyncadd.s32 $0xFFFFCE00  }
0x3a: {  	[tilespmem:s15], [sflag:$0x2] =	stream.indirect.gather [hbm4b:s3+s13], $0x40, s22, s13, $0xb8;
	[tilespmem:$0x8B10] =	vst v63  }
0x3b: {  	_ =	swait.ge [sflag:s16], $0x3200  }
0x3c: {  	[sflag:s16] =	ssyncset.done $0x0  }
0x3d: {  	[sflag:s16] =	ssyncadd.s32 $0xFFFFCE00  }
0x3e: {  	[hbm4b:s7+s2] =	stream.linear.scatter [tilespmem:s14], [sflag:$0x3], $0x3200, $0x38;
	[tilespmem:$0x8B10] =	vst v63  }
0x3f: {  	_ =	swait.ge [sflag:s11], $0x3200  }
0x40: {  	[sflag:s11] =	ssyncset.done $0x0  }
0x41: {  	[sflag:s11] =	ssyncadd.s32 $0xFFFFCE00  }
0x42: {  	s18 =	sadd.s32 $0x1, s18;
	_ =	swait.ge [sflag:s17], $0x3200  }
0x43: {  	p0 =	sne.s32 s18, s6;
	[sflag:s17] =	ssyncset.done $0x0  }
.Ltmp1:
0x44: {  	[sflag:s17] =	ssyncadd.s32 $0xFFFFCE00;
	(pc) =	sbr.rel @p0 .LBB2_1-.Ltmp1, $4  }
0x45: {  	[hbm4b:s8+s2] =	stream.linear.scatter [tilespmem:s15], [sflag:$0x3], $0x3200, $0x38;
	[tilespmem:$0x8B10] =	vst v63  }
0x46: {  	_ =	swait.ge [sflag:s11], $0x3200  }
0x47: {  	[sflag:s11] =	ssyncset.done $0x0  }
0x48: {  	[sflag:s11] =	ssyncadd.s32 $0xFFFFCE00  }
0x49: {  	_ =	sfence.sel $0x180000  }
0x4a: {  	[bflag:$0x0] =	sbarrier.arrive $0xFFFF  }
0x4b: {  	p0 =	sne.s32 s0, $0x0;
	_ =	strace $0x9000005F  }
0x4c: {  	s0 =	sadd.s32 @!p0 $0x100000, s1;
	[bflag:$0x2] =	sbarrier.arrive $0xFFFF  }
0x4d: {  	[sflag:s0] =	ssyncadd.tile.s32 @!p0 $0x1;
	_ =	shalt  }
.Lfunc_end2:
_tile_overlayer_lowered:
.L_overlay_start_2:
0x4e: {  	(tag) =	ssettag $0x2  }
0x4f: {  	s0 =	rddreg [dreg:$0x0];
	s2 =	stileid.u32  }
0x50: {  	s1 =	rddreg [dreg:$0x1];
	p0 =	sne.s32 s2, $0x0  }
0x51: {  	s3 =	rddreg [dreg:$0x2];
	[bflag:$0x3] =	sbarrier.arrive $0xFFFF;
	s2 =	simm.s32 @!p0 $0x1C03  }
0x52: {  	[timem:s3], [sflag:s2] =	dma.local @!p0 [hbm:s0], s1  }
0x53: {  	s0 =	simm.s32 @!p0 $0x3  }
0x54: {  	_ =	swait.ge @!p0 [sflag:s0], s1  }
0x55: {  	s1 =	ssub.s32 @!p0 $0x0, s1;
	[sflag:s0] =	ssyncset.done @!p0 $0x0  }
0x56: {  	[sflag:s0] =	ssyncadd.s32 @!p0 s1  }
0x57: {  	[bflag:$0x3] =	sbarrier.arrive $0xFFFF  }
0x58: {  	_ =	shalt  }

</sc_bundles>
